<compile_context>
chip_gen: v7x
topology: tpu7x:2x2x1
jax: 0.10.2.dev20260603
libtpu: 0.0.44.dev20260713+nightly
codegen_flags: <defaults>
</compile_context>

<pallas_src>
import numpy as np
import jax
import jax.numpy as jnp
from jax import lax
from jax.experimental import pallas as pl
from jax.experimental.pallas import tpu as pltpu
from jax.experimental.pallas import tpu_sc as plsc

EMBED = 64
BATCH = 4096
NSAMP = 5
RANGE_WIDTH = 50000
TOTAL_DRAWS = 2 * BATCH * NSAMP

NC = 2
NSUB = 16
NW = NC * NSUB
RPW = BATCH // NW
NPW = RPW * NSAMP

_BD = np.random.RandomState(0).randint(
    0, RANGE_WIDTH, size=(TOTAL_DRAWS,)).astype(np.int32)
_BD2R = np.concatenate([_BD, _BD + RANGE_WIDTH]).astype(np.int32).reshape(-1, 16)

_RBLK = 32
_CBLK = BATCH // _RBLK


def _prep_body(t_ref, dn_ref, rn_ref, dc_ref, rc_ref, sub0_ref):
    t = t_ref[...]
    m0 = (t == 0)
    m0f = m0.astype(jnp.float32)
    ri = lax.broadcasted_iota(jnp.int32, (_CBLK, _CBLK), 0)
    ci = lax.broadcasted_iota(jnp.int32, (_CBLK, _CBLK), 1)
    upper = (ri <= ci).astype(jnp.float32)
    crow = jnp.dot(m0f, upper, preferred_element_type=jnp.float32,
                   precision=lax.Precision.HIGHEST)
    s = crow[:, _CBLK - 1:_CBLK]
    ri2 = lax.broadcasted_iota(jnp.int32, (_RBLK, _RBLK), 0)
    ci2 = lax.broadcasted_iota(jnp.int32, (_RBLK, _RBLK), 1)
    lower = (ri2 > ci2).astype(jnp.float32)
    off = jnp.dot(lower, jnp.broadcast_to(s, (_RBLK, _CBLK)),
                  preferred_element_type=jnp.float32,
                  precision=lax.Precision.HIGHEST)[:, 0:1]
    cum = (off + crow).astype(jnp.int32)
    g0 = lax.broadcasted_iota(jnp.int32, (_RBLK, _CBLK), 0)
    g1 = lax.broadcasted_iota(jnp.int32, (_RBLK, _CBLK), 1)
    gidx = g0 * _CBLK + g1
    rank = jnp.where(m0, cum - 1, gidx - cum)
    sub0 = cum[_RBLK - 1:_RBLK, _CBLK - 1:_CBLK]
    n0s = sub0 * NSAMP
    n1s = (BATCH - sub0) * NSAMP
    noise_start = jnp.where(m0, 0, 2 * n0s)
    cp_start = jnp.where(m0, n0s, 2 * n0s + n1s)
    posn = (noise_start + rank * NSAMP).astype(jnp.float32)
    posc = (cp_start + rank * NSAMP).astype(jnp.float32)
    tf = t.astype(jnp.float32)

    re = lax.broadcasted_iota(jnp.int32, (_RBLK * NSAMP, _RBLK), 0)
    ce = lax.broadcasted_iota(jnp.int32, (_RBLK * NSAMP, _RBLK), 1)
    exp_mat = (re // NSAMP == ce).astype(jnp.float32)
    svec = (lax.broadcasted_iota(jnp.int32, (_RBLK * NSAMP, _CBLK), 0)
            % NSAMP).astype(jnp.float32)
    posn3 = jnp.dot(exp_mat, posn, preferred_element_type=jnp.float32,
                    precision=lax.Precision.HIGHEST) + svec
    posc3 = jnp.dot(exp_mat, posc, preferred_element_type=jnp.float32,
                    precision=lax.Precision.HIGHEST) + svec
    t3 = jnp.dot(exp_mat, tf, preferred_element_type=jnp.float32,
                    precision=lax.Precision.HIGHEST)
    pn = (posn3 + TOTAL_DRAWS * t3).astype(jnp.int32)
    pc = (posc3 + TOTAL_DRAWS * (1.0 - t3)).astype(jnp.int32)
    dn_ref[...] = pn // 16
    rn_ref[...] = pn % 16
    dc_ref[...] = pc // 16
    rc_ref[...] = pc % 16
    sub0_ref[...] = sub0


def _prep(types2d):
    i32 = jnp.int32
    return pl.pallas_call(
        _prep_body,
        out_shape=(
            jax.ShapeDtypeStruct((_RBLK * NSAMP, _CBLK), i32),
            jax.ShapeDtypeStruct((_RBLK * NSAMP, _CBLK), i32),
            jax.ShapeDtypeStruct((_RBLK * NSAMP, _CBLK), i32),
            jax.ShapeDtypeStruct((_RBLK * NSAMP, _CBLK), i32),
            jax.ShapeDtypeStruct((1, 1), i32),
        ),
    )(types2d)


def _sc_body(in_emb, out_emb, bd2_hbm, idx_in_hbm, idx_out_hbm, types_hbm,
             w0_hbm, w1_hbm, dn_hbm, rn_hbm, dc_hbm, rc_hbm,
             zp_hbm,
             dn_v, rn_v, dc_v, rc_v, idxn_v, idxc_v, idxmi_v, idxmo_v,
             types_v, w0_v, w1_v, bdr_n, bdr_c, rows_mi, rows_mo,
             rows_n, rows_c, zp_v,
             sem_s, sem_b, sem_r, semn0, semn1, semc0, semc1):
    c = lax.axis_index("c")
    s = lax.axis_index("s")
    wid = s * NC + c
    base = wid * RPW

    ph0 = [
        pltpu.async_copy(dn_hbm.at[pl.ds(wid * NSAMP, NSAMP)], dn_v, sem_s),
        pltpu.async_copy(rn_hbm.at[pl.ds(wid * NSAMP, NSAMP)], rn_v, sem_s),
        pltpu.async_copy(dc_hbm.at[pl.ds(wid * NSAMP, NSAMP)], dc_v, sem_s),
        pltpu.async_copy(rc_hbm.at[pl.ds(wid * NSAMP, NSAMP)], rc_v, sem_s),
        pltpu.async_copy(idx_in_hbm.at[pl.ds(base, RPW)], idxmi_v, sem_s),
        pltpu.async_copy(idx_out_hbm.at[pl.ds(base, RPW)], idxmo_v, sem_s),
        pltpu.async_copy(types_hbm.at[pl.ds(base, RPW)], types_v, sem_s),
        pltpu.async_copy(w0_hbm, w0_v, sem_s),
        pltpu.async_copy(w1_hbm, w1_v, sem_s),
    ]
    for cp in ph0:
        cp.wait()
    main_cps = [
        pltpu.async_copy(in_emb.at[idxmi_v], rows_mi, sem_r),
        pltpu.async_copy(out_emb.at[idxmo_v], rows_mo, sem_r),
    ]
    bd_cps = [pltpu.async_copy(bd2_hbm.at[dn_v.at[sl]], bdr_n.at[sl], sem_b)
              for sl in range(NSAMP)]
    bd_cps += [pltpu.async_copy(bd2_hbm.at[dc_v.at[sl]], bdr_c.at[sl], sem_b)
               for sl in range(NSAMP)]
    for cp in bd_cps:
        cp.wait()
    lane = lax.broadcasted_iota(jnp.int32, (16,), 0)
    for sl in range(NSAMP):
        for ch in range(RPW // 16):
            sl16 = jnp.zeros((16,), jnp.int32) + sl
            idxn_v[sl, pl.ds(ch * 16, 16)] = plsc.load_gather(
                bdr_n, [sl16, lane + ch * 16, rn_v[sl, pl.ds(ch * 16, 16)]])
            idxc_v[sl, pl.ds(ch * 16, 16)] = plsc.load_gather(
                bdr_c, [sl16, lane + ch * 16, rc_v[sl, pl.ds(ch * 16, 16)]])

    semn = [semn0, semn1]
    semc = [semc0, semc1]

    def fire_n(sl):
        return pltpu.async_copy(in_emb.at[idxn_v.at[sl]],
                                rows_n.at[sl % 2], semn[sl % 2])

    def fire_c(sl):
        return pltpu.async_copy(out_emb.at[idxc_v.at[sl]],
                                rows_c.at[sl % 2], semc[sl % 2])

    ncps = [fire_n(0), fire_n(1)]
    ccps = [fire_c(0), fire_c(1)]
    for cp in main_cps:
        cp.wait()

    w0c = [w0_v[pl.ds(ci * 16, 16)] for ci in range(EMBED // 16)]
    w1c = [w1_v[pl.ds(ci * 16, 16)] for ci in range(EMBED // 16)]
    zero = jnp.zeros((16,), jnp.float32)
    nchunk = EMBED // 16

    def wsel_chunks(r):
        tm = plsc.load_gather(types_v, [jnp.zeros((16,), jnp.int32) + r])
        return [jnp.where(tm != 0, w1c[ci], w0c[ci]) for ci in range(nchunk)]

    def pass_a(r, carry):
        ws = wsel_chunks(r)
        zt = zero
        ninp = zero
        noutp = zero
        for ci in range(nchunk):
            ic = rows_mi[r, pl.ds(ci * 16, 16)]
            oc = rows_mo[r, pl.ds(ci * 16, 16)]
            zt = zt + ic * (oc * ws[ci])
            ninp = ninp + ic * ic
            noutp = noutp + oc * oc
        zp_v[r, 0, :] = zt
        zp_v[r, 11, :] = ninp
        zp_v[r, 12, :] = noutp
        zp_v[r, 13, :] = zero
        zp_v[r, 14, :] = zero
        return carry

    lax.fori_loop(0, RPW, pass_a, 0)

    def make_slab_n(sl, buf):
        def body(r, carry):
            ws = wsel_chunks(r)
            zu = zero
            nn = zero
            for ci in range(nchunk):
                nc = rows_n[buf, r, pl.ds(ci * 16, 16)]
                oc = rows_mo[r, pl.ds(ci * 16, 16)]
                zu = zu + nc * (oc * ws[ci])
                nn = nn + nc * nc
            zp_v[r, 1 + sl, :] = zu
            zp_v[r, 13, :] = zp_v[r, 13, :] + nn
            return carry
        return body

    def make_slab_c(sl, buf):
        def body(r, carry):
            ws = wsel_chunks(r)
            zv = zero
            ncp = zero
            for ci in range(nchunk):
                cc = rows_c[buf, r, pl.ds(ci * 16, 16)]
                ic = rows_mi[r, pl.ds(ci * 16, 16)]
                zv = zv + cc * (ic * ws[ci])
                ncp = ncp + cc * cc
            zp_v[r, 6 + sl, :] = zv
            zp_v[r, 14, :] = zp_v[r, 14, :] + ncp
            return carry
        return body

    for sl in range(NSAMP):
        ncps[sl].wait()
        lax.fori_loop(0, RPW, make_slab_n(sl, sl % 2), 0)
        if sl + 2 < NSAMP:
            ncps.append(fire_n(sl + 2))
        ccps[sl].wait()
        lax.fori_loop(0, RPW, make_slab_c(sl, sl % 2), 0)
        if sl + 2 < NSAMP:
            ccps.append(fire_c(sl + 2))

    pltpu.sync_copy(zp_v, zp_hbm.at[wid])


def _sc_fused(in_emb, out_emb, bd2r, idx_in, idx_out, types, w0, w1,
              dn, rn, dc, rc):
    f32 = jnp.float32
    i32 = jnp.int32
    return pl.kernel(
        _sc_body,
        out_type=jax.ShapeDtypeStruct((NW, RPW, 15, 16), f32),
        mesh=plsc.VectorSubcoreMesh(core_axis_name="c", subcore_axis_name="s"),
        compiler_params=pltpu.CompilerParams(needs_layout_passes=False,
                                             use_tc_tiling_on_sc=False),
        scratch_types=[
            pltpu.VMEM((NSAMP, RPW), i32),
            pltpu.VMEM((NSAMP, RPW), i32),
            pltpu.VMEM((NSAMP, RPW), i32),
            pltpu.VMEM((NSAMP, RPW), i32),
            pltpu.VMEM((NSAMP, RPW), i32),
            pltpu.VMEM((NSAMP, RPW), i32),
            pltpu.VMEM((RPW,), i32),
            pltpu.VMEM((RPW,), i32),
            pltpu.VMEM((RPW,), i32),
            pltpu.VMEM((EMBED,), f32),
            pltpu.VMEM((EMBED,), f32),
            pltpu.VMEM((NSAMP, RPW, 16), i32),
            pltpu.VMEM((NSAMP, RPW, 16), i32),
            pltpu.VMEM((RPW, EMBED), f32),
            pltpu.VMEM((RPW, EMBED), f32),
            pltpu.VMEM((2, RPW, EMBED), f32),
            pltpu.VMEM((2, RPW, EMBED), f32),
            pltpu.VMEM((RPW, 15, 16), f32),
            pltpu.SemaphoreType.DMA,
            pltpu.SemaphoreType.DMA,
            pltpu.SemaphoreType.DMA,
            pltpu.SemaphoreType.DMA,
            pltpu.SemaphoreType.DMA,
            pltpu.SemaphoreType.DMA,
            pltpu.SemaphoreType.DMA,
        ],
    )(in_emb, out_emb, bd2r, idx_in, idx_out, types, w0, w1, dn, rn, dc, rc)


def _logsig(x):
    return jnp.minimum(x, 0.0) - jnp.log(1.0 + jnp.exp(-jnp.abs(x)))


def _finish_body(zp_ref, w0_ref, w1_ref, sub0_ref, out_ref):
    b = pl.program_id(0)
    blk = zp_ref[...]
    ri = lax.broadcasted_iota(jnp.int32, (15 * 16, 16), 0)
    ci = lax.broadcasted_iota(jnp.int32, (15 * 16, 16), 1)
    sel = (ri // 16 == ci).astype(jnp.float32)
    z = jnp.dot(blk, sel, preferred_element_type=jnp.float32,
                precision=lax.Precision.HIGHEST)
    k = lax.broadcasted_iota(jnp.int32, (1, 16), 1)
    wlog = jnp.where(k == 0, 2.0, jnp.where(k < 11, 1.0, 0.0))
    wreg = jnp.where((k >= 11) & (k < 15), 1.0, 0.0)
    val = -jnp.sum(_logsig(z) * wlog) + jnp.sum(z * wreg)

    @pl.when(b == 0)
    def _():
        out_ref[...] = jnp.zeros_like(out_ref)

    out_ref[...] += val

    @pl.when(b == 3)
    def _():
        w0 = w0_ref[...]
        w1 = w1_ref[...]
        sub0 = sub0_ref[0, 0].astype(jnp.float32)
        wterm = (sub0 * jnp.sum(w0 * w0)
                 + (jnp.float32(BATCH) - sub0) * jnp.sum(w1 * w1))
        out_ref[...] = (out_ref[...] + wterm) / (2.0 * BATCH)


def _finish(zp2, w0, w1, sub0):
    return pl.pallas_call(
        _finish_body,
        grid=(4,),
        in_specs=[
            pl.BlockSpec((BATCH // 4, 15 * 16), lambda b: (b, 0)),
            pl.BlockSpec((1, EMBED), lambda b: (0, 0)),
            pl.BlockSpec((1, EMBED), lambda b: (0, 0)),
            pl.BlockSpec((1, 1), lambda b: (0, 0)),
        ],
        out_specs=pl.BlockSpec((1, 1), lambda b: (0, 0)),
        out_shape=jax.ShapeDtypeStruct((1, 1), jnp.float32),
    )(zp2, w0, w1, sub0)


def kernel(input_labels, out_labels, num_sampled, in_embed_w, out_embed_w,
           edge_w0, edge_w1):
    del num_sampled
    types = input_labels[:, 0]
    in_ids = input_labels[:, 1]
    out_t = out_labels[:, 1]

    dn, rn, dc, rc, sub0 = _prep(types.reshape(_RBLK, _CBLK))

    bd2r = jnp.asarray(_BD2R)
    zp = _sc_fused(in_embed_w, out_embed_w, bd2r, in_ids, out_t, types,
                   edge_w0, edge_w1, dn, rn, dc, rc)

    res = _finish(zp.reshape(BATCH, 15 * 16),
                  edge_w0.reshape(1, EMBED), edge_w1.reshape(1, EMBED), sub0)
    return res[0, 0]

# --- scband reference (transcript-rebuilt; emitter-appended) ---
"""Pipeline reference for scband-neg-loss-76373108458112 (READ-ONLY COPY).

The authoritative reference and input builder live on the scoring server;
editing this copy changes nothing except your own understanding.
"""

import jax, jax.numpy as jnp
import numpy as np

NUM_CLASSES = 100000
EMBED = 64
TYPE_OFFSET = [0, 50000, 100000]
EDGE_TYPES = [(0, 1), (1, 0)]
WEIGHT_DECAY = 1.0
BATCH = 4096


def setup_inputs(seed: int = 0):
    key = jax.random.key(seed)
    ks = jax.random.split(key, 6)
    input_labels = jax.random.randint(ks[0], (BATCH, 2), 0, 2, dtype=jnp.int32)
    out_labels = jax.random.randint(ks[1], (BATCH, 2), 0, NUM_CLASSES, dtype=jnp.int32)
    in_embed_w = jax.random.uniform(ks[2], (NUM_CLASSES, EMBED), minval=-1.0, maxval=1.0, dtype=jnp.float32)
    out_embed_w = jax.random.uniform(ks[3], (NUM_CLASSES, EMBED), minval=-1.0, maxval=1.0, dtype=jnp.float32)
    edge_w0 = jax.random.uniform(ks[4], (EMBED,), minval=-1.0, maxval=1.0, dtype=jnp.float32)
    edge_w1 = jax.random.uniform(ks[5], (EMBED,), minval=-1.0, maxval=1.0, dtype=jnp.float32)
    return {"input_labels": input_labels, "out_labels": out_labels, "num_sampled": 5,
            "in_embed_w": in_embed_w, "out_embed_w": out_embed_w,
            "edge_w0": edge_w0, "edge_w1": edge_w1}


def reference(input_labels, out_labels, num_sampled, in_embed_w, out_embed_w, edge_w0, edge_w1):
    batch_size = out_labels.shape[0]
    window_size = out_labels.shape[1] - 1
    num_sampled_static = 5
    range_width = TYPE_OFFSET[1] - TYPE_OFFSET[0]
    total = 2 * batch_size * window_size * num_sampled_static
    rng = np.random.RandomState(0)
    base_draws = jnp.asarray(rng.randint(0, range_width, size=(total,)), dtype=jnp.int32)

    types = input_labels[:, 0]
    in_ids = input_labels[:, 1]
    output_tensor = out_labels[:, 1:].reshape(batch_size * window_size)

    mask0 = (types == 0)
    mask1 = jnp.logical_not(mask0)
    sub0 = jnp.sum(mask0.astype(jnp.int32))
    sub1 = batch_size - sub0
    rank0 = jnp.cumsum(mask0.astype(jnp.int32)) - 1
    rank1 = jnp.cumsum(mask1.astype(jnp.int32)) - 1
    rank = jnp.where(mask0, rank0, rank1)

    stride = window_size * num_sampled_static
    n0s = sub0 * stride
    n1s = sub1 * stride
    noise_start = jnp.where(mask0, 0, 2 * n0s)
    cp_start = jnp.where(mask0, n0s, 2 * n0s + n1s)
    noise_off = jnp.where(mask0, TYPE_OFFSET[0], TYPE_OFFSET[1])
    cp_off = jnp.where(mask0, TYPE_OFFSET[1], TYPE_OFFSET[0])

    ar = jnp.arange(num_sampled_static, dtype=jnp.int32)
    noise_pos = noise_start[:, None] + rank[:, None] * stride + ar[None, :]
    cp_pos = cp_start[:, None] + rank[:, None] * stride + ar[None, :]
    noise_idx = jnp.take(base_draws, noise_pos) + noise_off[:, None]
    cp_noise_idx = jnp.take(base_draws, cp_pos) + cp_off[:, None]

    inp = jnp.take(in_embed_w, in_ids, axis=0)
    outp = jnp.take(out_embed_w, output_tensor, axis=0)
    noise = -jnp.take(in_embed_w, noise_idx.reshape(-1), axis=0).reshape(batch_size, num_sampled_static, EMBED)
    cp_noise = -jnp.take(out_embed_w, cp_noise_idx.reshape(-1), axis=0).reshape(batch_size, num_sampled_static, EMBED)

    edge_ws = [edge_w0, edge_w1]
    w_all = jnp.take(jnp.stack(edge_ws), types, axis=0)

    log_target = jnp.log(jax.nn.sigmoid(jnp.sum(inp * outp * w_all, axis=1)))
    sum_log_sampled_u = jnp.log(jax.nn.sigmoid(jnp.sum(noise * outp[:, None, :] * w_all[:, None, :], axis=-1)))
    sum_log_sampled_v = jnp.log(jax.nn.sigmoid(jnp.sum(cp_noise * inp[:, None, :] * w_all[:, None, :], axis=-1)))

    zero = jnp.float32(0.0)
    subs = [sub0, sub1]
    loss_sum = jnp.float32(0.0)
    for tp in range(len(EDGE_TYPES)):
        m = (types == tp)
        sub = subs[tp]
        w = edge_ws[tp]
        loss = (2.0 * jnp.sum(jnp.where(m, log_target, zero))
                + jnp.sum(jnp.where(m[:, None], sum_log_sampled_u, zero))
                + jnp.sum(jnp.where(m[:, None], sum_log_sampled_v, zero)))
        reg_loss = (jnp.sum(jnp.where(m[:, None], inp * inp, zero))
                    + jnp.sum(jnp.where(m[:, None], outp * outp, zero))
                    + jnp.sum(jnp.where(m[:, None, None], noise * noise, zero))
                    + jnp.sum(jnp.where(m[:, None, None], cp_noise * cp_noise, zero))
                    + sub * jnp.sum(w * w))
        loss_sum = loss_sum - (loss - WEIGHT_DECAY * reg_loss)
    loss_sum = loss_sum + 0.0 * num_sampled
    return loss_sum / (2.0 * batch_size)

if __name__ == "__main__":
    import jax
    _d = setup_inputs()
    print(jax.jit(kernel)(*tuple(_d.values())))

</pallas_src>

<mosaic_0001>
#map = affine_map<(d0, d1) -> (0, 0)>
#map1 = affine_map<(d0, d1) -> (0)>
#map2 = affine_map<(d0, d1) -> (0, 0, 0, 0)>
module attributes {stable_mosaic.version = 14 : i64} {
  func.func @_sc_body(%arg0: i32, %arg1: i32, %arg2: memref<100000x64xf32, #tpu.memory_space<hbm>>, %arg3: memref<100000x64xf32, #tpu.memory_space<hbm>>, %arg4: memref<5120x16xi32, #tpu.memory_space<hbm>>, %arg5: memref<4096xi32, #tpu.memory_space<hbm>>, %arg6: memref<4096xi32, #tpu.memory_space<hbm>>, %arg7: memref<4096xi32, #tpu.memory_space<hbm>>, %arg8: memref<64xf32, #tpu.memory_space<hbm>>, %arg9: memref<64xf32, #tpu.memory_space<hbm>>, %arg10: memref<160x128xi32, #tpu.memory_space<hbm>>, %arg11: memref<160x128xi32, #tpu.memory_space<hbm>>, %arg12: memref<160x128xi32, #tpu.memory_space<hbm>>, %arg13: memref<160x128xi32, #tpu.memory_space<hbm>>, %arg14: memref<32x128x15x16xf32, #tpu.memory_space<hbm>>, %arg15: memref<5x128xi32, #tpu.memory_space<vmem>>, %arg16: memref<5x128xi32, #tpu.memory_space<vmem>>, %arg17: memref<5x128xi32, #tpu.memory_space<vmem>>, %arg18: memref<5x128xi32, #tpu.memory_space<vmem>>, %arg19: memref<5x128xi32, #tpu.memory_space<vmem>>, %arg20: memref<5x128xi32, #tpu.memory_space<vmem>>, %arg21: memref<128xi32, #tpu.memory_space<vmem>>, %arg22: memref<128xi32, #tpu.memory_space<vmem>>, %arg23: memref<128xi32, #tpu.memory_space<vmem>>, %arg24: memref<64xf32, #tpu.memory_space<vmem>>, %arg25: memref<64xf32, #tpu.memory_space<vmem>>, %arg26: memref<5x128x16xi32, #tpu.memory_space<vmem>>, %arg27: memref<5x128x16xi32, #tpu.memory_space<vmem>>, %arg28: memref<128x64xf32, #tpu.memory_space<vmem>>, %arg29: memref<128x64xf32, #tpu.memory_space<vmem>>, %arg30: memref<2x128x64xf32, #tpu.memory_space<vmem>>, %arg31: memref<2x128x64xf32, #tpu.memory_space<vmem>>, %arg32: memref<128x15x16xf32, #tpu.memory_space<vmem>>, %arg33: memref<!tpu.dma_semaphore, #tpu.memory_space<semaphore_mem>>, %arg34: memref<!tpu.dma_semaphore, #tpu.memory_space<semaphore_mem>>, %arg35: memref<!tpu.dma_semaphore, #tpu.memory_space<semaphore_mem>>, %arg36: memref<!tpu.dma_semaphore, #tpu.memory_space<semaphore_mem>>, %arg37: memref<!tpu.dma_semaphore, #tpu.memory_space<semaphore_mem>>, %arg38: memref<!tpu.dma_semaphore, #tpu.memory_space<semaphore_mem>>, %arg39: memref<!tpu.dma_semaphore, #tpu.memory_space<semaphore_mem>>) attributes {dimension_semantics = [#tpu.dimension_semantics<core_parallel>, #tpu.dimension_semantics<subcore_parallel>], iteration_bounds = array<i64: 2, 16>, scalar_prefetch = 0 : i64, scratch_operands = 25 : i64, tpu.core_type = #tpu.core_type<sc_vector_subcore>, window_params = [{transform_indices = #map}, {transform_indices = #map}, {transform_indices = #map}, {transform_indices = #map1}, {transform_indices = #map1}, {transform_indices = #map1}, {transform_indices = #map1}, {transform_indices = #map1}, {transform_indices = #map}, {transform_indices = #map}, {transform_indices = #map}, {transform_indices = #map}, {transform_indices = #map2}]} {
    %mul3A = arith.constant 2 : i32
    %mul3A_0 = arith.muli %arg1, %mul3A : i32
    %add3A = arith.addi %mul3A_0, %arg0 : i32
    %mul3A_1 = arith.constant 128 : i32
    %mul3A_2 = arith.muli %add3A, %mul3A_1 : i32
    %mul3A_3 = arith.constant 5 : i32
    %mul3A_4 = arith.muli %add3A, %mul3A_3 : i32
    %dma_start3A = arith.constant 0 : i32
    %dma_start3A_5 = tpu.memref_slice %arg10[%mul3A_4, %dma_start3A] : memref<160x128xi32, #tpu.memory_space<hbm>> -> memref<5x128xi32, #tpu.memory_space<hbm>>
    %dma_start3A_6 = arith.constant 0 : i32
    %dma_start3A_7 = tpu.memref_slice %arg10[%mul3A_4, %dma_start3A_6] : memref<160x128xi32, #tpu.memory_space<hbm>> -> memref<5x128xi32, #tpu.memory_space<hbm>>
    tpu.enqueue_dma source(%dma_start3A_7 : memref<5x128xi32, #tpu.memory_space<hbm>>) target(%arg15 : memref<5x128xi32, #tpu.memory_space<vmem>>) target_semaphore(%arg33 : memref<!tpu.dma_semaphore, #tpu.memory_space<semaphore_mem>>)
    %mul3A_8 = arith.constant 5 : i32
    %mul3A_9 = arith.muli %add3A, %mul3A_8 : i32
    %dma_start3A_10 = arith.constant 0 : i32
    %dma_start3A_11 = tpu.memref_slice %arg11[%mul3A_9, %dma_start3A_10] : memref<160x128xi32, #tpu.memory_space<hbm>> -> memref<5x128xi32, #tpu.memory_space<hbm>>
    %dma_start3A_12 = arith.constant 0 : i32
    %dma_start3A_13 = tpu.memref_slice %arg11[%mul3A_9, %dma_start3A_12] : memref<160x128xi32, #tpu.memory_space<hbm>> -> memref<5x128xi32, #tpu.memory_space<hbm>>
    tpu.enqueue_dma source(%dma_start3A_13 : memref<5x128xi32, #tpu.memory_space<hbm>>) target(%arg16 : memref<5x128xi32, #tpu.memory_space<vmem>>) target_semaphore(%arg33 : memref<!tpu.dma_semaphore, #tpu.memory_space<semaphore_mem>>)
    %mul3A_14 = arith.constant 5 : i32
    %mul3A_15 = arith.muli %add3A, %mul3A_14 : i32
    %dma_start3A_16 = arith.constant 0 : i32
    %dma_start3A_17 = tpu.memref_slice %arg12[%mul3A_15, %dma_start3A_16] : memref<160x128xi32, #tpu.memory_space<hbm>> -> memref<5x128xi32, #tpu.memory_space<hbm>>
    %dma_start3A_18 = arith.constant 0 : i32
    %dma_start3A_19 = tpu.memref_slice %arg12[%mul3A_15, %dma_start3A_18] : memref<160x128xi32, #tpu.memory_space<hbm>> -> memref<5x128xi32, #tpu.memory_space<hbm>>
    tpu.enqueue_dma source(%dma_start3A_19 : memref<5x128xi32, #tpu.memory_space<hbm>>) target(%arg17 : memref<5x128xi32, #tpu.memory_space<vmem>>) target_semaphore(%arg33 : memref<!tpu.dma_semaphore, #tpu.memory_space<semaphore_mem>>)
    %mul3A_20 = arith.constant 5 : i32
    %mul3A_21 = arith.muli %add3A, %mul3A_20 : i32
    %dma_start3A_22 = arith.constant 0 : i32
    %dma_start3A_23 = tpu.memref_slice %arg13[%mul3A_21, %dma_start3A_22] : memref<160x128xi32, #tpu.memory_space<hbm>> -> memref<5x128xi32, #tpu.memory_space<hbm>>
    %dma_start3A_24 = arith.constant 0 : i32
    %dma_start3A_25 = tpu.memref_slice %arg13[%mul3A_21, %dma_start3A_24] : memref<160x128xi32, #tpu.memory_space<hbm>> -> memref<5x128xi32, #tpu.memory_space<hbm>>
    tpu.enqueue_dma source(%dma_start3A_25 : memref<5x128xi32, #tpu.memory_space<hbm>>) target(%arg18 : memref<5x128xi32, #tpu.memory_space<vmem>>) target_semaphore(%arg33 : memref<!tpu.dma_semaphore, #tpu.memory_space<semaphore_mem>>)
    %dma_start3A_26 = tpu.memref_slice %arg5[%mul3A_2] : memref<4096xi32, #tpu.memory_space<hbm>> -> memref<128xi32, #tpu.memory_space<hbm>>
    %dma_start3A_27 = tpu.memref_slice %arg5[%mul3A_2] : memref<4096xi32, #tpu.memory_space<hbm>> -> memref<128xi32, #tpu.memory_space<hbm>>
    tpu.enqueue_dma source(%dma_start3A_27 : memref<128xi32, #tpu.memory_space<hbm>>) target(%arg21 : memref<128xi32, #tpu.memory_space<vmem>>) target_semaphore(%arg33 : memref<!tpu.dma_semaphore, #tpu.memory_space<semaphore_mem>>)
    %dma_start3A_28 = tpu.memref_slice %arg6[%mul3A_2] : memref<4096xi32, #tpu.memory_space<hbm>> -> memref<128xi32, #tpu.memory_space<hbm>>
    %dma_start3A_29 = tpu.memref_slice %arg6[%mul3A_2] : memref<4096xi32, #tpu.memory_space<hbm>> -> memref<128xi32, #tpu.memory_space<hbm>>
    tpu.enqueue_dma source(%dma_start3A_29 : memref<128xi32, #tpu.memory_space<hbm>>) target(%arg22 : memref<128xi32, #tpu.memory_space<vmem>>) target_semaphore(%arg33 : memref<!tpu.dma_semaphore, #tpu.memory_space<semaphore_mem>>)
    %dma_start3A_30 = tpu.memref_slice %arg7[%mul3A_2] : memref<4096xi32, #tpu.memory_space<hbm>> -> memref<128xi32, #tpu.memory_space<hbm>>
    %dma_start3A_31 = tpu.memref_slice %arg7[%mul3A_2] : memref<4096xi32, #tpu.memory_space<hbm>> -> memref<128xi32, #tpu.memory_space<hbm>>
    tpu.enqueue_dma source(%dma_start3A_31 : memref<128xi32, #tpu.memory_space<hbm>>) target(%arg23 : memref<128xi32, #tpu.memory_space<vmem>>) target_semaphore(%arg33 : memref<!tpu.dma_semaphore, #tpu.memory_space<semaphore_mem>>)
    tpu.enqueue_dma source(%arg8 : memref<64xf32, #tpu.memory_space<hbm>>) target(%arg24 : memref<64xf32, #tpu.memory_space<vmem>>) target_semaphore(%arg33 : memref<!tpu.dma_semaphore, #tpu.memory_space<semaphore_mem>>)
    tpu.enqueue_dma source(%arg9 : memref<64xf32, #tpu.memory_space<hbm>>) target(%arg25 : memref<64xf32, #tpu.memory_space<vmem>>) target_semaphore(%arg33 : memref<!tpu.dma_semaphore, #tpu.memory_space<semaphore_mem>>)
    %dma_wait3A = arith.constant 0 : i32
    %dma_wait3A_32 = tpu.memref_slice %arg10[%mul3A_4, %dma_wait3A] : memref<160x128xi32, #tpu.memory_space<hbm>> -> memref<5x128xi32, #tpu.memory_space<hbm>>
    %dma_wait3A_33 = arith.constant 0 : i32
    %dma_wait3A_34 = tpu.memref_slice %arg10[%mul3A_4, %dma_wait3A_33] : memref<160x128xi32, #tpu.memory_space<hbm>> -> memref<5x128xi32, #tpu.memory_space<hbm>>
    tpu.wait_dma2 semaphore(%arg33 : memref<!tpu.dma_semaphore, #tpu.memory_space<semaphore_mem>>) src(%dma_wait3A_34 : memref<5x128xi32, #tpu.memory_space<hbm>>) dst(%arg15 : memref<5x128xi32, #tpu.memory_space<vmem>>)
    %dma_wait3A_35 = arith.constant 0 : i32
    %dma_wait3A_36 = tpu.memref_slice %arg11[%mul3A_9, %dma_wait3A_35] : memref<160x128xi32, #tpu.memory_space<hbm>> -> memref<5x128xi32, #tpu.memory_space<hbm>>
    %dma_wait3A_37 = arith.constant 0 : i32
    %dma_wait3A_38 = tpu.memref_slice %arg11[%mul3A_9, %dma_wait3A_37] : memref<160x128xi32, #tpu.memory_space<hbm>> -> memref<5x128xi32, #tpu.memory_space<hbm>>
    tpu.wait_dma2 semaphore(%arg33 : memref<!tpu.dma_semaphore, #tpu.memory_space<semaphore_mem>>) src(%dma_wait3A_38 : memref<5x128xi32, #tpu.memory_space<hbm>>) dst(%arg16 : memref<5x128xi32, #tpu.memory_space<vmem>>)
    %dma_wait3A_39 = arith.constant 0 : i32
    %dma_wait3A_40 = tpu.memref_slice %arg12[%mul3A_15, %dma_wait3A_39] : memref<160x128xi32, #tpu.memory_space<hbm>> -> memref<5x128xi32, #tpu.memory_space<hbm>>
    %dma_wait3A_41 = arith.constant 0 : i32
    %dma_wait3A_42 = tpu.memref_slice %arg12[%mul3A_15, %dma_wait3A_41] : memref<160x128xi32, #tpu.memory_space<hbm>> -> memref<5x128xi32, #tpu.memory_space<hbm>>
    tpu.wait_dma2 semaphore(%arg33 : memref<!tpu.dma_semaphore, #tpu.memory_space<semaphore_mem>>) src(%dma_wait3A_42 : memref<5x128xi32, #tpu.memory_space<hbm>>) dst(%arg17 : memref<5x128xi32, #tpu.memory_space<vmem>>)
    %dma_wait3A_43 = arith.constant 0 : i32
    %dma_wait3A_44 = tpu.memref_slice %arg13[%mul3A_21, %dma_wait3A_43] : memref<160x128xi32, #tpu.memory_space<hbm>> -> memref<5x128xi32, #tpu.memory_space<hbm>>
    %dma_wait3A_45 = arith.constant 0 : i32
    %dma_wait3A_46 = tpu.memref_slice %arg13[%mul3A_21, %dma_wait3A_45] : memref<160x128xi32, #tpu.memory_space<hbm>> -> memref<5x128xi32, #tpu.memory_space<hbm>>
    tpu.wait_dma2 semaphore(%arg33 : memref<!tpu.dma_semaphore, #tpu.memory_space<semaphore_mem>>) src(%dma_wait3A_46 : memref<5x128xi32, #tpu.memory_space<hbm>>) dst(%arg18 : memref<5x128xi32, #tpu.memory_space<vmem>>)
    %dma_wait3A_47 = tpu.memref_slice %arg5[%mul3A_2] : memref<4096xi32, #tpu.memory_space<hbm>> -> memref<128xi32, #tpu.memory_space<hbm>>
    %dma_wait3A_48 = tpu.memref_slice %arg5[%mul3A_2] : memref<4096xi32, #tpu.memory_space<hbm>> -> memref<128xi32, #tpu.memory_space<hbm>>
    tpu.wait_dma2 semaphore(%arg33 : memref<!tpu.dma_semaphore, #tpu.memory_space<semaphore_mem>>) src(%dma_wait3A_48 : memref<128xi32, #tpu.memory_space<hbm>>) dst(%arg21 : memref<128xi32, #tpu.memory_space<vmem>>)
    %dma_wait3A_49 = tpu.memref_slice %arg6[%mul3A_2] : memref<4096xi32, #tpu.memory_space<hbm>> -> memref<128xi32, #tpu.memory_space<hbm>>
    %dma_wait3A_50 = tpu.memref_slice %arg6[%mul3A_2] : memref<4096xi32, #tpu.memory_space<hbm>> -> memref<128xi32, #tpu.memory_space<hbm>>
    tpu.wait_dma2 semaphore(%arg33 : memref<!tpu.dma_semaphore, #tpu.memory_space<semaphore_mem>>) src(%dma_wait3A_50 : memref<128xi32, #tpu.memory_space<hbm>>) dst(%arg22 : memref<128xi32, #tpu.memory_space<vmem>>)
    %dma_wait3A_51 = tpu.memref_slice %arg7[%mul3A_2] : memref<4096xi32, #tpu.memory_space<hbm>> -> memref<128xi32, #tpu.memory_space<hbm>>
    %dma_wait3A_52 = tpu.memref_slice %arg7[%mul3A_2] : memref<4096xi32, #tpu.memory_space<hbm>> -> memref<128xi32, #tpu.memory_space<hbm>>
    tpu.wait_dma2 semaphore(%arg33 : memref<!tpu.dma_semaphore, #tpu.memory_space<semaphore_mem>>) src(%dma_wait3A_52 : memref<128xi32, #tpu.memory_space<hbm>>) dst(%arg23 : memref<128xi32, #tpu.memory_space<vmem>>)
    tpu.wait_dma2 semaphore(%arg33 : memref<!tpu.dma_semaphore, #tpu.memory_space<semaphore_mem>>) src(%arg8 : memref<64xf32, #tpu.memory_space<hbm>>) dst(%arg24 : memref<64xf32, #tpu.memory_space<vmem>>)
    tpu.wait_dma2 semaphore(%arg33 : memref<!tpu.dma_semaphore, #tpu.memory_space<semaphore_mem>>) src(%arg9 : memref<64xf32, #tpu.memory_space<hbm>>) dst(%arg25 : memref<64xf32, #tpu.memory_space<vmem>>)
    %dma_start3A_53 = arith.constant 0 : i32
    %dma_start3A_54 = arith.constant 0 : i32
    %dma_start3A_55 = tpu.memref_slice %arg2[%dma_start3A_53, %dma_start3A_54] : memref<100000x64xf32, #tpu.memory_space<hbm>> -> memref<100000x64xf32, #tpu.memory_space<hbm>>
    tpu.enqueue_indirect_dma source(%dma_start3A_55 : memref<100000x64xf32, #tpu.memory_space<hbm>>) target(%arg28 : memref<128x64xf32, #tpu.memory_space<vmem>>) offsets(%arg21 : memref<128xi32, #tpu.memory_space<vmem>>) semaphore(%arg35 : memref<!tpu.dma_semaphore, #tpu.memory_space<semaphore_mem>>)
    %dma_start3A_56 = arith.constant 0 : i32
    %dma_start3A_57 = arith.constant 0 : i32
    %dma_start3A_58 = tpu.memref_slice %arg3[%dma_start3A_56, %dma_start3A_57] : memref<100000x64xf32, #tpu.memory_space<hbm>> -> memref<100000x64xf32, #tpu.memory_space<hbm>>
    tpu.enqueue_indirect_dma source(%dma_start3A_58 : memref<100000x64xf32, #tpu.memory_space<hbm>>) target(%arg29 : memref<128x64xf32, #tpu.memory_space<vmem>>) offsets(%arg22 : memref<128xi32, #tpu.memory_space<vmem>>) semaphore(%arg35 : memref<!tpu.dma_semaphore, #tpu.memory_space<semaphore_mem>>)
    %dma_start3A_59 = arith.constant 0 : i32
    %dma_start3A_60 = arith.constant 0 : i32
    %dma_start3A_61 = arith.constant 0 : i32
    %dma_start3A_62 = arith.constant 0 : i32
    %dma_start3A_63 = tpu.memref_slice %arg26[%dma_start3A_60, %dma_start3A_61, %dma_start3A_62] : memref<5x128x16xi32, #tpu.memory_space<vmem>> -> memref<1x128x16xi32, #tpu.memory_space<vmem>>
    %dma_start3A_64 = tpu.memref_squeeze %dma_start3A_63 : memref<1x128x16xi32, #tpu.memory_space<vmem>> -> memref<128x16xi32, #tpu.memory_space<vmem>>
    %dma_start3A_65 = arith.constant 0 : i32
    %dma_start3A_66 = tpu.memref_slice %arg15[%dma_start3A_59, %dma_start3A_65] : memref<5x128xi32, #tpu.memory_space<vmem>> -> memref<1x128xi32, #tpu.memory_space<vmem>>
    %dma_start3A_67 = tpu.memref_squeeze %dma_start3A_66 : memref<1x128xi32, #tpu.memory_space<vmem>> -> memref<128xi32, #tpu.memory_space<vmem>>
    %dma_start3A_68 = arith.constant 0 : i32
    %dma_start3A_69 = arith.constant 0 : i32
    %dma_start3A_70 = tpu.memref_slice %arg4[%dma_start3A_68, %dma_start3A_69] : memref<5120x16xi32, #tpu.memory_space<hbm>> -> memref<5120x16xi32, #tpu.memory_space<hbm>>
    tpu.enqueue_indirect_dma source(%dma_start3A_70 : memref<5120x16xi32, #tpu.memory_space<hbm>>) target(%dma_start3A_64 : memref<128x16xi32, #tpu.memory_space<vmem>>) offsets(%dma_start3A_67 : memref<128xi32, #tpu.memory_space<vmem>>) semaphore(%arg34 : memref<!tpu.dma_semaphore, #tpu.memory_space<semaphore_mem>>)
    %dma_start3A_71 = arith.constant 1 : i32
    %dma_start3A_72 = arith.constant 1 : i32
    %dma_start3A_73 = arith.constant 0 : i32
    %dma_start3A_74 = arith.constant 0 : i32
    %dma_start3A_75 = tpu.memref_slice %arg26[%dma_start3A_72, %dma_start3A_73, %dma_start3A_74] : memref<5x128x16xi32, #tpu.memory_space<vmem>> -> memref<1x128x16xi32, #tpu.memory_space<vmem>>
    %dma_start3A_76 = tpu.memref_squeeze %dma_start3A_75 : memref<1x128x16xi32, #tpu.memory_space<vmem>> -> memref<128x16xi32, #tpu.memory_space<vmem>>
    %dma_start3A_77 = arith.constant 0 : i32
    %dma_start3A_78 = tpu.memref_slice %arg15[%dma_start3A_71, %dma_start3A_77] : memref<5x128xi32, #tpu.memory_space<vmem>> -> memref<1x128xi32, #tpu.memory_space<vmem>>
    %dma_start3A_79 = tpu.memref_squeeze %dma_start3A_78 : memref<1x128xi32, #tpu.memory_space<vmem>> -> memref<128xi32, #tpu.memory_space<vmem>>
    %dma_start3A_80 = arith.constant 0 : i32
    %dma_start3A_81 = arith.constant 0 : i32
    %dma_start3A_82 = tpu.memref_slice %arg4[%dma_start3A_80, %dma_start3A_81] : memref<5120x16xi32, #tpu.memory_space<hbm>> -> memref<5120x16xi32, #tpu.memory_space<hbm>>
    tpu.enqueue_indirect_dma source(%dma_start3A_82 : memref<5120x16xi32, #tpu.memory_space<hbm>>) target(%dma_start3A_76 : memref<128x16xi32, #tpu.memory_space<vmem>>) offsets(%dma_start3A_79 : memref<128xi32, #tpu.memory_space<vmem>>) semaphore(%arg34 : memref<!tpu.dma_semaphore, #tpu.memory_space<semaphore_mem>>)
    %dma_start3A_83 = arith.constant 2 : i32
    %dma_start3A_84 = arith.constant 2 : i32
    %dma_start3A_85 = arith.constant 0 : i32
    %dma_start3A_86 = arith.constant 0 : i32
    %dma_start3A_87 = tpu.memref_slice %arg26[%dma_start3A_84, %dma_start3A_85, %dma_start3A_86] : memref<5x128x16xi32, #tpu.memory_space<vmem>> -> memref<1x128x16xi32, #tpu.memory_space<vmem>>
    %dma_start3A_88 = tpu.memref_squeeze %dma_start3A_87 : memref<1x128x16xi32, #tpu.memory_space<vmem>> -> memref<128x16xi32, #tpu.memory_space<vmem>>
    %dma_start3A_89 = arith.constant 0 : i32
    %dma_start3A_90 = tpu.memref_slice %arg15[%dma_start3A_83, %dma_start3A_89] : memref<5x128xi32, #tpu.memory_space<vmem>> -> memref<1x128xi32, #tpu.memory_space<vmem>>
    %dma_start3A_91 = tpu.memref_squeeze %dma_start3A_90 : memref<1x128xi32, #tpu.memory_space<vmem>> -> memref<128xi32, #tpu.memory_space<vmem>>
    %dma_start3A_92 = arith.constant 0 : i32
    %dma_start3A_93 = arith.constant 0 : i32
    %dma_start3A_94 = tpu.memref_slice %arg4[%dma_start3A_92, %dma_start3A_93] : memref<5120x16xi32, #tpu.memory_space<hbm>> -> memref<5120x16xi32, #tpu.memory_space<hbm>>
    tpu.enqueue_indirect_dma source(%dma_start3A_94 : memref<5120x16xi32, #tpu.memory_space<hbm>>) target(%dma_start3A_88 : memref<128x16xi32, #tpu.memory_space<vmem>>) offsets(%dma_start3A_91 : memref<128xi32, #tpu.memory_space<vmem>>) semaphore(%arg34 : memref<!tpu.dma_semaphore, #tpu.memory_space<semaphore_mem>>)
    %dma_start3A_95 = arith.constant 3 : i32
    %dma_start3A_96 = arith.constant 3 : i32
    %dma_start3A_97 = arith.constant 0 : i32
    %dma_start3A_98 = arith.constant 0 : i32
    %dma_start3A_99 = tpu.memref_slice %arg26[%dma_start3A_96, %dma_start3A_97, %dma_start3A_98] : memref<5x128x16xi32, #tpu.memory_space<vmem>> -> memref<1x128x16xi32, #tpu.memory_space<vmem>>
    %dma_start3A_100 = tpu.memref_squeeze %dma_start3A_99 : memref<1x128x16xi32, #tpu.memory_space<vmem>> -> memref<128x16xi32, #tpu.memory_space<vmem>>
    %dma_start3A_101 = arith.constant 0 : i32
    %dma_start3A_102 = tpu.memref_slice %arg15[%dma_start3A_95, %dma_start3A_101] : memref<5x128xi32, #tpu.memory_space<vmem>> -> memref<1x128xi32, #tpu.memory_space<vmem>>
    %dma_start3A_103 = tpu.memref_squeeze %dma_start3A_102 : memref<1x128xi32, #tpu.memory_space<vmem>> -> memref<128xi32, #tpu.memory_space<vmem>>
    %dma_start3A_104 = arith.constant 0 : i32
    %dma_start3A_105 = arith.constant 0 : i32
    %dma_start3A_106 = tpu.memref_slice %arg4[%dma_start3A_104, %dma_start3A_105] : memref<5120x16xi32, #tpu.memory_space<hbm>> -> memref<5120x16xi32, #tpu.memory_space<hbm>>
    tpu.enqueue_indirect_dma source(%dma_start3A_106 : memref<5120x16xi32, #tpu.memory_space<hbm>>) target(%dma_start3A_100 : memref<128x16xi32, #tpu.memory_space<vmem>>) offsets(%dma_start3A_103 : memref<128xi32, #tpu.memory_space<vmem>>) semaphore(%arg34 : memref<!tpu.dma_semaphore, #tpu.memory_space<semaphore_mem>>)
    %dma_start3A_107 = arith.constant 4 : i32
    %dma_start3A_108 = arith.constant 4 : i32
    %dma_start3A_109 = arith.constant 0 : i32
    %dma_start3A_110 = arith.constant 0 : i32
    %dma_start3A_111 = tpu.memref_slice %arg26[%dma_start3A_108, %dma_start3A_109, %dma_start3A_110] : memref<5x128x16xi32, #tpu.memory_space<vmem>> -> memref<1x128x16xi32, #tpu.memory_space<vmem>>
    %dma_start3A_112 = tpu.memref_squeeze %dma_start3A_111 : memref<1x128x16xi32, #tpu.memory_space<vmem>> -> memref<128x16xi32, #tpu.memory_space<vmem>>
    %dma_start3A_113 = arith.constant 0 : i32
    %dma_start3A_114 = tpu.memref_slice %arg15[%dma_start3A_107, %dma_start3A_113] : memref<5x128xi32, #tpu.memory_space<vmem>> -> memref<1x128xi32, #tpu.memory_space<vmem>>
    %dma_start3A_115 = tpu.memref_squeeze %dma_start3A_114 : memref<1x128xi32, #tpu.memory_space<vmem>> -> memref<128xi32, #tpu.memory_space<vmem>>
    %dma_start3A_116 = arith.constant 0 : i32
    %dma_start3A_117 = arith.constant 0 : i32
    %dma_start3A_118 = tpu.memref_slice %arg4[%dma_start3A_116, %dma_start3A_117] : memref<5120x16xi32, #tpu.memory_space<hbm>> -> memref<5120x16xi32, #tpu.memory_space<hbm>>
    tpu.enqueue_indirect_dma source(%dma_start3A_118 : memref<5120x16xi32, #tpu.memory_space<hbm>>) target(%dma_start3A_112 : memref<128x16xi32, #tpu.memory_space<vmem>>) offsets(%dma_start3A_115 : memref<128xi32, #tpu.memory_space<vmem>>) semaphore(%arg34 : memref<!tpu.dma_semaphore, #tpu.memory_space<semaphore_mem>>)
    %dma_start3A_119 = arith.constant 0 : i32
    %dma_start3A_120 = arith.constant 0 : i32
    %dma_start3A_121 = arith.constant 0 : i32
    %dma_start3A_122 = arith.constant 0 : i32
    %dma_start3A_123 = tpu.memref_slice %arg27[%dma_start3A_120, %dma_start3A_121, %dma_start3A_122] : memref<5x128x16xi32, #tpu.memory_space<vmem>> -> memref<1x128x16xi32, #tpu.memory_space<vmem>>
    %dma_start3A_124 = tpu.memref_squeeze %dma_start3A_123 : memref<1x128x16xi32, #tpu.memory_space<vmem>> -> memref<128x16xi32, #tpu.memory_space<vmem>>
    %dma_start3A_125 = arith.constant 0 : i32
    %dma_start3A_126 = tpu.memref_slice %arg17[%dma_start3A_119, %dma_start3A_125] : memref<5x128xi32, #tpu.memory_space<vmem>> -> memref<1x128xi32, #tpu.memory_space<vmem>>
    %dma_start3A_127 = tpu.memref_squeeze %dma_start3A_126 : memref<1x128xi32, #tpu.memory_space<vmem>> -> memref<128xi32, #tpu.memory_space<vmem>>
    %dma_start3A_128 = arith.constant 0 : i32
    %dma_start3A_129 = arith.constant 0 : i32
    %dma_start3A_130 = tpu.memref_slice %arg4[%dma_start3A_128, %dma_start3A_129] : memref<5120x16xi32, #tpu.memory_space<hbm>> -> memref<5120x16xi32, #tpu.memory_space<hbm>>
    tpu.enqueue_indirect_dma source(%dma_start3A_130 : memref<5120x16xi32, #tpu.memory_space<hbm>>) target(%dma_start3A_124 : memref<128x16xi32, #tpu.memory_space<vmem>>) offsets(%dma_start3A_127 : memref<128xi32, #tpu.memory_space<vmem>>) semaphore(%arg34 : memref<!tpu.dma_semaphore, #tpu.memory_space<semaphore_mem>>)
    %dma_start3A_131 = arith.constant 1 : i32
    %dma_start3A_132 = arith.constant 1 : i32
    %dma_start3A_133 = arith.constant 0 : i32
    %dma_start3A_134 = arith.constant 0 : i32
    %dma_start3A_135 = tpu.memref_slice %arg27[%dma_start3A_132, %dma_start3A_133, %dma_start3A_134] : memref<5x128x16xi32, #tpu.memory_space<vmem>> -> memref<1x128x16xi32, #tpu.memory_space<vmem>>
    %dma_start3A_136 = tpu.memref_squeeze %dma_start3A_135 : memref<1x128x16xi32, #tpu.memory_space<vmem>> -> memref<128x16xi32, #tpu.memory_space<vmem>>
    %dma_start3A_137 = arith.constant 0 : i32
    %dma_start3A_138 = tpu.memref_slice %arg17[%dma_start3A_131, %dma_start3A_137] : memref<5x128xi32, #tpu.memory_space<vmem>> -> memref<1x128xi32, #tpu.memory_space<vmem>>
    %dma_start3A_139 = tpu.memref_squeeze %dma_start3A_138 : memref<1x128xi32, #tpu.memory_space<vmem>> -> memref<128xi32, #tpu.memory_space<vmem>>
    %dma_start3A_140 = arith.constant 0 : i32
    %dma_start3A_141 = arith.constant 0 : i32
    %dma_start3A_142 = tpu.memref_slice %arg4[%dma_start3A_140, %dma_start3A_141] : memref<5120x16xi32, #tpu.memory_space<hbm>> -> memref<5120x16xi32, #tpu.memory_space<hbm>>
    tpu.enqueue_indirect_dma source(%dma_start3A_142 : memref<5120x16xi32, #tpu.memory_space<hbm>>) target(%dma_start3A_136 : memref<128x16xi32, #tpu.memory_space<vmem>>) offsets(%dma_start3A_139 : memref<128xi32, #tpu.memory_space<vmem>>) semaphore(%arg34 : memref<!tpu.dma_semaphore, #tpu.memory_space<semaphore_mem>>)
    %dma_start3A_143 = arith.constant 2 : i32
    %dma_start3A_144 = arith.constant 2 : i32
    %dma_start3A_145 = arith.constant 0 : i32
    %dma_start3A_146 = arith.constant 0 : i32
    %dma_start3A_147 = tpu.memref_slice %arg27[%dma_start3A_144, %dma_start3A_145, %dma_start3A_146] : memref<5x128x16xi32, #tpu.memory_space<vmem>> -> memref<1x128x16xi32, #tpu.memory_space<vmem>>
    %dma_start3A_148 = tpu.memref_squeeze %dma_start3A_147 : memref<1x128x16xi32, #tpu.memory_space<vmem>> -> memref<128x16xi32, #tpu.memory_space<vmem>>
    %dma_start3A_149 = arith.constant 0 : i32
    %dma_start3A_150 = tpu.memref_slice %arg17[%dma_start3A_143, %dma_start3A_149] : memref<5x128xi32, #tpu.memory_space<vmem>> -> memref<1x128xi32, #tpu.memory_space<vmem>>
    %dma_start3A_151 = tpu.memref_squeeze %dma_start3A_150 : memref<1x128xi32, #tpu.memory_space<vmem>> -> memref<128xi32, #tpu.memory_space<vmem>>
    %dma_start3A_152 = arith.constant 0 : i32
    %dma_start3A_153 = arith.constant 0 : i32
    %dma_start3A_154 = tpu.memref_slice %arg4[%dma_start3A_152, %dma_start3A_153] : memref<5120x16xi32, #tpu.memory_space<hbm>> -> memref<5120x16xi32, #tpu.memory_space<hbm>>
    tpu.enqueue_indirect_dma source(%dma_start3A_154 : memref<5120x16xi32, #tpu.memory_space<hbm>>) target(%dma_start3A_148 : memref<128x16xi32, #tpu.memory_space<vmem>>) offsets(%dma_start3A_151 : memref<128xi32, #tpu.memory_space<vmem>>) semaphore(%arg34 : memref<!tpu.dma_semaphore, #tpu.memory_space<semaphore_mem>>)
    %dma_start3A_155 = arith.constant 3 : i32
    %dma_start3A_156 = arith.constant 3 : i32
    %dma_start3A_157 = arith.constant 0 : i32
    %dma_start3A_158 = arith.constant 0 : i32
    %dma_start3A_159 = tpu.memref_slice %arg27[%dma_start3A_156, %dma_start3A_157, %dma_start3A_158] : memref<5x128x16xi32, #tpu.memory_space<vmem>> -> memref<1x128x16xi32, #tpu.memory_space<vmem>>
    %dma_start3A_160 = tpu.memref_squeeze %dma_start3A_159 : memref<1x128x16xi32, #tpu.memory_space<vmem>> -> memref<128x16xi32, #tpu.memory_space<vmem>>
    %dma_start3A_161 = arith.constant 0 : i32
    %dma_start3A_162 = tpu.memref_slice %arg17[%dma_start3A_155, %dma_start3A_161] : memref<5x128xi32, #tpu.memory_space<vmem>> -> memref<1x128xi32, #tpu.memory_space<vmem>>
    %dma_start3A_163 = tpu.memref_squeeze %dma_start3A_162 : memref<1x128xi32, #tpu.memory_space<vmem>> -> memref<128xi32, #tpu.memory_space<vmem>>
    %dma_start3A_164 = arith.constant 0 : i32
    %dma_start3A_165 = arith.constant 0 : i32
    %dma_start3A_166 = tpu.memref_slice %arg4[%dma_start3A_164, %dma_start3A_165] : memref<5120x16xi32, #tpu.memory_space<hbm>> -> memref<5120x16xi32, #tpu.memory_space<hbm>>
    tpu.enqueue_indirect_dma source(%dma_start3A_166 : memref<5120x16xi32, #tpu.memory_space<hbm>>) target(%dma_start3A_160 : memref<128x16xi32, #tpu.memory_space<vmem>>) offsets(%dma_start3A_163 : memref<128xi32, #tpu.memory_space<vmem>>) semaphore(%arg34 : memref<!tpu.dma_semaphore, #tpu.memory_space<semaphore_mem>>)
    %dma_start3A_167 = arith.constant 4 : i32
    %dma_start3A_168 = arith.constant 4 : i32
    %dma_start3A_169 = arith.constant 0 : i32
    %dma_start3A_170 = arith.constant 0 : i32
    %dma_start3A_171 = tpu.memref_slice %arg27[%dma_start3A_168, %dma_start3A_169, %dma_start3A_170] : memref<5x128x16xi32, #tpu.memory_space<vmem>> -> memref<1x128x16xi32, #tpu.memory_space<vmem>>
    %dma_start3A_172 = tpu.memref_squeeze %dma_start3A_171 : memref<1x128x16xi32, #tpu.memory_space<vmem>> -> memref<128x16xi32, #tpu.memory_space<vmem>>
    %dma_start3A_173 = arith.constant 0 : i32
    %dma_start3A_174 = tpu.memref_slice %arg17[%dma_start3A_167, %dma_start3A_173] : memref<5x128xi32, #tpu.memory_space<vmem>> -> memref<1x128xi32, #tpu.memory_space<vmem>>
    %dma_start3A_175 = tpu.memref_squeeze %dma_start3A_174 : memref<1x128xi32, #tpu.memory_space<vmem>> -> memref<128xi32, #tpu.memory_space<vmem>>
    %dma_start3A_176 = arith.constant 0 : i32
    %dma_start3A_177 = arith.constant 0 : i32
    %dma_start3A_178 = tpu.memref_slice %arg4[%dma_start3A_176, %dma_start3A_177] : memref<5120x16xi32, #tpu.memory_space<hbm>> -> memref<5120x16xi32, #tpu.memory_space<hbm>>
    tpu.enqueue_indirect_dma source(%dma_start3A_178 : memref<5120x16xi32, #tpu.memory_space<hbm>>) target(%dma_start3A_172 : memref<128x16xi32, #tpu.memory_space<vmem>>) offsets(%dma_start3A_175 : memref<128xi32, #tpu.memory_space<vmem>>) semaphore(%arg34 : memref<!tpu.dma_semaphore, #tpu.memory_space<semaphore_mem>>)
    %dma_wait3A_179 = arith.constant 0 : i32
    %dma_wait3A_180 = arith.constant 0 : i32
    %dma_wait3A_181 = arith.constant 0 : i32
    %dma_wait3A_182 = arith.constant 0 : i32
    %dma_wait3A_183 = tpu.memref_slice %arg26[%dma_wait3A_180, %dma_wait3A_181, %dma_wait3A_182] : memref<5x128x16xi32, #tpu.memory_space<vmem>> -> memref<1x128x16xi32, #tpu.memory_space<vmem>>
    %dma_wait3A_184 = tpu.memref_squeeze %dma_wait3A_183 : memref<1x128x16xi32, #tpu.memory_space<vmem>> -> memref<128x16xi32, #tpu.memory_space<vmem>>
    %dma_wait3A_185 = arith.constant 0 : i32
    %dma_wait3A_186 = tpu.memref_slice %arg15[%dma_wait3A_179, %dma_wait3A_185] : memref<5x128xi32, #tpu.memory_space<vmem>> -> memref<1x128xi32, #tpu.memory_space<vmem>>
    %dma_wait3A_187 = tpu.memref_squeeze %dma_wait3A_186 : memref<1x128xi32, #tpu.memory_space<vmem>> -> memref<128xi32, #tpu.memory_space<vmem>>
    %dma_wait3A_188 = arith.constant 0 : i32
    %dma_wait3A_189 = arith.constant 0 : i32
    %dma_wait3A_190 = tpu.memref_slice %arg4[%dma_wait3A_188, %dma_wait3A_189] : memref<5120x16xi32, #tpu.memory_space<hbm>> -> memref<5120x16xi32, #tpu.memory_space<hbm>>
    tpu.wait_indirect_dma semaphore(%arg34 : memref<!tpu.dma_semaphore, #tpu.memory_space<semaphore_mem>>) src(%dma_wait3A_190 : memref<5120x16xi32, #tpu.memory_space<hbm>>) dst(%dma_wait3A_184 : memref<128x16xi32, #tpu.memory_space<vmem>>)
    %dma_wait3A_191 = arith.constant 1 : i32
    %dma_wait3A_192 = arith.constant 1 : i32
    %dma_wait3A_193 = arith.constant 0 : i32
    %dma_wait3A_194 = arith.constant 0 : i32
    %dma_wait3A_195 = tpu.memref_slice %arg26[%dma_wait3A_192, %dma_wait3A_193, %dma_wait3A_194] : memref<5x128x16xi32, #tpu.memory_space<vmem>> -> memref<1x128x16xi32, #tpu.memory_space<vmem>>
    %dma_wait3A_196 = tpu.memref_squeeze %dma_wait3A_195 : memref<1x128x16xi32, #tpu.memory_space<vmem>> -> memref<128x16xi32, #tpu.memory_space<vmem>>
    %dma_wait3A_197 = arith.constant 0 : i32
    %dma_wait3A_198 = tpu.memref_slice %arg15[%dma_wait3A_191, %dma_wait3A_197] : memref<5x128xi32, #tpu.memory_space<vmem>> -> memref<1x128xi32, #tpu.memory_space<vmem>>
    %dma_wait3A_199 = tpu.memref_squeeze %dma_wait3A_198 : memref<1x128xi32, #tpu.memory_space<vmem>> -> memref<128xi32, #tpu.memory_space<vmem>>
    %dma_wait3A_200 = arith.constant 0 : i32
    %dma_wait3A_201 = arith.constant 0 : i32
    %dma_wait3A_202 = tpu.memref_slice %arg4[%dma_wait3A_200, %dma_wait3A_201] : memref<5120x16xi32, #tpu.memory_space<hbm>> -> memref<5120x16xi32, #tpu.memory_space<hbm>>
    tpu.wait_indirect_dma semaphore(%arg34 : memref<!tpu.dma_semaphore, #tpu.memory_space<semaphore_mem>>) src(%dma_wait3A_202 : memref<5120x16xi32, #tpu.memory_space<hbm>>) dst(%dma_wait3A_196 : memref<128x16xi32, #tpu.memory_space<vmem>>)
    %dma_wait3A_203 = arith.constant 2 : i32
    %dma_wait3A_204 = arith.constant 2 : i32
    %dma_wait3A_205 = arith.constant 0 : i32
    %dma_wait3A_206 = arith.constant 0 : i32
    %dma_wait3A_207 = tpu.memref_slice %arg26[%dma_wait3A_204, %dma_wait3A_205, %dma_wait3A_206] : memref<5x128x16xi32, #tpu.memory_space<vmem>> -> memref<1x128x16xi32, #tpu.memory_space<vmem>>
    %dma_wait3A_208 = tpu.memref_squeeze %dma_wait3A_207 : memref<1x128x16xi32, #tpu.memory_space<vmem>> -> memref<128x16xi32, #tpu.memory_space<vmem>>
    %dma_wait3A_209 = arith.constant 0 : i32
    %dma_wait3A_210 = tpu.memref_slice %arg15[%dma_wait3A_203, %dma_wait3A_209] : memref<5x128xi32, #tpu.memory_space<vmem>> -> memref<1x128xi32, #tpu.memory_space<vmem>>
    %dma_wait3A_211 = tpu.memref_squeeze %dma_wait3A_210 : memref<1x128xi32, #tpu.memory_space<vmem>> -> memref<128xi32, #tpu.memory_space<vmem>>
    %dma_wait3A_212 = arith.constant 0 : i32
    %dma_wait3A_213 = arith.constant 0 : i32
    %dma_wait3A_214 = tpu.memref_slice %arg4[%dma_wait3A_212, %dma_wait3A_213] : memref<5120x16xi32, #tpu.memory_space<hbm>> -> memref<5120x16xi32, #tpu.memory_space<hbm>>
    tpu.wait_indirect_dma semaphore(%arg34 : memref<!tpu.dma_semaphore, #tpu.memory_space<semaphore_mem>>) src(%dma_wait3A_214 : memref<5120x16xi32, #tpu.memory_space<hbm>>) dst(%dma_wait3A_208 : memref<128x16xi32, #tpu.memory_space<vmem>>)
    %dma_wait3A_215 = arith.constant 3 : i32
    %dma_wait3A_216 = arith.constant 3 : i32
    %dma_wait3A_217 = arith.constant 0 : i32
    %dma_wait3A_218 = arith.constant 0 : i32
    %dma_wait3A_219 = tpu.memref_slice %arg26[%dma_wait3A_216, %dma_wait3A_217, %dma_wait3A_218] : memref<5x128x16xi32, #tpu.memory_space<vmem>> -> memref<1x128x16xi32, #tpu.memory_space<vmem>>
    %dma_wait3A_220 = tpu.memref_squeeze %dma_wait3A_219 : memref<1x128x16xi32, #tpu.memory_space<vmem>> -> memref<128x16xi32, #tpu.memory_space<vmem>>
    %dma_wait3A_221 = arith.constant 0 : i32
    %dma_wait3A_222 = tpu.memref_slice %arg15[%dma_wait3A_215, %dma_wait3A_221] : memref<5x128xi32, #tpu.memory_space<vmem>> -> memref<1x128xi32, #tpu.memory_space<vmem>>
    %dma_wait3A_223 = tpu.memref_squeeze %dma_wait3A_222 : memref<1x128xi32, #tpu.memory_space<vmem>> -> memref<128xi32, #tpu.memory_space<vmem>>
    %dma_wait3A_224 = arith.constant 0 : i32
    %dma_wait3A_225 = arith.constant 0 : i32
    %dma_wait3A_226 = tpu.memref_slice %arg4[%dma_wait3A_224, %dma_wait3A_225] : memref<5120x16xi32, #tpu.memory_space<hbm>> -> memref<5120x16xi32, #tpu.memory_space<hbm>>
    tpu.wait_indirect_dma semaphore(%arg34 : memref<!tpu.dma_semaphore, #tpu.memory_space<semaphore_mem>>) src(%dma_wait3A_226 : memref<5120x16xi32, #tpu.memory_space<hbm>>) dst(%dma_wait3A_220 : memref<128x16xi32, #tpu.memory_space<vmem>>)
    %dma_wait3A_227 = arith.constant 4 : i32
    %dma_wait3A_228 = arith.constant 4 : i32
    %dma_wait3A_229 = arith.constant 0 : i32
    %dma_wait3A_230 = arith.constant 0 : i32
    %dma_wait3A_231 = tpu.memref_slice %arg26[%dma_wait3A_228, %dma_wait3A_229, %dma_wait3A_230] : memref<5x128x16xi32, #tpu.memory_space<vmem>> -> memref<1x128x16xi32, #tpu.memory_space<vmem>>
    %dma_wait3A_232 = tpu.memref_squeeze %dma_wait3A_231 : memref<1x128x16xi32, #tpu.memory_space<vmem>> -> memref<128x16xi32, #tpu.memory_space<vmem>>
    %dma_wait3A_233 = arith.constant 0 : i32
    %dma_wait3A_234 = tpu.memref_slice %arg15[%dma_wait3A_227, %dma_wait3A_233] : memref<5x128xi32, #tpu.memory_space<vmem>> -> memref<1x128xi32, #tpu.memory_space<vmem>>
    %dma_wait3A_235 = tpu.memref_squeeze %dma_wait3A_234 : memref<1x128xi32, #tpu.memory_space<vmem>> -> memref<128xi32, #tpu.memory_space<vmem>>
    %dma_wait3A_236 = arith.constant 0 : i32
    %dma_wait3A_237 = arith.constant 0 : i32
    %dma_wait3A_238 = tpu.memref_slice %arg4[%dma_wait3A_236, %dma_wait3A_237] : memref<5120x16xi32, #tpu.memory_space<hbm>> -> memref<5120x16xi32, #tpu.memory_space<hbm>>
    tpu.wait_indirect_dma semaphore(%arg34 : memref<!tpu.dma_semaphore, #tpu.memory_space<semaphore_mem>>) src(%dma_wait3A_238 : memref<5120x16xi32, #tpu.memory_space<hbm>>) dst(%dma_wait3A_232 : memref<128x16xi32, #tpu.memory_space<vmem>>)
    %dma_wait3A_239 = arith.constant 0 : i32
    %dma_wait3A_240 = arith.constant 0 : i32
    %dma_wait3A_241 = arith.constant 0 : i32
    %dma_wait3A_242 = arith.constant 0 : i32
    %dma_wait3A_243 = tpu.memref_slice %arg27[%dma_wait3A_240, %dma_wait3A_241, %dma_wait3A_242] : memref<5x128x16xi32, #tpu.memory_space<vmem>> -> memref<1x128x16xi32, #tpu.memory_space<vmem>>
    %dma_wait3A_244 = tpu.memref_squeeze %dma_wait3A_243 : memref<1x128x16xi32, #tpu.memory_space<vmem>> -> memref<128x16xi32, #tpu.memory_space<vmem>>
    %dma_wait3A_245 = arith.constant 0 : i32
    %dma_wait3A_246 = tpu.memref_slice %arg17[%dma_wait3A_239, %dma_wait3A_245] : memref<5x128xi32, #tpu.memory_space<vmem>> -> memref<1x128xi32, #tpu.memory_space<vmem>>
    %dma_wait3A_247 = tpu.memref_squeeze %dma_wait3A_246 : memref<1x128xi32, #tpu.memory_space<vmem>> -> memref<128xi32, #tpu.memory_space<vmem>>
    %dma_wait3A_248 = arith.constant 0 : i32
    %dma_wait3A_249 = arith.constant 0 : i32
    %dma_wait3A_250 = tpu.memref_slice %arg4[%dma_wait3A_248, %dma_wait3A_249] : memref<5120x16xi32, #tpu.memory_space<hbm>> -> memref<5120x16xi32, #tpu.memory_space<hbm>>
    tpu.wait_indirect_dma semaphore(%arg34 : memref<!tpu.dma_semaphore, #tpu.memory_space<semaphore_mem>>) src(%dma_wait3A_250 : memref<5120x16xi32, #tpu.memory_space<hbm>>) dst(%dma_wait3A_244 : memref<128x16xi32, #tpu.memory_space<vmem>>)
    %dma_wait3A_251 = arith.constant 1 : i32
    %dma_wait3A_252 = arith.constant 1 : i32
    %dma_wait3A_253 = arith.constant 0 : i32
    %dma_wait3A_254 = arith.constant 0 : i32
    %dma_wait3A_255 = tpu.memref_slice %arg27[%dma_wait3A_252, %dma_wait3A_253, %dma_wait3A_254] : memref<5x128x16xi32, #tpu.memory_space<vmem>> -> memref<1x128x16xi32, #tpu.memory_space<vmem>>
    %dma_wait3A_256 = tpu.memref_squeeze %dma_wait3A_255 : memref<1x128x16xi32, #tpu.memory_space<vmem>> -> memref<128x16xi32, #tpu.memory_space<vmem>>
    %dma_wait3A_257 = arith.constant 0 : i32
    %dma_wait3A_258 = tpu.memref_slice %arg17[%dma_wait3A_251, %dma_wait3A_257] : memref<5x128xi32, #tpu.memory_space<vmem>> -> memref<1x128xi32, #tpu.memory_space<vmem>>
    %dma_wait3A_259 = tpu.memref_squeeze %dma_wait3A_258 : memref<1x128xi32, #tpu.memory_space<vmem>> -> memref<128xi32, #tpu.memory_space<vmem>>
    %dma_wait3A_260 = arith.constant 0 : i32
    %dma_wait3A_261 = arith.constant 0 : i32
    %dma_wait3A_262 = tpu.memref_slice %arg4[%dma_wait3A_260, %dma_wait3A_261] : memref<5120x16xi32, #tpu.memory_space<hbm>> -> memref<5120x16xi32, #tpu.memory_space<hbm>>
    tpu.wait_indirect_dma semaphore(%arg34 : memref<!tpu.dma_semaphore, #tpu.memory_space<semaphore_mem>>) src(%dma_wait3A_262 : memref<5120x16xi32, #tpu.memory_space<hbm>>) dst(%dma_wait3A_256 : memref<128x16xi32, #tpu.memory_space<vmem>>)
    %dma_wait3A_263 = arith.constant 2 : i32
    %dma_wait3A_264 = arith.constant 2 : i32
    %dma_wait3A_265 = arith.constant 0 : i32
    %dma_wait3A_266 = arith.constant 0 : i32
    %dma_wait3A_267 = tpu.memref_slice %arg27[%dma_wait3A_264, %dma_wait3A_265, %dma_wait3A_266] : memref<5x128x16xi32, #tpu.memory_space<vmem>> -> memref<1x128x16xi32, #tpu.memory_space<vmem>>
    %dma_wait3A_268 = tpu.memref_squeeze %dma_wait3A_267 : memref<1x128x16xi32, #tpu.memory_space<vmem>> -> memref<128x16xi32, #tpu.memory_space<vmem>>
    %dma_wait3A_269 = arith.constant 0 : i32
    %dma_wait3A_270 = tpu.memref_slice %arg17[%dma_wait3A_263, %dma_wait3A_269] : memref<5x128xi32, #tpu.memory_space<vmem>> -> memref<1x128xi32, #tpu.memory_space<vmem>>
    %dma_wait3A_271 = tpu.memref_squeeze %dma_wait3A_270 : memref<1x128xi32, #tpu.memory_space<vmem>> -> memref<128xi32, #tpu.memory_space<vmem>>
    %dma_wait3A_272 = arith.constant 0 : i32
    %dma_wait3A_273 = arith.constant 0 : i32
    %dma_wait3A_274 = tpu.memref_slice %arg4[%dma_wait3A_272, %dma_wait3A_273] : memref<5120x16xi32, #tpu.memory_space<hbm>> -> memref<5120x16xi32, #tpu.memory_space<hbm>>
    tpu.wait_indirect_dma semaphore(%arg34 : memref<!tpu.dma_semaphore, #tpu.memory_space<semaphore_mem>>) src(%dma_wait3A_274 : memref<5120x16xi32, #tpu.memory_space<hbm>>) dst(%dma_wait3A_268 : memref<128x16xi32, #tpu.memory_space<vmem>>)
    %dma_wait3A_275 = arith.constant 3 : i32
    %dma_wait3A_276 = arith.constant 3 : i32
    %dma_wait3A_277 = arith.constant 0 : i32
    %dma_wait3A_278 = arith.constant 0 : i32
    %dma_wait3A_279 = tpu.memref_slice %arg27[%dma_wait3A_276, %dma_wait3A_277, %dma_wait3A_278] : memref<5x128x16xi32, #tpu.memory_space<vmem>> -> memref<1x128x16xi32, #tpu.memory_space<vmem>>
    %dma_wait3A_280 = tpu.memref_squeeze %dma_wait3A_279 : memref<1x128x16xi32, #tpu.memory_space<vmem>> -> memref<128x16xi32, #tpu.memory_space<vmem>>
    %dma_wait3A_281 = arith.constant 0 : i32
    %dma_wait3A_282 = tpu.memref_slice %arg17[%dma_wait3A_275, %dma_wait3A_281] : memref<5x128xi32, #tpu.memory_space<vmem>> -> memref<1x128xi32, #tpu.memory_space<vmem>>
    %dma_wait3A_283 = tpu.memref_squeeze %dma_wait3A_282 : memref<1x128xi32, #tpu.memory_space<vmem>> -> memref<128xi32, #tpu.memory_space<vmem>>
    %dma_wait3A_284 = arith.constant 0 : i32
    %dma_wait3A_285 = arith.constant 0 : i32
    %dma_wait3A_286 = tpu.memref_slice %arg4[%dma_wait3A_284, %dma_wait3A_285] : memref<5120x16xi32, #tpu.memory_space<hbm>> -> memref<5120x16xi32, #tpu.memory_space<hbm>>
    tpu.wait_indirect_dma semaphore(%arg34 : memref<!tpu.dma_semaphore, #tpu.memory_space<semaphore_mem>>) src(%dma_wait3A_286 : memref<5120x16xi32, #tpu.memory_space<hbm>>) dst(%dma_wait3A_280 : memref<128x16xi32, #tpu.memory_space<vmem>>)
    %dma_wait3A_287 = arith.constant 4 : i32
    %dma_wait3A_288 = arith.constant 4 : i32
    %dma_wait3A_289 = arith.constant 0 : i32
    %dma_wait3A_290 = arith.constant 0 : i32
    %dma_wait3A_291 = tpu.memref_slice %arg27[%dma_wait3A_288, %dma_wait3A_289, %dma_wait3A_290] : memref<5x128x16xi32, #tpu.memory_space<vmem>> -> memref<1x128x16xi32, #tpu.memory_space<vmem>>
    %dma_wait3A_292 = tpu.memref_squeeze %dma_wait3A_291 : memref<1x128x16xi32, #tpu.memory_space<vmem>> -> memref<128x16xi32, #tpu.memory_space<vmem>>
    %dma_wait3A_293 = arith.constant 0 : i32
    %dma_wait3A_294 = tpu.memref_slice %arg17[%dma_wait3A_287, %dma_wait3A_293] : memref<5x128xi32, #tpu.memory_space<vmem>> -> memref<1x128xi32, #tpu.memory_space<vmem>>
    %dma_wait3A_295 = tpu.memref_squeeze %dma_wait3A_294 : memref<1x128xi32, #tpu.memory_space<vmem>> -> memref<128xi32, #tpu.memory_space<vmem>>
    %dma_wait3A_296 = arith.constant 0 : i32
    %dma_wait3A_297 = arith.constant 0 : i32
    %dma_wait3A_298 = tpu.memref_slice %arg4[%dma_wait3A_296, %dma_wait3A_297] : memref<5120x16xi32, #tpu.memory_space<hbm>> -> memref<5120x16xi32, #tpu.memory_space<hbm>>
    tpu.wait_indirect_dma semaphore(%arg34 : memref<!tpu.dma_semaphore, #tpu.memory_space<semaphore_mem>>) src(%dma_wait3A_298 : memref<5120x16xi32, #tpu.memory_space<hbm>>) dst(%dma_wait3A_292 : memref<128x16xi32, #tpu.memory_space<vmem>>)
    %iota3A = tpu.iota {dimensions = array<i32: 0>} : vector<16xi32>
    %broadcast_in_dim3A = arith.constant 0 : i32
    %broadcast_in_dim3A_299 = vector.broadcast %broadcast_in_dim3A : i32 to vector<16xi32>
    %add3A_300 = arith.constant 0 : i32
    %add3A_301 = vector.broadcast %add3A_300 : i32 to vector<16xi32>
    %add3A_302 = arith.addi %broadcast_in_dim3A_299, %add3A_301 : vector<16xi32>
    %add3A_303 = arith.constant 0 : i32
    %add3A_304 = vector.broadcast %add3A_303 : i32 to vector<16xi32>
    %add3A_305 = arith.addi %iota3A, %add3A_304 : vector<16xi32>
    %get3A = arith.constant 0 : i32
    %get3A_306 = arith.index_cast %get3A : i32 to index
    %get3A_307 = arith.constant 0 : index
    %get3A_308 = tpu.vector_load %arg16[%get3A_306, %get3A_307] {strides = array<i32>} : memref<5x128xi32, #tpu.memory_space<vmem>>, vector<16xi32>,
    %gather3A = tpu.vector_load_idx %arg26[%add3A_302, %add3A_305, %get3A_308] : memref<5x128x16xi32, #tpu.memory_space<vmem>>[vector<16xi32>, vector<16xi32>, vector<16xi32>], vector<16xi32>,
    %swap3A = arith.constant 0 : i32
    %swap3A_309 = arith.index_cast %swap3A : i32 to index
    %swap3A_310 = arith.constant 0 : index
    %swap3A_311 = tpu.vector_load %arg19[%swap3A_309, %swap3A_310] {strides = array<i32>} : memref<5x128xi32, #tpu.memory_space<vmem>>, vector<16xi32>,
    tpu.vector_store %arg19[%swap3A_309, %swap3A_310], %gather3A {strides = array<i32>} : memref<5x128xi32, #tpu.memory_space<vmem>>, vector<16xi32>,
    %add3A_312 = arith.constant 0 : i32
    %add3A_313 = vector.broadcast %add3A_312 : i32 to vector<16xi32>
    %add3A_314 = arith.addi %iota3A, %add3A_313 : vector<16xi32>
    %get3A_315 = arith.constant 0 : i32
    %get3A_316 = arith.index_cast %get3A_315 : i32 to index
    %get3A_317 = arith.constant 0 : index
    %get3A_318 = tpu.vector_load %arg18[%get3A_316, %get3A_317] {strides = array<i32>} : memref<5x128xi32, #tpu.memory_space<vmem>>, vector<16xi32>,
    %gather3A_319 = tpu.vector_load_idx %arg27[%add3A_302, %add3A_314, %get3A_318] : memref<5x128x16xi32, #tpu.memory_space<vmem>>[vector<16xi32>, vector<16xi32>, vector<16xi32>], vector<16xi32>,
    %swap3A_320 = arith.constant 0 : i32
    %swap3A_321 = arith.index_cast %swap3A_320 : i32 to index
    %swap3A_322 = arith.constant 0 : index
    %swap3A_323 = tpu.vector_load %arg20[%swap3A_321, %swap3A_322] {strides = array<i32>} : memref<5x128xi32, #tpu.memory_space<vmem>>, vector<16xi32>,
    tpu.vector_store %arg20[%swap3A_321, %swap3A_322], %gather3A_319 {strides = array<i32>} : memref<5x128xi32, #tpu.memory_space<vmem>>, vector<16xi32>,
    %broadcast_in_dim3A_324 = arith.constant 0 : i32
    %broadcast_in_dim3A_325 = vector.broadcast %broadcast_in_dim3A_324 : i32 to vector<16xi32>
    %add3A_326 = arith.constant 0 : i32
    %add3A_327 = vector.broadcast %add3A_326 : i32 to vector<16xi32>
    %add3A_328 = arith.addi %broadcast_in_dim3A_325, %add3A_327 : vector<16xi32>
    %add3A_329 = arith.constant 16 : i32
    %add3A_330 = vector.broadcast %add3A_329 : i32 to vector<16xi32>
    %add3A_331 = arith.addi %iota3A, %add3A_330 : vector<16xi32>
    %get3A_332 = arith.constant 0 : i32
    %get3A_333 = arith.index_cast %get3A_332 : i32 to index
    %get3A_334 = arith.constant 16 : index
    %get3A_335 = tpu.vector_load %arg16[%get3A_333, %get3A_334] {strides = array<i32>} : memref<5x128xi32, #tpu.memory_space<vmem>>, vector<16xi32>,
    %gather3A_336 = tpu.vector_load_idx %arg26[%add3A_328, %add3A_331, %get3A_335] : memref<5x128x16xi32, #tpu.memory_space<vmem>>[vector<16xi32>, vector<16xi32>, vector<16xi32>], vector<16xi32>,
    %swap3A_337 = arith.constant 0 : i32
    %swap3A_338 = arith.index_cast %swap3A_337 : i32 to index
    %swap3A_339 = arith.constant 16 : index
    %swap3A_340 = tpu.vector_load %arg19[%swap3A_338, %swap3A_339] {strides = array<i32>} : memref<5x128xi32, #tpu.memory_space<vmem>>, vector<16xi32>,
    tpu.vector_store %arg19[%swap3A_338, %swap3A_339], %gather3A_336 {strides = array<i32>} : memref<5x128xi32, #tpu.memory_space<vmem>>, vector<16xi32>,
    %add3A_341 = arith.constant 16 : i32
    %add3A_342 = vector.broadcast %add3A_341 : i32 to vector<16xi32>
    %add3A_343 = arith.addi %iota3A, %add3A_342 : vector<16xi32>
    %get3A_344 = arith.constant 0 : i32
    %get3A_345 = arith.index_cast %get3A_344 : i32 to index
    %get3A_346 = arith.constant 16 : index
    %get3A_347 = tpu.vector_load %arg18[%get3A_345, %get3A_346] {strides = array<i32>} : memref<5x128xi32, #tpu.memory_space<vmem>>, vector<16xi32>,
    %gather3A_348 = tpu.vector_load_idx %arg27[%add3A_328, %add3A_343, %get3A_347] : memref<5x128x16xi32, #tpu.memory_space<vmem>>[vector<16xi32>, vector<16xi32>, vector<16xi32>], vector<16xi32>,
    %swap3A_349 = arith.constant 0 : i32
    %swap3A_350 = arith.index_cast %swap3A_349 : i32 to index
    %swap3A_351 = arith.constant 16 : index
    %swap3A_352 = tpu.vector_load %arg20[%swap3A_350, %swap3A_351] {strides = array<i32>} : memref<5x128xi32, #tpu.memory_space<vmem>>, vector<16xi32>,
    tpu.vector_store %arg20[%swap3A_350, %swap3A_351], %gather3A_348 {strides = array<i32>} : memref<5x128xi32, #tpu.memory_space<vmem>>, vector<16xi32>,
    %broadcast_in_dim3A_353 = arith.constant 0 : i32
    %broadcast_in_dim3A_354 = vector.broadcast %broadcast_in_dim3A_353 : i32 to vector<16xi32>
    %add3A_355 = arith.constant 0 : i32
    %add3A_356 = vector.broadcast %add3A_355 : i32 to vector<16xi32>
    %add3A_357 = arith.addi %broadcast_in_dim3A_354, %add3A_356 : vector<16xi32>
    %add3A_358 = arith.constant 32 : i32
    %add3A_359 = vector.broadcast %add3A_358 : i32 to vector<16xi32>
    %add3A_360 = arith.addi %iota3A, %add3A_359 : vector<16xi32>
    %get3A_361 = arith.constant 0 : i32
    %get3A_362 = arith.index_cast %get3A_361 : i32 to index
    %get3A_363 = arith.constant 32 : index
    %get3A_364 = tpu.vector_load %arg16[%get3A_362, %get3A_363] {strides = array<i32>} : memref<5x128xi32, #tpu.memory_space<vmem>>, vector<16xi32>,
    %gather3A_365 = tpu.vector_load_idx %arg26[%add3A_357, %add3A_360, %get3A_364] : memref<5x128x16xi32, #tpu.memory_space<vmem>>[vector<16xi32>, vector<16xi32>, vector<16xi32>], vector<16xi32>,
    %swap3A_366 = arith.constant 0 : i32
    %swap3A_367 = arith.index_cast %swap3A_366 : i32 to index
    %swap3A_368 = arith.constant 32 : index
    %swap3A_369 = tpu.vector_load %arg19[%swap3A_367, %swap3A_368] {strides = array<i32>} : memref<5x128xi32, #tpu.memory_space<vmem>>, vector<16xi32>,
    tpu.vector_store %arg19[%swap3A_367, %swap3A_368], %gather3A_365 {strides = array<i32>} : memref<5x128xi32, #tpu.memory_space<vmem>>, vector<16xi32>,
    %add3A_370 = arith.constant 32 : i32
    %add3A_371 = vector.broadcast %add3A_370 : i32 to vector<16xi32>
    %add3A_372 = arith.addi %iota3A, %add3A_371 : vector<16xi32>
    %get3A_373 = arith.constant 0 : i32
    %get3A_374 = arith.index_cast %get3A_373 : i32 to index
    %get3A_375 = arith.constant 32 : index
    %get3A_376 = tpu.vector_load %arg18[%get3A_374, %get3A_375] {strides = array<i32>} : memref<5x128xi32, #tpu.memory_space<vmem>>, vector<16xi32>,
    %gather3A_377 = tpu.vector_load_idx %arg27[%add3A_357, %add3A_372, %get3A_376] : memref<5x128x16xi32, #tpu.memory_space<vmem>>[vector<16xi32>, vector<16xi32>, vector<16xi32>], vector<16xi32>,
    %swap3A_378 = arith.constant 0 : i32
    %swap3A_379 = arith.index_cast %swap3A_378 : i32 to index
    %swap3A_380 = arith.constant 32 : index
    %swap3A_381 = tpu.vector_load %arg20[%swap3A_379, %swap3A_380] {strides = array<i32>} : memref<5x128xi32, #tpu.memory_space<vmem>>, vector<16xi32>,
    tpu.vector_store %arg20[%swap3A_379, %swap3A_380], %gather3A_377 {strides = array<i32>} : memref<5x128xi32, #tpu.memory_space<vmem>>, vector<16xi32>,
    %broadcast_in_dim3A_382 = arith.constant 0 : i32
    %broadcast_in_dim3A_383 = vector.broadcast %broadcast_in_dim3A_382 : i32 to vector<16xi32>
    %add3A_384 = arith.constant 0 : i32
    %add3A_385 = vector.broadcast %add3A_384 : i32 to vector<16xi32>
    %add3A_386 = arith.addi %broadcast_in_dim3A_383, %add3A_385 : vector<16xi32>
    %add3A_387 = arith.constant 48 : i32
    %add3A_388 = vector.broadcast %add3A_387 : i32 to vector<16xi32>
    %add3A_389 = arith.addi %iota3A, %add3A_388 : vector<16xi32>
    %get3A_390 = arith.constant 0 : i32
    %get3A_391 = arith.index_cast %get3A_390 : i32 to index
    %get3A_392 = arith.constant 48 : index
    %get3A_393 = tpu.vector_load %arg16[%get3A_391, %get3A_392] {strides = array<i32>} : memref<5x128xi32, #tpu.memory_space<vmem>>, vector<16xi32>,
    %gather3A_394 = tpu.vector_load_idx %arg26[%add3A_386, %add3A_389, %get3A_393] : memref<5x128x16xi32, #tpu.memory_space<vmem>>[vector<16xi32>, vector<16xi32>, vector<16xi32>], vector<16xi32>,
    %swap3A_395 = arith.constant 0 : i32
    %swap3A_396 = arith.index_cast %swap3A_395 : i32 to index
    %swap3A_397 = arith.constant 48 : index
    %swap3A_398 = tpu.vector_load %arg19[%swap3A_396, %swap3A_397] {strides = array<i32>} : memref<5x128xi32, #tpu.memory_space<vmem>>, vector<16xi32>,
    tpu.vector_store %arg19[%swap3A_396, %swap3A_397], %gather3A_394 {strides = array<i32>} : memref<5x128xi32, #tpu.memory_space<vmem>>, vector<16xi32>,
    %add3A_399 = arith.constant 48 : i32
    %add3A_400 = vector.broadcast %add3A_399 : i32 to vector<16xi32>
    %add3A_401 = arith.addi %iota3A, %add3A_400 : vector<16xi32>
    %get3A_402 = arith.constant 0 : i32
    %get3A_403 = arith.index_cast %get3A_402 : i32 to index
    %get3A_404 = arith.constant 48 : index
    %get3A_405 = tpu.vector_load %arg18[%get3A_403, %get3A_404] {strides = array<i32>} : memref<5x128xi32, #tpu.memory_space<vmem>>, vector<16xi32>,
    %gather3A_406 = tpu.vector_load_idx %arg27[%add3A_386, %add3A_401, %get3A_405] : memref<5x128x16xi32, #tpu.memory_space<vmem>>[vector<16xi32>, vector<16xi32>, vector<16xi32>], vector<16xi32>,
    %swap3A_407 = arith.constant 0 : i32
    %swap3A_408 = arith.index_cast %swap3A_407 : i32 to index
    %swap3A_409 = arith.constant 48 : index
    %swap3A_410 = tpu.vector_load %arg20[%swap3A_408, %swap3A_409] {strides = array<i32>} : memref<5x128xi32, #tpu.memory_space<vmem>>, vector<16xi32>,
    tpu.vector_store %arg20[%swap3A_408, %swap3A_409], %gather3A_406 {strides = array<i32>} : memref<5x128xi32, #tpu.memory_space<vmem>>, vector<16xi32>,
    %broadcast_in_dim3A_411 = arith.constant 0 : i32
    %broadcast_in_dim3A_412 = vector.broadcast %broadcast_in_dim3A_411 : i32 to vector<16xi32>
    %add3A_413 = arith.constant 0 : i32
    %add3A_414 = vector.broadcast %add3A_413 : i32 to vector<16xi32>
    %add3A_415 = arith.addi %broadcast_in_dim3A_412, %add3A_414 : vector<16xi32>
    %add3A_416 = arith.constant 64 : i32
    %add3A_417 = vector.broadcast %add3A_416 : i32 to vector<16xi32>
    %add3A_418 = arith.addi %iota3A, %add3A_417 : vector<16xi32>
    %get3A_419 = arith.constant 0 : i32
    %get3A_420 = arith.index_cast %get3A_419 : i32 to index
    %get3A_421 = arith.constant 64 : index
    %get3A_422 = tpu.vector_load %arg16[%get3A_420, %get3A_421] {strides = array<i32>} : memref<5x128xi32, #tpu.memory_space<vmem>>, vector<16xi32>,
    %gather3A_423 = tpu.vector_load_idx %arg26[%add3A_415, %add3A_418, %get3A_422] : memref<5x128x16xi32, #tpu.memory_space<vmem>>[vector<16xi32>, vector<16xi32>, vector<16xi32>], vector<16xi32>,
    %swap3A_424 = arith.constant 0 : i32
    %swap3A_425 = arith.index_cast %swap3A_424 : i32 to index
    %swap3A_426 = arith.constant 64 : index
    %swap3A_427 = tpu.vector_load %arg19[%swap3A_425, %swap3A_426] {strides = array<i32>} : memref<5x128xi32, #tpu.memory_space<vmem>>, vector<16xi32>,
    tpu.vector_store %arg19[%swap3A_425, %swap3A_426], %gather3A_423 {strides = array<i32>} : memref<5x128xi32, #tpu.memory_space<vmem>>, vector<16xi32>,
    %add3A_428 = arith.constant 64 : i32
    %add3A_429 = vector.broadcast %add3A_428 : i32 to vector<16xi32>
    %add3A_430 = arith.addi %iota3A, %add3A_429 : vector<16xi32>
    %get3A_431 = arith.constant 0 : i32
    %get3A_432 = arith.index_cast %get3A_431 : i32 to index
    %get3A_433 = arith.constant 64 : index
    %get3A_434 = tpu.vector_load %arg18[%get3A_432, %get3A_433] {strides = array<i32>} : memref<5x128xi32, #tpu.memory_space<vmem>>, vector<16xi32>,
    %gather3A_435 = tpu.vector_load_idx %arg27[%add3A_415, %add3A_430, %get3A_434] : memref<5x128x16xi32, #tpu.memory_space<vmem>>[vector<16xi32>, vector<16xi32>, vector<16xi32>], vector<16xi32>,
    %swap3A_436 = arith.constant 0 : i32
    %swap3A_437 = arith.index_cast %swap3A_436 : i32 to index
    %swap3A_438 = arith.constant 64 : index
    %swap3A_439 = tpu.vector_load %arg20[%swap3A_437, %swap3A_438] {strides = array<i32>} : memref<5x128xi32, #tpu.memory_space<vmem>>, vector<16xi32>,
    tpu.vector_store %arg20[%swap3A_437, %swap3A_438], %gather3A_435 {strides = array<i32>} : memref<5x128xi32, #tpu.memory_space<vmem>>, vector<16xi32>,
    %broadcast_in_dim3A_440 = arith.constant 0 : i32
    %broadcast_in_dim3A_441 = vector.broadcast %broadcast_in_dim3A_440 : i32 to vector<16xi32>
    %add3A_442 = arith.constant 0 : i32
    %add3A_443 = vector.broadcast %add3A_442 : i32 to vector<16xi32>
    %add3A_444 = arith.addi %broadcast_in_dim3A_441, %add3A_443 : vector<16xi32>
    %add3A_445 = arith.constant 80 : i32
    %add3A_446 = vector.broadcast %add3A_445 : i32 to vector<16xi32>
    %add3A_447 = arith.addi %iota3A, %add3A_446 : vector<16xi32>
    %get3A_448 = arith.constant 0 : i32
    %get3A_449 = arith.index_cast %get3A_448 : i32 to index
    %get3A_450 = arith.constant 80 : index
    %get3A_451 = tpu.vector_load %arg16[%get3A_449, %get3A_450] {strides = array<i32>} : memref<5x128xi32, #tpu.memory_space<vmem>>, vector<16xi32>,
    %gather3A_452 = tpu.vector_load_idx %arg26[%add3A_444, %add3A_447, %get3A_451] : memref<5x128x16xi32, #tpu.memory_space<vmem>>[vector<16xi32>, vector<16xi32>, vector<16xi32>], vector<16xi32>,
    %swap3A_453 = arith.constant 0 : i32
    %swap3A_454 = arith.index_cast %swap3A_453 : i32 to index
    %swap3A_455 = arith.constant 80 : index
    %swap3A_456 = tpu.vector_load %arg19[%swap3A_454, %swap3A_455] {strides = array<i32>} : memref<5x128xi32, #tpu.memory_space<vmem>>, vector<16xi32>,
    tpu.vector_store %arg19[%swap3A_454, %swap3A_455], %gather3A_452 {strides = array<i32>} : memref<5x128xi32, #tpu.memory_space<vmem>>, vector<16xi32>,
    %add3A_457 = arith.constant 80 : i32
    %add3A_458 = vector.broadcast %add3A_457 : i32 to vector<16xi32>
    %add3A_459 = arith.addi %iota3A, %add3A_458 : vector<16xi32>
    %get3A_460 = arith.constant 0 : i32
    %get3A_461 = arith.index_cast %get3A_460 : i32 to index
    %get3A_462 = arith.constant 80 : index
    %get3A_463 = tpu.vector_load %arg18[%get3A_461, %get3A_462] {strides = array<i32>} : memref<5x128xi32, #tpu.memory_space<vmem>>, vector<16xi32>,
    %gather3A_464 = tpu.vector_load_idx %arg27[%add3A_444, %add3A_459, %get3A_463] : memref<5x128x16xi32, #tpu.memory_space<vmem>>[vector<16xi32>, vector<16xi32>, vector<16xi32>], vector<16xi32>,
    %swap3A_465 = arith.constant 0 : i32
    %swap3A_466 = arith.index_cast %swap3A_465 : i32 to index
    %swap3A_467 = arith.constant 80 : index
    %swap3A_468 = tpu.vector_load %arg20[%swap3A_466, %swap3A_467] {strides = array<i32>} : memref<5x128xi32, #tpu.memory_space<vmem>>, vector<16xi32>,
    tpu.vector_store %arg20[%swap3A_466, %swap3A_467], %gather3A_464 {strides = array<i32>} : memref<5x128xi32, #tpu.memory_space<vmem>>, vector<16xi32>,
    %broadcast_in_dim3A_469 = arith.constant 0 : i32
    %broadcast_in_dim3A_470 = vector.broadcast %broadcast_in_dim3A_469 : i32 to vector<16xi32>
    %add3A_471 = arith.constant 0 : i32
    %add3A_472 = vector.broadcast %add3A_471 : i32 to vector<16xi32>
    %add3A_473 = arith.addi %broadcast_in_dim3A_470, %add3A_472 : vector<16xi32>
    %add3A_474 = arith.constant 96 : i32
    %add3A_475 = vector.broadcast %add3A_474 : i32 to vector<16xi32>
    %add3A_476 = arith.addi %iota3A, %add3A_475 : vector<16xi32>
    %get3A_477 = arith.constant 0 : i32
    %get3A_478 = arith.index_cast %get3A_477 : i32 to index
    %get3A_479 = arith.constant 96 : index
    %get3A_480 = tpu.vector_load %arg16[%get3A_478, %get3A_479] {strides = array<i32>} : memref<5x128xi32, #tpu.memory_space<vmem>>, vector<16xi32>,
    %gather3A_481 = tpu.vector_load_idx %arg26[%add3A_473, %add3A_476, %get3A_480] : memref<5x128x16xi32, #tpu.memory_space<vmem>>[vector<16xi32>, vector<16xi32>, vector<16xi32>], vector<16xi32>,
    %swap3A_482 = arith.constant 0 : i32
    %swap3A_483 = arith.index_cast %swap3A_482 : i32 to index
    %swap3A_484 = arith.constant 96 : index
    %swap3A_485 = tpu.vector_load %arg19[%swap3A_483, %swap3A_484] {strides = array<i32>} : memref<5x128xi32, #tpu.memory_space<vmem>>, vector<16xi32>,
    tpu.vector_store %arg19[%swap3A_483, %swap3A_484], %gather3A_481 {strides = array<i32>} : memref<5x128xi32, #tpu.memory_space<vmem>>, vector<16xi32>,
    %add3A_486 = arith.constant 96 : i32
    %add3A_487 = vector.broadcast %add3A_486 : i32 to vector<16xi32>
    %add3A_488 = arith.addi %iota3A, %add3A_487 : vector<16xi32>
    %get3A_489 = arith.constant 0 : i32
    %get3A_490 = arith.index_cast %get3A_489 : i32 to index
    %get3A_491 = arith.constant 96 : index
    %get3A_492 = tpu.vector_load %arg18[%get3A_490, %get3A_491] {strides = array<i32>} : memref<5x128xi32, #tpu.memory_space<vmem>>, vector<16xi32>,
    %gather3A_493 = tpu.vector_load_idx %arg27[%add3A_473, %add3A_488, %get3A_492] : memref<5x128x16xi32, #tpu.memory_space<vmem>>[vector<16xi32>, vector<16xi32>, vector<16xi32>], vector<16xi32>,
    %swap3A_494 = arith.constant 0 : i32
    %swap3A_495 = arith.index_cast %swap3A_494 : i32 to index
    %swap3A_496 = arith.constant 96 : index
    %swap3A_497 = tpu.vector_load %arg20[%swap3A_495, %swap3A_496] {strides = array<i32>} : memref<5x128xi32, #tpu.memory_space<vmem>>, vector<16xi32>,
    tpu.vector_store %arg20[%swap3A_495, %swap3A_496], %gather3A_493 {strides = array<i32>} : memref<5x128xi32, #tpu.memory_space<vmem>>, vector<16xi32>,
    %broadcast_in_dim3A_498 = arith.constant 0 : i32
    %broadcast_in_dim3A_499 = vector.broadcast %broadcast_in_dim3A_498 : i32 to vector<16xi32>
    %add3A_500 = arith.constant 0 : i32
    %add3A_501 = vector.broadcast %add3A_500 : i32 to vector<16xi32>
    %add3A_502 = arith.addi %broadcast_in_dim3A_499, %add3A_501 : vector<16xi32>
    %add3A_503 = arith.constant 112 : i32
    %add3A_504 = vector.broadcast %add3A_503 : i32 to vector<16xi32>
    %add3A_505 = arith.addi %iota3A, %add3A_504 : vector<16xi32>
    %get3A_506 = arith.constant 0 : i32
    %get3A_507 = arith.index_cast %get3A_506 : i32 to index
    %get3A_508 = arith.constant 112 : index
    %get3A_509 = tpu.vector_load %arg16[%get3A_507, %get3A_508] {strides = array<i32>} : memref<5x128xi32, #tpu.memory_space<vmem>>, vector<16xi32>,
    %gather3A_510 = tpu.vector_load_idx %arg26[%add3A_502, %add3A_505, %get3A_509] : memref<5x128x16xi32, #tpu.memory_space<vmem>>[vector<16xi32>, vector<16xi32>, vector<16xi32>], vector<16xi32>,
    %swap3A_511 = arith.constant 0 : i32
    %swap3A_512 = arith.index_cast %swap3A_511 : i32 to index
    %swap3A_513 = arith.constant 112 : index
    %swap3A_514 = tpu.vector_load %arg19[%swap3A_512, %swap3A_513] {strides = array<i32>} : memref<5x128xi32, #tpu.memory_space<vmem>>, vector<16xi32>,
    tpu.vector_store %arg19[%swap3A_512, %swap3A_513], %gather3A_510 {strides = array<i32>} : memref<5x128xi32, #tpu.memory_space<vmem>>, vector<16xi32>,
    %add3A_515 = arith.constant 112 : i32
    %add3A_516 = vector.broadcast %add3A_515 : i32 to vector<16xi32>
    %add3A_517 = arith.addi %iota3A, %add3A_516 : vector<16xi32>
    %get3A_518 = arith.constant 0 : i32
    %get3A_519 = arith.index_cast %get3A_518 : i32 to index
    %get3A_520 = arith.constant 112 : index
    %get3A_521 = tpu.vector_load %arg18[%get3A_519, %get3A_520] {strides = array<i32>} : memref<5x128xi32, #tpu.memory_space<vmem>>, vector<16xi32>,
    %gather3A_522 = tpu.vector_load_idx %arg27[%add3A_502, %add3A_517, %get3A_521] : memref<5x128x16xi32, #tpu.memory_space<vmem>>[vector<16xi32>, vector<16xi32>, vector<16xi32>], vector<16xi32>,
    %swap3A_523 = arith.constant 0 : i32
    %swap3A_524 = arith.index_cast %swap3A_523 : i32 to index
    %swap3A_525 = arith.constant 112 : index
    %swap3A_526 = tpu.vector_load %arg20[%swap3A_524, %swap3A_525] {strides = array<i32>} : memref<5x128xi32, #tpu.memory_space<vmem>>, vector<16xi32>,
    tpu.vector_store %arg20[%swap3A_524, %swap3A_525], %gather3A_522 {strides = array<i32>} : memref<5x128xi32, #tpu.memory_space<vmem>>, vector<16xi32>,
    %broadcast_in_dim3A_527 = arith.constant 0 : i32
    %broadcast_in_dim3A_528 = vector.broadcast %broadcast_in_dim3A_527 : i32 to vector<16xi32>
    %add3A_529 = arith.constant 1 : i32
    %add3A_530 = vector.broadcast %add3A_529 : i32 to vector<16xi32>
    %add3A_531 = arith.addi %broadcast_in_dim3A_528, %add3A_530 : vector<16xi32>
    %add3A_532 = arith.constant 0 : i32
    %add3A_533 = vector.broadcast %add3A_532 : i32 to vector<16xi32>
    %add3A_534 = arith.addi %iota3A, %add3A_533 : vector<16xi32>
    %get3A_535 = arith.constant 1 : i32
    %get3A_536 = arith.index_cast %get3A_535 : i32 to index
    %get3A_537 = arith.constant 0 : index
    %get3A_538 = tpu.vector_load %arg16[%get3A_536, %get3A_537] {strides = array<i32>} : memref<5x128xi32, #tpu.memory_space<vmem>>, vector<16xi32>,
    %gather3A_539 = tpu.vector_load_idx %arg26[%add3A_531, %add3A_534, %get3A_538] : memref<5x128x16xi32, #tpu.memory_space<vmem>>[vector<16xi32>, vector<16xi32>, vector<16xi32>], vector<16xi32>,
    %swap3A_540 = arith.constant 1 : i32
    %swap3A_541 = arith.index_cast %swap3A_540 : i32 to index
    %swap3A_542 = arith.constant 0 : index
    %swap3A_543 = tpu.vector_load %arg19[%swap3A_541, %swap3A_542] {strides = array<i32>} : memref<5x128xi32, #tpu.memory_space<vmem>>, vector<16xi32>,
    tpu.vector_store %arg19[%swap3A_541, %swap3A_542], %gather3A_539 {strides = array<i32>} : memref<5x128xi32, #tpu.memory_space<vmem>>, vector<16xi32>,
    %add3A_544 = arith.constant 0 : i32
    %add3A_545 = vector.broadcast %add3A_544 : i32 to vector<16xi32>
    %add3A_546 = arith.addi %iota3A, %add3A_545 : vector<16xi32>
    %get3A_547 = arith.constant 1 : i32
    %get3A_548 = arith.index_cast %get3A_547 : i32 to index
    %get3A_549 = arith.constant 0 : index
    %get3A_550 = tpu.vector_load %arg18[%get3A_548, %get3A_549] {strides = array<i32>} : memref<5x128xi32, #tpu.memory_space<vmem>>, vector<16xi32>,
    %gather3A_551 = tpu.vector_load_idx %arg27[%add3A_531, %add3A_546, %get3A_550] : memref<5x128x16xi32, #tpu.memory_space<vmem>>[vector<16xi32>, vector<16xi32>, vector<16xi32>], vector<16xi32>,
    %swap3A_552 = arith.constant 1 : i32
    %swap3A_553 = arith.index_cast %swap3A_552 : i32 to index
    %swap3A_554 = arith.constant 0 : index
    %swap3A_555 = tpu.vector_load %arg20[%swap3A_553, %swap3A_554] {strides = array<i32>} : memref<5x128xi32, #tpu.memory_space<vmem>>, vector<16xi32>,
    tpu.vector_store %arg20[%swap3A_553, %swap3A_554], %gather3A_551 {strides = array<i32>} : memref<5x128xi32, #tpu.memory_space<vmem>>, vector<16xi32>,
    %broadcast_in_dim3A_556 = arith.constant 0 : i32
    %broadcast_in_dim3A_557 = vector.broadcast %broadcast_in_dim3A_556 : i32 to vector<16xi32>
    %add3A_558 = arith.constant 1 : i32
    %add3A_559 = vector.broadcast %add3A_558 : i32 to vector<16xi32>
    %add3A_560 = arith.addi %broadcast_in_dim3A_557, %add3A_559 : vector<16xi32>
    %add3A_561 = arith.constant 16 : i32
    %add3A_562 = vector.broadcast %add3A_561 : i32 to vector<16xi32>
    %add3A_563 = arith.addi %iota3A, %add3A_562 : vector<16xi32>
    %get3A_564 = arith.constant 1 : i32
    %get3A_565 = arith.index_cast %get3A_564 : i32 to index
    %get3A_566 = arith.constant 16 : index
    %get3A_567 = tpu.vector_load %arg16[%get3A_565, %get3A_566] {strides = array<i32>} : memref<5x128xi32, #tpu.memory_space<vmem>>, vector<16xi32>,
    %gather3A_568 = tpu.vector_load_idx %arg26[%add3A_560, %add3A_563, %get3A_567] : memref<5x128x16xi32, #tpu.memory_space<vmem>>[vector<16xi32>, vector<16xi32>, vector<16xi32>], vector<16xi32>,
    %swap3A_569 = arith.constant 1 : i32
    %swap3A_570 = arith.index_cast %swap3A_569 : i32 to index
    %swap3A_571 = arith.constant 16 : index
    %swap3A_572 = tpu.vector_load %arg19[%swap3A_570, %swap3A_571] {strides = array<i32>} : memref<5x128xi32, #tpu.memory_space<vmem>>, vector<16xi32>,
    tpu.vector_store %arg19[%swap3A_570, %swap3A_571], %gather3A_568 {strides = array<i32>} : memref<5x128xi32, #tpu.memory_space<vmem>>, vector<16xi32>,
    %add3A_573 = arith.constant 16 : i32
    %add3A_574 = vector.broadcast %add3A_573 : i32 to vector<16xi32>
    %add3A_575 = arith.addi %iota3A, %add3A_574 : vector<16xi32>
    %get3A_576 = arith.constant 1 : i32
    %get3A_577 = arith.index_cast %get3A_576 : i32 to index
    %get3A_578 = arith.constant 16 : index
    %get3A_579 = tpu.vector_load %arg18[%get3A_577, %get3A_578] {strides = array<i32>} : memref<5x128xi32, #tpu.memory_space<vmem>>, vector<16xi32>,
    %gather3A_580 = tpu.vector_load_idx %arg27[%add3A_560, %add3A_575, %get3A_579] : memref<5x128x16xi32, #tpu.memory_space<vmem>>[vector<16xi32>, vector<16xi32>, vector<16xi32>], vector<16xi32>,
    %swap3A_581 = arith.constant 1 : i32
    %swap3A_582 = arith.index_cast %swap3A_581 : i32 to index
    %swap3A_583 = arith.constant 16 : index
    %swap3A_584 = tpu.vector_load %arg20[%swap3A_582, %swap3A_583] {strides = array<i32>} : memref<5x128xi32, #tpu.memory_space<vmem>>, vector<16xi32>,
    tpu.vector_store %arg20[%swap3A_582, %swap3A_583], %gather3A_580 {strides = array<i32>} : memref<5x128xi32, #tpu.memory_space<vmem>>, vector<16xi32>,
    %broadcast_in_dim3A_585 = arith.constant 0 : i32
    %broadcast_in_dim3A_586 = vector.broadcast %broadcast_in_dim3A_585 : i32 to vector<16xi32>
    %add3A_587 = arith.constant 1 : i32
    %add3A_588 = vector.broadcast %add3A_587 : i32 to vector<16xi32>
    %add3A_589 = arith.addi %broadcast_in_dim3A_586, %add3A_588 : vector<16xi32>
    %add3A_590 = arith.constant 32 : i32
    %add3A_591 = vector.broadcast %add3A_590 : i32 to vector<16xi32>
    %add3A_592 = arith.addi %iota3A, %add3A_591 : vector<16xi32>
    %get3A_593 = arith.constant 1 : i32
    %get3A_594 = arith.index_cast %get3A_593 : i32 to index
    %get3A_595 = arith.constant 32 : index
    %get3A_596 = tpu.vector_load %arg16[%get3A_594, %get3A_595] {strides = array<i32>} : memref<5x128xi32, #tpu.memory_space<vmem>>, vector<16xi32>,
    %gather3A_597 = tpu.vector_load_idx %arg26[%add3A_589, %add3A_592, %get3A_596] : memref<5x128x16xi32, #tpu.memory_space<vmem>>[vector<16xi32>, vector<16xi32>, vector<16xi32>], vector<16xi32>,
    %swap3A_598 = arith.constant 1 : i32
    %swap3A_599 = arith.index_cast %swap3A_598 : i32 to index
    %swap3A_600 = arith.constant 32 : index
    %swap3A_601 = tpu.vector_load %arg19[%swap3A_599, %swap3A_600] {strides = array<i32>} : memref<5x128xi32, #tpu.memory_space<vmem>>, vector<16xi32>,
    tpu.vector_store %arg19[%swap3A_599, %swap3A_600], %gather3A_597 {strides = array<i32>} : memref<5x128xi32, #tpu.memory_space<vmem>>, vector<16xi32>,
    %add3A_602 = arith.constant 32 : i32
    %add3A_603 = vector.broadcast %add3A_602 : i32 to vector<16xi32>
    %add3A_604 = arith.addi %iota3A, %add3A_603 : vector<16xi32>
    %get3A_605 = arith.constant 1 : i32
    %get3A_606 = arith.index_cast %get3A_605 : i32 to index
    %get3A_607 = arith.constant 32 : index
    %get3A_608 = tpu.vector_load %arg18[%get3A_606, %get3A_607] {strides = array<i32>} : memref<5x128xi32, #tpu.memory_space<vmem>>, vector<16xi32>,
    %gather3A_609 = tpu.vector_load_idx %arg27[%add3A_589, %add3A_604, %get3A_608] : memref<5x128x16xi32, #tpu.memory_space<vmem>>[vector<16xi32>, vector<16xi32>, vector<16xi32>], vector<16xi32>,
    %swap3A_610 = arith.constant 1 : i32
    %swap3A_611 = arith.index_cast %swap3A_610 : i32 to index
    %swap3A_612 = arith.constant 32 : index
    %swap3A_613 = tpu.vector_load %arg20[%swap3A_611, %swap3A_612] {strides = array<i32>} : memref<5x128xi32, #tpu.memory_space<vmem>>, vector<16xi32>,
    tpu.vector_store %arg20[%swap3A_611, %swap3A_612], %gather3A_609 {strides = array<i32>} : memref<5x128xi32, #tpu.memory_space<vmem>>, vector<16xi32>,
    %broadcast_in_dim3A_614 = arith.constant 0 : i32
    %broadcast_in_dim3A_615 = vector.broadcast %broadcast_in_dim3A_614 : i32 to vector<16xi32>
    %add3A_616 = arith.constant 1 : i32
    %add3A_617 = vector.broadcast %add3A_616 : i32 to vector<16xi32>
    %add3A_618 = arith.addi %broadcast_in_dim3A_615, %add3A_617 : vector<16xi32>
    %add3A_619 = arith.constant 48 : i32
    %add3A_620 = vector.broadcast %add3A_619 : i32 to vector<16xi32>
    %add3A_621 = arith.addi %iota3A, %add3A_620 : vector<16xi32>
    %get3A_622 = arith.constant 1 : i32
    %get3A_623 = arith.index_cast %get3A_622 : i32 to index
    %get3A_624 = arith.constant 48 : index
    %get3A_625 = tpu.vector_load %arg16[%get3A_623, %get3A_624] {strides = array<i32>} : memref<5x128xi32, #tpu.memory_space<vmem>>, vector<16xi32>,
    %gather3A_626 = tpu.vector_load_idx %arg26[%add3A_618, %add3A_621, %get3A_625] : memref<5x128x16xi32, #tpu.memory_space<vmem>>[vector<16xi32>, vector<16xi32>, vector<16xi32>], vector<16xi32>,
    %swap3A_627 = arith.constant 1 : i32
    %swap3A_628 = arith.index_cast %swap3A_627 : i32 to index
    %swap3A_629 = arith.constant 48 : index
    %swap3A_630 = tpu.vector_load %arg19[%swap3A_628, %swap3A_629] {strides = array<i32>} : memref<5x128xi32, #tpu.memory_space<vmem>>, vector<16xi32>,
    tpu.vector_store %arg19[%swap3A_628, %swap3A_629], %gather3A_626 {strides = array<i32>} : memref<5x128xi32, #tpu.memory_space<vmem>>, vector<16xi32>,
    %add3A_631 = arith.constant 48 : i32
    %add3A_632 = vector.broadcast %add3A_631 : i32 to vector<16xi32>
    %add3A_633 = arith.addi %iota3A, %add3A_632 : vector<16xi32>
    %get3A_634 = arith.constant 1 : i32
    %get3A_635 = arith.index_cast %get3A_634 : i32 to index
    %get3A_636 = arith.constant 48 : index
    %get3A_637 = tpu.vector_load %arg18[%get3A_635, %get3A_636] {strides = array<i32>} : memref<5x128xi32, #tpu.memory_space<vmem>>, vector<16xi32>,
    %gather3A_638 = tpu.vector_load_idx %arg27[%add3A_618, %add3A_633, %get3A_637] : memref<5x128x16xi32, #tpu.memory_space<vmem>>[vector<16xi32>, vector<16xi32>, vector<16xi32>], vector<16xi32>,
    %swap3A_639 = arith.constant 1 : i32
    %swap3A_640 = arith.index_cast %swap3A_639 : i32 to index
    %swap3A_641 = arith.constant 48 : index
    %swap3A_642 = tpu.vector_load %arg20[%swap3A_640, %swap3A_641] {strides = array<i32>} : memref<5x128xi32, #tpu.memory_space<vmem>>, vector<16xi32>,
    tpu.vector_store %arg20[%swap3A_640, %swap3A_641], %gather3A_638 {strides = array<i32>} : memref<5x128xi32, #tpu.memory_space<vmem>>, vector<16xi32>,
    %broadcast_in_dim3A_643 = arith.constant 0 : i32
    %broadcast_in_dim3A_644 = vector.broadcast %broadcast_in_dim3A_643 : i32 to vector<16xi32>
    %add3A_645 = arith.constant 1 : i32
    %add3A_646 = vector.broadcast %add3A_645 : i32 to vector<16xi32>
    %add3A_647 = arith.addi %broadcast_in_dim3A_644, %add3A_646 : vector<16xi32>
    %add3A_648 = arith.constant 64 : i32
    %add3A_649 = vector.broadcast %add3A_648 : i32 to vector<16xi32>
    %add3A_650 = arith.addi %iota3A, %add3A_649 : vector<16xi32>
    %get3A_651 = arith.constant 1 : i32
    %get3A_652 = arith.index_cast %get3A_651 : i32 to index
    %get3A_653 = arith.constant 64 : index
    %get3A_654 = tpu.vector_load %arg16[%get3A_652, %get3A_653] {strides = array<i32>} : memref<5x128xi32, #tpu.memory_space<vmem>>, vector<16xi32>,
    %gather3A_655 = tpu.vector_load_idx %arg26[%add3A_647, %add3A_650, %get3A_654] : memref<5x128x16xi32, #tpu.memory_space<vmem>>[vector<16xi32>, vector<16xi32>, vector<16xi32>], vector<16xi32>,
    %swap3A_656 = arith.constant 1 : i32
    %swap3A_657 = arith.index_cast %swap3A_656 : i32 to index
    %swap3A_658 = arith.constant 64 : index
    %swap3A_659 = tpu.vector_load %arg19[%swap3A_657, %swap3A_658] {strides = array<i32>} : memref<5x128xi32, #tpu.memory_space<vmem>>, vector<16xi32>,
    tpu.vector_store %arg19[%swap3A_657, %swap3A_658], %gather3A_655 {strides = array<i32>} : memref<5x128xi32, #tpu.memory_space<vmem>>, vector<16xi32>,
    %add3A_660 = arith.constant 64 : i32
    %add3A_661 = vector.broadcast %add3A_660 : i32 to vector<16xi32>
    %add3A_662 = arith.addi %iota3A, %add3A_661 : vector<16xi32>
    %get3A_663 = arith.constant 1 : i32
    %get3A_664 = arith.index_cast %get3A_663 : i32 to index
    %get3A_665 = arith.constant 64 : index
    %get3A_666 = tpu.vector_load %arg18[%get3A_664, %get3A_665] {strides = array<i32>} : memref<5x128xi32, #tpu.memory_space<vmem>>, vector<16xi32>,
    %gather3A_667 = tpu.vector_load_idx %arg27[%add3A_647, %add3A_662, %get3A_666] : memref<5x128x16xi32, #tpu.memory_space<vmem>>[vector<16xi32>, vector<16xi32>, vector<16xi32>], vector<16xi32>,
    %swap3A_668 = arith.constant 1 : i32
    %swap3A_669 = arith.index_cast %swap3A_668 : i32 to index
    %swap3A_670 = arith.constant 64 : index
    %swap3A_671 = tpu.vector_load %arg20[%swap3A_669, %swap3A_670] {strides = array<i32>} : memref<5x128xi32, #tpu.memory_space<vmem>>, vector<16xi32>,
    tpu.vector_store %arg20[%swap3A_669, %swap3A_670], %gather3A_667 {strides = array<i32>} : memref<5x128xi32, #tpu.memory_space<vmem>>, vector<16xi32>,
    %broadcast_in_dim3A_672 = arith.constant 0 : i32
    %broadcast_in_dim3A_673 = vector.broadcast %broadcast_in_dim3A_672 : i32 to vector<16xi32>
    %add3A_674 = arith.constant 1 : i32
    %add3A_675 = vector.broadcast %add3A_674 : i32 to vector<16xi32>
    %add3A_676 = arith.addi %broadcast_in_dim3A_673, %add3A_675 : vector<16xi32>
    %add3A_677 = arith.constant 80 : i32
    %add3A_678 = vector.broadcast %add3A_677 : i32 to vector<16xi32>
    %add3A_679 = arith.addi %iota3A, %add3A_678 : vector<16xi32>
    %get3A_680 = arith.constant 1 : i32
    %get3A_681 = arith.index_cast %get3A_680 : i32 to index
    %get3A_682 = arith.constant 80 : index
    %get3A_683 = tpu.vector_load %arg16[%get3A_681, %get3A_682] {strides = array<i32>} : memref<5x128xi32, #tpu.memory_space<vmem>>, vector<16xi32>,
    %gather3A_684 = tpu.vector_load_idx %arg26[%add3A_676, %add3A_679, %get3A_683] : memref<5x128x16xi32, #tpu.memory_space<vmem>>[vector<16xi32>, vector<16xi32>, vector<16xi32>], vector<16xi32>,
    %swap3A_685 = arith.constant 1 : i32
    %swap3A_686 = arith.index_cast %swap3A_685 : i32 to index
    %swap3A_687 = arith.constant 80 : index
    %swap3A_688 = tpu.vector_load %arg19[%swap3A_686, %swap3A_687] {strides = array<i32>} : memref<5x128xi32, #tpu.memory_space<vmem>>, vector<16xi32>,
    tpu.vector_store %arg19[%swap3A_686, %swap3A_687], %gather3A_684 {strides = array<i32>} : memref<5x128xi32, #tpu.memory_space<vmem>>, vector<16xi32>,
    %add3A_689 = arith.constant 80 : i32
    %add3A_690 = vector.broadcast %add3A_689 : i32 to vector<16xi32>
    %add3A_691 = arith.addi %iota3A, %add3A_690 : vector<16xi32>
    %get3A_692 = arith.constant 1 : i32
    %get3A_693 = arith.index_cast %get3A_692 : i32 to index
    %get3A_694 = arith.constant 80 : index
    %get3A_695 = tpu.vector_load %arg18[%get3A_693, %get3A_694] {strides = array<i32>} : memref<5x128xi32, #tpu.memory_space<vmem>>, vector<16xi32>,
    %gather3A_696 = tpu.vector_load_idx %arg27[%add3A_676, %add3A_691, %get3A_695] : memref<5x128x16xi32, #tpu.memory_space<vmem>>[vector<16xi32>, vector<16xi32>, vector<16xi32>], vector<16xi32>,
    %swap3A_697 = arith.constant 1 : i32
    %swap3A_698 = arith.index_cast %swap3A_697 : i32 to index
    %swap3A_699 = arith.constant 80 : index
    %swap3A_700 = tpu.vector_load %arg20[%swap3A_698, %swap3A_699] {strides = array<i32>} : memref<5x128xi32, #tpu.memory_space<vmem>>, vector<16xi32>,
    tpu.vector_store %arg20[%swap3A_698, %swap3A_699], %gather3A_696 {strides = array<i32>} : memref<5x128xi32, #tpu.memory_space<vmem>>, vector<16xi32>,
    %broadcast_in_dim3A_701 = arith.constant 0 : i32
    %broadcast_in_dim3A_702 = vector.broadcast %broadcast_in_dim3A_701 : i32 to vector<16xi32>
    %add3A_703 = arith.constant 1 : i32
    %add3A_704 = vector.broadcast %add3A_703 : i32 to vector<16xi32>
    %add3A_705 = arith.addi %broadcast_in_dim3A_702, %add3A_704 : vector<16xi32>
    %add3A_706 = arith.constant 96 : i32
    %add3A_707 = vector.broadcast %add3A_706 : i32 to vector<16xi32>
    %add3A_708 = arith.addi %iota3A, %add3A_707 : vector<16xi32>
    %get3A_709 = arith.constant 1 : i32
    %get3A_710 = arith.index_cast %get3A_709 : i32 to index
    %get3A_711 = arith.constant 96 : index
    %get3A_712 = tpu.vector_load %arg16[%get3A_710, %get3A_711] {strides = array<i32>} : memref<5x128xi32, #tpu.memory_space<vmem>>, vector<16xi32>,
    %gather3A_713 = tpu.vector_load_idx %arg26[%add3A_705, %add3A_708, %get3A_712] : memref<5x128x16xi32, #tpu.memory_space<vmem>>[vector<16xi32>, vector<16xi32>, vector<16xi32>], vector<16xi32>,
    %swap3A_714 = arith.constant 1 : i32
    %swap3A_715 = arith.index_cast %swap3A_714 : i32 to index
    %swap3A_716 = arith.constant 96 : index
    %swap3A_717 = tpu.vector_load %arg19[%swap3A_715, %swap3A_716] {strides = array<i32>} : memref<5x128xi32, #tpu.memory_space<vmem>>, vector<16xi32>,
    tpu.vector_store %arg19[%swap3A_715, %swap3A_716], %gather3A_713 {strides = array<i32>} : memref<5x128xi32, #tpu.memory_space<vmem>>, vector<16xi32>,
    %add3A_718 = arith.constant 96 : i32
    %add3A_719 = vector.broadcast %add3A_718 : i32 to vector<16xi32>
    %add3A_720 = arith.addi %iota3A, %add3A_719 : vector<16xi32>
    %get3A_721 = arith.constant 1 : i32
    %get3A_722 = arith.index_cast %get3A_721 : i32 to index
    %get3A_723 = arith.constant 96 : index
    %get3A_724 = tpu.vector_load %arg18[%get3A_722, %get3A_723] {strides = array<i32>} : memref<5x128xi32, #tpu.memory_space<vmem>>, vector<16xi32>,
    %gather3A_725 = tpu.vector_load_idx %arg27[%add3A_705, %add3A_720, %get3A_724] : memref<5x128x16xi32, #tpu.memory_space<vmem>>[vector<16xi32>, vector<16xi32>, vector<16xi32>], vector<16xi32>,
    %swap3A_726 = arith.constant 1 : i32
    %swap3A_727 = arith.index_cast %swap3A_726 : i32 to index
    %swap3A_728 = arith.constant 96 : index
    %swap3A_729 = tpu.vector_load %arg20[%swap3A_727, %swap3A_728] {strides = array<i32>} : memref<5x128xi32, #tpu.memory_space<vmem>>, vector<16xi32>,
    tpu.vector_store %arg20[%swap3A_727, %swap3A_728], %gather3A_725 {strides = array<i32>} : memref<5x128xi32, #tpu.memory_space<vmem>>, vector<16xi32>,
    %broadcast_in_dim3A_730 = arith.constant 0 : i32
    %broadcast_in_dim3A_731 = vector.broadcast %broadcast_in_dim3A_730 : i32 to vector<16xi32>
    %add3A_732 = arith.constant 1 : i32
    %add3A_733 = vector.broadcast %add3A_732 : i32 to vector<16xi32>
    %add3A_734 = arith.addi %broadcast_in_dim3A_731, %add3A_733 : vector<16xi32>
    %add3A_735 = arith.constant 112 : i32
    %add3A_736 = vector.broadcast %add3A_735 : i32 to vector<16xi32>
    %add3A_737 = arith.addi %iota3A, %add3A_736 : vector<16xi32>
    %get3A_738 = arith.constant 1 : i32
    %get3A_739 = arith.index_cast %get3A_738 : i32 to index
    %get3A_740 = arith.constant 112 : index
    %get3A_741 = tpu.vector_load %arg16[%get3A_739, %get3A_740] {strides = array<i32>} : memref<5x128xi32, #tpu.memory_space<vmem>>, vector<16xi32>,
    %gather3A_742 = tpu.vector_load_idx %arg26[%add3A_734, %add3A_737, %get3A_741] : memref<5x128x16xi32, #tpu.memory_space<vmem>>[vector<16xi32>, vector<16xi32>, vector<16xi32>], vector<16xi32>,
    %swap3A_743 = arith.constant 1 : i32
    %swap3A_744 = arith.index_cast %swap3A_743 : i32 to index
    %swap3A_745 = arith.constant 112 : index
    %swap3A_746 = tpu.vector_load %arg19[%swap3A_744, %swap3A_745] {strides = array<i32>} : memref<5x128xi32, #tpu.memory_space<vmem>>, vector<16xi32>,
    tpu.vector_store %arg19[%swap3A_744, %swap3A_745], %gather3A_742 {strides = array<i32>} : memref<5x128xi32, #tpu.memory_space<vmem>>, vector<16xi32>,
    %add3A_747 = arith.constant 112 : i32
    %add3A_748 = vector.broadcast %add3A_747 : i32 to vector<16xi32>
    %add3A_749 = arith.addi %iota3A, %add3A_748 : vector<16xi32>
    %get3A_750 = arith.constant 1 : i32
    %get3A_751 = arith.index_cast %get3A_750 : i32 to index
    %get3A_752 = arith.constant 112 : index
    %get3A_753 = tpu.vector_load %arg18[%get3A_751, %get3A_752] {strides = array<i32>} : memref<5x128xi32, #tpu.memory_space<vmem>>, vector<16xi32>,
    %gather3A_754 = tpu.vector_load_idx %arg27[%add3A_734, %add3A_749, %get3A_753] : memref<5x128x16xi32, #tpu.memory_space<vmem>>[vector<16xi32>, vector<16xi32>, vector<16xi32>], vector<16xi32>,
    %swap3A_755 = arith.constant 1 : i32
    %swap3A_756 = arith.index_cast %swap3A_755 : i32 to index
    %swap3A_757 = arith.constant 112 : index
    %swap3A_758 = tpu.vector_load %arg20[%swap3A_756, %swap3A_757] {strides = array<i32>} : memref<5x128xi32, #tpu.memory_space<vmem>>, vector<16xi32>,
    tpu.vector_store %arg20[%swap3A_756, %swap3A_757], %gather3A_754 {strides = array<i32>} : memref<5x128xi32, #tpu.memory_space<vmem>>, vector<16xi32>,
    %broadcast_in_dim3A_759 = arith.constant 0 : i32
    %broadcast_in_dim3A_760 = vector.broadcast %broadcast_in_dim3A_759 : i32 to vector<16xi32>
    %add3A_761 = arith.constant 2 : i32
    %add3A_762 = vector.broadcast %add3A_761 : i32 to vector<16xi32>
    %add3A_763 = arith.addi %broadcast_in_dim3A_760, %add3A_762 : vector<16xi32>
    %add3A_764 = arith.constant 0 : i32
    %add3A_765 = vector.broadcast %add3A_764 : i32 to vector<16xi32>
    %add3A_766 = arith.addi %iota3A, %add3A_765 : vector<16xi32>
    %get3A_767 = arith.constant 2 : i32
    %get3A_768 = arith.index_cast %get3A_767 : i32 to index
    %get3A_769 = arith.constant 0 : index
    %get3A_770 = tpu.vector_load %arg16[%get3A_768, %get3A_769] {strides = array<i32>} : memref<5x128xi32, #tpu.memory_space<vmem>>, vector<16xi32>,
    %gather3A_771 = tpu.vector_load_idx %arg26[%add3A_763, %add3A_766, %get3A_770] : memref<5x128x16xi32, #tpu.memory_space<vmem>>[vector<16xi32>, vector<16xi32>, vector<16xi32>], vector<16xi32>,
    %swap3A_772 = arith.constant 2 : i32
    %swap3A_773 = arith.index_cast %swap3A_772 : i32 to index
    %swap3A_774 = arith.constant 0 : index
    %swap3A_775 = tpu.vector_load %arg19[%swap3A_773, %swap3A_774] {strides = array<i32>} : memref<5x128xi32, #tpu.memory_space<vmem>>, vector<16xi32>,
    tpu.vector_store %arg19[%swap3A_773, %swap3A_774], %gather3A_771 {strides = array<i32>} : memref<5x128xi32, #tpu.memory_space<vmem>>, vector<16xi32>,
    %add3A_776 = arith.constant 0 : i32
    %add3A_777 = vector.broadcast %add3A_776 : i32 to vector<16xi32>
    %add3A_778 = arith.addi %iota3A, %add3A_777 : vector<16xi32>
    %get3A_779 = arith.constant 2 : i32
    %get3A_780 = arith.index_cast %get3A_779 : i32 to index
    %get3A_781 = arith.constant 0 : index
    %get3A_782 = tpu.vector_load %arg18[%get3A_780, %get3A_781] {strides = array<i32>} : memref<5x128xi32, #tpu.memory_space<vmem>>, vector<16xi32>,
    %gather3A_783 = tpu.vector_load_idx %arg27[%add3A_763, %add3A_778, %get3A_782] : memref<5x128x16xi32, #tpu.memory_space<vmem>>[vector<16xi32>, vector<16xi32>, vector<16xi32>], vector<16xi32>,
    %swap3A_784 = arith.constant 2 : i32
    %swap3A_785 = arith.index_cast %swap3A_784 : i32 to index
    %swap3A_786 = arith.constant 0 : index
    %swap3A_787 = tpu.vector_load %arg20[%swap3A_785, %swap3A_786] {strides = array<i32>} : memref<5x128xi32, #tpu.memory_space<vmem>>, vector<16xi32>,
    tpu.vector_store %arg20[%swap3A_785, %swap3A_786], %gather3A_783 {strides = array<i32>} : memref<5x128xi32, #tpu.memory_space<vmem>>, vector<16xi32>,
    %broadcast_in_dim3A_788 = arith.constant 0 : i32
    %broadcast_in_dim3A_789 = vector.broadcast %broadcast_in_dim3A_788 : i32 to vector<16xi32>
    %add3A_790 = arith.constant 2 : i32
    %add3A_791 = vector.broadcast %add3A_790 : i32 to vector<16xi32>
    %add3A_792 = arith.addi %broadcast_in_dim3A_789, %add3A_791 : vector<16xi32>
    %add3A_793 = arith.constant 16 : i32
    %add3A_794 = vector.broadcast %add3A_793 : i32 to vector<16xi32>
    %add3A_795 = arith.addi %iota3A, %add3A_794 : vector<16xi32>
    %get3A_796 = arith.constant 2 : i32
    %get3A_797 = arith.index_cast %get3A_796 : i32 to index
    %get3A_798 = arith.constant 16 : index
    %get3A_799 = tpu.vector_load %arg16[%get3A_797, %get3A_798] {strides = array<i32>} : memref<5x128xi32, #tpu.memory_space<vmem>>, vector<16xi32>,
    %gather3A_800 = tpu.vector_load_idx %arg26[%add3A_792, %add3A_795, %get3A_799] : memref<5x128x16xi32, #tpu.memory_space<vmem>>[vector<16xi32>, vector<16xi32>, vector<16xi32>], vector<16xi32>,
    %swap3A_801 = arith.constant 2 : i32
    %swap3A_802 = arith.index_cast %swap3A_801 : i32 to index
    %swap3A_803 = arith.constant 16 : index
    %swap3A_804 = tpu.vector_load %arg19[%swap3A_802, %swap3A_803] {strides = array<i32>} : memref<5x128xi32, #tpu.memory_space<vmem>>, vector<16xi32>,
    tpu.vector_store %arg19[%swap3A_802, %swap3A_803], %gather3A_800 {strides = array<i32>} : memref<5x128xi32, #tpu.memory_space<vmem>>, vector<16xi32>,
    %add3A_805 = arith.constant 16 : i32
    %add3A_806 = vector.broadcast %add3A_805 : i32 to vector<16xi32>
    %add3A_807 = arith.addi %iota3A, %add3A_806 : vector<16xi32>
    %get3A_808 = arith.constant 2 : i32
    %get3A_809 = arith.index_cast %get3A_808 : i32 to index
    %get3A_810 = arith.constant 16 : index
    %get3A_811 = tpu.vector_load %arg18[%get3A_809, %get3A_810] {strides = array<i32>} : memref<5x128xi32, #tpu.memory_space<vmem>>, vector<16xi32>,
    %gather3A_812 = tpu.vector_load_idx %arg27[%add3A_792, %add3A_807, %get3A_811] : memref<5x128x16xi32, #tpu.memory_space<vmem>>[vector<16xi32>, vector<16xi32>, vector<16xi32>], vector<16xi32>,
    %swap3A_813 = arith.constant 2 : i32
    %swap3A_814 = arith.index_cast %swap3A_813 : i32 to index
    %swap3A_815 = arith.constant 16 : index
    %swap3A_816 = tpu.vector_load %arg20[%swap3A_814, %swap3A_815] {strides = array<i32>} : memref<5x128xi32, #tpu.memory_space<vmem>>, vector<16xi32>,
    tpu.vector_store %arg20[%swap3A_814, %swap3A_815], %gather3A_812 {strides = array<i32>} : memref<5x128xi32, #tpu.memory_space<vmem>>, vector<16xi32>,
    %broadcast_in_dim3A_817 = arith.constant 0 : i32
    %broadcast_in_dim3A_818 = vector.broadcast %broadcast_in_dim3A_817 : i32 to vector<16xi32>
    %add3A_819 = arith.constant 2 : i32
    %add3A_820 = vector.broadcast %add3A_819 : i32 to vector<16xi32>
    %add3A_821 = arith.addi %broadcast_in_dim3A_818, %add3A_820 : vector<16xi32>
    %add3A_822 = arith.constant 32 : i32
    %add3A_823 = vector.broadcast %add3A_822 : i32 to vector<16xi32>
    %add3A_824 = arith.addi %iota3A, %add3A_823 : vector<16xi32>
    %get3A_825 = arith.constant 2 : i32
    %get3A_826 = arith.index_cast %get3A_825 : i32 to index
    %get3A_827 = arith.constant 32 : index
    %get3A_828 = tpu.vector_load %arg16[%get3A_826, %get3A_827] {strides = array<i32>} : memref<5x128xi32, #tpu.memory_space<vmem>>, vector<16xi32>,
    %gather3A_829 = tpu.vector_load_idx %arg26[%add3A_821, %add3A_824, %get3A_828] : memref<5x128x16xi32, #tpu.memory_space<vmem>>[vector<16xi32>, vector<16xi32>, vector<16xi32>], vector<16xi32>,
    %swap3A_830 = arith.constant 2 : i32
    %swap3A_831 = arith.index_cast %swap3A_830 : i32 to index
    %swap3A_832 = arith.constant 32 : index
    %swap3A_833 = tpu.vector_load %arg19[%swap3A_831, %swap3A_832] {strides = array<i32>} : memref<5x128xi32, #tpu.memory_space<vmem>>, vector<16xi32>,
    tpu.vector_store %arg19[%swap3A_831, %swap3A_832], %gather3A_829 {strides = array<i32>} : memref<5x128xi32, #tpu.memory_space<vmem>>, vector<16xi32>,
    %add3A_834 = arith.constant 32 : i32
    %add3A_835 = vector.broadcast %add3A_834 : i32 to vector<16xi32>
    %add3A_836 = arith.addi %iota3A, %add3A_835 : vector<16xi32>
    %get3A_837 = arith.constant 2 : i32
    %get3A_838 = arith.index_cast %get3A_837 : i32 to index
    %get3A_839 = arith.constant 32 : index
    %get3A_840 = tpu.vector_load %arg18[%get3A_838, %get3A_839] {strides = array<i32>} : memref<5x128xi32, #tpu.memory_space<vmem>>, vector<16xi32>,
    %gather3A_841 = tpu.vector_load_idx %arg27[%add3A_821, %add3A_836, %get3A_840] : memref<5x128x16xi32, #tpu.memory_space<vmem>>[vector<16xi32>, vector<16xi32>, vector<16xi32>], vector<16xi32>,
    %swap3A_842 = arith.constant 2 : i32
    %swap3A_843 = arith.index_cast %swap3A_842 : i32 to index
    %swap3A_844 = arith.constant 32 : index
    %swap3A_845 = tpu.vector_load %arg20[%swap3A_843, %swap3A_844] {strides = array<i32>} : memref<5x128xi32, #tpu.memory_space<vmem>>, vector<16xi32>,
    tpu.vector_store %arg20[%swap3A_843, %swap3A_844], %gather3A_841 {strides = array<i32>} : memref<5x128xi32, #tpu.memory_space<vmem>>, vector<16xi32>,
    %broadcast_in_dim3A_846 = arith.constant 0 : i32
    %broadcast_in_dim3A_847 = vector.broadcast %broadcast_in_dim3A_846 : i32 to vector<16xi32>
    %add3A_848 = arith.constant 2 : i32
    %add3A_849 = vector.broadcast %add3A_848 : i32 to vector<16xi32>
    %add3A_850 = arith.addi %broadcast_in_dim3A_847, %add3A_849 : vector<16xi32>
    %add3A_851 = arith.constant 48 : i32
    %add3A_852 = vector.broadcast %add3A_851 : i32 to vector<16xi32>
    %add3A_853 = arith.addi %iota3A, %add3A_852 : vector<16xi32>
    %get3A_854 = arith.constant 2 : i32
    %get3A_855 = arith.index_cast %get3A_854 : i32 to index
    %get3A_856 = arith.constant 48 : index
    %get3A_857 = tpu.vector_load %arg16[%get3A_855, %get3A_856] {strides = array<i32>} : memref<5x128xi32, #tpu.memory_space<vmem>>, vector<16xi32>,
    %gather3A_858 = tpu.vector_load_idx %arg26[%add3A_850, %add3A_853, %get3A_857] : memref<5x128x16xi32, #tpu.memory_space<vmem>>[vector<16xi32>, vector<16xi32>, vector<16xi32>], vector<16xi32>,
    %swap3A_859 = arith.constant 2 : i32
    %swap3A_860 = arith.index_cast %swap3A_859 : i32 to index
    %swap3A_861 = arith.constant 48 : index
    %swap3A_862 = tpu.vector_load %arg19[%swap3A_860, %swap3A_861] {strides = array<i32>} : memref<5x128xi32, #tpu.memory_space<vmem>>, vector<16xi32>,
    tpu.vector_store %arg19[%swap3A_860, %swap3A_861], %gather3A_858 {strides = array<i32>} : memref<5x128xi32, #tpu.memory_space<vmem>>, vector<16xi32>,
    %add3A_863 = arith.constant 48 : i32
    %add3A_864 = vector.broadcast %add3A_863 : i32 to vector<16xi32>
    %add3A_865 = arith.addi %iota3A, %add3A_864 : vector<16xi32>
    %get3A_866 = arith.constant 2 : i32
    %get3A_867 = arith.index_cast %get3A_866 : i32 to index
    %get3A_868 = arith.constant 48 : index
    %get3A_869 = tpu.vector_load %arg18[%get3A_867, %get3A_868] {strides = array<i32>} : memref<5x128xi32, #tpu.memory_space<vmem>>, vector<16xi32>,
    %gather3A_870 = tpu.vector_load_idx %arg27[%add3A_850, %add3A_865, %get3A_869] : memref<5x128x16xi32, #tpu.memory_space<vmem>>[vector<16xi32>, vector<16xi32>, vector<16xi32>], vector<16xi32>,
    %swap3A_871 = arith.constant 2 : i32
    %swap3A_872 = arith.index_cast %swap3A_871 : i32 to index
    %swap3A_873 = arith.constant 48 : index
    %swap3A_874 = tpu.vector_load %arg20[%swap3A_872, %swap3A_873] {strides = array<i32>} : memref<5x128xi32, #tpu.memory_space<vmem>>, vector<16xi32>,
    tpu.vector_store %arg20[%swap3A_872, %swap3A_873], %gather3A_870 {strides = array<i32>} : memref<5x128xi32, #tpu.memory_space<vmem>>, vector<16xi32>,
    %broadcast_in_dim3A_875 = arith.constant 0 : i32
    %broadcast_in_dim3A_876 = vector.broadcast %broadcast_in_dim3A_875 : i32 to vector<16xi32>
    %add3A_877 = arith.constant 2 : i32
    %add3A_878 = vector.broadcast %add3A_877 : i32 to vector<16xi32>
    %add3A_879 = arith.addi %broadcast_in_dim3A_876, %add3A_878 : vector<16xi32>
    %add3A_880 = arith.constant 64 : i32
    %add3A_881 = vector.broadcast %add3A_880 : i32 to vector<16xi32>
    %add3A_882 = arith.addi %iota3A, %add3A_881 : vector<16xi32>
    %get3A_883 = arith.constant 2 : i32
    %get3A_884 = arith.index_cast %get3A_883 : i32 to index
    %get3A_885 = arith.constant 64 : index
    %get3A_886 = tpu.vector_load %arg16[%get3A_884, %get3A_885] {strides = array<i32>} : memref<5x128xi32, #tpu.memory_space<vmem>>, vector<16xi32>,
    %gather3A_887 = tpu.vector_load_idx %arg26[%add3A_879, %add3A_882, %get3A_886] : memref<5x128x16xi32, #tpu.memory_space<vmem>>[vector<16xi32>, vector<16xi32>, vector<16xi32>], vector<16xi32>,
    %swap3A_888 = arith.constant 2 : i32
    %swap3A_889 = arith.index_cast %swap3A_888 : i32 to index
    %swap3A_890 = arith.constant 64 : index
    %swap3A_891 = tpu.vector_load %arg19[%swap3A_889, %swap3A_890] {strides = array<i32>} : memref<5x128xi32, #tpu.memory_space<vmem>>, vector<16xi32>,
    tpu.vector_store %arg19[%swap3A_889, %swap3A_890], %gather3A_887 {strides = array<i32>} : memref<5x128xi32, #tpu.memory_space<vmem>>, vector<16xi32>,
    %add3A_892 = arith.constant 64 : i32
    %add3A_893 = vector.broadcast %add3A_892 : i32 to vector<16xi32>
    %add3A_894 = arith.addi %iota3A, %add3A_893 : vector<16xi32>
    %get3A_895 = arith.constant 2 : i32
    %get3A_896 = arith.index_cast %get3A_895 : i32 to index
    %get3A_897 = arith.constant 64 : index
    %get3A_898 = tpu.vector_load %arg18[%get3A_896, %get3A_897] {strides = array<i32>} : memref<5x128xi32, #tpu.memory_space<vmem>>, vector<16xi32>,
    %gather3A_899 = tpu.vector_load_idx %arg27[%add3A_879, %add3A_894, %get3A_898] : memref<5x128x16xi32, #tpu.memory_space<vmem>>[vector<16xi32>, vector<16xi32>, vector<16xi32>], vector<16xi32>,
    %swap3A_900 = arith.constant 2 : i32
    %swap3A_901 = arith.index_cast %swap3A_900 : i32 to index
    %swap3A_902 = arith.constant 64 : index
    %swap3A_903 = tpu.vector_load %arg20[%swap3A_901, %swap3A_902] {strides = array<i32>} : memref<5x128xi32, #tpu.memory_space<vmem>>, vector<16xi32>,
    tpu.vector_store %arg20[%swap3A_901, %swap3A_902], %gather3A_899 {strides = array<i32>} : memref<5x128xi32, #tpu.memory_space<vmem>>, vector<16xi32>,
    %broadcast_in_dim3A_904 = arith.constant 0 : i32
    %broadcast_in_dim3A_905 = vector.broadcast %broadcast_in_dim3A_904 : i32 to vector<16xi32>
    %add3A_906 = arith.constant 2 : i32
    %add3A_907 = vector.broadcast %add3A_906 : i32 to vector<16xi32>
    %add3A_908 = arith.addi %broadcast_in_dim3A_905, %add3A_907 : vector<16xi32>
    %add3A_909 = arith.constant 80 : i32
    %add3A_910 = vector.broadcast %add3A_909 : i32 to vector<16xi32>
    %add3A_911 = arith.addi %iota3A, %add3A_910 : vector<16xi32>
    %get3A_912 = arith.constant 2 : i32
    %get3A_913 = arith.index_cast %get3A_912 : i32 to index
    %get3A_914 = arith.constant 80 : index
    %get3A_915 = tpu.vector_load %arg16[%get3A_913, %get3A_914] {strides = array<i32>} : memref<5x128xi32, #tpu.memory_space<vmem>>, vector<16xi32>,
    %gather3A_916 = tpu.vector_load_idx %arg26[%add3A_908, %add3A_911, %get3A_915] : memref<5x128x16xi32, #tpu.memory_space<vmem>>[vector<16xi32>, vector<16xi32>, vector<16xi32>], vector<16xi32>,
    %swap3A_917 = arith.constant 2 : i32
    %swap3A_918 = arith.index_cast %swap3A_917 : i32 to index
    %swap3A_919 = arith.constant 80 : index
    %swap3A_920 = tpu.vector_load %arg19[%swap3A_918, %swap3A_919] {strides = array<i32>} : memref<5x128xi32, #tpu.memory_space<vmem>>, vector<16xi32>,
    tpu.vector_store %arg19[%swap3A_918, %swap3A_919], %gather3A_916 {strides = array<i32>} : memref<5x128xi32, #tpu.memory_space<vmem>>, vector<16xi32>,
    %add3A_921 = arith.constant 80 : i32
    %add3A_922 = vector.broadcast %add3A_921 : i32 to vector<16xi32>
    %add3A_923 = arith.addi %iota3A, %add3A_922 : vector<16xi32>
    %get3A_924 = arith.constant 2 : i32
    %get3A_925 = arith.index_cast %get3A_924 : i32 to index
    %get3A_926 = arith.constant 80 : index
    %get3A_927 = tpu.vector_load %arg18[%get3A_925, %get3A_926] {strides = array<i32>} : memref<5x128xi32, #tpu.memory_space<vmem>>, vector<16xi32>,
    %gather3A_928 = tpu.vector_load_idx %arg27[%add3A_908, %add3A_923, %get3A_927] : memref<5x128x16xi32, #tpu.memory_space<vmem>>[vector<16xi32>, vector<16xi32>, vector<16xi32>], vector<16xi32>,
    %swap3A_929 = arith.constant 2 : i32
    %swap3A_930 = arith.index_cast %swap3A_929 : i32 to index
    %swap3A_931 = arith.constant 80 : index
    %swap3A_932 = tpu.vector_load %arg20[%swap3A_930, %swap3A_931] {strides = array<i32>} : memref<5x128xi32, #tpu.memory_space<vmem>>, vector<16xi32>,
    tpu.vector_store %arg20[%swap3A_930, %swap3A_931], %gather3A_928 {strides = array<i32>} : memref<5x128xi32, #tpu.memory_space<vmem>>, vector<16xi32>,
    %broadcast_in_dim3A_933 = arith.constant 0 : i32
    %broadcast_in_dim3A_934 = vector.broadcast %broadcast_in_dim3A_933 : i32 to vector<16xi32>
    %add3A_935 = arith.constant 2 : i32
    %add3A_936 = vector.broadcast %add3A_935 : i32 to vector<16xi32>
    %add3A_937 = arith.addi %broadcast_in_dim3A_934, %add3A_936 : vector<16xi32>
    %add3A_938 = arith.constant 96 : i32
    %add3A_939 = vector.broadcast %add3A_938 : i32 to vector<16xi32>
    %add3A_940 = arith.addi %iota3A, %add3A_939 : vector<16xi32>
    %get3A_941 = arith.constant 2 : i32
    %get3A_942 = arith.index_cast %get3A_941 : i32 to index
    %get3A_943 = arith.constant 96 : index
    %get3A_944 = tpu.vector_load %arg16[%get3A_942, %get3A_943] {strides = array<i32>} : memref<5x128xi32, #tpu.memory_space<vmem>>, vector<16xi32>,
    %gather3A_945 = tpu.vector_load_idx %arg26[%add3A_937, %add3A_940, %get3A_944] : memref<5x128x16xi32, #tpu.memory_space<vmem>>[vector<16xi32>, vector<16xi32>, vector<16xi32>], vector<16xi32>,
    %swap3A_946 = arith.constant 2 : i32
    %swap3A_947 = arith.index_cast %swap3A_946 : i32 to index
    %swap3A_948 = arith.constant 96 : index
    %swap3A_949 = tpu.vector_load %arg19[%swap3A_947, %swap3A_948] {strides = array<i32>} : memref<5x128xi32, #tpu.memory_space<vmem>>, vector<16xi32>,
    tpu.vector_store %arg19[%swap3A_947, %swap3A_948], %gather3A_945 {strides = array<i32>} : memref<5x128xi32, #tpu.memory_space<vmem>>, vector<16xi32>,
    %add3A_950 = arith.constant 96 : i32
    %add3A_951 = vector.broadcast %add3A_950 : i32 to vector<16xi32>
    %add3A_952 = arith.addi %iota3A, %add3A_951 : vector<16xi32>
    %get3A_953 = arith.constant 2 : i32
    %get3A_954 = arith.index_cast %get3A_953 : i32 to index
    %get3A_955 = arith.constant 96 : index
    %get3A_956 = tpu.vector_load %arg18[%get3A_954, %get3A_955] {strides = array<i32>} : memref<5x128xi32, #tpu.memory_space<vmem>>, vector<16xi32>,
    %gather3A_957 = tpu.vector_load_idx %arg27[%add3A_937, %add3A_952, %get3A_956] : memref<5x128x16xi32, #tpu.memory_space<vmem>>[vector<16xi32>, vector<16xi32>, vector<16xi32>], vector<16xi32>,
    %swap3A_958 = arith.constant 2 : i32
    %swap3A_959 = arith.index_cast %swap3A_958 : i32 to index
    %swap3A_960 = arith.constant 96 : index
    %swap3A_961 = tpu.vector_load %arg20[%swap3A_959, %swap3A_960] {strides = array<i32>} : memref<5x128xi32, #tpu.memory_space<vmem>>, vector<16xi32>,
    tpu.vector_store %arg20[%swap3A_959, %swap3A_960], %gather3A_957 {strides = array<i32>} : memref<5x128xi32, #tpu.memory_space<vmem>>, vector<16xi32>,
    %broadcast_in_dim3A_962 = arith.constant 0 : i32
    %broadcast_in_dim3A_963 = vector.broadcast %broadcast_in_dim3A_962 : i32 to vector<16xi32>
    %add3A_964 = arith.constant 2 : i32
    %add3A_965 = vector.broadcast %add3A_964 : i32 to vector<16xi32>
    %add3A_966 = arith.addi %broadcast_in_dim3A_963, %add3A_965 : vector<16xi32>
    %add3A_967 = arith.constant 112 : i32
    %add3A_968 = vector.broadcast %add3A_967 : i32 to vector<16xi32>
    %add3A_969 = arith.addi %iota3A, %add3A_968 : vector<16xi32>
    %get3A_970 = arith.constant 2 : i32
    %get3A_971 = arith.index_cast %get3A_970 : i32 to index
    %get3A_972 = arith.constant 112 : index
    %get3A_973 = tpu.vector_load %arg16[%get3A_971, %get3A_972] {strides = array<i32>} : memref<5x128xi32, #tpu.memory_space<vmem>>, vector<16xi32>,
    %gather3A_974 = tpu.vector_load_idx %arg26[%add3A_966, %add3A_969, %get3A_973] : memref<5x128x16xi32, #tpu.memory_space<vmem>>[vector<16xi32>, vector<16xi32>, vector<16xi32>], vector<16xi32>,
    %swap3A_975 = arith.constant 2 : i32
    %swap3A_976 = arith.index_cast %swap3A_975 : i32 to index
    %swap3A_977 = arith.constant 112 : index
    %swap3A_978 = tpu.vector_load %arg19[%swap3A_976, %swap3A_977] {strides = array<i32>} : memref<5x128xi32, #tpu.memory_space<vmem>>, vector<16xi32>,
    tpu.vector_store %arg19[%swap3A_976, %swap3A_977], %gather3A_974 {strides = array<i32>} : memref<5x128xi32, #tpu.memory_space<vmem>>, vector<16xi32>,
    %add3A_979 = arith.constant 112 : i32
    %add3A_980 = vector.broadcast %add3A_979 : i32 to vector<16xi32>
    %add3A_981 = arith.addi %iota3A, %add3A_980 : vector<16xi32>
    %get3A_982 = arith.constant 2 : i32
    %get3A_983 = arith.index_cast %get3A_982 : i32 to index
    %get3A_984 = arith.constant 112 : index
    %get3A_985 = tpu.vector_load %arg18[%get3A_983, %get3A_984] {strides = array<i32>} : memref<5x128xi32, #tpu.memory_space<vmem>>, vector<16xi32>,
    %gather3A_986 = tpu.vector_load_idx %arg27[%add3A_966, %add3A_981, %get3A_985] : memref<5x128x16xi32, #tpu.memory_space<vmem>>[vector<16xi32>, vector<16xi32>, vector<16xi32>], vector<16xi32>,
    %swap3A_987 = arith.constant 2 : i32
    %swap3A_988 = arith.index_cast %swap3A_987 : i32 to index
    %swap3A_989 = arith.constant 112 : index
    %swap3A_990 = tpu.vector_load %arg20[%swap3A_988, %swap3A_989] {strides = array<i32>} : memref<5x128xi32, #tpu.memory_space<vmem>>, vector<16xi32>,
    tpu.vector_store %arg20[%swap3A_988, %swap3A_989], %gather3A_986 {strides = array<i32>} : memref<5x128xi32, #tpu.memory_space<vmem>>, vector<16xi32>,
    %broadcast_in_dim3A_991 = arith.constant 0 : i32
    %broadcast_in_dim3A_992 = vector.broadcast %broadcast_in_dim3A_991 : i32 to vector<16xi32>
    %add3A_993 = arith.constant 3 : i32
    %add3A_994 = vector.broadcast %add3A_993 : i32 to vector<16xi32>
    %add3A_995 = arith.addi %broadcast_in_dim3A_992, %add3A_994 : vector<16xi32>
    %add3A_996 = arith.constant 0 : i32
    %add3A_997 = vector.broadcast %add3A_996 : i32 to vector<16xi32>
    %add3A_998 = arith.addi %iota3A, %add3A_997 : vector<16xi32>
    %get3A_999 = arith.constant 3 : i32
    %get3A_1000 = arith.index_cast %get3A_999 : i32 to index
    %get3A_1001 = arith.constant 0 : index
    %get3A_1002 = tpu.vector_load %arg16[%get3A_1000, %get3A_1001] {strides = array<i32>} : memref<5x128xi32, #tpu.memory_space<vmem>>, vector<16xi32>,
    %gather3A_1003 = tpu.vector_load_idx %arg26[%add3A_995, %add3A_998, %get3A_1002] : memref<5x128x16xi32, #tpu.memory_space<vmem>>[vector<16xi32>, vector<16xi32>, vector<16xi32>], vector<16xi32>,
    %swap3A_1004 = arith.constant 3 : i32
    %swap3A_1005 = arith.index_cast %swap3A_1004 : i32 to index
    %swap3A_1006 = arith.constant 0 : index
    %swap3A_1007 = tpu.vector_load %arg19[%swap3A_1005, %swap3A_1006] {strides = array<i32>} : memref<5x128xi32, #tpu.memory_space<vmem>>, vector<16xi32>,
    tpu.vector_store %arg19[%swap3A_1005, %swap3A_1006], %gather3A_1003 {strides = array<i32>} : memref<5x128xi32, #tpu.memory_space<vmem>>, vector<16xi32>,
    %add3A_1008 = arith.constant 0 : i32
    %add3A_1009 = vector.broadcast %add3A_1008 : i32 to vector<16xi32>
    %add3A_1010 = arith.addi %iota3A, %add3A_1009 : vector<16xi32>
    %get3A_1011 = arith.constant 3 : i32
    %get3A_1012 = arith.index_cast %get3A_1011 : i32 to index
    %get3A_1013 = arith.constant 0 : index
    %get3A_1014 = tpu.vector_load %arg18[%get3A_1012, %get3A_1013] {strides = array<i32>} : memref<5x128xi32, #tpu.memory_space<vmem>>, vector<16xi32>,
    %gather3A_1015 = tpu.vector_load_idx %arg27[%add3A_995, %add3A_1010, %get3A_1014] : memref<5x128x16xi32, #tpu.memory_space<vmem>>[vector<16xi32>, vector<16xi32>, vector<16xi32>], vector<16xi32>,
    %swap3A_1016 = arith.constant 3 : i32
    %swap3A_1017 = arith.index_cast %swap3A_1016 : i32 to index
    %swap3A_1018 = arith.constant 0 : index
    %swap3A_1019 = tpu.vector_load %arg20[%swap3A_1017, %swap3A_1018] {strides = array<i32>} : memref<5x128xi32, #tpu.memory_space<vmem>>, vector<16xi32>,
    tpu.vector_store %arg20[%swap3A_1017, %swap3A_1018], %gather3A_1015 {strides = array<i32>} : memref<5x128xi32, #tpu.memory_space<vmem>>, vector<16xi32>,
    %broadcast_in_dim3A_1020 = arith.constant 0 : i32
    %broadcast_in_dim3A_1021 = vector.broadcast %broadcast_in_dim3A_1020 : i32 to vector<16xi32>
    %add3A_1022 = arith.constant 3 : i32
    %add3A_1023 = vector.broadcast %add3A_1022 : i32 to vector<16xi32>
    %add3A_1024 = arith.addi %broadcast_in_dim3A_1021, %add3A_1023 : vector<16xi32>
    %add3A_1025 = arith.constant 16 : i32
    %add3A_1026 = vector.broadcast %add3A_1025 : i32 to vector<16xi32>
    %add3A_1027 = arith.addi %iota3A, %add3A_1026 : vector<16xi32>
    %get3A_1028 = arith.constant 3 : i32
    %get3A_1029 = arith.index_cast %get3A_1028 : i32 to index
    %get3A_1030 = arith.constant 16 : index
    %get3A_1031 = tpu.vector_load %arg16[%get3A_1029, %get3A_1030] {strides = array<i32>} : memref<5x128xi32, #tpu.memory_space<vmem>>, vector<16xi32>,
    %gather3A_1032 = tpu.vector_load_idx %arg26[%add3A_1024, %add3A_1027, %get3A_1031] : memref<5x128x16xi32, #tpu.memory_space<vmem>>[vector<16xi32>, vector<16xi32>, vector<16xi32>], vector<16xi32>,
    %swap3A_1033 = arith.constant 3 : i32
    %swap3A_1034 = arith.index_cast %swap3A_1033 : i32 to index
    %swap3A_1035 = arith.constant 16 : index
    %swap3A_1036 = tpu.vector_load %arg19[%swap3A_1034, %swap3A_1035] {strides = array<i32>} : memref<5x128xi32, #tpu.memory_space<vmem>>, vector<16xi32>,
    tpu.vector_store %arg19[%swap3A_1034, %swap3A_1035], %gather3A_1032 {strides = array<i32>} : memref<5x128xi32, #tpu.memory_space<vmem>>, vector<16xi32>,
    %add3A_1037 = arith.constant 16 : i32
    %add3A_1038 = vector.broadcast %add3A_1037 : i32 to vector<16xi32>
    %add3A_1039 = arith.addi %iota3A, %add3A_1038 : vector<16xi32>
    %get3A_1040 = arith.constant 3 : i32
    %get3A_1041 = arith.index_cast %get3A_1040 : i32 to index
    %get3A_1042 = arith.constant 16 : index
    %get3A_1043 = tpu.vector_load %arg18[%get3A_1041, %get3A_1042] {strides = array<i32>} : memref<5x128xi32, #tpu.memory_space<vmem>>, vector<16xi32>,
    %gather3A_1044 = tpu.vector_load_idx %arg27[%add3A_1024, %add3A_1039, %get3A_1043] : memref<5x128x16xi32, #tpu.memory_space<vmem>>[vector<16xi32>, vector<16xi32>, vector<16xi32>], vector<16xi32>,
    %swap3A_1045 = arith.constant 3 : i32
    %swap3A_1046 = arith.index_cast %swap3A_1045 : i32 to index
    %swap3A_1047 = arith.constant 16 : index
    %swap3A_1048 = tpu.vector_load %arg20[%swap3A_1046, %swap3A_1047] {strides = array<i32>} : memref<5x128xi32, #tpu.memory_space<vmem>>, vector<16xi32>,
    tpu.vector_store %arg20[%swap3A_1046, %swap3A_1047], %gather3A_1044 {strides = array<i32>} : memref<5x128xi32, #tpu.memory_space<vmem>>, vector<16xi32>,
    %broadcast_in_dim3A_1049 = arith.constant 0 : i32
    %broadcast_in_dim3A_1050 = vector.broadcast %broadcast_in_dim3A_1049 : i32 to vector<16xi32>
    %add3A_1051 = arith.constant 3 : i32
    %add3A_1052 = vector.broadcast %add3A_1051 : i32 to vector<16xi32>
    %add3A_1053 = arith.addi %broadcast_in_dim3A_1050, %add3A_1052 : vector<16xi32>
    %add3A_1054 = arith.constant 32 : i32
    %add3A_1055 = vector.broadcast %add3A_1054 : i32 to vector<16xi32>
    %add3A_1056 = arith.addi %iota3A, %add3A_1055 : vector<16xi32>
    %get3A_1057 = arith.constant 3 : i32
    %get3A_1058 = arith.index_cast %get3A_1057 : i32 to index
    %get3A_1059 = arith.constant 32 : index
    %get3A_1060 = tpu.vector_load %arg16[%get3A_1058, %get3A_1059] {strides = array<i32>} : memref<5x128xi32, #tpu.memory_space<vmem>>, vector<16xi32>,
    %gather3A_1061 = tpu.vector_load_idx %arg26[%add3A_1053, %add3A_1056, %get3A_1060] : memref<5x128x16xi32, #tpu.memory_space<vmem>>[vector<16xi32>, vector<16xi32>, vector<16xi32>], vector<16xi32>,
    %swap3A_1062 = arith.constant 3 : i32
    %swap3A_1063 = arith.index_cast %swap3A_1062 : i32 to index
    %swap3A_1064 = arith.constant 32 : index
    %swap3A_1065 = tpu.vector_load %arg19[%swap3A_1063, %swap3A_1064] {strides = array<i32>} : memref<5x128xi32, #tpu.memory_space<vmem>>, vector<16xi32>,
    tpu.vector_store %arg19[%swap3A_1063, %swap3A_1064], %gather3A_1061 {strides = array<i32>} : memref<5x128xi32, #tpu.memory_space<vmem>>, vector<16xi32>,
    %add3A_1066 = arith.constant 32 : i32
    %add3A_1067 = vector.broadcast %add3A_1066 : i32 to vector<16xi32>
    %add3A_1068 = arith.addi %iota3A, %add3A_1067 : vector<16xi32>
    %get3A_1069 = arith.constant 3 : i32
    %get3A_1070 = arith.index_cast %get3A_1069 : i32 to index
    %get3A_1071 = arith.constant 32 : index
    %get3A_1072 = tpu.vector_load %arg18[%get3A_1070, %get3A_1071] {strides = array<i32>} : memref<5x128xi32, #tpu.memory_space<vmem>>, vector<16xi32>,
    %gather3A_1073 = tpu.vector_load_idx %arg27[%add3A_1053, %add3A_1068, %get3A_1072] : memref<5x128x16xi32, #tpu.memory_space<vmem>>[vector<16xi32>, vector<16xi32>, vector<16xi32>], vector<16xi32>,
    %swap3A_1074 = arith.constant 3 : i32
    %swap3A_1075 = arith.index_cast %swap3A_1074 : i32 to index
    %swap3A_1076 = arith.constant 32 : index
    %swap3A_1077 = tpu.vector_load %arg20[%swap3A_1075, %swap3A_1076] {strides = array<i32>} : memref<5x128xi32, #tpu.memory_space<vmem>>, vector<16xi32>,
    tpu.vector_store %arg20[%swap3A_1075, %swap3A_1076], %gather3A_1073 {strides = array<i32>} : memref<5x128xi32, #tpu.memory_space<vmem>>, vector<16xi32>,
    %broadcast_in_dim3A_1078 = arith.constant 0 : i32
    %broadcast_in_dim3A_1079 = vector.broadcast %broadcast_in_dim3A_1078 : i32 to vector<16xi32>
    %add3A_1080 = arith.constant 3 : i32
    %add3A_1081 = vector.broadcast %add3A_1080 : i32 to vector<16xi32>
    %add3A_1082 = arith.addi %broadcast_in_dim3A_1079, %add3A_1081 : vector<16xi32>
    %add3A_1083 = arith.constant 48 : i32
    %add3A_1084 = vector.broadcast %add3A_1083 : i32 to vector<16xi32>
    %add3A_1085 = arith.addi %iota3A, %add3A_1084 : vector<16xi32>
    %get3A_1086 = arith.constant 3 : i32
    %get3A_1087 = arith.index_cast %get3A_1086 : i32 to index
    %get3A_1088 = arith.constant 48 : index
    %get3A_1089 = tpu.vector_load %arg16[%get3A_1087, %get3A_1088] {strides = array<i32>} : memref<5x128xi32, #tpu.memory_space<vmem>>, vector<16xi32>,
    %gather3A_1090 = tpu.vector_load_idx %arg26[%add3A_1082, %add3A_1085, %get3A_1089] : memref<5x128x16xi32, #tpu.memory_space<vmem>>[vector<16xi32>, vector<16xi32>, vector<16xi32>], vector<16xi32>,
    %swap3A_1091 = arith.constant 3 : i32
    %swap3A_1092 = arith.index_cast %swap3A_1091 : i32 to index
    %swap3A_1093 = arith.constant 48 : index
    %swap3A_1094 = tpu.vector_load %arg19[%swap3A_1092, %swap3A_1093] {strides = array<i32>} : memref<5x128xi32, #tpu.memory_space<vmem>>, vector<16xi32>,
    tpu.vector_store %arg19[%swap3A_1092, %swap3A_1093], %gather3A_1090 {strides = array<i32>} : memref<5x128xi32, #tpu.memory_space<vmem>>, vector<16xi32>,
    %add3A_1095 = arith.constant 48 : i32
    %add3A_1096 = vector.broadcast %add3A_1095 : i32 to vector<16xi32>
    %add3A_1097 = arith.addi %iota3A, %add3A_1096 : vector<16xi32>
    %get3A_1098 = arith.constant 3 : i32
    %get3A_1099 = arith.index_cast %get3A_1098 : i32 to index
    %get3A_1100 = arith.constant 48 : index
    %get3A_1101 = tpu.vector_load %arg18[%get3A_1099, %get3A_1100] {strides = array<i32>} : memref<5x128xi32, #tpu.memory_space<vmem>>, vector<16xi32>,
    %gather3A_1102 = tpu.vector_load_idx %arg27[%add3A_1082, %add3A_1097, %get3A_1101] : memref<5x128x16xi32, #tpu.memory_space<vmem>>[vector<16xi32>, vector<16xi32>, vector<16xi32>], vector<16xi32>,
    %swap3A_1103 = arith.constant 3 : i32
    %swap3A_1104 = arith.index_cast %swap3A_1103 : i32 to index
    %swap3A_1105 = arith.constant 48 : index
    %swap3A_1106 = tpu.vector_load %arg20[%swap3A_1104, %swap3A_1105] {strides = array<i32>} : memref<5x128xi32, #tpu.memory_space<vmem>>, vector<16xi32>,
    tpu.vector_store %arg20[%swap3A_1104, %swap3A_1105], %gather3A_1102 {strides = array<i32>} : memref<5x128xi32, #tpu.memory_space<vmem>>, vector<16xi32>,
    %broadcast_in_dim3A_1107 = arith.constant 0 : i32
    %broadcast_in_dim3A_1108 = vector.broadcast %broadcast_in_dim3A_1107 : i32 to vector<16xi32>
    %add3A_1109 = arith.constant 3 : i32
    %add3A_1110 = vector.broadcast %add3A_1109 : i32 to vector<16xi32>
    %add3A_1111 = arith.addi %broadcast_in_dim3A_1108, %add3A_1110 : vector<16xi32>
    %add3A_1112 = arith.constant 64 : i32
    %add3A_1113 = vector.broadcast %add3A_1112 : i32 to vector<16xi32>
    %add3A_1114 = arith.addi %iota3A, %add3A_1113 : vector<16xi32>
    %get3A_1115 = arith.constant 3 : i32
    %get3A_1116 = arith.index_cast %get3A_1115 : i32 to index
    %get3A_1117 = arith.constant 64 : index
    %get3A_1118 = tpu.vector_load %arg16[%get3A_1116, %get3A_1117] {strides = array<i32>} : memref<5x128xi32, #tpu.memory_space<vmem>>, vector<16xi32>,
    %gather3A_1119 = tpu.vector_load_idx %arg26[%add3A_1111, %add3A_1114, %get3A_1118] : memref<5x128x16xi32, #tpu.memory_space<vmem>>[vector<16xi32>, vector<16xi32>, vector<16xi32>], vector<16xi32>,
    %swap3A_1120 = arith.constant 3 : i32
    %swap3A_1121 = arith.index_cast %swap3A_1120 : i32 to index
    %swap3A_1122 = arith.constant 64 : index
    %swap3A_1123 = tpu.vector_load %arg19[%swap3A_1121, %swap3A_1122] {strides = array<i32>} : memref<5x128xi32, #tpu.memory_space<vmem>>, vector<16xi32>,
    tpu.vector_store %arg19[%swap3A_1121, %swap3A_1122], %gather3A_1119 {strides = array<i32>} : memref<5x128xi32, #tpu.memory_space<vmem>>, vector<16xi32>,
    %add3A_1124 = arith.constant 64 : i32
    %add3A_1125 = vector.broadcast %add3A_1124 : i32 to vector<16xi32>
    %add3A_1126 = arith.addi %iota3A, %add3A_1125 : vector<16xi32>
    %get3A_1127 = arith.constant 3 : i32
    %get3A_1128 = arith.index_cast %get3A_1127 : i32 to index
    %get3A_1129 = arith.constant 64 : index
    %get3A_1130 = tpu.vector_load %arg18[%get3A_1128, %get3A_1129] {strides = array<i32>} : memref<5x128xi32, #tpu.memory_space<vmem>>, vector<16xi32>,
    %gather3A_1131 = tpu.vector_load_idx %arg27[%add3A_1111, %add3A_1126, %get3A_1130] : memref<5x128x16xi32, #tpu.memory_space<vmem>>[vector<16xi32>, vector<16xi32>, vector<16xi32>], vector<16xi32>,
    %swap3A_1132 = arith.constant 3 : i32
    %swap3A_1133 = arith.index_cast %swap3A_1132 : i32 to index
    %swap3A_1134 = arith.constant 64 : index
    %swap3A_1135 = tpu.vector_load %arg20[%swap3A_1133, %swap3A_1134] {strides = array<i32>} : memref<5x128xi32, #tpu.memory_space<vmem>>, vector<16xi32>,
    tpu.vector_store %arg20[%swap3A_1133, %swap3A_1134], %gather3A_1131 {strides = array<i32>} : memref<5x128xi32, #tpu.memory_space<vmem>>, vector<16xi32>,
    %broadcast_in_dim3A_1136 = arith.constant 0 : i32
    %broadcast_in_dim3A_1137 = vector.broadcast %broadcast_in_dim3A_1136 : i32 to vector<16xi32>
    %add3A_1138 = arith.constant 3 : i32
    %add3A_1139 = vector.broadcast %add3A_1138 : i32 to vector<16xi32>
    %add3A_1140 = arith.addi %broadcast_in_dim3A_1137, %add3A_1139 : vector<16xi32>
    %add3A_1141 = arith.constant 80 : i32
    %add3A_1142 = vector.broadcast %add3A_1141 : i32 to vector<16xi32>
    %add3A_1143 = arith.addi %iota3A, %add3A_1142 : vector<16xi32>
    %get3A_1144 = arith.constant 3 : i32
    %get3A_1145 = arith.index_cast %get3A_1144 : i32 to index
    %get3A_1146 = arith.constant 80 : index
    %get3A_1147 = tpu.vector_load %arg16[%get3A_1145, %get3A_1146] {strides = array<i32>} : memref<5x128xi32, #tpu.memory_space<vmem>>, vector<16xi32>,
    %gather3A_1148 = tpu.vector_load_idx %arg26[%add3A_1140, %add3A_1143, %get3A_1147] : memref<5x128x16xi32, #tpu.memory_space<vmem>>[vector<16xi32>, vector<16xi32>, vector<16xi32>], vector<16xi32>,
    %swap3A_1149 = arith.constant 3 : i32
    %swap3A_1150 = arith.index_cast %swap3A_1149 : i32 to index
    %swap3A_1151 = arith.constant 80 : index
    %swap3A_1152 = tpu.vector_load %arg19[%swap3A_1150, %swap3A_1151] {strides = array<i32>} : memref<5x128xi32, #tpu.memory_space<vmem>>, vector<16xi32>,
    tpu.vector_store %arg19[%swap3A_1150, %swap3A_1151], %gather3A_1148 {strides = array<i32>} : memref<5x128xi32, #tpu.memory_space<vmem>>, vector<16xi32>,
    %add3A_1153 = arith.constant 80 : i32
    %add3A_1154 = vector.broadcast %add3A_1153 : i32 to vector<16xi32>
    %add3A_1155 = arith.addi %iota3A, %add3A_1154 : vector<16xi32>
    %get3A_1156 = arith.constant 3 : i32
    %get3A_1157 = arith.index_cast %get3A_1156 : i32 to index
    %get3A_1158 = arith.constant 80 : index
    %get3A_1159 = tpu.vector_load %arg18[%get3A_1157, %get3A_1158] {strides = array<i32>} : memref<5x128xi32, #tpu.memory_space<vmem>>, vector<16xi32>,
    %gather3A_1160 = tpu.vector_load_idx %arg27[%add3A_1140, %add3A_1155, %get3A_1159] : memref<5x128x16xi32, #tpu.memory_space<vmem>>[vector<16xi32>, vector<16xi32>, vector<16xi32>], vector<16xi32>,
    %swap3A_1161 = arith.constant 3 : i32
    %swap3A_1162 = arith.index_cast %swap3A_1161 : i32 to index
    %swap3A_1163 = arith.constant 80 : index
    %swap3A_1164 = tpu.vector_load %arg20[%swap3A_1162, %swap3A_1163] {strides = array<i32>} : memref<5x128xi32, #tpu.memory_space<vmem>>, vector<16xi32>,
    tpu.vector_store %arg20[%swap3A_1162, %swap3A_1163], %gather3A_1160 {strides = array<i32>} : memref<5x128xi32, #tpu.memory_space<vmem>>, vector<16xi32>,
    %broadcast_in_dim3A_1165 = arith.constant 0 : i32
    %broadcast_in_dim3A_1166 = vector.broadcast %broadcast_in_dim3A_1165 : i32 to vector<16xi32>
    %add3A_1167 = arith.constant 3 : i32
    %add3A_1168 = vector.broadcast %add3A_1167 : i32 to vector<16xi32>
    %add3A_1169 = arith.addi %broadcast_in_dim3A_1166, %add3A_1168 : vector<16xi32>
    %add3A_1170 = arith.constant 96 : i32
    %add3A_1171 = vector.broadcast %add3A_1170 : i32 to vector<16xi32>
    %add3A_1172 = arith.addi %iota3A, %add3A_1171 : vector<16xi32>
    %get3A_1173 = arith.constant 3 : i32
    %get3A_1174 = arith.index_cast %get3A_1173 : i32 to index
    %get3A_1175 = arith.constant 96 : index
    %get3A_1176 = tpu.vector_load %arg16[%get3A_1174, %get3A_1175] {strides = array<i32>} : memref<5x128xi32, #tpu.memory_space<vmem>>, vector<16xi32>,
    %gather3A_1177 = tpu.vector_load_idx %arg26[%add3A_1169, %add3A_1172, %get3A_1176] : memref<5x128x16xi32, #tpu.memory_space<vmem>>[vector<16xi32>, vector<16xi32>, vector<16xi32>], vector<16xi32>,
    %swap3A_1178 = arith.constant 3 : i32
    %swap3A_1179 = arith.index_cast %swap3A_1178 : i32 to index
    %swap3A_1180 = arith.constant 96 : index
    %swap3A_1181 = tpu.vector_load %arg19[%swap3A_1179, %swap3A_1180] {strides = array<i32>} : memref<5x128xi32, #tpu.memory_space<vmem>>, vector<16xi32>,
    tpu.vector_store %arg19[%swap3A_1179, %swap3A_1180], %gather3A_1177 {strides = array<i32>} : memref<5x128xi32, #tpu.memory_space<vmem>>, vector<16xi32>,
    %add3A_1182 = arith.constant 96 : i32
    %add3A_1183 = vector.broadcast %add3A_1182 : i32 to vector<16xi32>
    %add3A_1184 = arith.addi %iota3A, %add3A_1183 : vector<16xi32>
    %get3A_1185 = arith.constant 3 : i32
    %get3A_1186 = arith.index_cast %get3A_1185 : i32 to index
    %get3A_1187 = arith.constant 96 : index
    %get3A_1188 = tpu.vector_load %arg18[%get3A_1186, %get3A_1187] {strides = array<i32>} : memref<5x128xi32, #tpu.memory_space<vmem>>, vector<16xi32>,
    %gather3A_1189 = tpu.vector_load_idx %arg27[%add3A_1169, %add3A_1184, %get3A_1188] : memref<5x128x16xi32, #tpu.memory_space<vmem>>[vector<16xi32>, vector<16xi32>, vector<16xi32>], vector<16xi32>,
    %swap3A_1190 = arith.constant 3 : i32
    %swap3A_1191 = arith.index_cast %swap3A_1190 : i32 to index
    %swap3A_1192 = arith.constant 96 : index
    %swap3A_1193 = tpu.vector_load %arg20[%swap3A_1191, %swap3A_1192] {strides = array<i32>} : memref<5x128xi32, #tpu.memory_space<vmem>>, vector<16xi32>,
    tpu.vector_store %arg20[%swap3A_1191, %swap3A_1192], %gather3A_1189 {strides = array<i32>} : memref<5x128xi32, #tpu.memory_space<vmem>>, vector<16xi32>,
    %broadcast_in_dim3A_1194 = arith.constant 0 : i32
    %broadcast_in_dim3A_1195 = vector.broadcast %broadcast_in_dim3A_1194 : i32 to vector<16xi32>
    %add3A_1196 = arith.constant 3 : i32
    %add3A_1197 = vector.broadcast %add3A_1196 : i32 to vector<16xi32>
    %add3A_1198 = arith.addi %broadcast_in_dim3A_1195, %add3A_1197 : vector<16xi32>
    %add3A_1199 = arith.constant 112 : i32
    %add3A_1200 = vector.broadcast %add3A_1199 : i32 to vector<16xi32>
    %add3A_1201 = arith.addi %iota3A, %add3A_1200 : vector<16xi32>
    %get3A_1202 = arith.constant 3 : i32
    %get3A_1203 = arith.index_cast %get3A_1202 : i32 to index
    %get3A_1204 = arith.constant 112 : index
    %get3A_1205 = tpu.vector_load %arg16[%get3A_1203, %get3A_1204] {strides = array<i32>} : memref<5x128xi32, #tpu.memory_space<vmem>>, vector<16xi32>,
    %gather3A_1206 = tpu.vector_load_idx %arg26[%add3A_1198, %add3A_1201, %get3A_1205] : memref<5x128x16xi32, #tpu.memory_space<vmem>>[vector<16xi32>, vector<16xi32>, vector<16xi32>], vector<16xi32>,
    %swap3A_1207 = arith.constant 3 : i32
    %swap3A_1208 = arith.index_cast %swap3A_1207 : i32 to index
    %swap3A_1209 = arith.constant 112 : index
    %swap3A_1210 = tpu.vector_load %arg19[%swap3A_1208, %swap3A_1209] {strides = array<i32>} : memref<5x128xi32, #tpu.memory_space<vmem>>, vector<16xi32>,
    tpu.vector_store %arg19[%swap3A_1208, %swap3A_1209], %gather3A_1206 {strides = array<i32>} : memref<5x128xi32, #tpu.memory_space<vmem>>, vector<16xi32>,
    %add3A_1211 = arith.constant 112 : i32
    %add3A_1212 = vector.broadcast %add3A_1211 : i32 to vector<16xi32>
    %add3A_1213 = arith.addi %iota3A, %add3A_1212 : vector<16xi32>
    %get3A_1214 = arith.constant 3 : i32
    %get3A_1215 = arith.index_cast %get3A_1214 : i32 to index
    %get3A_1216 = arith.constant 112 : index
    %get3A_1217 = tpu.vector_load %arg18[%get3A_1215, %get3A_1216] {strides = array<i32>} : memref<5x128xi32, #tpu.memory_space<vmem>>, vector<16xi32>,
    %gather3A_1218 = tpu.vector_load_idx %arg27[%add3A_1198, %add3A_1213, %get3A_1217] : memref<5x128x16xi32, #tpu.memory_space<vmem>>[vector<16xi32>, vector<16xi32>, vector<16xi32>], vector<16xi32>,
    %swap3A_1219 = arith.constant 3 : i32
    %swap3A_1220 = arith.index_cast %swap3A_1219 : i32 to index
    %swap3A_1221 = arith.constant 112 : index
    %swap3A_1222 = tpu.vector_load %arg20[%swap3A_1220, %swap3A_1221] {strides = array<i32>} : memref<5x128xi32, #tpu.memory_space<vmem>>, vector<16xi32>,
    tpu.vector_store %arg20[%swap3A_1220, %swap3A_1221], %gather3A_1218 {strides = array<i32>} : memref<5x128xi32, #tpu.memory_space<vmem>>, vector<16xi32>,
    %broadcast_in_dim3A_1223 = arith.constant 0 : i32
    %broadcast_in_dim3A_1224 = vector.broadcast %broadcast_in_dim3A_1223 : i32 to vector<16xi32>
    %add3A_1225 = arith.constant 4 : i32
    %add3A_1226 = vector.broadcast %add3A_1225 : i32 to vector<16xi32>
    %add3A_1227 = arith.addi %broadcast_in_dim3A_1224, %add3A_1226 : vector<16xi32>
    %add3A_1228 = arith.constant 0 : i32
    %add3A_1229 = vector.broadcast %add3A_1228 : i32 to vector<16xi32>
    %add3A_1230 = arith.addi %iota3A, %add3A_1229 : vector<16xi32>
    %get3A_1231 = arith.constant 4 : i32
    %get3A_1232 = arith.index_cast %get3A_1231 : i32 to index
    %get3A_1233 = arith.constant 0 : index
    %get3A_1234 = tpu.vector_load %arg16[%get3A_1232, %get3A_1233] {strides = array<i32>} : memref<5x128xi32, #tpu.memory_space<vmem>>, vector<16xi32>,
    %gather3A_1235 = tpu.vector_load_idx %arg26[%add3A_1227, %add3A_1230, %get3A_1234] : memref<5x128x16xi32, #tpu.memory_space<vmem>>[vector<16xi32>, vector<16xi32>, vector<16xi32>], vector<16xi32>,
    %swap3A_1236 = arith.constant 4 : i32
    %swap3A_1237 = arith.index_cast %swap3A_1236 : i32 to index
    %swap3A_1238 = arith.constant 0 : index
    %swap3A_1239 = tpu.vector_load %arg19[%swap3A_1237, %swap3A_1238] {strides = array<i32>} : memref<5x128xi32, #tpu.memory_space<vmem>>, vector<16xi32>,
    tpu.vector_store %arg19[%swap3A_1237, %swap3A_1238], %gather3A_1235 {strides = array<i32>} : memref<5x128xi32, #tpu.memory_space<vmem>>, vector<16xi32>,
    %add3A_1240 = arith.constant 0 : i32
    %add3A_1241 = vector.broadcast %add3A_1240 : i32 to vector<16xi32>
    %add3A_1242 = arith.addi %iota3A, %add3A_1241 : vector<16xi32>
    %get3A_1243 = arith.constant 4 : i32
    %get3A_1244 = arith.index_cast %get3A_1243 : i32 to index
    %get3A_1245 = arith.constant 0 : index
    %get3A_1246 = tpu.vector_load %arg18[%get3A_1244, %get3A_1245] {strides = array<i32>} : memref<5x128xi32, #tpu.memory_space<vmem>>, vector<16xi32>,
    %gather3A_1247 = tpu.vector_load_idx %arg27[%add3A_1227, %add3A_1242, %get3A_1246] : memref<5x128x16xi32, #tpu.memory_space<vmem>>[vector<16xi32>, vector<16xi32>, vector<16xi32>], vector<16xi32>,
    %swap3A_1248 = arith.constant 4 : i32
    %swap3A_1249 = arith.index_cast %swap3A_1248 : i32 to index
    %swap3A_1250 = arith.constant 0 : index
    %swap3A_1251 = tpu.vector_load %arg20[%swap3A_1249, %swap3A_1250] {strides = array<i32>} : memref<5x128xi32, #tpu.memory_space<vmem>>, vector<16xi32>,
    tpu.vector_store %arg20[%swap3A_1249, %swap3A_1250], %gather3A_1247 {strides = array<i32>} : memref<5x128xi32, #tpu.memory_space<vmem>>, vector<16xi32>,
    %broadcast_in_dim3A_1252 = arith.constant 0 : i32
    %broadcast_in_dim3A_1253 = vector.broadcast %broadcast_in_dim3A_1252 : i32 to vector<16xi32>
    %add3A_1254 = arith.constant 4 : i32
    %add3A_1255 = vector.broadcast %add3A_1254 : i32 to vector<16xi32>
    %add3A_1256 = arith.addi %broadcast_in_dim3A_1253, %add3A_1255 : vector<16xi32>
    %add3A_1257 = arith.constant 16 : i32
    %add3A_1258 = vector.broadcast %add3A_1257 : i32 to vector<16xi32>
    %add3A_1259 = arith.addi %iota3A, %add3A_1258 : vector<16xi32>
    %get3A_1260 = arith.constant 4 : i32
    %get3A_1261 = arith.index_cast %get3A_1260 : i32 to index
    %get3A_1262 = arith.constant 16 : index
    %get3A_1263 = tpu.vector_load %arg16[%get3A_1261, %get3A_1262] {strides = array<i32>} : memref<5x128xi32, #tpu.memory_space<vmem>>, vector<16xi32>,
    %gather3A_1264 = tpu.vector_load_idx %arg26[%add3A_1256, %add3A_1259, %get3A_1263] : memref<5x128x16xi32, #tpu.memory_space<vmem>>[vector<16xi32>, vector<16xi32>, vector<16xi32>], vector<16xi32>,
    %swap3A_1265 = arith.constant 4 : i32
    %swap3A_1266 = arith.index_cast %swap3A_1265 : i32 to index
    %swap3A_1267 = arith.constant 16 : index
    %swap3A_1268 = tpu.vector_load %arg19[%swap3A_1266, %swap3A_1267] {strides = array<i32>} : memref<5x128xi32, #tpu.memory_space<vmem>>, vector<16xi32>,
    tpu.vector_store %arg19[%swap3A_1266, %swap3A_1267], %gather3A_1264 {strides = array<i32>} : memref<5x128xi32, #tpu.memory_space<vmem>>, vector<16xi32>,
    %add3A_1269 = arith.constant 16 : i32
    %add3A_1270 = vector.broadcast %add3A_1269 : i32 to vector<16xi32>
    %add3A_1271 = arith.addi %iota3A, %add3A_1270 : vector<16xi32>
    %get3A_1272 = arith.constant 4 : i32
    %get3A_1273 = arith.index_cast %get3A_1272 : i32 to index
    %get3A_1274 = arith.constant 16 : index
    %get3A_1275 = tpu.vector_load %arg18[%get3A_1273, %get3A_1274] {strides = array<i32>} : memref<5x128xi32, #tpu.memory_space<vmem>>, vector<16xi32>,
    %gather3A_1276 = tpu.vector_load_idx %arg27[%add3A_1256, %add3A_1271, %get3A_1275] : memref<5x128x16xi32, #tpu.memory_space<vmem>>[vector<16xi32>, vector<16xi32>, vector<16xi32>], vector<16xi32>,
    %swap3A_1277 = arith.constant 4 : i32
    %swap3A_1278 = arith.index_cast %swap3A_1277 : i32 to index
    %swap3A_1279 = arith.constant 16 : index
    %swap3A_1280 = tpu.vector_load %arg20[%swap3A_1278, %swap3A_1279] {strides = array<i32>} : memref<5x128xi32, #tpu.memory_space<vmem>>, vector<16xi32>,
    tpu.vector_store %arg20[%swap3A_1278, %swap3A_1279], %gather3A_1276 {strides = array<i32>} : memref<5x128xi32, #tpu.memory_space<vmem>>, vector<16xi32>,
    %broadcast_in_dim3A_1281 = arith.constant 0 : i32
    %broadcast_in_dim3A_1282 = vector.broadcast %broadcast_in_dim3A_1281 : i32 to vector<16xi32>
    %add3A_1283 = arith.constant 4 : i32
    %add3A_1284 = vector.broadcast %add3A_1283 : i32 to vector<16xi32>
    %add3A_1285 = arith.addi %broadcast_in_dim3A_1282, %add3A_1284 : vector<16xi32>
    %add3A_1286 = arith.constant 32 : i32
    %add3A_1287 = vector.broadcast %add3A_1286 : i32 to vector<16xi32>
    %add3A_1288 = arith.addi %iota3A, %add3A_1287 : vector<16xi32>
    %get3A_1289 = arith.constant 4 : i32
    %get3A_1290 = arith.index_cast %get3A_1289 : i32 to index
    %get3A_1291 = arith.constant 32 : index
    %get3A_1292 = tpu.vector_load %arg16[%get3A_1290, %get3A_1291] {strides = array<i32>} : memref<5x128xi32, #tpu.memory_space<vmem>>, vector<16xi32>,
    %gather3A_1293 = tpu.vector_load_idx %arg26[%add3A_1285, %add3A_1288, %get3A_1292] : memref<5x128x16xi32, #tpu.memory_space<vmem>>[vector<16xi32>, vector<16xi32>, vector<16xi32>], vector<16xi32>,
    %swap3A_1294 = arith.constant 4 : i32
    %swap3A_1295 = arith.index_cast %swap3A_1294 : i32 to index
    %swap3A_1296 = arith.constant 32 : index
    %swap3A_1297 = tpu.vector_load %arg19[%swap3A_1295, %swap3A_1296] {strides = array<i32>} : memref<5x128xi32, #tpu.memory_space<vmem>>, vector<16xi32>,
    tpu.vector_store %arg19[%swap3A_1295, %swap3A_1296], %gather3A_1293 {strides = array<i32>} : memref<5x128xi32, #tpu.memory_space<vmem>>, vector<16xi32>,
    %add3A_1298 = arith.constant 32 : i32
    %add3A_1299 = vector.broadcast %add3A_1298 : i32 to vector<16xi32>
    %add3A_1300 = arith.addi %iota3A, %add3A_1299 : vector<16xi32>
    %get3A_1301 = arith.constant 4 : i32
    %get3A_1302 = arith.index_cast %get3A_1301 : i32 to index
    %get3A_1303 = arith.constant 32 : index
    %get3A_1304 = tpu.vector_load %arg18[%get3A_1302, %get3A_1303] {strides = array<i32>} : memref<5x128xi32, #tpu.memory_space<vmem>>, vector<16xi32>,
    %gather3A_1305 = tpu.vector_load_idx %arg27[%add3A_1285, %add3A_1300, %get3A_1304] : memref<5x128x16xi32, #tpu.memory_space<vmem>>[vector<16xi32>, vector<16xi32>, vector<16xi32>], vector<16xi32>,
    %swap3A_1306 = arith.constant 4 : i32
    %swap3A_1307 = arith.index_cast %swap3A_1306 : i32 to index
    %swap3A_1308 = arith.constant 32 : index
    %swap3A_1309 = tpu.vector_load %arg20[%swap3A_1307, %swap3A_1308] {strides = array<i32>} : memref<5x128xi32, #tpu.memory_space<vmem>>, vector<16xi32>,
    tpu.vector_store %arg20[%swap3A_1307, %swap3A_1308], %gather3A_1305 {strides = array<i32>} : memref<5x128xi32, #tpu.memory_space<vmem>>, vector<16xi32>,
    %broadcast_in_dim3A_1310 = arith.constant 0 : i32
    %broadcast_in_dim3A_1311 = vector.broadcast %broadcast_in_dim3A_1310 : i32 to vector<16xi32>
    %add3A_1312 = arith.constant 4 : i32
    %add3A_1313 = vector.broadcast %add3A_1312 : i32 to vector<16xi32>
    %add3A_1314 = arith.addi %broadcast_in_dim3A_1311, %add3A_1313 : vector<16xi32>
    %add3A_1315 = arith.constant 48 : i32
    %add3A_1316 = vector.broadcast %add3A_1315 : i32 to vector<16xi32>
    %add3A_1317 = arith.addi %iota3A, %add3A_1316 : vector<16xi32>
    %get3A_1318 = arith.constant 4 : i32
    %get3A_1319 = arith.index_cast %get3A_1318 : i32 to index
    %get3A_1320 = arith.constant 48 : index
    %get3A_1321 = tpu.vector_load %arg16[%get3A_1319, %get3A_1320] {strides = array<i32>} : memref<5x128xi32, #tpu.memory_space<vmem>>, vector<16xi32>,
    %gather3A_1322 = tpu.vector_load_idx %arg26[%add3A_1314, %add3A_1317, %get3A_1321] : memref<5x128x16xi32, #tpu.memory_space<vmem>>[vector<16xi32>, vector<16xi32>, vector<16xi32>], vector<16xi32>,
    %swap3A_1323 = arith.constant 4 : i32
    %swap3A_1324 = arith.index_cast %swap3A_1323 : i32 to index
    %swap3A_1325 = arith.constant 48 : index
    %swap3A_1326 = tpu.vector_load %arg19[%swap3A_1324, %swap3A_1325] {strides = array<i32>} : memref<5x128xi32, #tpu.memory_space<vmem>>, vector<16xi32>,
    tpu.vector_store %arg19[%swap3A_1324, %swap3A_1325], %gather3A_1322 {strides = array<i32>} : memref<5x128xi32, #tpu.memory_space<vmem>>, vector<16xi32>,
    %add3A_1327 = arith.constant 48 : i32
    %add3A_1328 = vector.broadcast %add3A_1327 : i32 to vector<16xi32>
    %add3A_1329 = arith.addi %iota3A, %add3A_1328 : vector<16xi32>
    %get3A_1330 = arith.constant 4 : i32
    %get3A_1331 = arith.index_cast %get3A_1330 : i32 to index
    %get3A_1332 = arith.constant 48 : index
    %get3A_1333 = tpu.vector_load %arg18[%get3A_1331, %get3A_1332] {strides = array<i32>} : memref<5x128xi32, #tpu.memory_space<vmem>>, vector<16xi32>,
    %gather3A_1334 = tpu.vector_load_idx %arg27[%add3A_1314, %add3A_1329, %get3A_1333] : memref<5x128x16xi32, #tpu.memory_space<vmem>>[vector<16xi32>, vector<16xi32>, vector<16xi32>], vector<16xi32>,
    %swap3A_1335 = arith.constant 4 : i32
    %swap3A_1336 = arith.index_cast %swap3A_1335 : i32 to index
    %swap3A_1337 = arith.constant 48 : index
    %swap3A_1338 = tpu.vector_load %arg20[%swap3A_1336, %swap3A_1337] {strides = array<i32>} : memref<5x128xi32, #tpu.memory_space<vmem>>, vector<16xi32>,
    tpu.vector_store %arg20[%swap3A_1336, %swap3A_1337], %gather3A_1334 {strides = array<i32>} : memref<5x128xi32, #tpu.memory_space<vmem>>, vector<16xi32>,
    %broadcast_in_dim3A_1339 = arith.constant 0 : i32
    %broadcast_in_dim3A_1340 = vector.broadcast %broadcast_in_dim3A_1339 : i32 to vector<16xi32>
    %add3A_1341 = arith.constant 4 : i32
    %add3A_1342 = vector.broadcast %add3A_1341 : i32 to vector<16xi32>
    %add3A_1343 = arith.addi %broadcast_in_dim3A_1340, %add3A_1342 : vector<16xi32>
    %add3A_1344 = arith.constant 64 : i32
    %add3A_1345 = vector.broadcast %add3A_1344 : i32 to vector<16xi32>
    %add3A_1346 = arith.addi %iota3A, %add3A_1345 : vector<16xi32>
    %get3A_1347 = arith.constant 4 : i32
    %get3A_1348 = arith.index_cast %get3A_1347 : i32 to index
    %get3A_1349 = arith.constant 64 : index
    %get3A_1350 = tpu.vector_load %arg16[%get3A_1348, %get3A_1349] {strides = array<i32>} : memref<5x128xi32, #tpu.memory_space<vmem>>, vector<16xi32>,
    %gather3A_1351 = tpu.vector_load_idx %arg26[%add3A_1343, %add3A_1346, %get3A_1350] : memref<5x128x16xi32, #tpu.memory_space<vmem>>[vector<16xi32>, vector<16xi32>, vector<16xi32>], vector<16xi32>,
    %swap3A_1352 = arith.constant 4 : i32
    %swap3A_1353 = arith.index_cast %swap3A_1352 : i32 to index
    %swap3A_1354 = arith.constant 64 : index
    %swap3A_1355 = tpu.vector_load %arg19[%swap3A_1353, %swap3A_1354] {strides = array<i32>} : memref<5x128xi32, #tpu.memory_space<vmem>>, vector<16xi32>,
    tpu.vector_store %arg19[%swap3A_1353, %swap3A_1354], %gather3A_1351 {strides = array<i32>} : memref<5x128xi32, #tpu.memory_space<vmem>>, vector<16xi32>,
    %add3A_1356 = arith.constant 64 : i32
    %add3A_1357 = vector.broadcast %add3A_1356 : i32 to vector<16xi32>
    %add3A_1358 = arith.addi %iota3A, %add3A_1357 : vector<16xi32>
    %get3A_1359 = arith.constant 4 : i32
    %get3A_1360 = arith.index_cast %get3A_1359 : i32 to index
    %get3A_1361 = arith.constant 64 : index
    %get3A_1362 = tpu.vector_load %arg18[%get3A_1360, %get3A_1361] {strides = array<i32>} : memref<5x128xi32, #tpu.memory_space<vmem>>, vector<16xi32>,
    %gather3A_1363 = tpu.vector_load_idx %arg27[%add3A_1343, %add3A_1358, %get3A_1362] : memref<5x128x16xi32, #tpu.memory_space<vmem>>[vector<16xi32>, vector<16xi32>, vector<16xi32>], vector<16xi32>,
    %swap3A_1364 = arith.constant 4 : i32
    %swap3A_1365 = arith.index_cast %swap3A_1364 : i32 to index
    %swap3A_1366 = arith.constant 64 : index
    %swap3A_1367 = tpu.vector_load %arg20[%swap3A_1365, %swap3A_1366] {strides = array<i32>} : memref<5x128xi32, #tpu.memory_space<vmem>>, vector<16xi32>,
    tpu.vector_store %arg20[%swap3A_1365, %swap3A_1366], %gather3A_1363 {strides = array<i32>} : memref<5x128xi32, #tpu.memory_space<vmem>>, vector<16xi32>,
    %broadcast_in_dim3A_1368 = arith.constant 0 : i32
    %broadcast_in_dim3A_1369 = vector.broadcast %broadcast_in_dim3A_1368 : i32 to vector<16xi32>
    %add3A_1370 = arith.constant 4 : i32
    %add3A_1371 = vector.broadcast %add3A_1370 : i32 to vector<16xi32>
    %add3A_1372 = arith.addi %broadcast_in_dim3A_1369, %add3A_1371 : vector<16xi32>
    %add3A_1373 = arith.constant 80 : i32
    %add3A_1374 = vector.broadcast %add3A_1373 : i32 to vector<16xi32>
    %add3A_1375 = arith.addi %iota3A, %add3A_1374 : vector<16xi32>
    %get3A_1376 = arith.constant 4 : i32
    %get3A_1377 = arith.index_cast %get3A_1376 : i32 to index
    %get3A_1378 = arith.constant 80 : index
    %get3A_1379 = tpu.vector_load %arg16[%get3A_1377, %get3A_1378] {strides = array<i32>} : memref<5x128xi32, #tpu.memory_space<vmem>>, vector<16xi32>,
    %gather3A_1380 = tpu.vector_load_idx %arg26[%add3A_1372, %add3A_1375, %get3A_1379] : memref<5x128x16xi32, #tpu.memory_space<vmem>>[vector<16xi32>, vector<16xi32>, vector<16xi32>], vector<16xi32>,
    %swap3A_1381 = arith.constant 4 : i32
    %swap3A_1382 = arith.index_cast %swap3A_1381 : i32 to index
    %swap3A_1383 = arith.constant 80 : index
    %swap3A_1384 = tpu.vector_load %arg19[%swap3A_1382, %swap3A_1383] {strides = array<i32>} : memref<5x128xi32, #tpu.memory_space<vmem>>, vector<16xi32>,
    tpu.vector_store %arg19[%swap3A_1382, %swap3A_1383], %gather3A_1380 {strides = array<i32>} : memref<5x128xi32, #tpu.memory_space<vmem>>, vector<16xi32>,
    %add3A_1385 = arith.constant 80 : i32
    %add3A_1386 = vector.broadcast %add3A_1385 : i32 to vector<16xi32>
    %add3A_1387 = arith.addi %iota3A, %add3A_1386 : vector<16xi32>
    %get3A_1388 = arith.constant 4 : i32
    %get3A_1389 = arith.index_cast %get3A_1388 : i32 to index
    %get3A_1390 = arith.constant 80 : index
    %get3A_1391 = tpu.vector_load %arg18[%get3A_1389, %get3A_1390] {strides = array<i32>} : memref<5x128xi32, #tpu.memory_space<vmem>>, vector<16xi32>,
    %gather3A_1392 = tpu.vector_load_idx %arg27[%add3A_1372, %add3A_1387, %get3A_1391] : memref<5x128x16xi32, #tpu.memory_space<vmem>>[vector<16xi32>, vector<16xi32>, vector<16xi32>], vector<16xi32>,
    %swap3A_1393 = arith.constant 4 : i32
    %swap3A_1394 = arith.index_cast %swap3A_1393 : i32 to index
    %swap3A_1395 = arith.constant 80 : index
    %swap3A_1396 = tpu.vector_load %arg20[%swap3A_1394, %swap3A_1395] {strides = array<i32>} : memref<5x128xi32, #tpu.memory_space<vmem>>, vector<16xi32>,
    tpu.vector_store %arg20[%swap3A_1394, %swap3A_1395], %gather3A_1392 {strides = array<i32>} : memref<5x128xi32, #tpu.memory_space<vmem>>, vector<16xi32>,
    %broadcast_in_dim3A_1397 = arith.constant 0 : i32
    %broadcast_in_dim3A_1398 = vector.broadcast %broadcast_in_dim3A_1397 : i32 to vector<16xi32>
    %add3A_1399 = arith.constant 4 : i32
    %add3A_1400 = vector.broadcast %add3A_1399 : i32 to vector<16xi32>
    %add3A_1401 = arith.addi %broadcast_in_dim3A_1398, %add3A_1400 : vector<16xi32>
    %add3A_1402 = arith.constant 96 : i32
    %add3A_1403 = vector.broadcast %add3A_1402 : i32 to vector<16xi32>
    %add3A_1404 = arith.addi %iota3A, %add3A_1403 : vector<16xi32>
    %get3A_1405 = arith.constant 4 : i32
    %get3A_1406 = arith.index_cast %get3A_1405 : i32 to index
    %get3A_1407 = arith.constant 96 : index
    %get3A_1408 = tpu.vector_load %arg16[%get3A_1406, %get3A_1407] {strides = array<i32>} : memref<5x128xi32, #tpu.memory_space<vmem>>, vector<16xi32>,
    %gather3A_1409 = tpu.vector_load_idx %arg26[%add3A_1401, %add3A_1404, %get3A_1408] : memref<5x128x16xi32, #tpu.memory_space<vmem>>[vector<16xi32>, vector<16xi32>, vector<16xi32>], vector<16xi32>,
    %swap3A_1410 = arith.constant 4 : i32
    %swap3A_1411 = arith.index_cast %swap3A_1410 : i32 to index
    %swap3A_1412 = arith.constant 96 : index
    %swap3A_1413 = tpu.vector_load %arg19[%swap3A_1411, %swap3A_1412] {strides = array<i32>} : memref<5x128xi32, #tpu.memory_space<vmem>>, vector<16xi32>,
    tpu.vector_store %arg19[%swap3A_1411, %swap3A_1412], %gather3A_1409 {strides = array<i32>} : memref<5x128xi32, #tpu.memory_space<vmem>>, vector<16xi32>,
    %add3A_1414 = arith.constant 96 : i32
    %add3A_1415 = vector.broadcast %add3A_1414 : i32 to vector<16xi32>
    %add3A_1416 = arith.addi %iota3A, %add3A_1415 : vector<16xi32>
    %get3A_1417 = arith.constant 4 : i32
    %get3A_1418 = arith.index_cast %get3A_1417 : i32 to index
    %get3A_1419 = arith.constant 96 : index
    %get3A_1420 = tpu.vector_load %arg18[%get3A_1418, %get3A_1419] {strides = array<i32>} : memref<5x128xi32, #tpu.memory_space<vmem>>, vector<16xi32>,
    %gather3A_1421 = tpu.vector_load_idx %arg27[%add3A_1401, %add3A_1416, %get3A_1420] : memref<5x128x16xi32, #tpu.memory_space<vmem>>[vector<16xi32>, vector<16xi32>, vector<16xi32>], vector<16xi32>,
    %swap3A_1422 = arith.constant 4 : i32
    %swap3A_1423 = arith.index_cast %swap3A_1422 : i32 to index
    %swap3A_1424 = arith.constant 96 : index
    %swap3A_1425 = tpu.vector_load %arg20[%swap3A_1423, %swap3A_1424] {strides = array<i32>} : memref<5x128xi32, #tpu.memory_space<vmem>>, vector<16xi32>,
    tpu.vector_store %arg20[%swap3A_1423, %swap3A_1424], %gather3A_1421 {strides = array<i32>} : memref<5x128xi32, #tpu.memory_space<vmem>>, vector<16xi32>,
    %broadcast_in_dim3A_1426 = arith.constant 0 : i32
    %broadcast_in_dim3A_1427 = vector.broadcast %broadcast_in_dim3A_1426 : i32 to vector<16xi32>
    %add3A_1428 = arith.constant 4 : i32
    %add3A_1429 = vector.broadcast %add3A_1428 : i32 to vector<16xi32>
    %add3A_1430 = arith.addi %broadcast_in_dim3A_1427, %add3A_1429 : vector<16xi32>
    %add3A_1431 = arith.constant 112 : i32
    %add3A_1432 = vector.broadcast %add3A_1431 : i32 to vector<16xi32>
    %add3A_1433 = arith.addi %iota3A, %add3A_1432 : vector<16xi32>
    %get3A_1434 = arith.constant 4 : i32
    %get3A_1435 = arith.index_cast %get3A_1434 : i32 to index
    %get3A_1436 = arith.constant 112 : index
    %get3A_1437 = tpu.vector_load %arg16[%get3A_1435, %get3A_1436] {strides = array<i32>} : memref<5x128xi32, #tpu.memory_space<vmem>>, vector<16xi32>,
    %gather3A_1438 = tpu.vector_load_idx %arg26[%add3A_1430, %add3A_1433, %get3A_1437] : memref<5x128x16xi32, #tpu.memory_space<vmem>>[vector<16xi32>, vector<16xi32>, vector<16xi32>], vector<16xi32>,
    %swap3A_1439 = arith.constant 4 : i32
    %swap3A_1440 = arith.index_cast %swap3A_1439 : i32 to index
    %swap3A_1441 = arith.constant 112 : index
    %swap3A_1442 = tpu.vector_load %arg19[%swap3A_1440, %swap3A_1441] {strides = array<i32>} : memref<5x128xi32, #tpu.memory_space<vmem>>, vector<16xi32>,
    tpu.vector_store %arg19[%swap3A_1440, %swap3A_1441], %gather3A_1438 {strides = array<i32>} : memref<5x128xi32, #tpu.memory_space<vmem>>, vector<16xi32>,
    %add3A_1443 = arith.constant 112 : i32
    %add3A_1444 = vector.broadcast %add3A_1443 : i32 to vector<16xi32>
    %add3A_1445 = arith.addi %iota3A, %add3A_1444 : vector<16xi32>
    %get3A_1446 = arith.constant 4 : i32
    %get3A_1447 = arith.index_cast %get3A_1446 : i32 to index
    %get3A_1448 = arith.constant 112 : index
    %get3A_1449 = tpu.vector_load %arg18[%get3A_1447, %get3A_1448] {strides = array<i32>} : memref<5x128xi32, #tpu.memory_space<vmem>>, vector<16xi32>,
    %gather3A_1450 = tpu.vector_load_idx %arg27[%add3A_1430, %add3A_1445, %get3A_1449] : memref<5x128x16xi32, #tpu.memory_space<vmem>>[vector<16xi32>, vector<16xi32>, vector<16xi32>], vector<16xi32>,
    %swap3A_1451 = arith.constant 4 : i32
    %swap3A_1452 = arith.index_cast %swap3A_1451 : i32 to index
    %swap3A_1453 = arith.constant 112 : index
    %swap3A_1454 = tpu.vector_load %arg20[%swap3A_1452, %swap3A_1453] {strides = array<i32>} : memref<5x128xi32, #tpu.memory_space<vmem>>, vector<16xi32>,
    tpu.vector_store %arg20[%swap3A_1452, %swap3A_1453], %gather3A_1450 {strides = array<i32>} : memref<5x128xi32, #tpu.memory_space<vmem>>, vector<16xi32>,
    %dma_start3A_1455 = arith.constant 0 : i32
    %dma_start3A_1456 = arith.constant 0 : i32
    %dma_start3A_1457 = arith.constant 0 : i32
    %dma_start3A_1458 = arith.constant 0 : i32
    %dma_start3A_1459 = tpu.memref_slice %arg30[%dma_start3A_1456, %dma_start3A_1457, %dma_start3A_1458] : memref<2x128x64xf32, #tpu.memory_space<vmem>> -> memref<1x128x64xf32, #tpu.memory_space<vmem>>
    %dma_start3A_1460 = tpu.memref_squeeze %dma_start3A_1459 : memref<1x128x64xf32, #tpu.memory_space<vmem>> -> memref<128x64xf32, #tpu.memory_space<vmem>>
    %dma_start3A_1461 = arith.constant 0 : i32
    %dma_start3A_1462 = tpu.memref_slice %arg19[%dma_start3A_1455, %dma_start3A_1461] : memref<5x128xi32, #tpu.memory_space<vmem>> -> memref<1x128xi32, #tpu.memory_space<vmem>>
    %dma_start3A_1463 = tpu.memref_squeeze %dma_start3A_1462 : memref<1x128xi32, #tpu.memory_space<vmem>> -> memref<128xi32, #tpu.memory_space<vmem>>
    %dma_start3A_1464 = arith.constant 0 : i32
    %dma_start3A_1465 = arith.constant 0 : i32
    %dma_start3A_1466 = tpu.memref_slice %arg2[%dma_start3A_1464, %dma_start3A_1465] : memref<100000x64xf32, #tpu.memory_space<hbm>> -> memref<100000x64xf32, #tpu.memory_space<hbm>>
    tpu.enqueue_indirect_dma source(%dma_start3A_1466 : memref<100000x64xf32, #tpu.memory_space<hbm>>) target(%dma_start3A_1460 : memref<128x64xf32, #tpu.memory_space<vmem>>) offsets(%dma_start3A_1463 : memref<128xi32, #tpu.memory_space<vmem>>) semaphore(%arg36 : memref<!tpu.dma_semaphore, #tpu.memory_space<semaphore_mem>>)
    %dma_start3A_1467 = arith.constant 1 : i32
    %dma_start3A_1468 = arith.constant 1 : i32
    %dma_start3A_1469 = arith.constant 0 : i32
    %dma_start3A_1470 = arith.constant 0 : i32
    %dma_start3A_1471 = tpu.memref_slice %arg30[%dma_start3A_1468, %dma_start3A_1469, %dma_start3A_1470] : memref<2x128x64xf32, #tpu.memory_space<vmem>> -> memref<1x128x64xf32, #tpu.memory_space<vmem>>
    %dma_start3A_1472 = tpu.memref_squeeze %dma_start3A_1471 : memref<1x128x64xf32, #tpu.memory_space<vmem>> -> memref<128x64xf32, #tpu.memory_space<vmem>>
    %dma_start3A_1473 = arith.constant 0 : i32
    %dma_start3A_1474 = tpu.memref_slice %arg19[%dma_start3A_1467, %dma_start3A_1473] : memref<5x128xi32, #tpu.memory_space<vmem>> -> memref<1x128xi32, #tpu.memory_space<vmem>>
    %dma_start3A_1475 = tpu.memref_squeeze %dma_start3A_1474 : memref<1x128xi32, #tpu.memory_space<vmem>> -> memref<128xi32, #tpu.memory_space<vmem>>
    %dma_start3A_1476 = arith.constant 0 : i32
    %dma_start3A_1477 = arith.constant 0 : i32
    %dma_start3A_1478 = tpu.memref_slice %arg2[%dma_start3A_1476, %dma_start3A_1477] : memref<100000x64xf32, #tpu.memory_space<hbm>> -> memref<100000x64xf32, #tpu.memory_space<hbm>>
    tpu.enqueue_indirect_dma source(%dma_start3A_1478 : memref<100000x64xf32, #tpu.memory_space<hbm>>) target(%dma_start3A_1472 : memref<128x64xf32, #tpu.memory_space<vmem>>) offsets(%dma_start3A_1475 : memref<128xi32, #tpu.memory_space<vmem>>) semaphore(%arg37 : memref<!tpu.dma_semaphore, #tpu.memory_space<semaphore_mem>>)
    %dma_start3A_1479 = arith.constant 0 : i32
    %dma_start3A_1480 = arith.constant 0 : i32
    %dma_start3A_1481 = arith.constant 0 : i32
    %dma_start3A_1482 = arith.constant 0 : i32
    %dma_start3A_1483 = tpu.memref_slice %arg31[%dma_start3A_1480, %dma_start3A_1481, %dma_start3A_1482] : memref<2x128x64xf32, #tpu.memory_space<vmem>> -> memref<1x128x64xf32, #tpu.memory_space<vmem>>
    %dma_start3A_1484 = tpu.memref_squeeze %dma_start3A_1483 : memref<1x128x64xf32, #tpu.memory_space<vmem>> -> memref<128x64xf32, #tpu.memory_space<vmem>>
    %dma_start3A_1485 = arith.constant 0 : i32
    %dma_start3A_1486 = tpu.memref_slice %arg20[%dma_start3A_1479, %dma_start3A_1485] : memref<5x128xi32, #tpu.memory_space<vmem>> -> memref<1x128xi32, #tpu.memory_space<vmem>>
    %dma_start3A_1487 = tpu.memref_squeeze %dma_start3A_1486 : memref<1x128xi32, #tpu.memory_space<vmem>> -> memref<128xi32, #tpu.memory_space<vmem>>
    %dma_start3A_1488 = arith.constant 0 : i32
    %dma_start3A_1489 = arith.constant 0 : i32
    %dma_start3A_1490 = tpu.memref_slice %arg3[%dma_start3A_1488, %dma_start3A_1489] : memref<100000x64xf32, #tpu.memory_space<hbm>> -> memref<100000x64xf32, #tpu.memory_space<hbm>>
    tpu.enqueue_indirect_dma source(%dma_start3A_1490 : memref<100000x64xf32, #tpu.memory_space<hbm>>) target(%dma_start3A_1484 : memref<128x64xf32, #tpu.memory_space<vmem>>) offsets(%dma_start3A_1487 : memref<128xi32, #tpu.memory_space<vmem>>) semaphore(%arg38 : memref<!tpu.dma_semaphore, #tpu.memory_space<semaphore_mem>>)
    %dma_start3A_1491 = arith.constant 1 : i32
    %dma_start3A_1492 = arith.constant 1 : i32
    %dma_start3A_1493 = arith.constant 0 : i32
    %dma_start3A_1494 = arith.constant 0 : i32
    %dma_start3A_1495 = tpu.memref_slice %arg31[%dma_start3A_1492, %dma_start3A_1493, %dma_start3A_1494] : memref<2x128x64xf32, #tpu.memory_space<vmem>> -> memref<1x128x64xf32, #tpu.memory_space<vmem>>
    %dma_start3A_1496 = tpu.memref_squeeze %dma_start3A_1495 : memref<1x128x64xf32, #tpu.memory_space<vmem>> -> memref<128x64xf32, #tpu.memory_space<vmem>>
    %dma_start3A_1497 = arith.constant 0 : i32
    %dma_start3A_1498 = tpu.memref_slice %arg20[%dma_start3A_1491, %dma_start3A_1497] : memref<5x128xi32, #tpu.memory_space<vmem>> -> memref<1x128xi32, #tpu.memory_space<vmem>>
    %dma_start3A_1499 = tpu.memref_squeeze %dma_start3A_1498 : memref<1x128xi32, #tpu.memory_space<vmem>> -> memref<128xi32, #tpu.memory_space<vmem>>
    %dma_start3A_1500 = arith.constant 0 : i32
    %dma_start3A_1501 = arith.constant 0 : i32
    %dma_start3A_1502 = tpu.memref_slice %arg3[%dma_start3A_1500, %dma_start3A_1501] : memref<100000x64xf32, #tpu.memory_space<hbm>> -> memref<100000x64xf32, #tpu.memory_space<hbm>>
    tpu.enqueue_indirect_dma source(%dma_start3A_1502 : memref<100000x64xf32, #tpu.memory_space<hbm>>) target(%dma_start3A_1496 : memref<128x64xf32, #tpu.memory_space<vmem>>) offsets(%dma_start3A_1499 : memref<128xi32, #tpu.memory_space<vmem>>) semaphore(%arg39 : memref<!tpu.dma_semaphore, #tpu.memory_space<semaphore_mem>>)
    %dma_wait3A_1503 = arith.constant 0 : i32
    %dma_wait3A_1504 = arith.constant 0 : i32
    %dma_wait3A_1505 = tpu.memref_slice %arg2[%dma_wait3A_1503, %dma_wait3A_1504] : memref<100000x64xf32, #tpu.memory_space<hbm>> -> memref<100000x64xf32, #tpu.memory_space<hbm>>
    tpu.wait_indirect_dma semaphore(%arg35 : memref<!tpu.dma_semaphore, #tpu.memory_space<semaphore_mem>>) src(%dma_wait3A_1505 : memref<100000x64xf32, #tpu.memory_space<hbm>>) dst(%arg28 : memref<128x64xf32, #tpu.memory_space<vmem>>)
    %dma_wait3A_1506 = arith.constant 0 : i32
    %dma_wait3A_1507 = arith.constant 0 : i32
    %dma_wait3A_1508 = tpu.memref_slice %arg3[%dma_wait3A_1506, %dma_wait3A_1507] : memref<100000x64xf32, #tpu.memory_space<hbm>> -> memref<100000x64xf32, #tpu.memory_space<hbm>>
    tpu.wait_indirect_dma semaphore(%arg35 : memref<!tpu.dma_semaphore, #tpu.memory_space<semaphore_mem>>) src(%dma_wait3A_1508 : memref<100000x64xf32, #tpu.memory_space<hbm>>) dst(%arg29 : memref<128x64xf32, #tpu.memory_space<vmem>>)
    %get3A_1509 = arith.constant 0 : index
    %get3A_1510 = tpu.vector_load %arg24[%get3A_1509] {strides = array<i32>} : memref<64xf32, #tpu.memory_space<vmem>>, vector<16xf32>,
    %get3A_1511 = arith.constant 16 : index
    %get3A_1512 = tpu.vector_load %arg24[%get3A_1511] {strides = array<i32>} : memref<64xf32, #tpu.memory_space<vmem>>, vector<16xf32>,
    %get3A_1513 = arith.constant 32 : index
    %get3A_1514 = tpu.vector_load %arg24[%get3A_1513] {strides = array<i32>} : memref<64xf32, #tpu.memory_space<vmem>>, vector<16xf32>,
    %get3A_1515 = arith.constant 48 : index
    %get3A_1516 = tpu.vector_load %arg24[%get3A_1515] {strides = array<i32>} : memref<64xf32, #tpu.memory_space<vmem>>, vector<16xf32>,
    %get3A_1517 = arith.constant 0 : index
    %get3A_1518 = tpu.vector_load %arg25[%get3A_1517] {strides = array<i32>} : memref<64xf32, #tpu.memory_space<vmem>>, vector<16xf32>,
    %get3A_1519 = arith.constant 16 : index
    %get3A_1520 = tpu.vector_load %arg25[%get3A_1519] {strides = array<i32>} : memref<64xf32, #tpu.memory_space<vmem>>, vector<16xf32>,
    %get3A_1521 = arith.constant 32 : index
    %get3A_1522 = tpu.vector_load %arg25[%get3A_1521] {strides = array<i32>} : memref<64xf32, #tpu.memory_space<vmem>>, vector<16xf32>,
    %get3A_1523 = arith.constant 48 : index
    %get3A_1524 = tpu.vector_load %arg25[%get3A_1523] {strides = array<i32>} : memref<64xf32, #tpu.memory_space<vmem>>, vector<16xf32>,
    %broadcast_in_dim3A_1525 = arith.constant 0.000000e+00 : f32
    %broadcast_in_dim3A_1526 = vector.broadcast %broadcast_in_dim3A_1525 : f32 to vector<16xf32>
    %scan3A = arith.constant 0 : i32
    %scan3A_1527 = arith.constant 0 : i32
    %scan3A_1528 = arith.constant 128 : i32
    %scan3A_1529 = arith.addi %scan3A_1527, %scan3A_1528 : i32
    %scan3A_1530 = arith.constant 1 : i32
    scf.for %scan3A_1784 = %scan3A_1527 to %scan3A_1529 step %scan3A_1530  : i32 {
      %broadcast_in_dim3A_1785 = arith.constant 0 : i32
      %broadcast_in_dim3A_1786 = vector.broadcast %broadcast_in_dim3A_1785 : i32 to vector<16xi32>
      %add3A_1787 = vector.broadcast %scan3A_1784 : i32 to vector<16xi32>
      %add3A_1788 = arith.addi %broadcast_in_dim3A_1786, %add3A_1787 : vector<16xi32>
      %gather3A_1789 = tpu.vector_load_idx %arg23[%add3A_1788] : memref<128xi32, #tpu.memory_space<vmem>>[vector<16xi32>], vector<16xi32>,
      %ne3A = arith.constant 0 : i32
      %ne3A_1790 = vector.broadcast %ne3A : i32 to vector<16xi32>
      %ne3A_1791 = arith.cmpi ne, %gather3A_1789, %ne3A_1790 : vector<16xi32>
      %select_n3A = arith.select %ne3A_1791, %get3A_1518, %get3A_1510 : vector<16xi1>, vector<16xf32>
      %ne3A_1792 = arith.constant 0 : i32
      %ne3A_1793 = vector.broadcast %ne3A_1792 : i32 to vector<16xi32>
      %ne3A_1794 = arith.cmpi ne, %gather3A_1789, %ne3A_1793 : vector<16xi32>
      %select_n3A_1795 = arith.select %ne3A_1794, %get3A_1520, %get3A_1512 : vector<16xi1>, vector<16xf32>
      %ne3A_1796 = arith.constant 0 : i32
      %ne3A_1797 = vector.broadcast %ne3A_1796 : i32 to vector<16xi32>
      %ne3A_1798 = arith.cmpi ne, %gather3A_1789, %ne3A_1797 : vector<16xi32>
      %select_n3A_1799 = arith.select %ne3A_1798, %get3A_1522, %get3A_1514 : vector<16xi1>, vector<16xf32>
      %ne3A_1800 = arith.constant 0 : i32
      %ne3A_1801 = vector.broadcast %ne3A_1800 : i32 to vector<16xi32>
      %ne3A_1802 = arith.cmpi ne, %gather3A_1789, %ne3A_1801 : vector<16xi32>
      %select_n3A_1803 = arith.select %ne3A_1802, %get3A_1524, %get3A_1516 : vector<16xi1>, vector<16xf32>
      %get3A_1804 = arith.index_cast %scan3A_1784 : i32 to index
      %get3A_1805 = arith.constant 0 : index
      %get3A_1806 = tpu.vector_load %arg28[%get3A_1804, %get3A_1805] {strides = array<i32>} : memref<128x64xf32, #tpu.memory_space<vmem>>, vector<16xf32>,
      %get3A_1807 = arith.index_cast %scan3A_1784 : i32 to index
      %get3A_1808 = arith.constant 0 : index
      %get3A_1809 = tpu.vector_load %arg29[%get3A_1807, %get3A_1808] {strides = array<i32>} : memref<128x64xf32, #tpu.memory_space<vmem>>, vector<16xf32>,
      %mul3A_1810 = arith.mulf %get3A_1809, %select_n3A : vector<16xf32>
      %mul3A_1811 = arith.mulf %get3A_1806, %mul3A_1810 : vector<16xf32>
      %add3A_1812 = arith.addf %broadcast_in_dim3A_1526, %mul3A_1811 : vector<16xf32>
      %mul3A_1813 = arith.mulf %get3A_1806, %get3A_1806 : vector<16xf32>
      %add3A_1814 = arith.addf %broadcast_in_dim3A_1526, %mul3A_1813 : vector<16xf32>
      %mul3A_1815 = arith.mulf %get3A_1809, %get3A_1809 : vector<16xf32>
      %add3A_1816 = arith.addf %broadcast_in_dim3A_1526, %mul3A_1815 : vector<16xf32>
      %get3A_1817 = arith.index_cast %scan3A_1784 : i32 to index
      %get3A_1818 = arith.constant 16 : index
      %get3A_1819 = tpu.vector_load %arg28[%get3A_1817, %get3A_1818] {strides = array<i32>} : memref<128x64xf32, #tpu.memory_space<vmem>>, vector<16xf32>,
      %get3A_1820 = arith.index_cast %scan3A_1784 : i32 to index
      %get3A_1821 = arith.constant 16 : index
      %get3A_1822 = tpu.vector_load %arg29[%get3A_1820, %get3A_1821] {strides = array<i32>} : memref<128x64xf32, #tpu.memory_space<vmem>>, vector<16xf32>,
      %mul3A_1823 = arith.mulf %get3A_1822, %select_n3A_1795 : vector<16xf32>
      %mul3A_1824 = arith.mulf %get3A_1819, %mul3A_1823 : vector<16xf32>
      %add3A_1825 = arith.addf %add3A_1812, %mul3A_1824 : vector<16xf32>
      %mul3A_1826 = arith.mulf %get3A_1819, %get3A_1819 : vector<16xf32>
      %add3A_1827 = arith.addf %add3A_1814, %mul3A_1826 : vector<16xf32>
      %mul3A_1828 = arith.mulf %get3A_1822, %get3A_1822 : vector<16xf32>
      %add3A_1829 = arith.addf %add3A_1816, %mul3A_1828 : vector<16xf32>
      %get3A_1830 = arith.index_cast %scan3A_1784 : i32 to index
      %get3A_1831 = arith.constant 32 : index
      %get3A_1832 = tpu.vector_load %arg28[%get3A_1830, %get3A_1831] {strides = array<i32>} : memref<128x64xf32, #tpu.memory_space<vmem>>, vector<16xf32>,
      %get3A_1833 = arith.index_cast %scan3A_1784 : i32 to index
      %get3A_1834 = arith.constant 32 : index
      %get3A_1835 = tpu.vector_load %arg29[%get3A_1833, %get3A_1834] {strides = array<i32>} : memref<128x64xf32, #tpu.memory_space<vmem>>, vector<16xf32>,
      %mul3A_1836 = arith.mulf %get3A_1835, %select_n3A_1799 : vector<16xf32>
      %mul3A_1837 = arith.mulf %get3A_1832, %mul3A_1836 : vector<16xf32>
      %add3A_1838 = arith.addf %add3A_1825, %mul3A_1837 : vector<16xf32>
      %mul3A_1839 = arith.mulf %get3A_1832, %get3A_1832 : vector<16xf32>
      %add3A_1840 = arith.addf %add3A_1827, %mul3A_1839 : vector<16xf32>
      %mul3A_1841 = arith.mulf %get3A_1835, %get3A_1835 : vector<16xf32>
      %add3A_1842 = arith.addf %add3A_1829, %mul3A_1841 : vector<16xf32>
      %get3A_1843 = arith.index_cast %scan3A_1784 : i32 to index
      %get3A_1844 = arith.constant 48 : index
      %get3A_1845 = tpu.vector_load %arg28[%get3A_1843, %get3A_1844] {strides = array<i32>} : memref<128x64xf32, #tpu.memory_space<vmem>>, vector<16xf32>,
      %get3A_1846 = arith.index_cast %scan3A_1784 : i32 to index
      %get3A_1847 = arith.constant 48 : index
      %get3A_1848 = tpu.vector_load %arg29[%get3A_1846, %get3A_1847] {strides = array<i32>} : memref<128x64xf32, #tpu.memory_space<vmem>>, vector<16xf32>,
      %mul3A_1849 = arith.mulf %get3A_1848, %select_n3A_1803 : vector<16xf32>
      %mul3A_1850 = arith.mulf %get3A_1845, %mul3A_1849 : vector<16xf32>
      %add3A_1851 = arith.addf %add3A_1838, %mul3A_1850 : vector<16xf32>
      %mul3A_1852 = arith.mulf %get3A_1845, %get3A_1845 : vector<16xf32>
      %add3A_1853 = arith.addf %add3A_1840, %mul3A_1852 : vector<16xf32>
      %mul3A_1854 = arith.mulf %get3A_1848, %get3A_1848 : vector<16xf32>
      %add3A_1855 = arith.addf %add3A_1842, %mul3A_1854 : vector<16xf32>
      %swap3A_1856 = arith.constant 0 : i32
      %swap3A_1857 = arith.index_cast %scan3A_1784 : i32 to index
      %swap3A_1858 = arith.index_cast %swap3A_1856 : i32 to index
      %swap3A_1859 = arith.constant 0 : index
      %swap3A_1860 = tpu.vector_load %arg32[%swap3A_1857, %swap3A_1858, %swap3A_1859] {strides = array<i32>} : memref<128x15x16xf32, #tpu.memory_space<vmem>>, vector<16xf32>,
      tpu.vector_store %arg32[%swap3A_1857, %swap3A_1858, %swap3A_1859], %add3A_1851 {strides = array<i32>} : memref<128x15x16xf32, #tpu.memory_space<vmem>>, vector<16xf32>,
      %swap3A_1861 = arith.constant 11 : i32
      %swap3A_1862 = arith.index_cast %scan3A_1784 : i32 to index
      %swap3A_1863 = arith.index_cast %swap3A_1861 : i32 to index
      %swap3A_1864 = arith.constant 0 : index
      %swap3A_1865 = tpu.vector_load %arg32[%swap3A_1862, %swap3A_1863, %swap3A_1864] {strides = array<i32>} : memref<128x15x16xf32, #tpu.memory_space<vmem>>, vector<16xf32>,
      tpu.vector_store %arg32[%swap3A_1862, %swap3A_1863, %swap3A_1864], %add3A_1853 {strides = array<i32>} : memref<128x15x16xf32, #tpu.memory_space<vmem>>, vector<16xf32>,
      %swap3A_1866 = arith.constant 12 : i32
      %swap3A_1867 = arith.index_cast %scan3A_1784 : i32 to index
      %swap3A_1868 = arith.index_cast %swap3A_1866 : i32 to index
      %swap3A_1869 = arith.constant 0 : index
      %swap3A_1870 = tpu.vector_load %arg32[%swap3A_1867, %swap3A_1868, %swap3A_1869] {strides = array<i32>} : memref<128x15x16xf32, #tpu.memory_space<vmem>>, vector<16xf32>,
      tpu.vector_store %arg32[%swap3A_1867, %swap3A_1868, %swap3A_1869], %add3A_1855 {strides = array<i32>} : memref<128x15x16xf32, #tpu.memory_space<vmem>>, vector<16xf32>,
      %swap3A_1871 = arith.constant 13 : i32
      %swap3A_1872 = arith.index_cast %scan3A_1784 : i32 to index
      %swap3A_1873 = arith.index_cast %swap3A_1871 : i32 to index
      %swap3A_1874 = arith.constant 0 : index
      %swap3A_1875 = tpu.vector_load %arg32[%swap3A_1872, %swap3A_1873, %swap3A_1874] {strides = array<i32>} : memref<128x15x16xf32, #tpu.memory_space<vmem>>, vector<16xf32>,
      tpu.vector_store %arg32[%swap3A_1872, %swap3A_1873, %swap3A_1874], %broadcast_in_dim3A_1526 {strides = array<i32>} : memref<128x15x16xf32, #tpu.memory_space<vmem>>, vector<16xf32>,
      %swap3A_1876 = arith.constant 14 : i32
      %swap3A_1877 = arith.index_cast %scan3A_1784 : i32 to index
      %swap3A_1878 = arith.index_cast %swap3A_1876 : i32 to index
      %swap3A_1879 = arith.constant 0 : index
      %swap3A_1880 = tpu.vector_load %arg32[%swap3A_1877, %swap3A_1878, %swap3A_1879] {strides = array<i32>} : memref<128x15x16xf32, #tpu.memory_space<vmem>>, vector<16xf32>,
      tpu.vector_store %arg32[%swap3A_1877, %swap3A_1878, %swap3A_1879], %broadcast_in_dim3A_1526 {strides = array<i32>} : memref<128x15x16xf32, #tpu.memory_space<vmem>>, vector<16xf32>,
    }
    %scan3A_1531 = arith.constant 128 : i32
    %dma_wait3A_1532 = arith.constant 0 : i32
    %dma_wait3A_1533 = arith.constant 0 : i32
    %dma_wait3A_1534 = arith.constant 0 : i32
    %dma_wait3A_1535 = arith.constant 0 : i32
    %dma_wait3A_1536 = tpu.memref_slice %arg30[%dma_wait3A_1533, %dma_wait3A_1534, %dma_wait3A_1535] : memref<2x128x64xf32, #tpu.memory_space<vmem>> -> memref<1x128x64xf32, #tpu.memory_space<vmem>>
    %dma_wait3A_1537 = tpu.memref_squeeze %dma_wait3A_1536 : memref<1x128x64xf32, #tpu.memory_space<vmem>> -> memref<128x64xf32, #tpu.memory_space<vmem>>
    %dma_wait3A_1538 = arith.constant 0 : i32
    %dma_wait3A_1539 = tpu.memref_slice %arg19[%dma_wait3A_1532, %dma_wait3A_1538] : memref<5x128xi32, #tpu.memory_space<vmem>> -> memref<1x128xi32, #tpu.memory_space<vmem>>
    %dma_wait3A_1540 = tpu.memref_squeeze %dma_wait3A_1539 : memref<1x128xi32, #tpu.memory_space<vmem>> -> memref<128xi32, #tpu.memory_space<vmem>>
    %dma_wait3A_1541 = arith.constant 0 : i32
    %dma_wait3A_1542 = arith.constant 0 : i32
    %dma_wait3A_1543 = tpu.memref_slice %arg2[%dma_wait3A_1541, %dma_wait3A_1542] : memref<100000x64xf32, #tpu.memory_space<hbm>> -> memref<100000x64xf32, #tpu.memory_space<hbm>>
    tpu.wait_indirect_dma semaphore(%arg36 : memref<!tpu.dma_semaphore, #tpu.memory_space<semaphore_mem>>) src(%dma_wait3A_1543 : memref<100000x64xf32, #tpu.memory_space<hbm>>) dst(%dma_wait3A_1537 : memref<128x64xf32, #tpu.memory_space<vmem>>)
    %scan3A_1544 = arith.constant 0 : i32
    %scan3A_1545 = arith.constant 0 : i32
    %scan3A_1546 = arith.constant 128 : i32
    %scan3A_1547 = arith.addi %scan3A_1545, %scan3A_1546 : i32
    %scan3A_1548 = arith.constant 1 : i32
    scf.for %scan3A_1784 = %scan3A_1545 to %scan3A_1547 step %scan3A_1548  : i32 {
      %broadcast_in_dim3A_1785 = arith.constant 0 : i32
      %broadcast_in_dim3A_1786 = vector.broadcast %broadcast_in_dim3A_1785 : i32 to vector<16xi32>
      %add3A_1787 = vector.broadcast %scan3A_1784 : i32 to vector<16xi32>
      %add3A_1788 = arith.addi %broadcast_in_dim3A_1786, %add3A_1787 : vector<16xi32>
      %gather3A_1789 = tpu.vector_load_idx %arg23[%add3A_1788] : memref<128xi32, #tpu.memory_space<vmem>>[vector<16xi32>], vector<16xi32>,
      %ne3A = arith.constant 0 : i32
      %ne3A_1790 = vector.broadcast %ne3A : i32 to vector<16xi32>
      %ne3A_1791 = arith.cmpi ne, %gather3A_1789, %ne3A_1790 : vector<16xi32>
      %select_n3A = arith.select %ne3A_1791, %get3A_1518, %get3A_1510 : vector<16xi1>, vector<16xf32>
      %ne3A_1792 = arith.constant 0 : i32
      %ne3A_1793 = vector.broadcast %ne3A_1792 : i32 to vector<16xi32>
      %ne3A_1794 = arith.cmpi ne, %gather3A_1789, %ne3A_1793 : vector<16xi32>
      %select_n3A_1795 = arith.select %ne3A_1794, %get3A_1520, %get3A_1512 : vector<16xi1>, vector<16xf32>
      %ne3A_1796 = arith.constant 0 : i32
      %ne3A_1797 = vector.broadcast %ne3A_1796 : i32 to vector<16xi32>
      %ne3A_1798 = arith.cmpi ne, %gather3A_1789, %ne3A_1797 : vector<16xi32>
      %select_n3A_1799 = arith.select %ne3A_1798, %get3A_1522, %get3A_1514 : vector<16xi1>, vector<16xf32>
      %ne3A_1800 = arith.constant 0 : i32
      %ne3A_1801 = vector.broadcast %ne3A_1800 : i32 to vector<16xi32>
      %ne3A_1802 = arith.cmpi ne, %gather3A_1789, %ne3A_1801 : vector<16xi32>
      %select_n3A_1803 = arith.select %ne3A_1802, %get3A_1524, %get3A_1516 : vector<16xi1>, vector<16xf32>
      %get3A_1804 = arith.constant 0 : i32
      %get3A_1805 = arith.index_cast %get3A_1804 : i32 to index
      %get3A_1806 = arith.index_cast %scan3A_1784 : i32 to index
      %get3A_1807 = arith.constant 0 : index
      %get3A_1808 = tpu.vector_load %arg30[%get3A_1805, %get3A_1806, %get3A_1807] {strides = array<i32>} : memref<2x128x64xf32, #tpu.memory_space<vmem>>, vector<16xf32>,
      %get3A_1809 = arith.index_cast %scan3A_1784 : i32 to index
      %get3A_1810 = arith.constant 0 : index
      %get3A_1811 = tpu.vector_load %arg29[%get3A_1809, %get3A_1810] {strides = array<i32>} : memref<128x64xf32, #tpu.memory_space<vmem>>, vector<16xf32>,
      %mul3A_1812 = arith.mulf %get3A_1811, %select_n3A : vector<16xf32>
      %mul3A_1813 = arith.mulf %get3A_1808, %mul3A_1812 : vector<16xf32>
      %add3A_1814 = arith.addf %broadcast_in_dim3A_1526, %mul3A_1813 : vector<16xf32>
      %mul3A_1815 = arith.mulf %get3A_1808, %get3A_1808 : vector<16xf32>
      %add3A_1816 = arith.addf %broadcast_in_dim3A_1526, %mul3A_1815 : vector<16xf32>
      %get3A_1817 = arith.constant 0 : i32
      %get3A_1818 = arith.index_cast %get3A_1817 : i32 to index
      %get3A_1819 = arith.index_cast %scan3A_1784 : i32 to index
      %get3A_1820 = arith.constant 16 : index
      %get3A_1821 = tpu.vector_load %arg30[%get3A_1818, %get3A_1819, %get3A_1820] {strides = array<i32>} : memref<2x128x64xf32, #tpu.memory_space<vmem>>, vector<16xf32>,
      %get3A_1822 = arith.index_cast %scan3A_1784 : i32 to index
      %get3A_1823 = arith.constant 16 : index
      %get3A_1824 = tpu.vector_load %arg29[%get3A_1822, %get3A_1823] {strides = array<i32>} : memref<128x64xf32, #tpu.memory_space<vmem>>, vector<16xf32>,
      %mul3A_1825 = arith.mulf %get3A_1824, %select_n3A_1795 : vector<16xf32>
      %mul3A_1826 = arith.mulf %get3A_1821, %mul3A_1825 : vector<16xf32>
      %add3A_1827 = arith.addf %add3A_1814, %mul3A_1826 : vector<16xf32>
      %mul3A_1828 = arith.mulf %get3A_1821, %get3A_1821 : vector<16xf32>
      %add3A_1829 = arith.addf %add3A_1816, %mul3A_1828 : vector<16xf32>
      %get3A_1830 = arith.constant 0 : i32
      %get3A_1831 = arith.index_cast %get3A_1830 : i32 to index
      %get3A_1832 = arith.index_cast %scan3A_1784 : i32 to index
      %get3A_1833 = arith.constant 32 : index
      %get3A_1834 = tpu.vector_load %arg30[%get3A_1831, %get3A_1832, %get3A_1833] {strides = array<i32>} : memref<2x128x64xf32, #tpu.memory_space<vmem>>, vector<16xf32>,
      %get3A_1835 = arith.index_cast %scan3A_1784 : i32 to index
      %get3A_1836 = arith.constant 32 : index
      %get3A_1837 = tpu.vector_load %arg29[%get3A_1835, %get3A_1836] {strides = array<i32>} : memref<128x64xf32, #tpu.memory_space<vmem>>, vector<16xf32>,
      %mul3A_1838 = arith.mulf %get3A_1837, %select_n3A_1799 : vector<16xf32>
      %mul3A_1839 = arith.mulf %get3A_1834, %mul3A_1838 : vector<16xf32>
      %add3A_1840 = arith.addf %add3A_1827, %mul3A_1839 : vector<16xf32>
      %mul3A_1841 = arith.mulf %get3A_1834, %get3A_1834 : vector<16xf32>
      %add3A_1842 = arith.addf %add3A_1829, %mul3A_1841 : vector<16xf32>
      %get3A_1843 = arith.constant 0 : i32
      %get3A_1844 = arith.index_cast %get3A_1843 : i32 to index
      %get3A_1845 = arith.index_cast %scan3A_1784 : i32 to index
      %get3A_1846 = arith.constant 48 : index
      %get3A_1847 = tpu.vector_load %arg30[%get3A_1844, %get3A_1845, %get3A_1846] {strides = array<i32>} : memref<2x128x64xf32, #tpu.memory_space<vmem>>, vector<16xf32>,
      %get3A_1848 = arith.index_cast %scan3A_1784 : i32 to index
      %get3A_1849 = arith.constant 48 : index
      %get3A_1850 = tpu.vector_load %arg29[%get3A_1848, %get3A_1849] {strides = array<i32>} : memref<128x64xf32, #tpu.memory_space<vmem>>, vector<16xf32>,
      %mul3A_1851 = arith.mulf %get3A_1850, %select_n3A_1803 : vector<16xf32>
      %mul3A_1852 = arith.mulf %get3A_1847, %mul3A_1851 : vector<16xf32>
      %add3A_1853 = arith.addf %add3A_1840, %mul3A_1852 : vector<16xf32>
      %mul3A_1854 = arith.mulf %get3A_1847, %get3A_1847 : vector<16xf32>
      %add3A_1855 = arith.addf %add3A_1842, %mul3A_1854 : vector<16xf32>
      %swap3A_1856 = arith.constant 1 : i32
      %swap3A_1857 = arith.index_cast %scan3A_1784 : i32 to index
      %swap3A_1858 = arith.index_cast %swap3A_1856 : i32 to index
      %swap3A_1859 = arith.constant 0 : index
      %swap3A_1860 = tpu.vector_load %arg32[%swap3A_1857, %swap3A_1858, %swap3A_1859] {strides = array<i32>} : memref<128x15x16xf32, #tpu.memory_space<vmem>>, vector<16xf32>,
      tpu.vector_store %arg32[%swap3A_1857, %swap3A_1858, %swap3A_1859], %add3A_1853 {strides = array<i32>} : memref<128x15x16xf32, #tpu.memory_space<vmem>>, vector<16xf32>,
      %get3A_1861 = arith.constant 13 : i32
      %get3A_1862 = arith.index_cast %scan3A_1784 : i32 to index
      %get3A_1863 = arith.index_cast %get3A_1861 : i32 to index
      %get3A_1864 = arith.constant 0 : index
      %get3A_1865 = tpu.vector_load %arg32[%get3A_1862, %get3A_1863, %get3A_1864] {strides = array<i32>} : memref<128x15x16xf32, #tpu.memory_space<vmem>>, vector<16xf32>,
      %add3A_1866 = arith.addf %get3A_1865, %add3A_1855 : vector<16xf32>
      %swap3A_1867 = arith.constant 13 : i32
      %swap3A_1868 = arith.index_cast %scan3A_1784 : i32 to index
      %swap3A_1869 = arith.index_cast %swap3A_1867 : i32 to index
      %swap3A_1870 = arith.constant 0 : index
      %swap3A_1871 = tpu.vector_load %arg32[%swap3A_1868, %swap3A_1869, %swap3A_1870] {strides = array<i32>} : memref<128x15x16xf32, #tpu.memory_space<vmem>>, vector<16xf32>,
      tpu.vector_store %arg32[%swap3A_1868, %swap3A_1869, %swap3A_1870], %add3A_1866 {strides = array<i32>} : memref<128x15x16xf32, #tpu.memory_space<vmem>>, vector<16xf32>,
    }
    %scan3A_1549 = arith.constant 128 : i32
    %dma_start3A_1550 = arith.constant 2 : i32
    %dma_start3A_1551 = arith.constant 0 : i32
    %dma_start3A_1552 = arith.constant 0 : i32
    %dma_start3A_1553 = arith.constant 0 : i32
    %dma_start3A_1554 = tpu.memref_slice %arg30[%dma_start3A_1551, %dma_start3A_1552, %dma_start3A_1553] : memref<2x128x64xf32, #tpu.memory_space<vmem>> -> memref<1x128x64xf32, #tpu.memory_space<vmem>>
    %dma_start3A_1555 = tpu.memref_squeeze %dma_start3A_1554 : memref<1x128x64xf32, #tpu.memory_space<vmem>> -> memref<128x64xf32, #tpu.memory_space<vmem>>
    %dma_start3A_1556 = arith.constant 0 : i32
    %dma_start3A_1557 = tpu.memref_slice %arg19[%dma_start3A_1550, %dma_start3A_1556] : memref<5x128xi32, #tpu.memory_space<vmem>> -> memref<1x128xi32, #tpu.memory_space<vmem>>
    %dma_start3A_1558 = tpu.memref_squeeze %dma_start3A_1557 : memref<1x128xi32, #tpu.memory_space<vmem>> -> memref<128xi32, #tpu.memory_space<vmem>>
    %dma_start3A_1559 = arith.constant 0 : i32
    %dma_start3A_1560 = arith.constant 0 : i32
    %dma_start3A_1561 = tpu.memref_slice %arg2[%dma_start3A_1559, %dma_start3A_1560] : memref<100000x64xf32, #tpu.memory_space<hbm>> -> memref<100000x64xf32, #tpu.memory_space<hbm>>
    tpu.enqueue_indirect_dma source(%dma_start3A_1561 : memref<100000x64xf32, #tpu.memory_space<hbm>>) target(%dma_start3A_1555 : memref<128x64xf32, #tpu.memory_space<vmem>>) offsets(%dma_start3A_1558 : memref<128xi32, #tpu.memory_space<vmem>>) semaphore(%arg36 : memref<!tpu.dma_semaphore, #tpu.memory_space<semaphore_mem>>)
    %dma_wait3A_1562 = arith.constant 0 : i32
    %dma_wait3A_1563 = arith.constant 0 : i32
    %dma_wait3A_1564 = arith.constant 0 : i32
    %dma_wait3A_1565 = arith.constant 0 : i32
    %dma_wait3A_1566 = tpu.memref_slice %arg31[%dma_wait3A_1563, %dma_wait3A_1564, %dma_wait3A_1565] : memref<2x128x64xf32, #tpu.memory_space<vmem>> -> memref<1x128x64xf32, #tpu.memory_space<vmem>>
    %dma_wait3A_1567 = tpu.memref_squeeze %dma_wait3A_1566 : memref<1x128x64xf32, #tpu.memory_space<vmem>> -> memref<128x64xf32, #tpu.memory_space<vmem>>
    %dma_wait3A_1568 = arith.constant 0 : i32
    %dma_wait3A_1569 = tpu.memref_slice %arg20[%dma_wait3A_1562, %dma_wait3A_1568] : memref<5x128xi32, #tpu.memory_space<vmem>> -> memref<1x128xi32, #tpu.memory_space<vmem>>
    %dma_wait3A_1570 = tpu.memref_squeeze %dma_wait3A_1569 : memref<1x128xi32, #tpu.memory_space<vmem>> -> memref<128xi32, #tpu.memory_space<vmem>>
    %dma_wait3A_1571 = arith.constant 0 : i32
    %dma_wait3A_1572 = arith.constant 0 : i32
    %dma_wait3A_1573 = tpu.memref_slice %arg3[%dma_wait3A_1571, %dma_wait3A_1572] : memref<100000x64xf32, #tpu.memory_space<hbm>> -> memref<100000x64xf32, #tpu.memory_space<hbm>>
    tpu.wait_indirect_dma semaphore(%arg38 : memref<!tpu.dma_semaphore, #tpu.memory_space<semaphore_mem>>) src(%dma_wait3A_1573 : memref<100000x64xf32, #tpu.memory_space<hbm>>) dst(%dma_wait3A_1567 : memref<128x64xf32, #tpu.memory_space<vmem>>)
    %scan3A_1574 = arith.constant 0 : i32
    %scan3A_1575 = arith.constant 0 : i32
    %scan3A_1576 = arith.constant 128 : i32
    %scan3A_1577 = arith.addi %scan3A_1575, %scan3A_1576 : i32
    %scan3A_1578 = arith.constant 1 : i32
    scf.for %scan3A_1784 = %scan3A_1575 to %scan3A_1577 step %scan3A_1578  : i32 {
      %broadcast_in_dim3A_1785 = arith.constant 0 : i32
      %broadcast_in_dim3A_1786 = vector.broadcast %broadcast_in_dim3A_1785 : i32 to vector<16xi32>
      %add3A_1787 = vector.broadcast %scan3A_1784 : i32 to vector<16xi32>
      %add3A_1788 = arith.addi %broadcast_in_dim3A_1786, %add3A_1787 : vector<16xi32>
      %gather3A_1789 = tpu.vector_load_idx %arg23[%add3A_1788] : memref<128xi32, #tpu.memory_space<vmem>>[vector<16xi32>], vector<16xi32>,
      %ne3A = arith.constant 0 : i32
      %ne3A_1790 = vector.broadcast %ne3A : i32 to vector<16xi32>
      %ne3A_1791 = arith.cmpi ne, %gather3A_1789, %ne3A_1790 : vector<16xi32>
      %select_n3A = arith.select %ne3A_1791, %get3A_1518, %get3A_1510 : vector<16xi1>, vector<16xf32>
      %ne3A_1792 = arith.constant 0 : i32
      %ne3A_1793 = vector.broadcast %ne3A_1792 : i32 to vector<16xi32>
      %ne3A_1794 = arith.cmpi ne, %gather3A_1789, %ne3A_1793 : vector<16xi32>
      %select_n3A_1795 = arith.select %ne3A_1794, %get3A_1520, %get3A_1512 : vector<16xi1>, vector<16xf32>
      %ne3A_1796 = arith.constant 0 : i32
      %ne3A_1797 = vector.broadcast %ne3A_1796 : i32 to vector<16xi32>
      %ne3A_1798 = arith.cmpi ne, %gather3A_1789, %ne3A_1797 : vector<16xi32>
      %select_n3A_1799 = arith.select %ne3A_1798, %get3A_1522, %get3A_1514 : vector<16xi1>, vector<16xf32>
      %ne3A_1800 = arith.constant 0 : i32
      %ne3A_1801 = vector.broadcast %ne3A_1800 : i32 to vector<16xi32>
      %ne3A_1802 = arith.cmpi ne, %gather3A_1789, %ne3A_1801 : vector<16xi32>
      %select_n3A_1803 = arith.select %ne3A_1802, %get3A_1524, %get3A_1516 : vector<16xi1>, vector<16xf32>
      %get3A_1804 = arith.constant 0 : i32
      %get3A_1805 = arith.index_cast %get3A_1804 : i32 to index
      %get3A_1806 = arith.index_cast %scan3A_1784 : i32 to index
      %get3A_1807 = arith.constant 0 : index
      %get3A_1808 = tpu.vector_load %arg31[%get3A_1805, %get3A_1806, %get3A_1807] {strides = array<i32>} : memref<2x128x64xf32, #tpu.memory_space<vmem>>, vector<16xf32>,
      %get3A_1809 = arith.index_cast %scan3A_1784 : i32 to index
      %get3A_1810 = arith.constant 0 : index
      %get3A_1811 = tpu.vector_load %arg28[%get3A_1809, %get3A_1810] {strides = array<i32>} : memref<128x64xf32, #tpu.memory_space<vmem>>, vector<16xf32>,
      %mul3A_1812 = arith.mulf %get3A_1811, %select_n3A : vector<16xf32>
      %mul3A_1813 = arith.mulf %get3A_1808, %mul3A_1812 : vector<16xf32>
      %add3A_1814 = arith.addf %broadcast_in_dim3A_1526, %mul3A_1813 : vector<16xf32>
      %mul3A_1815 = arith.mulf %get3A_1808, %get3A_1808 : vector<16xf32>
      %add3A_1816 = arith.addf %broadcast_in_dim3A_1526, %mul3A_1815 : vector<16xf32>
      %get3A_1817 = arith.constant 0 : i32
      %get3A_1818 = arith.index_cast %get3A_1817 : i32 to index
      %get3A_1819 = arith.index_cast %scan3A_1784 : i32 to index
      %get3A_1820 = arith.constant 16 : index
      %get3A_1821 = tpu.vector_load %arg31[%get3A_1818, %get3A_1819, %get3A_1820] {strides = array<i32>} : memref<2x128x64xf32, #tpu.memory_space<vmem>>, vector<16xf32>,
      %get3A_1822 = arith.index_cast %scan3A_1784 : i32 to index
      %get3A_1823 = arith.constant 16 : index
      %get3A_1824 = tpu.vector_load %arg28[%get3A_1822, %get3A_1823] {strides = array<i32>} : memref<128x64xf32, #tpu.memory_space<vmem>>, vector<16xf32>,
      %mul3A_1825 = arith.mulf %get3A_1824, %select_n3A_1795 : vector<16xf32>
      %mul3A_1826 = arith.mulf %get3A_1821, %mul3A_1825 : vector<16xf32>
      %add3A_1827 = arith.addf %add3A_1814, %mul3A_1826 : vector<16xf32>
      %mul3A_1828 = arith.mulf %get3A_1821, %get3A_1821 : vector<16xf32>
      %add3A_1829 = arith.addf %add3A_1816, %mul3A_1828 : vector<16xf32>
      %get3A_1830 = arith.constant 0 : i32
      %get3A_1831 = arith.index_cast %get3A_1830 : i32 to index
      %get3A_1832 = arith.index_cast %scan3A_1784 : i32 to index
      %get3A_1833 = arith.constant 32 : index
      %get3A_1834 = tpu.vector_load %arg31[%get3A_1831, %get3A_1832, %get3A_1833] {strides = array<i32>} : memref<2x128x64xf32, #tpu.memory_space<vmem>>, vector<16xf32>,
      %get3A_1835 = arith.index_cast %scan3A_1784 : i32 to index
      %get3A_1836 = arith.constant 32 : index
      %get3A_1837 = tpu.vector_load %arg28[%get3A_1835, %get3A_1836] {strides = array<i32>} : memref<128x64xf32, #tpu.memory_space<vmem>>, vector<16xf32>,
      %mul3A_1838 = arith.mulf %get3A_1837, %select_n3A_1799 : vector<16xf32>
      %mul3A_1839 = arith.mulf %get3A_1834, %mul3A_1838 : vector<16xf32>
      %add3A_1840 = arith.addf %add3A_1827, %mul3A_1839 : vector<16xf32>
      %mul3A_1841 = arith.mulf %get3A_1834, %get3A_1834 : vector<16xf32>
      %add3A_1842 = arith.addf %add3A_1829, %mul3A_1841 : vector<16xf32>
      %get3A_1843 = arith.constant 0 : i32
      %get3A_1844 = arith.index_cast %get3A_1843 : i32 to index
      %get3A_1845 = arith.index_cast %scan3A_1784 : i32 to index
      %get3A_1846 = arith.constant 48 : index
      %get3A_1847 = tpu.vector_load %arg31[%get3A_1844, %get3A_1845, %get3A_1846] {strides = array<i32>} : memref<2x128x64xf32, #tpu.memory_space<vmem>>, vector<16xf32>,
      %get3A_1848 = arith.index_cast %scan3A_1784 : i32 to index
      %get3A_1849 = arith.constant 48 : index
      %get3A_1850 = tpu.vector_load %arg28[%get3A_1848, %get3A_1849] {strides = array<i32>} : memref<128x64xf32, #tpu.memory_space<vmem>>, vector<16xf32>,
      %mul3A_1851 = arith.mulf %get3A_1850, %select_n3A_1803 : vector<16xf32>
      %mul3A_1852 = arith.mulf %get3A_1847, %mul3A_1851 : vector<16xf32>
      %add3A_1853 = arith.addf %add3A_1840, %mul3A_1852 : vector<16xf32>
      %mul3A_1854 = arith.mulf %get3A_1847, %get3A_1847 : vector<16xf32>
      %add3A_1855 = arith.addf %add3A_1842, %mul3A_1854 : vector<16xf32>
      %swap3A_1856 = arith.constant 6 : i32
      %swap3A_1857 = arith.index_cast %scan3A_1784 : i32 to index
      %swap3A_1858 = arith.index_cast %swap3A_1856 : i32 to index
      %swap3A_1859 = arith.constant 0 : index
      %swap3A_1860 = tpu.vector_load %arg32[%swap3A_1857, %swap3A_1858, %swap3A_1859] {strides = array<i32>} : memref<128x15x16xf32, #tpu.memory_space<vmem>>, vector<16xf32>,
      tpu.vector_store %arg32[%swap3A_1857, %swap3A_1858, %swap3A_1859], %add3A_1853 {strides = array<i32>} : memref<128x15x16xf32, #tpu.memory_space<vmem>>, vector<16xf32>,
      %get3A_1861 = arith.constant 14 : i32
      %get3A_1862 = arith.index_cast %scan3A_1784 : i32 to index
      %get3A_1863 = arith.index_cast %get3A_1861 : i32 to index
      %get3A_1864 = arith.constant 0 : index
      %get3A_1865 = tpu.vector_load %arg32[%get3A_1862, %get3A_1863, %get3A_1864] {strides = array<i32>} : memref<128x15x16xf32, #tpu.memory_space<vmem>>, vector<16xf32>,
      %add3A_1866 = arith.addf %get3A_1865, %add3A_1855 : vector<16xf32>
      %swap3A_1867 = arith.constant 14 : i32
      %swap3A_1868 = arith.index_cast %scan3A_1784 : i32 to index
      %swap3A_1869 = arith.index_cast %swap3A_1867 : i32 to index
      %swap3A_1870 = arith.constant 0 : index
      %swap3A_1871 = tpu.vector_load %arg32[%swap3A_1868, %swap3A_1869, %swap3A_1870] {strides = array<i32>} : memref<128x15x16xf32, #tpu.memory_space<vmem>>, vector<16xf32>,
      tpu.vector_store %arg32[%swap3A_1868, %swap3A_1869, %swap3A_1870], %add3A_1866 {strides = array<i32>} : memref<128x15x16xf32, #tpu.memory_space<vmem>>, vector<16xf32>,
    }
    %scan3A_1579 = arith.constant 128 : i32
    %dma_start3A_1580 = arith.constant 2 : i32
    %dma_start3A_1581 = arith.constant 0 : i32
    %dma_start3A_1582 = arith.constant 0 : i32
    %dma_start3A_1583 = arith.constant 0 : i32
    %dma_start3A_1584 = tpu.memref_slice %arg31[%dma_start3A_1581, %dma_start3A_1582, %dma_start3A_1583] : memref<2x128x64xf32, #tpu.memory_space<vmem>> -> memref<1x128x64xf32, #tpu.memory_space<vmem>>
    %dma_start3A_1585 = tpu.memref_squeeze %dma_start3A_1584 : memref<1x128x64xf32, #tpu.memory_space<vmem>> -> memref<128x64xf32, #tpu.memory_space<vmem>>
    %dma_start3A_1586 = arith.constant 0 : i32
    %dma_start3A_1587 = tpu.memref_slice %arg20[%dma_start3A_1580, %dma_start3A_1586] : memref<5x128xi32, #tpu.memory_space<vmem>> -> memref<1x128xi32, #tpu.memory_space<vmem>>
    %dma_start3A_1588 = tpu.memref_squeeze %dma_start3A_1587 : memref<1x128xi32, #tpu.memory_space<vmem>> -> memref<128xi32, #tpu.memory_space<vmem>>
    %dma_start3A_1589 = arith.constant 0 : i32
    %dma_start3A_1590 = arith.constant 0 : i32
    %dma_start3A_1591 = tpu.memref_slice %arg3[%dma_start3A_1589, %dma_start3A_1590] : memref<100000x64xf32, #tpu.memory_space<hbm>> -> memref<100000x64xf32, #tpu.memory_space<hbm>>
    tpu.enqueue_indirect_dma source(%dma_start3A_1591 : memref<100000x64xf32, #tpu.memory_space<hbm>>) target(%dma_start3A_1585 : memref<128x64xf32, #tpu.memory_space<vmem>>) offsets(%dma_start3A_1588 : memref<128xi32, #tpu.memory_space<vmem>>) semaphore(%arg38 : memref<!tpu.dma_semaphore, #tpu.memory_space<semaphore_mem>>)
    %dma_wait3A_1592 = arith.constant 1 : i32
    %dma_wait3A_1593 = arith.constant 1 : i32
    %dma_wait3A_1594 = arith.constant 0 : i32
    %dma_wait3A_1595 = arith.constant 0 : i32
    %dma_wait3A_1596 = tpu.memref_slice %arg30[%dma_wait3A_1593, %dma_wait3A_1594, %dma_wait3A_1595] : memref<2x128x64xf32, #tpu.memory_space<vmem>> -> memref<1x128x64xf32, #tpu.memory_space<vmem>>
    %dma_wait3A_1597 = tpu.memref_squeeze %dma_wait3A_1596 : memref<1x128x64xf32, #tpu.memory_space<vmem>> -> memref<128x64xf32, #tpu.memory_space<vmem>>
    %dma_wait3A_1598 = arith.constant 0 : i32
    %dma_wait3A_1599 = tpu.memref_slice %arg19[%dma_wait3A_1592, %dma_wait3A_1598] : memref<5x128xi32, #tpu.memory_space<vmem>> -> memref<1x128xi32, #tpu.memory_space<vmem>>
    %dma_wait3A_1600 = tpu.memref_squeeze %dma_wait3A_1599 : memref<1x128xi32, #tpu.memory_space<vmem>> -> memref<128xi32, #tpu.memory_space<vmem>>
    %dma_wait3A_1601 = arith.constant 0 : i32
    %dma_wait3A_1602 = arith.constant 0 : i32
    %dma_wait3A_1603 = tpu.memref_slice %arg2[%dma_wait3A_1601, %dma_wait3A_1602] : memref<100000x64xf32, #tpu.memory_space<hbm>> -> memref<100000x64xf32, #tpu.memory_space<hbm>>
    tpu.wait_indirect_dma semaphore(%arg37 : memref<!tpu.dma_semaphore, #tpu.memory_space<semaphore_mem>>) src(%dma_wait3A_1603 : memref<100000x64xf32, #tpu.memory_space<hbm>>) dst(%dma_wait3A_1597 : memref<128x64xf32, #tpu.memory_space<vmem>>)
    %scan3A_1604 = arith.constant 0 : i32
    %scan3A_1605 = arith.constant 0 : i32
    %scan3A_1606 = arith.constant 128 : i32
    %scan3A_1607 = arith.addi %scan3A_1605, %scan3A_1606 : i32
    %scan3A_1608 = arith.constant 1 : i32
    scf.for %scan3A_1784 = %scan3A_1605 to %scan3A_1607 step %scan3A_1608  : i32 {
      %broadcast_in_dim3A_1785 = arith.constant 0 : i32
      %broadcast_in_dim3A_1786 = vector.broadcast %broadcast_in_dim3A_1785 : i32 to vector<16xi32>
      %add3A_1787 = vector.broadcast %scan3A_1784 : i32 to vector<16xi32>
      %add3A_1788 = arith.addi %broadcast_in_dim3A_1786, %add3A_1787 : vector<16xi32>
      %gather3A_1789 = tpu.vector_load_idx %arg23[%add3A_1788] : memref<128xi32, #tpu.memory_space<vmem>>[vector<16xi32>], vector<16xi32>,
      %ne3A = arith.constant 0 : i32
      %ne3A_1790 = vector.broadcast %ne3A : i32 to vector<16xi32>
      %ne3A_1791 = arith.cmpi ne, %gather3A_1789, %ne3A_1790 : vector<16xi32>
      %select_n3A = arith.select %ne3A_1791, %get3A_1518, %get3A_1510 : vector<16xi1>, vector<16xf32>
      %ne3A_1792 = arith.constant 0 : i32
      %ne3A_1793 = vector.broadcast %ne3A_1792 : i32 to vector<16xi32>
      %ne3A_1794 = arith.cmpi ne, %gather3A_1789, %ne3A_1793 : vector<16xi32>
      %select_n3A_1795 = arith.select %ne3A_1794, %get3A_1520, %get3A_1512 : vector<16xi1>, vector<16xf32>
      %ne3A_1796 = arith.constant 0 : i32
      %ne3A_1797 = vector.broadcast %ne3A_1796 : i32 to vector<16xi32>
      %ne3A_1798 = arith.cmpi ne, %gather3A_1789, %ne3A_1797 : vector<16xi32>
      %select_n3A_1799 = arith.select %ne3A_1798, %get3A_1522, %get3A_1514 : vector<16xi1>, vector<16xf32>
      %ne3A_1800 = arith.constant 0 : i32
      %ne3A_1801 = vector.broadcast %ne3A_1800 : i32 to vector<16xi32>
      %ne3A_1802 = arith.cmpi ne, %gather3A_1789, %ne3A_1801 : vector<16xi32>
      %select_n3A_1803 = arith.select %ne3A_1802, %get3A_1524, %get3A_1516 : vector<16xi1>, vector<16xf32>
      %get3A_1804 = arith.constant 1 : i32
      %get3A_1805 = arith.index_cast %get3A_1804 : i32 to index
      %get3A_1806 = arith.index_cast %scan3A_1784 : i32 to index
      %get3A_1807 = arith.constant 0 : index
      %get3A_1808 = tpu.vector_load %arg30[%get3A_1805, %get3A_1806, %get3A_1807] {strides = array<i32>} : memref<2x128x64xf32, #tpu.memory_space<vmem>>, vector<16xf32>,
      %get3A_1809 = arith.index_cast %scan3A_1784 : i32 to index
      %get3A_1810 = arith.constant 0 : index
      %get3A_1811 = tpu.vector_load %arg29[%get3A_1809, %get3A_1810] {strides = array<i32>} : memref<128x64xf32, #tpu.memory_space<vmem>>, vector<16xf32>,
      %mul3A_1812 = arith.mulf %get3A_1811, %select_n3A : vector<16xf32>
      %mul3A_1813 = arith.mulf %get3A_1808, %mul3A_1812 : vector<16xf32>
      %add3A_1814 = arith.addf %broadcast_in_dim3A_1526, %mul3A_1813 : vector<16xf32>
      %mul3A_1815 = arith.mulf %get3A_1808, %get3A_1808 : vector<16xf32>
      %add3A_1816 = arith.addf %broadcast_in_dim3A_1526, %mul3A_1815 : vector<16xf32>
      %get3A_1817 = arith.constant 1 : i32
      %get3A_1818 = arith.index_cast %get3A_1817 : i32 to index
      %get3A_1819 = arith.index_cast %scan3A_1784 : i32 to index
      %get3A_1820 = arith.constant 16 : index
      %get3A_1821 = tpu.vector_load %arg30[%get3A_1818, %get3A_1819, %get3A_1820] {strides = array<i32>} : memref<2x128x64xf32, #tpu.memory_space<vmem>>, vector<16xf32>,
      %get3A_1822 = arith.index_cast %scan3A_1784 : i32 to index
      %get3A_1823 = arith.constant 16 : index
      %get3A_1824 = tpu.vector_load %arg29[%get3A_1822, %get3A_1823] {strides = array<i32>} : memref<128x64xf32, #tpu.memory_space<vmem>>, vector<16xf32>,
      %mul3A_1825 = arith.mulf %get3A_1824, %select_n3A_1795 : vector<16xf32>
      %mul3A_1826 = arith.mulf %get3A_1821, %mul3A_1825 : vector<16xf32>
      %add3A_1827 = arith.addf %add3A_1814, %mul3A_1826 : vector<16xf32>
      %mul3A_1828 = arith.mulf %get3A_1821, %get3A_1821 : vector<16xf32>
      %add3A_1829 = arith.addf %add3A_1816, %mul3A_1828 : vector<16xf32>
      %get3A_1830 = arith.constant 1 : i32
      %get3A_1831 = arith.index_cast %get3A_1830 : i32 to index
      %get3A_1832 = arith.index_cast %scan3A_1784 : i32 to index
      %get3A_1833 = arith.constant 32 : index
      %get3A_1834 = tpu.vector_load %arg30[%get3A_1831, %get3A_1832, %get3A_1833] {strides = array<i32>} : memref<2x128x64xf32, #tpu.memory_space<vmem>>, vector<16xf32>,
      %get3A_1835 = arith.index_cast %scan3A_1784 : i32 to index
      %get3A_1836 = arith.constant 32 : index
      %get3A_1837 = tpu.vector_load %arg29[%get3A_1835, %get3A_1836] {strides = array<i32>} : memref<128x64xf32, #tpu.memory_space<vmem>>, vector<16xf32>,
      %mul3A_1838 = arith.mulf %get3A_1837, %select_n3A_1799 : vector<16xf32>
      %mul3A_1839 = arith.mulf %get3A_1834, %mul3A_1838 : vector<16xf32>
      %add3A_1840 = arith.addf %add3A_1827, %mul3A_1839 : vector<16xf32>
      %mul3A_1841 = arith.mulf %get3A_1834, %get3A_1834 : vector<16xf32>
      %add3A_1842 = arith.addf %add3A_1829, %mul3A_1841 : vector<16xf32>
      %get3A_1843 = arith.constant 1 : i32
      %get3A_1844 = arith.index_cast %get3A_1843 : i32 to index
      %get3A_1845 = arith.index_cast %scan3A_1784 : i32 to index
      %get3A_1846 = arith.constant 48 : index
      %get3A_1847 = tpu.vector_load %arg30[%get3A_1844, %get3A_1845, %get3A_1846] {strides = array<i32>} : memref<2x128x64xf32, #tpu.memory_space<vmem>>, vector<16xf32>,
      %get3A_1848 = arith.index_cast %scan3A_1784 : i32 to index
      %get3A_1849 = arith.constant 48 : index
      %get3A_1850 = tpu.vector_load %arg29[%get3A_1848, %get3A_1849] {strides = array<i32>} : memref<128x64xf32, #tpu.memory_space<vmem>>, vector<16xf32>,
      %mul3A_1851 = arith.mulf %get3A_1850, %select_n3A_1803 : vector<16xf32>
      %mul3A_1852 = arith.mulf %get3A_1847, %mul3A_1851 : vector<16xf32>
      %add3A_1853 = arith.addf %add3A_1840, %mul3A_1852 : vector<16xf32>
      %mul3A_1854 = arith.mulf %get3A_1847, %get3A_1847 : vector<16xf32>
      %add3A_1855 = arith.addf %add3A_1842, %mul3A_1854 : vector<16xf32>
      %swap3A_1856 = arith.constant 2 : i32
      %swap3A_1857 = arith.index_cast %scan3A_1784 : i32 to index
      %swap3A_1858 = arith.index_cast %swap3A_1856 : i32 to index
      %swap3A_1859 = arith.constant 0 : index
      %swap3A_1860 = tpu.vector_load %arg32[%swap3A_1857, %swap3A_1858, %swap3A_1859] {strides = array<i32>} : memref<128x15x16xf32, #tpu.memory_space<vmem>>, vector<16xf32>,
      tpu.vector_store %arg32[%swap3A_1857, %swap3A_1858, %swap3A_1859], %add3A_1853 {strides = array<i32>} : memref<128x15x16xf32, #tpu.memory_space<vmem>>, vector<16xf32>,
      %get3A_1861 = arith.constant 13 : i32
      %get3A_1862 = arith.index_cast %scan3A_1784 : i32 to index
      %get3A_1863 = arith.index_cast %get3A_1861 : i32 to index
      %get3A_1864 = arith.constant 0 : index
      %get3A_1865 = tpu.vector_load %arg32[%get3A_1862, %get3A_1863, %get3A_1864] {strides = array<i32>} : memref<128x15x16xf32, #tpu.memory_space<vmem>>, vector<16xf32>,
      %add3A_1866 = arith.addf %get3A_1865, %add3A_1855 : vector<16xf32>
      %swap3A_1867 = arith.constant 13 : i32
      %swap3A_1868 = arith.index_cast %scan3A_1784 : i32 to index
      %swap3A_1869 = arith.index_cast %swap3A_1867 : i32 to index
      %swap3A_1870 = arith.constant 0 : index
      %swap3A_1871 = tpu.vector_load %arg32[%swap3A_1868, %swap3A_1869, %swap3A_1870] {strides = array<i32>} : memref<128x15x16xf32, #tpu.memory_space<vmem>>, vector<16xf32>,
      tpu.vector_store %arg32[%swap3A_1868, %swap3A_1869, %swap3A_1870], %add3A_1866 {strides = array<i32>} : memref<128x15x16xf32, #tpu.memory_space<vmem>>, vector<16xf32>,
    }
    %scan3A_1609 = arith.constant 128 : i32
    %dma_start3A_1610 = arith.constant 3 : i32
    %dma_start3A_1611 = arith.constant 1 : i32
    %dma_start3A_1612 = arith.constant 0 : i32
    %dma_start3A_1613 = arith.constant 0 : i32
    %dma_start3A_1614 = tpu.memref_slice %arg30[%dma_start3A_1611, %dma_start3A_1612, %dma_start3A_1613] : memref<2x128x64xf32, #tpu.memory_space<vmem>> -> memref<1x128x64xf32, #tpu.memory_space<vmem>>
    %dma_start3A_1615 = tpu.memref_squeeze %dma_start3A_1614 : memref<1x128x64xf32, #tpu.memory_space<vmem>> -> memref<128x64xf32, #tpu.memory_space<vmem>>
    %dma_start3A_1616 = arith.constant 0 : i32
    %dma_start3A_1617 = tpu.memref_slice %arg19[%dma_start3A_1610, %dma_start3A_1616] : memref<5x128xi32, #tpu.memory_space<vmem>> -> memref<1x128xi32, #tpu.memory_space<vmem>>
    %dma_start3A_1618 = tpu.memref_squeeze %dma_start3A_1617 : memref<1x128xi32, #tpu.memory_space<vmem>> -> memref<128xi32, #tpu.memory_space<vmem>>
    %dma_start3A_1619 = arith.constant 0 : i32
    %dma_start3A_1620 = arith.constant 0 : i32
    %dma_start3A_1621 = tpu.memref_slice %arg2[%dma_start3A_1619, %dma_start3A_1620] : memref<100000x64xf32, #tpu.memory_space<hbm>> -> memref<100000x64xf32, #tpu.memory_space<hbm>>
    tpu.enqueue_indirect_dma source(%dma_start3A_1621 : memref<100000x64xf32, #tpu.memory_space<hbm>>) target(%dma_start3A_1615 : memref<128x64xf32, #tpu.memory_space<vmem>>) offsets(%dma_start3A_1618 : memref<128xi32, #tpu.memory_space<vmem>>) semaphore(%arg37 : memref<!tpu.dma_semaphore, #tpu.memory_space<semaphore_mem>>)
    %dma_wait3A_1622 = arith.constant 1 : i32
    %dma_wait3A_1623 = arith.constant 1 : i32
    %dma_wait3A_1624 = arith.constant 0 : i32
    %dma_wait3A_1625 = arith.constant 0 : i32
    %dma_wait3A_1626 = tpu.memref_slice %arg31[%dma_wait3A_1623, %dma_wait3A_1624, %dma_wait3A_1625] : memref<2x128x64xf32, #tpu.memory_space<vmem>> -> memref<1x128x64xf32, #tpu.memory_space<vmem>>
    %dma_wait3A_1627 = tpu.memref_squeeze %dma_wait3A_1626 : memref<1x128x64xf32, #tpu.memory_space<vmem>> -> memref<128x64xf32, #tpu.memory_space<vmem>>
    %dma_wait3A_1628 = arith.constant 0 : i32
    %dma_wait3A_1629 = tpu.memref_slice %arg20[%dma_wait3A_1622, %dma_wait3A_1628] : memref<5x128xi32, #tpu.memory_space<vmem>> -> memref<1x128xi32, #tpu.memory_space<vmem>>
    %dma_wait3A_1630 = tpu.memref_squeeze %dma_wait3A_1629 : memref<1x128xi32, #tpu.memory_space<vmem>> -> memref<128xi32, #tpu.memory_space<vmem>>
    %dma_wait3A_1631 = arith.constant 0 : i32
    %dma_wait3A_1632 = arith.constant 0 : i32
    %dma_wait3A_1633 = tpu.memref_slice %arg3[%dma_wait3A_1631, %dma_wait3A_1632] : memref<100000x64xf32, #tpu.memory_space<hbm>> -> memref<100000x64xf32, #tpu.memory_space<hbm>>
    tpu.wait_indirect_dma semaphore(%arg39 : memref<!tpu.dma_semaphore, #tpu.memory_space<semaphore_mem>>) src(%dma_wait3A_1633 : memref<100000x64xf32, #tpu.memory_space<hbm>>) dst(%dma_wait3A_1627 : memref<128x64xf32, #tpu.memory_space<vmem>>)
    %scan3A_1634 = arith.constant 0 : i32
    %scan3A_1635 = arith.constant 0 : i32
    %scan3A_1636 = arith.constant 128 : i32
    %scan3A_1637 = arith.addi %scan3A_1635, %scan3A_1636 : i32
    %scan3A_1638 = arith.constant 1 : i32
    scf.for %scan3A_1784 = %scan3A_1635 to %scan3A_1637 step %scan3A_1638  : i32 {
      %broadcast_in_dim3A_1785 = arith.constant 0 : i32
      %broadcast_in_dim3A_1786 = vector.broadcast %broadcast_in_dim3A_1785 : i32 to vector<16xi32>
      %add3A_1787 = vector.broadcast %scan3A_1784 : i32 to vector<16xi32>
      %add3A_1788 = arith.addi %broadcast_in_dim3A_1786, %add3A_1787 : vector<16xi32>
      %gather3A_1789 = tpu.vector_load_idx %arg23[%add3A_1788] : memref<128xi32, #tpu.memory_space<vmem>>[vector<16xi32>], vector<16xi32>,
      %ne3A = arith.constant 0 : i32
      %ne3A_1790 = vector.broadcast %ne3A : i32 to vector<16xi32>
      %ne3A_1791 = arith.cmpi ne, %gather3A_1789, %ne3A_1790 : vector<16xi32>
      %select_n3A = arith.select %ne3A_1791, %get3A_1518, %get3A_1510 : vector<16xi1>, vector<16xf32>
      %ne3A_1792 = arith.constant 0 : i32
      %ne3A_1793 = vector.broadcast %ne3A_1792 : i32 to vector<16xi32>
      %ne3A_1794 = arith.cmpi ne, %gather3A_1789, %ne3A_1793 : vector<16xi32>
      %select_n3A_1795 = arith.select %ne3A_1794, %get3A_1520, %get3A_1512 : vector<16xi1>, vector<16xf32>
      %ne3A_1796 = arith.constant 0 : i32
      %ne3A_1797 = vector.broadcast %ne3A_1796 : i32 to vector<16xi32>
      %ne3A_1798 = arith.cmpi ne, %gather3A_1789, %ne3A_1797 : vector<16xi32>
      %select_n3A_1799 = arith.select %ne3A_1798, %get3A_1522, %get3A_1514 : vector<16xi1>, vector<16xf32>
      %ne3A_1800 = arith.constant 0 : i32
      %ne3A_1801 = vector.broadcast %ne3A_1800 : i32 to vector<16xi32>
      %ne3A_1802 = arith.cmpi ne, %gather3A_1789, %ne3A_1801 : vector<16xi32>
      %select_n3A_1803 = arith.select %ne3A_1802, %get3A_1524, %get3A_1516 : vector<16xi1>, vector<16xf32>
      %get3A_1804 = arith.constant 1 : i32
      %get3A_1805 = arith.index_cast %get3A_1804 : i32 to index
      %get3A_1806 = arith.index_cast %scan3A_1784 : i32 to index
      %get3A_1807 = arith.constant 0 : index
      %get3A_1808 = tpu.vector_load %arg31[%get3A_1805, %get3A_1806, %get3A_1807] {strides = array<i32>} : memref<2x128x64xf32, #tpu.memory_space<vmem>>, vector<16xf32>,
      %get3A_1809 = arith.index_cast %scan3A_1784 : i32 to index
      %get3A_1810 = arith.constant 0 : index
      %get3A_1811 = tpu.vector_load %arg28[%get3A_1809, %get3A_1810] {strides = array<i32>} : memref<128x64xf32, #tpu.memory_space<vmem>>, vector<16xf32>,
      %mul3A_1812 = arith.mulf %get3A_1811, %select_n3A : vector<16xf32>
      %mul3A_1813 = arith.mulf %get3A_1808, %mul3A_1812 : vector<16xf32>
      %add3A_1814 = arith.addf %broadcast_in_dim3A_1526, %mul3A_1813 : vector<16xf32>
      %mul3A_1815 = arith.mulf %get3A_1808, %get3A_1808 : vector<16xf32>
      %add3A_1816 = arith.addf %broadcast_in_dim3A_1526, %mul3A_1815 : vector<16xf32>
      %get3A_1817 = arith.constant 1 : i32
      %get3A_1818 = arith.index_cast %get3A_1817 : i32 to index
      %get3A_1819 = arith.index_cast %scan3A_1784 : i32 to index
      %get3A_1820 = arith.constant 16 : index
      %get3A_1821 = tpu.vector_load %arg31[%get3A_1818, %get3A_1819, %get3A_1820] {strides = array<i32>} : memref<2x128x64xf32, #tpu.memory_space<vmem>>, vector<16xf32>,
      %get3A_1822 = arith.index_cast %scan3A_1784 : i32 to index
      %get3A_1823 = arith.constant 16 : index
      %get3A_1824 = tpu.vector_load %arg28[%get3A_1822, %get3A_1823] {strides = array<i32>} : memref<128x64xf32, #tpu.memory_space<vmem>>, vector<16xf32>,
      %mul3A_1825 = arith.mulf %get3A_1824, %select_n3A_1795 : vector<16xf32>
      %mul3A_1826 = arith.mulf %get3A_1821, %mul3A_1825 : vector<16xf32>
      %add3A_1827 = arith.addf %add3A_1814, %mul3A_1826 : vector<16xf32>
      %mul3A_1828 = arith.mulf %get3A_1821, %get3A_1821 : vector<16xf32>
      %add3A_1829 = arith.addf %add3A_1816, %mul3A_1828 : vector<16xf32>
      %get3A_1830 = arith.constant 1 : i32
      %get3A_1831 = arith.index_cast %get3A_1830 : i32 to index
      %get3A_1832 = arith.index_cast %scan3A_1784 : i32 to index
      %get3A_1833 = arith.constant 32 : index
      %get3A_1834 = tpu.vector_load %arg31[%get3A_1831, %get3A_1832, %get3A_1833] {strides = array<i32>} : memref<2x128x64xf32, #tpu.memory_space<vmem>>, vector<16xf32>,
      %get3A_1835 = arith.index_cast %scan3A_1784 : i32 to index
      %get3A_1836 = arith.constant 32 : index
      %get3A_1837 = tpu.vector_load %arg28[%get3A_1835, %get3A_1836] {strides = array<i32>} : memref<128x64xf32, #tpu.memory_space<vmem>>, vector<16xf32>,
      %mul3A_1838 = arith.mulf %get3A_1837, %select_n3A_1799 : vector<16xf32>
      %mul3A_1839 = arith.mulf %get3A_1834, %mul3A_1838 : vector<16xf32>
      %add3A_1840 = arith.addf %add3A_1827, %mul3A_1839 : vector<16xf32>
      %mul3A_1841 = arith.mulf %get3A_1834, %get3A_1834 : vector<16xf32>
      %add3A_1842 = arith.addf %add3A_1829, %mul3A_1841 : vector<16xf32>
      %get3A_1843 = arith.constant 1 : i32
      %get3A_1844 = arith.index_cast %get3A_1843 : i32 to index
      %get3A_1845 = arith.index_cast %scan3A_1784 : i32 to index
      %get3A_1846 = arith.constant 48 : index
      %get3A_1847 = tpu.vector_load %arg31[%get3A_1844, %get3A_1845, %get3A_1846] {strides = array<i32>} : memref<2x128x64xf32, #tpu.memory_space<vmem>>, vector<16xf32>,
      %get3A_1848 = arith.index_cast %scan3A_1784 : i32 to index
      %get3A_1849 = arith.constant 48 : index
      %get3A_1850 = tpu.vector_load %arg28[%get3A_1848, %get3A_1849] {strides = array<i32>} : memref<128x64xf32, #tpu.memory_space<vmem>>, vector<16xf32>,
      %mul3A_1851 = arith.mulf %get3A_1850, %select_n3A_1803 : vector<16xf32>
      %mul3A_1852 = arith.mulf %get3A_1847, %mul3A_1851 : vector<16xf32>
      %add3A_1853 = arith.addf %add3A_1840, %mul3A_1852 : vector<16xf32>
      %mul3A_1854 = arith.mulf %get3A_1847, %get3A_1847 : vector<16xf32>
      %add3A_1855 = arith.addf %add3A_1842, %mul3A_1854 : vector<16xf32>
      %swap3A_1856 = arith.constant 7 : i32
      %swap3A_1857 = arith.index_cast %scan3A_1784 : i32 to index
      %swap3A_1858 = arith.index_cast %swap3A_1856 : i32 to index
      %swap3A_1859 = arith.constant 0 : index
      %swap3A_1860 = tpu.vector_load %arg32[%swap3A_1857, %swap3A_1858, %swap3A_1859] {strides = array<i32>} : memref<128x15x16xf32, #tpu.memory_space<vmem>>, vector<16xf32>,
      tpu.vector_store %arg32[%swap3A_1857, %swap3A_1858, %swap3A_1859], %add3A_1853 {strides = array<i32>} : memref<128x15x16xf32, #tpu.memory_space<vmem>>, vector<16xf32>,
      %get3A_1861 = arith.constant 14 : i32
      %get3A_1862 = arith.index_cast %scan3A_1784 : i32 to index
      %get3A_1863 = arith.index_cast %get3A_1861 : i32 to index
      %get3A_1864 = arith.constant 0 : index
      %get3A_1865 = tpu.vector_load %arg32[%get3A_1862, %get3A_1863, %get3A_1864] {strides = array<i32>} : memref<128x15x16xf32, #tpu.memory_space<vmem>>, vector<16xf32>,
      %add3A_1866 = arith.addf %get3A_1865, %add3A_1855 : vector<16xf32>
      %swap3A_1867 = arith.constant 14 : i32
      %swap3A_1868 = arith.index_cast %scan3A_1784 : i32 to index
      %swap3A_1869 = arith.index_cast %swap3A_1867 : i32 to index
      %swap3A_1870 = arith.constant 0 : index
      %swap3A_1871 = tpu.vector_load %arg32[%swap3A_1868, %swap3A_1869, %swap3A_1870] {strides = array<i32>} : memref<128x15x16xf32, #tpu.memory_space<vmem>>, vector<16xf32>,
      tpu.vector_store %arg32[%swap3A_1868, %swap3A_1869, %swap3A_1870], %add3A_1866 {strides = array<i32>} : memref<128x15x16xf32, #tpu.memory_space<vmem>>, vector<16xf32>,
    }
    %scan3A_1639 = arith.constant 128 : i32
    %dma_start3A_1640 = arith.constant 3 : i32
    %dma_start3A_1641 = arith.constant 1 : i32
    %dma_start3A_1642 = arith.constant 0 : i32
    %dma_start3A_1643 = arith.constant 0 : i32
    %dma_start3A_1644 = tpu.memref_slice %arg31[%dma_start3A_1641, %dma_start3A_1642, %dma_start3A_1643] : memref<2x128x64xf32, #tpu.memory_space<vmem>> -> memref<1x128x64xf32, #tpu.memory_space<vmem>>
    %dma_start3A_1645 = tpu.memref_squeeze %dma_start3A_1644 : memref<1x128x64xf32, #tpu.memory_space<vmem>> -> memref<128x64xf32, #tpu.memory_space<vmem>>
    %dma_start3A_1646 = arith.constant 0 : i32
    %dma_start3A_1647 = tpu.memref_slice %arg20[%dma_start3A_1640, %dma_start3A_1646] : memref<5x128xi32, #tpu.memory_space<vmem>> -> memref<1x128xi32, #tpu.memory_space<vmem>>
    %dma_start3A_1648 = tpu.memref_squeeze %dma_start3A_1647 : memref<1x128xi32, #tpu.memory_space<vmem>> -> memref<128xi32, #tpu.memory_space<vmem>>
    %dma_start3A_1649 = arith.constant 0 : i32
    %dma_start3A_1650 = arith.constant 0 : i32
    %dma_start3A_1651 = tpu.memref_slice %arg3[%dma_start3A_1649, %dma_start3A_1650] : memref<100000x64xf32, #tpu.memory_space<hbm>> -> memref<100000x64xf32, #tpu.memory_space<hbm>>
    tpu.enqueue_indirect_dma source(%dma_start3A_1651 : memref<100000x64xf32, #tpu.memory_space<hbm>>) target(%dma_start3A_1645 : memref<128x64xf32, #tpu.memory_space<vmem>>) offsets(%dma_start3A_1648 : memref<128xi32, #tpu.memory_space<vmem>>) semaphore(%arg39 : memref<!tpu.dma_semaphore, #tpu.memory_space<semaphore_mem>>)
    %dma_wait3A_1652 = arith.constant 2 : i32
    %dma_wait3A_1653 = arith.constant 0 : i32
    %dma_wait3A_1654 = arith.constant 0 : i32
    %dma_wait3A_1655 = arith.constant 0 : i32
    %dma_wait3A_1656 = tpu.memref_slice %arg30[%dma_wait3A_1653, %dma_wait3A_1654, %dma_wait3A_1655] : memref<2x128x64xf32, #tpu.memory_space<vmem>> -> memref<1x128x64xf32, #tpu.memory_space<vmem>>
    %dma_wait3A_1657 = tpu.memref_squeeze %dma_wait3A_1656 : memref<1x128x64xf32, #tpu.memory_space<vmem>> -> memref<128x64xf32, #tpu.memory_space<vmem>>
    %dma_wait3A_1658 = arith.constant 0 : i32
    %dma_wait3A_1659 = tpu.memref_slice %arg19[%dma_wait3A_1652, %dma_wait3A_1658] : memref<5x128xi32, #tpu.memory_space<vmem>> -> memref<1x128xi32, #tpu.memory_space<vmem>>
    %dma_wait3A_1660 = tpu.memref_squeeze %dma_wait3A_1659 : memref<1x128xi32, #tpu.memory_space<vmem>> -> memref<128xi32, #tpu.memory_space<vmem>>
    %dma_wait3A_1661 = arith.constant 0 : i32
    %dma_wait3A_1662 = arith.constant 0 : i32
    %dma_wait3A_1663 = tpu.memref_slice %arg2[%dma_wait3A_1661, %dma_wait3A_1662] : memref<100000x64xf32, #tpu.memory_space<hbm>> -> memref<100000x64xf32, #tpu.memory_space<hbm>>
    tpu.wait_indirect_dma semaphore(%arg36 : memref<!tpu.dma_semaphore, #tpu.memory_space<semaphore_mem>>) src(%dma_wait3A_1663 : memref<100000x64xf32, #tpu.memory_space<hbm>>) dst(%dma_wait3A_1657 : memref<128x64xf32, #tpu.memory_space<vmem>>)
    %scan3A_1664 = arith.constant 0 : i32
    %scan3A_1665 = arith.constant 0 : i32
    %scan3A_1666 = arith.constant 128 : i32
    %scan3A_1667 = arith.addi %scan3A_1665, %scan3A_1666 : i32
    %scan3A_1668 = arith.constant 1 : i32
    scf.for %scan3A_1784 = %scan3A_1665 to %scan3A_1667 step %scan3A_1668  : i32 {
      %broadcast_in_dim3A_1785 = arith.constant 0 : i32
      %broadcast_in_dim3A_1786 = vector.broadcast %broadcast_in_dim3A_1785 : i32 to vector<16xi32>
      %add3A_1787 = vector.broadcast %scan3A_1784 : i32 to vector<16xi32>
      %add3A_1788 = arith.addi %broadcast_in_dim3A_1786, %add3A_1787 : vector<16xi32>
      %gather3A_1789 = tpu.vector_load_idx %arg23[%add3A_1788] : memref<128xi32, #tpu.memory_space<vmem>>[vector<16xi32>], vector<16xi32>,
      %ne3A = arith.constant 0 : i32
      %ne3A_1790 = vector.broadcast %ne3A : i32 to vector<16xi32>
      %ne3A_1791 = arith.cmpi ne, %gather3A_1789, %ne3A_1790 : vector<16xi32>
      %select_n3A = arith.select %ne3A_1791, %get3A_1518, %get3A_1510 : vector<16xi1>, vector<16xf32>
      %ne3A_1792 = arith.constant 0 : i32
      %ne3A_1793 = vector.broadcast %ne3A_1792 : i32 to vector<16xi32>
      %ne3A_1794 = arith.cmpi ne, %gather3A_1789, %ne3A_1793 : vector<16xi32>
      %select_n3A_1795 = arith.select %ne3A_1794, %get3A_1520, %get3A_1512 : vector<16xi1>, vector<16xf32>
      %ne3A_1796 = arith.constant 0 : i32
      %ne3A_1797 = vector.broadcast %ne3A_1796 : i32 to vector<16xi32>
      %ne3A_1798 = arith.cmpi ne, %gather3A_1789, %ne3A_1797 : vector<16xi32>
      %select_n3A_1799 = arith.select %ne3A_1798, %get3A_1522, %get3A_1514 : vector<16xi1>, vector<16xf32>
      %ne3A_1800 = arith.constant 0 : i32
      %ne3A_1801 = vector.broadcast %ne3A_1800 : i32 to vector<16xi32>
      %ne3A_1802 = arith.cmpi ne, %gather3A_1789, %ne3A_1801 : vector<16xi32>
      %select_n3A_1803 = arith.select %ne3A_1802, %get3A_1524, %get3A_1516 : vector<16xi1>, vector<16xf32>
      %get3A_1804 = arith.constant 0 : i32
      %get3A_1805 = arith.index_cast %get3A_1804 : i32 to index
      %get3A_1806 = arith.index_cast %scan3A_1784 : i32 to index
      %get3A_1807 = arith.constant 0 : index
      %get3A_1808 = tpu.vector_load %arg30[%get3A_1805, %get3A_1806, %get3A_1807] {strides = array<i32>} : memref<2x128x64xf32, #tpu.memory_space<vmem>>, vector<16xf32>,
      %get3A_1809 = arith.index_cast %scan3A_1784 : i32 to index
      %get3A_1810 = arith.constant 0 : index
      %get3A_1811 = tpu.vector_load %arg29[%get3A_1809, %get3A_1810] {strides = array<i32>} : memref<128x64xf32, #tpu.memory_space<vmem>>, vector<16xf32>,
      %mul3A_1812 = arith.mulf %get3A_1811, %select_n3A : vector<16xf32>
      %mul3A_1813 = arith.mulf %get3A_1808, %mul3A_1812 : vector<16xf32>
      %add3A_1814 = arith.addf %broadcast_in_dim3A_1526, %mul3A_1813 : vector<16xf32>
      %mul3A_1815 = arith.mulf %get3A_1808, %get3A_1808 : vector<16xf32>
      %add3A_1816 = arith.addf %broadcast_in_dim3A_1526, %mul3A_1815 : vector<16xf32>
      %get3A_1817 = arith.constant 0 : i32
      %get3A_1818 = arith.index_cast %get3A_1817 : i32 to index
      %get3A_1819 = arith.index_cast %scan3A_1784 : i32 to index
      %get3A_1820 = arith.constant 16 : index
      %get3A_1821 = tpu.vector_load %arg30[%get3A_1818, %get3A_1819, %get3A_1820] {strides = array<i32>} : memref<2x128x64xf32, #tpu.memory_space<vmem>>, vector<16xf32>,
      %get3A_1822 = arith.index_cast %scan3A_1784 : i32 to index
      %get3A_1823 = arith.constant 16 : index
      %get3A_1824 = tpu.vector_load %arg29[%get3A_1822, %get3A_1823] {strides = array<i32>} : memref<128x64xf32, #tpu.memory_space<vmem>>, vector<16xf32>,
      %mul3A_1825 = arith.mulf %get3A_1824, %select_n3A_1795 : vector<16xf32>
      %mul3A_1826 = arith.mulf %get3A_1821, %mul3A_1825 : vector<16xf32>
      %add3A_1827 = arith.addf %add3A_1814, %mul3A_1826 : vector<16xf32>
      %mul3A_1828 = arith.mulf %get3A_1821, %get3A_1821 : vector<16xf32>
      %add3A_1829 = arith.addf %add3A_1816, %mul3A_1828 : vector<16xf32>
      %get3A_1830 = arith.constant 0 : i32
      %get3A_1831 = arith.index_cast %get3A_1830 : i32 to index
      %get3A_1832 = arith.index_cast %scan3A_1784 : i32 to index
      %get3A_1833 = arith.constant 32 : index
      %get3A_1834 = tpu.vector_load %arg30[%get3A_1831, %get3A_1832, %get3A_1833] {strides = array<i32>} : memref<2x128x64xf32, #tpu.memory_space<vmem>>, vector<16xf32>,
      %get3A_1835 = arith.index_cast %scan3A_1784 : i32 to index
      %get3A_1836 = arith.constant 32 : index
      %get3A_1837 = tpu.vector_load %arg29[%get3A_1835, %get3A_1836] {strides = array<i32>} : memref<128x64xf32, #tpu.memory_space<vmem>>, vector<16xf32>,
      %mul3A_1838 = arith.mulf %get3A_1837, %select_n3A_1799 : vector<16xf32>
      %mul3A_1839 = arith.mulf %get3A_1834, %mul3A_1838 : vector<16xf32>
      %add3A_1840 = arith.addf %add3A_1827, %mul3A_1839 : vector<16xf32>
      %mul3A_1841 = arith.mulf %get3A_1834, %get3A_1834 : vector<16xf32>
      %add3A_1842 = arith.addf %add3A_1829, %mul3A_1841 : vector<16xf32>
      %get3A_1843 = arith.constant 0 : i32
      %get3A_1844 = arith.index_cast %get3A_1843 : i32 to index
      %get3A_1845 = arith.index_cast %scan3A_1784 : i32 to index
      %get3A_1846 = arith.constant 48 : index
      %get3A_1847 = tpu.vector_load %arg30[%get3A_1844, %get3A_1845, %get3A_1846] {strides = array<i32>} : memref<2x128x64xf32, #tpu.memory_space<vmem>>, vector<16xf32>,
      %get3A_1848 = arith.index_cast %scan3A_1784 : i32 to index
      %get3A_1849 = arith.constant 48 : index
      %get3A_1850 = tpu.vector_load %arg29[%get3A_1848, %get3A_1849] {strides = array<i32>} : memref<128x64xf32, #tpu.memory_space<vmem>>, vector<16xf32>,
      %mul3A_1851 = arith.mulf %get3A_1850, %select_n3A_1803 : vector<16xf32>
      %mul3A_1852 = arith.mulf %get3A_1847, %mul3A_1851 : vector<16xf32>
      %add3A_1853 = arith.addf %add3A_1840, %mul3A_1852 : vector<16xf32>
      %mul3A_1854 = arith.mulf %get3A_1847, %get3A_1847 : vector<16xf32>
      %add3A_1855 = arith.addf %add3A_1842, %mul3A_1854 : vector<16xf32>
      %swap3A_1856 = arith.constant 3 : i32
      %swap3A_1857 = arith.index_cast %scan3A_1784 : i32 to index
      %swap3A_1858 = arith.index_cast %swap3A_1856 : i32 to index
      %swap3A_1859 = arith.constant 0 : index
      %swap3A_1860 = tpu.vector_load %arg32[%swap3A_1857, %swap3A_1858, %swap3A_1859] {strides = array<i32>} : memref<128x15x16xf32, #tpu.memory_space<vmem>>, vector<16xf32>,
      tpu.vector_store %arg32[%swap3A_1857, %swap3A_1858, %swap3A_1859], %add3A_1853 {strides = array<i32>} : memref<128x15x16xf32, #tpu.memory_space<vmem>>, vector<16xf32>,
      %get3A_1861 = arith.constant 13 : i32
      %get3A_1862 = arith.index_cast %scan3A_1784 : i32 to index
      %get3A_1863 = arith.index_cast %get3A_1861 : i32 to index
      %get3A_1864 = arith.constant 0 : index
      %get3A_1865 = tpu.vector_load %arg32[%get3A_1862, %get3A_1863, %get3A_1864] {strides = array<i32>} : memref<128x15x16xf32, #tpu.memory_space<vmem>>, vector<16xf32>,
      %add3A_1866 = arith.addf %get3A_1865, %add3A_1855 : vector<16xf32>
      %swap3A_1867 = arith.constant 13 : i32
      %swap3A_1868 = arith.index_cast %scan3A_1784 : i32 to index
      %swap3A_1869 = arith.index_cast %swap3A_1867 : i32 to index
      %swap3A_1870 = arith.constant 0 : index
      %swap3A_1871 = tpu.vector_load %arg32[%swap3A_1868, %swap3A_1869, %swap3A_1870] {strides = array<i32>} : memref<128x15x16xf32, #tpu.memory_space<vmem>>, vector<16xf32>,
      tpu.vector_store %arg32[%swap3A_1868, %swap3A_1869, %swap3A_1870], %add3A_1866 {strides = array<i32>} : memref<128x15x16xf32, #tpu.memory_space<vmem>>, vector<16xf32>,
    }
    %scan3A_1669 = arith.constant 128 : i32
    %dma_start3A_1670 = arith.constant 4 : i32
    %dma_start3A_1671 = arith.constant 0 : i32
    %dma_start3A_1672 = arith.constant 0 : i32
    %dma_start3A_1673 = arith.constant 0 : i32
    %dma_start3A_1674 = tpu.memref_slice %arg30[%dma_start3A_1671, %dma_start3A_1672, %dma_start3A_1673] : memref<2x128x64xf32, #tpu.memory_space<vmem>> -> memref<1x128x64xf32, #tpu.memory_space<vmem>>
    %dma_start3A_1675 = tpu.memref_squeeze %dma_start3A_1674 : memref<1x128x64xf32, #tpu.memory_space<vmem>> -> memref<128x64xf32, #tpu.memory_space<vmem>>
    %dma_start3A_1676 = arith.constant 0 : i32
    %dma_start3A_1677 = tpu.memref_slice %arg19[%dma_start3A_1670, %dma_start3A_1676] : memref<5x128xi32, #tpu.memory_space<vmem>> -> memref<1x128xi32, #tpu.memory_space<vmem>>
    %dma_start3A_1678 = tpu.memref_squeeze %dma_start3A_1677 : memref<1x128xi32, #tpu.memory_space<vmem>> -> memref<128xi32, #tpu.memory_space<vmem>>
    %dma_start3A_1679 = arith.constant 0 : i32
    %dma_start3A_1680 = arith.constant 0 : i32
    %dma_start3A_1681 = tpu.memref_slice %arg2[%dma_start3A_1679, %dma_start3A_1680] : memref<100000x64xf32, #tpu.memory_space<hbm>> -> memref<100000x64xf32, #tpu.memory_space<hbm>>
    tpu.enqueue_indirect_dma source(%dma_start3A_1681 : memref<100000x64xf32, #tpu.memory_space<hbm>>) target(%dma_start3A_1675 : memref<128x64xf32, #tpu.memory_space<vmem>>) offsets(%dma_start3A_1678 : memref<128xi32, #tpu.memory_space<vmem>>) semaphore(%arg36 : memref<!tpu.dma_semaphore, #tpu.memory_space<semaphore_mem>>)
    %dma_wait3A_1682 = arith.constant 2 : i32
    %dma_wait3A_1683 = arith.constant 0 : i32
    %dma_wait3A_1684 = arith.constant 0 : i32
    %dma_wait3A_1685 = arith.constant 0 : i32
    %dma_wait3A_1686 = tpu.memref_slice %arg31[%dma_wait3A_1683, %dma_wait3A_1684, %dma_wait3A_1685] : memref<2x128x64xf32, #tpu.memory_space<vmem>> -> memref<1x128x64xf32, #tpu.memory_space<vmem>>
    %dma_wait3A_1687 = tpu.memref_squeeze %dma_wait3A_1686 : memref<1x128x64xf32, #tpu.memory_space<vmem>> -> memref<128x64xf32, #tpu.memory_space<vmem>>
    %dma_wait3A_1688 = arith.constant 0 : i32
    %dma_wait3A_1689 = tpu.memref_slice %arg20[%dma_wait3A_1682, %dma_wait3A_1688] : memref<5x128xi32, #tpu.memory_space<vmem>> -> memref<1x128xi32, #tpu.memory_space<vmem>>
    %dma_wait3A_1690 = tpu.memref_squeeze %dma_wait3A_1689 : memref<1x128xi32, #tpu.memory_space<vmem>> -> memref<128xi32, #tpu.memory_space<vmem>>
    %dma_wait3A_1691 = arith.constant 0 : i32
    %dma_wait3A_1692 = arith.constant 0 : i32
    %dma_wait3A_1693 = tpu.memref_slice %arg3[%dma_wait3A_1691, %dma_wait3A_1692] : memref<100000x64xf32, #tpu.memory_space<hbm>> -> memref<100000x64xf32, #tpu.memory_space<hbm>>
    tpu.wait_indirect_dma semaphore(%arg38 : memref<!tpu.dma_semaphore, #tpu.memory_space<semaphore_mem>>) src(%dma_wait3A_1693 : memref<100000x64xf32, #tpu.memory_space<hbm>>) dst(%dma_wait3A_1687 : memref<128x64xf32, #tpu.memory_space<vmem>>)
    %scan3A_1694 = arith.constant 0 : i32
    %scan3A_1695 = arith.constant 0 : i32
    %scan3A_1696 = arith.constant 128 : i32
    %scan3A_1697 = arith.addi %scan3A_1695, %scan3A_1696 : i32
    %scan3A_1698 = arith.constant 1 : i32
    scf.for %scan3A_1784 = %scan3A_1695 to %scan3A_1697 step %scan3A_1698  : i32 {
      %broadcast_in_dim3A_1785 = arith.constant 0 : i32
      %broadcast_in_dim3A_1786 = vector.broadcast %broadcast_in_dim3A_1785 : i32 to vector<16xi32>
      %add3A_1787 = vector.broadcast %scan3A_1784 : i32 to vector<16xi32>
      %add3A_1788 = arith.addi %broadcast_in_dim3A_1786, %add3A_1787 : vector<16xi32>
      %gather3A_1789 = tpu.vector_load_idx %arg23[%add3A_1788] : memref<128xi32, #tpu.memory_space<vmem>>[vector<16xi32>], vector<16xi32>,
      %ne3A = arith.constant 0 : i32
      %ne3A_1790 = vector.broadcast %ne3A : i32 to vector<16xi32>
      %ne3A_1791 = arith.cmpi ne, %gather3A_1789, %ne3A_1790 : vector<16xi32>
      %select_n3A = arith.select %ne3A_1791, %get3A_1518, %get3A_1510 : vector<16xi1>, vector<16xf32>
      %ne3A_1792 = arith.constant 0 : i32
      %ne3A_1793 = vector.broadcast %ne3A_1792 : i32 to vector<16xi32>
      %ne3A_1794 = arith.cmpi ne, %gather3A_1789, %ne3A_1793 : vector<16xi32>
      %select_n3A_1795 = arith.select %ne3A_1794, %get3A_1520, %get3A_1512 : vector<16xi1>, vector<16xf32>
      %ne3A_1796 = arith.constant 0 : i32
      %ne3A_1797 = vector.broadcast %ne3A_1796 : i32 to vector<16xi32>
      %ne3A_1798 = arith.cmpi ne, %gather3A_1789, %ne3A_1797 : vector<16xi32>
      %select_n3A_1799 = arith.select %ne3A_1798, %get3A_1522, %get3A_1514 : vector<16xi1>, vector<16xf32>
      %ne3A_1800 = arith.constant 0 : i32
      %ne3A_1801 = vector.broadcast %ne3A_1800 : i32 to vector<16xi32>
      %ne3A_1802 = arith.cmpi ne, %gather3A_1789, %ne3A_1801 : vector<16xi32>
      %select_n3A_1803 = arith.select %ne3A_1802, %get3A_1524, %get3A_1516 : vector<16xi1>, vector<16xf32>
      %get3A_1804 = arith.constant 0 : i32
      %get3A_1805 = arith.index_cast %get3A_1804 : i32 to index
      %get3A_1806 = arith.index_cast %scan3A_1784 : i32 to index
      %get3A_1807 = arith.constant 0 : index
      %get3A_1808 = tpu.vector_load %arg31[%get3A_1805, %get3A_1806, %get3A_1807] {strides = array<i32>} : memref<2x128x64xf32, #tpu.memory_space<vmem>>, vector<16xf32>,
      %get3A_1809 = arith.index_cast %scan3A_1784 : i32 to index
      %get3A_1810 = arith.constant 0 : index
      %get3A_1811 = tpu.vector_load %arg28[%get3A_1809, %get3A_1810] {strides = array<i32>} : memref<128x64xf32, #tpu.memory_space<vmem>>, vector<16xf32>,
      %mul3A_1812 = arith.mulf %get3A_1811, %select_n3A : vector<16xf32>
      %mul3A_1813 = arith.mulf %get3A_1808, %mul3A_1812 : vector<16xf32>
      %add3A_1814 = arith.addf %broadcast_in_dim3A_1526, %mul3A_1813 : vector<16xf32>
      %mul3A_1815 = arith.mulf %get3A_1808, %get3A_1808 : vector<16xf32>
      %add3A_1816 = arith.addf %broadcast_in_dim3A_1526, %mul3A_1815 : vector<16xf32>
      %get3A_1817 = arith.constant 0 : i32
      %get3A_1818 = arith.index_cast %get3A_1817 : i32 to index
      %get3A_1819 = arith.index_cast %scan3A_1784 : i32 to index
      %get3A_1820 = arith.constant 16 : index
      %get3A_1821 = tpu.vector_load %arg31[%get3A_1818, %get3A_1819, %get3A_1820] {strides = array<i32>} : memref<2x128x64xf32, #tpu.memory_space<vmem>>, vector<16xf32>,
      %get3A_1822 = arith.index_cast %scan3A_1784 : i32 to index
      %get3A_1823 = arith.constant 16 : index
      %get3A_1824 = tpu.vector_load %arg28[%get3A_1822, %get3A_1823] {strides = array<i32>} : memref<128x64xf32, #tpu.memory_space<vmem>>, vector<16xf32>,
      %mul3A_1825 = arith.mulf %get3A_1824, %select_n3A_1795 : vector<16xf32>
      %mul3A_1826 = arith.mulf %get3A_1821, %mul3A_1825 : vector<16xf32>
      %add3A_1827 = arith.addf %add3A_1814, %mul3A_1826 : vector<16xf32>
      %mul3A_1828 = arith.mulf %get3A_1821, %get3A_1821 : vector<16xf32>
      %add3A_1829 = arith.addf %add3A_1816, %mul3A_1828 : vector<16xf32>
      %get3A_1830 = arith.constant 0 : i32
      %get3A_1831 = arith.index_cast %get3A_1830 : i32 to index
      %get3A_1832 = arith.index_cast %scan3A_1784 : i32 to index
      %get3A_1833 = arith.constant 32 : index
      %get3A_1834 = tpu.vector_load %arg31[%get3A_1831, %get3A_1832, %get3A_1833] {strides = array<i32>} : memref<2x128x64xf32, #tpu.memory_space<vmem>>, vector<16xf32>,
      %get3A_1835 = arith.index_cast %scan3A_1784 : i32 to index
      %get3A_1836 = arith.constant 32 : index
      %get3A_1837 = tpu.vector_load %arg28[%get3A_1835, %get3A_1836] {strides = array<i32>} : memref<128x64xf32, #tpu.memory_space<vmem>>, vector<16xf32>,
      %mul3A_1838 = arith.mulf %get3A_1837, %select_n3A_1799 : vector<16xf32>
      %mul3A_1839 = arith.mulf %get3A_1834, %mul3A_1838 : vector<16xf32>
      %add3A_1840 = arith.addf %add3A_1827, %mul3A_1839 : vector<16xf32>
      %mul3A_1841 = arith.mulf %get3A_1834, %get3A_1834 : vector<16xf32>
      %add3A_1842 = arith.addf %add3A_1829, %mul3A_1841 : vector<16xf32>
      %get3A_1843 = arith.constant 0 : i32
      %get3A_1844 = arith.index_cast %get3A_1843 : i32 to index
      %get3A_1845 = arith.index_cast %scan3A_1784 : i32 to index
      %get3A_1846 = arith.constant 48 : index
      %get3A_1847 = tpu.vector_load %arg31[%get3A_1844, %get3A_1845, %get3A_1846] {strides = array<i32>} : memref<2x128x64xf32, #tpu.memory_space<vmem>>, vector<16xf32>,
      %get3A_1848 = arith.index_cast %scan3A_1784 : i32 to index
      %get3A_1849 = arith.constant 48 : index
      %get3A_1850 = tpu.vector_load %arg28[%get3A_1848, %get3A_1849] {strides = array<i32>} : memref<128x64xf32, #tpu.memory_space<vmem>>, vector<16xf32>,
      %mul3A_1851 = arith.mulf %get3A_1850, %select_n3A_1803 : vector<16xf32>
      %mul3A_1852 = arith.mulf %get3A_1847, %mul3A_1851 : vector<16xf32>
      %add3A_1853 = arith.addf %add3A_1840, %mul3A_1852 : vector<16xf32>
      %mul3A_1854 = arith.mulf %get3A_1847, %get3A_1847 : vector<16xf32>
      %add3A_1855 = arith.addf %add3A_1842, %mul3A_1854 : vector<16xf32>
      %swap3A_1856 = arith.constant 8 : i32
      %swap3A_1857 = arith.index_cast %scan3A_1784 : i32 to index
      %swap3A_1858 = arith.index_cast %swap3A_1856 : i32 to index
      %swap3A_1859 = arith.constant 0 : index
      %swap3A_1860 = tpu.vector_load %arg32[%swap3A_1857, %swap3A_1858, %swap3A_1859] {strides = array<i32>} : memref<128x15x16xf32, #tpu.memory_space<vmem>>, vector<16xf32>,
      tpu.vector_store %arg32[%swap3A_1857, %swap3A_1858, %swap3A_1859], %add3A_1853 {strides = array<i32>} : memref<128x15x16xf32, #tpu.memory_space<vmem>>, vector<16xf32>,
      %get3A_1861 = arith.constant 14 : i32
      %get3A_1862 = arith.index_cast %scan3A_1784 : i32 to index
      %get3A_1863 = arith.index_cast %get3A_1861 : i32 to index
      %get3A_1864 = arith.constant 0 : index
      %get3A_1865 = tpu.vector_load %arg32[%get3A_1862, %get3A_1863, %get3A_1864] {strides = array<i32>} : memref<128x15x16xf32, #tpu.memory_space<vmem>>, vector<16xf32>,
      %add3A_1866 = arith.addf %get3A_1865, %add3A_1855 : vector<16xf32>
      %swap3A_1867 = arith.constant 14 : i32
      %swap3A_1868 = arith.index_cast %scan3A_1784 : i32 to index
      %swap3A_1869 = arith.index_cast %swap3A_1867 : i32 to index
      %swap3A_1870 = arith.constant 0 : index
      %swap3A_1871 = tpu.vector_load %arg32[%swap3A_1868, %swap3A_1869, %swap3A_1870] {strides = array<i32>} : memref<128x15x16xf32, #tpu.memory_space<vmem>>, vector<16xf32>,
      tpu.vector_store %arg32[%swap3A_1868, %swap3A_1869, %swap3A_1870], %add3A_1866 {strides = array<i32>} : memref<128x15x16xf32, #tpu.memory_space<vmem>>, vector<16xf32>,
    }
    %scan3A_1699 = arith.constant 128 : i32
    %dma_start3A_1700 = arith.constant 4 : i32
    %dma_start3A_1701 = arith.constant 0 : i32
    %dma_start3A_1702 = arith.constant 0 : i32
    %dma_start3A_1703 = arith.constant 0 : i32
    %dma_start3A_1704 = tpu.memref_slice %arg31[%dma_start3A_1701, %dma_start3A_1702, %dma_start3A_1703] : memref<2x128x64xf32, #tpu.memory_space<vmem>> -> memref<1x128x64xf32, #tpu.memory_space<vmem>>
    %dma_start3A_1705 = tpu.memref_squeeze %dma_start3A_1704 : memref<1x128x64xf32, #tpu.memory_space<vmem>> -> memref<128x64xf32, #tpu.memory_space<vmem>>
    %dma_start3A_1706 = arith.constant 0 : i32
    %dma_start3A_1707 = tpu.memref_slice %arg20[%dma_start3A_1700, %dma_start3A_1706] : memref<5x128xi32, #tpu.memory_space<vmem>> -> memref<1x128xi32, #tpu.memory_space<vmem>>
    %dma_start3A_1708 = tpu.memref_squeeze %dma_start3A_1707 : memref<1x128xi32, #tpu.memory_space<vmem>> -> memref<128xi32, #tpu.memory_space<vmem>>
    %dma_start3A_1709 = arith.constant 0 : i32
    %dma_start3A_1710 = arith.constant 0 : i32
    %dma_start3A_1711 = tpu.memref_slice %arg3[%dma_start3A_1709, %dma_start3A_1710] : memref<100000x64xf32, #tpu.memory_space<hbm>> -> memref<100000x64xf32, #tpu.memory_space<hbm>>
    tpu.enqueue_indirect_dma source(%dma_start3A_1711 : memref<100000x64xf32, #tpu.memory_space<hbm>>) target(%dma_start3A_1705 : memref<128x64xf32, #tpu.memory_space<vmem>>) offsets(%dma_start3A_1708 : memref<128xi32, #tpu.memory_space<vmem>>) semaphore(%arg38 : memref<!tpu.dma_semaphore, #tpu.memory_space<semaphore_mem>>)
    %dma_wait3A_1712 = arith.constant 3 : i32
    %dma_wait3A_1713 = arith.constant 1 : i32
    %dma_wait3A_1714 = arith.constant 0 : i32
    %dma_wait3A_1715 = arith.constant 0 : i32
    %dma_wait3A_1716 = tpu.memref_slice %arg30[%dma_wait3A_1713, %dma_wait3A_1714, %dma_wait3A_1715] : memref<2x128x64xf32, #tpu.memory_space<vmem>> -> memref<1x128x64xf32, #tpu.memory_space<vmem>>
    %dma_wait3A_1717 = tpu.memref_squeeze %dma_wait3A_1716 : memref<1x128x64xf32, #tpu.memory_space<vmem>> -> memref<128x64xf32, #tpu.memory_space<vmem>>
    %dma_wait3A_1718 = arith.constant 0 : i32
    %dma_wait3A_1719 = tpu.memref_slice %arg19[%dma_wait3A_1712, %dma_wait3A_1718] : memref<5x128xi32, #tpu.memory_space<vmem>> -> memref<1x128xi32, #tpu.memory_space<vmem>>
    %dma_wait3A_1720 = tpu.memref_squeeze %dma_wait3A_1719 : memref<1x128xi32, #tpu.memory_space<vmem>> -> memref<128xi32, #tpu.memory_space<vmem>>
    %dma_wait3A_1721 = arith.constant 0 : i32
    %dma_wait3A_1722 = arith.constant 0 : i32
    %dma_wait3A_1723 = tpu.memref_slice %arg2[%dma_wait3A_1721, %dma_wait3A_1722] : memref<100000x64xf32, #tpu.memory_space<hbm>> -> memref<100000x64xf32, #tpu.memory_space<hbm>>
    tpu.wait_indirect_dma semaphore(%arg37 : memref<!tpu.dma_semaphore, #tpu.memory_space<semaphore_mem>>) src(%dma_wait3A_1723 : memref<100000x64xf32, #tpu.memory_space<hbm>>) dst(%dma_wait3A_1717 : memref<128x64xf32, #tpu.memory_space<vmem>>)
    %scan3A_1724 = arith.constant 0 : i32
    %scan3A_1725 = arith.constant 0 : i32
    %scan3A_1726 = arith.constant 128 : i32
    %scan3A_1727 = arith.addi %scan3A_1725, %scan3A_1726 : i32
    %scan3A_1728 = arith.constant 1 : i32
    scf.for %scan3A_1784 = %scan3A_1725 to %scan3A_1727 step %scan3A_1728  : i32 {
      %broadcast_in_dim3A_1785 = arith.constant 0 : i32
      %broadcast_in_dim3A_1786 = vector.broadcast %broadcast_in_dim3A_1785 : i32 to vector<16xi32>
      %add3A_1787 = vector.broadcast %scan3A_1784 : i32 to vector<16xi32>
      %add3A_1788 = arith.addi %broadcast_in_dim3A_1786, %add3A_1787 : vector<16xi32>
      %gather3A_1789 = tpu.vector_load_idx %arg23[%add3A_1788] : memref<128xi32, #tpu.memory_space<vmem>>[vector<16xi32>], vector<16xi32>,
      %ne3A = arith.constant 0 : i32
      %ne3A_1790 = vector.broadcast %ne3A : i32 to vector<16xi32>
      %ne3A_1791 = arith.cmpi ne, %gather3A_1789, %ne3A_1790 : vector<16xi32>
      %select_n3A = arith.select %ne3A_1791, %get3A_1518, %get3A_1510 : vector<16xi1>, vector<16xf32>
      %ne3A_1792 = arith.constant 0 : i32
      %ne3A_1793 = vector.broadcast %ne3A_1792 : i32 to vector<16xi32>
      %ne3A_1794 = arith.cmpi ne, %gather3A_1789, %ne3A_1793 : vector<16xi32>
      %select_n3A_1795 = arith.select %ne3A_1794, %get3A_1520, %get3A_1512 : vector<16xi1>, vector<16xf32>
      %ne3A_1796 = arith.constant 0 : i32
      %ne3A_1797 = vector.broadcast %ne3A_1796 : i32 to vector<16xi32>
      %ne3A_1798 = arith.cmpi ne, %gather3A_1789, %ne3A_1797 : vector<16xi32>
      %select_n3A_1799 = arith.select %ne3A_1798, %get3A_1522, %get3A_1514 : vector<16xi1>, vector<16xf32>
      %ne3A_1800 = arith.constant 0 : i32
      %ne3A_1801 = vector.broadcast %ne3A_1800 : i32 to vector<16xi32>
      %ne3A_1802 = arith.cmpi ne, %gather3A_1789, %ne3A_1801 : vector<16xi32>
      %select_n3A_1803 = arith.select %ne3A_1802, %get3A_1524, %get3A_1516 : vector<16xi1>, vector<16xf32>
      %get3A_1804 = arith.constant 1 : i32
      %get3A_1805 = arith.index_cast %get3A_1804 : i32 to index
      %get3A_1806 = arith.index_cast %scan3A_1784 : i32 to index
      %get3A_1807 = arith.constant 0 : index
      %get3A_1808 = tpu.vector_load %arg30[%get3A_1805, %get3A_1806, %get3A_1807] {strides = array<i32>} : memref<2x128x64xf32, #tpu.memory_space<vmem>>, vector<16xf32>,
      %get3A_1809 = arith.index_cast %scan3A_1784 : i32 to index
      %get3A_1810 = arith.constant 0 : index
      %get3A_1811 = tpu.vector_load %arg29[%get3A_1809, %get3A_1810] {strides = array<i32>} : memref<128x64xf32, #tpu.memory_space<vmem>>, vector<16xf32>,
      %mul3A_1812 = arith.mulf %get3A_1811, %select_n3A : vector<16xf32>
      %mul3A_1813 = arith.mulf %get3A_1808, %mul3A_1812 : vector<16xf32>
      %add3A_1814 = arith.addf %broadcast_in_dim3A_1526, %mul3A_1813 : vector<16xf32>
      %mul3A_1815 = arith.mulf %get3A_1808, %get3A_1808 : vector<16xf32>
      %add3A_1816 = arith.addf %broadcast_in_dim3A_1526, %mul3A_1815 : vector<16xf32>
      %get3A_1817 = arith.constant 1 : i32
      %get3A_1818 = arith.index_cast %get3A_1817 : i32 to index
      %get3A_1819 = arith.index_cast %scan3A_1784 : i32 to index
      %get3A_1820 = arith.constant 16 : index
      %get3A_1821 = tpu.vector_load %arg30[%get3A_1818, %get3A_1819, %get3A_1820] {strides = array<i32>} : memref<2x128x64xf32, #tpu.memory_space<vmem>>, vector<16xf32>,
      %get3A_1822 = arith.index_cast %scan3A_1784 : i32 to index
      %get3A_1823 = arith.constant 16 : index
      %get3A_1824 = tpu.vector_load %arg29[%get3A_1822, %get3A_1823] {strides = array<i32>} : memref<128x64xf32, #tpu.memory_space<vmem>>, vector<16xf32>,
      %mul3A_1825 = arith.mulf %get3A_1824, %select_n3A_1795 : vector<16xf32>
      %mul3A_1826 = arith.mulf %get3A_1821, %mul3A_1825 : vector<16xf32>
      %add3A_1827 = arith.addf %add3A_1814, %mul3A_1826 : vector<16xf32>
      %mul3A_1828 = arith.mulf %get3A_1821, %get3A_1821 : vector<16xf32>
      %add3A_1829 = arith.addf %add3A_1816, %mul3A_1828 : vector<16xf32>
      %get3A_1830 = arith.constant 1 : i32
      %get3A_1831 = arith.index_cast %get3A_1830 : i32 to index
      %get3A_1832 = arith.index_cast %scan3A_1784 : i32 to index
      %get3A_1833 = arith.constant 32 : index
      %get3A_1834 = tpu.vector_load %arg30[%get3A_1831, %get3A_1832, %get3A_1833] {strides = array<i32>} : memref<2x128x64xf32, #tpu.memory_space<vmem>>, vector<16xf32>,
      %get3A_1835 = arith.index_cast %scan3A_1784 : i32 to index
      %get3A_1836 = arith.constant 32 : index
      %get3A_1837 = tpu.vector_load %arg29[%get3A_1835, %get3A_1836] {strides = array<i32>} : memref<128x64xf32, #tpu.memory_space<vmem>>, vector<16xf32>,
      %mul3A_1838 = arith.mulf %get3A_1837, %select_n3A_1799 : vector<16xf32>
      %mul3A_1839 = arith.mulf %get3A_1834, %mul3A_1838 : vector<16xf32>
      %add3A_1840 = arith.addf %add3A_1827, %mul3A_1839 : vector<16xf32>
      %mul3A_1841 = arith.mulf %get3A_1834, %get3A_1834 : vector<16xf32>
      %add3A_1842 = arith.addf %add3A_1829, %mul3A_1841 : vector<16xf32>
      %get3A_1843 = arith.constant 1 : i32
      %get3A_1844 = arith.index_cast %get3A_1843 : i32 to index
      %get3A_1845 = arith.index_cast %scan3A_1784 : i32 to index
      %get3A_1846 = arith.constant 48 : index
      %get3A_1847 = tpu.vector_load %arg30[%get3A_1844, %get3A_1845, %get3A_1846] {strides = array<i32>} : memref<2x128x64xf32, #tpu.memory_space<vmem>>, vector<16xf32>,
      %get3A_1848 = arith.index_cast %scan3A_1784 : i32 to index
      %get3A_1849 = arith.constant 48 : index
      %get3A_1850 = tpu.vector_load %arg29[%get3A_1848, %get3A_1849] {strides = array<i32>} : memref<128x64xf32, #tpu.memory_space<vmem>>, vector<16xf32>,
      %mul3A_1851 = arith.mulf %get3A_1850, %select_n3A_1803 : vector<16xf32>
      %mul3A_1852 = arith.mulf %get3A_1847, %mul3A_1851 : vector<16xf32>
      %add3A_1853 = arith.addf %add3A_1840, %mul3A_1852 : vector<16xf32>
      %mul3A_1854 = arith.mulf %get3A_1847, %get3A_1847 : vector<16xf32>
      %add3A_1855 = arith.addf %add3A_1842, %mul3A_1854 : vector<16xf32>
      %swap3A_1856 = arith.constant 4 : i32
      %swap3A_1857 = arith.index_cast %scan3A_1784 : i32 to index
      %swap3A_1858 = arith.index_cast %swap3A_1856 : i32 to index
      %swap3A_1859 = arith.constant 0 : index
      %swap3A_1860 = tpu.vector_load %arg32[%swap3A_1857, %swap3A_1858, %swap3A_1859] {strides = array<i32>} : memref<128x15x16xf32, #tpu.memory_space<vmem>>, vector<16xf32>,
      tpu.vector_store %arg32[%swap3A_1857, %swap3A_1858, %swap3A_1859], %add3A_1853 {strides = array<i32>} : memref<128x15x16xf32, #tpu.memory_space<vmem>>, vector<16xf32>,
      %get3A_1861 = arith.constant 13 : i32
      %get3A_1862 = arith.index_cast %scan3A_1784 : i32 to index
      %get3A_1863 = arith.index_cast %get3A_1861 : i32 to index
      %get3A_1864 = arith.constant 0 : index
      %get3A_1865 = tpu.vector_load %arg32[%get3A_1862, %get3A_1863, %get3A_1864] {strides = array<i32>} : memref<128x15x16xf32, #tpu.memory_space<vmem>>, vector<16xf32>,
      %add3A_1866 = arith.addf %get3A_1865, %add3A_1855 : vector<16xf32>
      %swap3A_1867 = arith.constant 13 : i32
      %swap3A_1868 = arith.index_cast %scan3A_1784 : i32 to index
      %swap3A_1869 = arith.index_cast %swap3A_1867 : i32 to index
      %swap3A_1870 = arith.constant 0 : index
      %swap3A_1871 = tpu.vector_load %arg32[%swap3A_1868, %swap3A_1869, %swap3A_1870] {strides = array<i32>} : memref<128x15x16xf32, #tpu.memory_space<vmem>>, vector<16xf32>,
      tpu.vector_store %arg32[%swap3A_1868, %swap3A_1869, %swap3A_1870], %add3A_1866 {strides = array<i32>} : memref<128x15x16xf32, #tpu.memory_space<vmem>>, vector<16xf32>,
    }
    %scan3A_1729 = arith.constant 128 : i32
    %dma_wait3A_1730 = arith.constant 3 : i32
    %dma_wait3A_1731 = arith.constant 1 : i32
    %dma_wait3A_1732 = arith.constant 0 : i32
    %dma_wait3A_1733 = arith.constant 0 : i32
    %dma_wait3A_1734 = tpu.memref_slice %arg31[%dma_wait3A_1731, %dma_wait3A_1732, %dma_wait3A_1733] : memref<2x128x64xf32, #tpu.memory_space<vmem>> -> memref<1x128x64xf32, #tpu.memory_space<vmem>>
    %dma_wait3A_1735 = tpu.memref_squeeze %dma_wait3A_1734 : memref<1x128x64xf32, #tpu.memory_space<vmem>> -> memref<128x64xf32, #tpu.memory_space<vmem>>
    %dma_wait3A_1736 = arith.constant 0 : i32
    %dma_wait3A_1737 = tpu.memref_slice %arg20[%dma_wait3A_1730, %dma_wait3A_1736] : memref<5x128xi32, #tpu.memory_space<vmem>> -> memref<1x128xi32, #tpu.memory_space<vmem>>
    %dma_wait3A_1738 = tpu.memref_squeeze %dma_wait3A_1737 : memref<1x128xi32, #tpu.memory_space<vmem>> -> memref<128xi32, #tpu.memory_space<vmem>>
    %dma_wait3A_1739 = arith.constant 0 : i32
    %dma_wait3A_1740 = arith.constant 0 : i32
    %dma_wait3A_1741 = tpu.memref_slice %arg3[%dma_wait3A_1739, %dma_wait3A_1740] : memref<100000x64xf32, #tpu.memory_space<hbm>> -> memref<100000x64xf32, #tpu.memory_space<hbm>>
    tpu.wait_indirect_dma semaphore(%arg39 : memref<!tpu.dma_semaphore, #tpu.memory_space<semaphore_mem>>) src(%dma_wait3A_1741 : memref<100000x64xf32, #tpu.memory_space<hbm>>) dst(%dma_wait3A_1735 : memref<128x64xf32, #tpu.memory_space<vmem>>)
    %scan3A_1742 = arith.constant 0 : i32
    %scan3A_1743 = arith.constant 0 : i32
    %scan3A_1744 = arith.constant 128 : i32
    %scan3A_1745 = arith.addi %scan3A_1743, %scan3A_1744 : i32
    %scan3A_1746 = arith.constant 1 : i32
    scf.for %scan3A_1784 = %scan3A_1743 to %scan3A_1745 step %scan3A_1746  : i32 {
      %broadcast_in_dim3A_1785 = arith.constant 0 : i32
      %broadcast_in_dim3A_1786 = vector.broadcast %broadcast_in_dim3A_1785 : i32 to vector<16xi32>
      %add3A_1787 = vector.broadcast %scan3A_1784 : i32 to vector<16xi32>
      %add3A_1788 = arith.addi %broadcast_in_dim3A_1786, %add3A_1787 : vector<16xi32>
      %gather3A_1789 = tpu.vector_load_idx %arg23[%add3A_1788] : memref<128xi32, #tpu.memory_space<vmem>>[vector<16xi32>], vector<16xi32>,
      %ne3A = arith.constant 0 : i32
      %ne3A_1790 = vector.broadcast %ne3A : i32 to vector<16xi32>
      %ne3A_1791 = arith.cmpi ne, %gather3A_1789, %ne3A_1790 : vector<16xi32>
      %select_n3A = arith.select %ne3A_1791, %get3A_1518, %get3A_1510 : vector<16xi1>, vector<16xf32>
      %ne3A_1792 = arith.constant 0 : i32
      %ne3A_1793 = vector.broadcast %ne3A_1792 : i32 to vector<16xi32>
      %ne3A_1794 = arith.cmpi ne, %gather3A_1789, %ne3A_1793 : vector<16xi32>
      %select_n3A_1795 = arith.select %ne3A_1794, %get3A_1520, %get3A_1512 : vector<16xi1>, vector<16xf32>
      %ne3A_1796 = arith.constant 0 : i32
      %ne3A_1797 = vector.broadcast %ne3A_1796 : i32 to vector<16xi32>
      %ne3A_1798 = arith.cmpi ne, %gather3A_1789, %ne3A_1797 : vector<16xi32>
      %select_n3A_1799 = arith.select %ne3A_1798, %get3A_1522, %get3A_1514 : vector<16xi1>, vector<16xf32>
      %ne3A_1800 = arith.constant 0 : i32
      %ne3A_1801 = vector.broadcast %ne3A_1800 : i32 to vector<16xi32>
      %ne3A_1802 = arith.cmpi ne, %gather3A_1789, %ne3A_1801 : vector<16xi32>
      %select_n3A_1803 = arith.select %ne3A_1802, %get3A_1524, %get3A_1516 : vector<16xi1>, vector<16xf32>
      %get3A_1804 = arith.constant 1 : i32
      %get3A_1805 = arith.index_cast %get3A_1804 : i32 to index
      %get3A_1806 = arith.index_cast %scan3A_1784 : i32 to index
      %get3A_1807 = arith.constant 0 : index
      %get3A_1808 = tpu.vector_load %arg31[%get3A_1805, %get3A_1806, %get3A_1807] {strides = array<i32>} : memref<2x128x64xf32, #tpu.memory_space<vmem>>, vector<16xf32>,
      %get3A_1809 = arith.index_cast %scan3A_1784 : i32 to index
      %get3A_1810 = arith.constant 0 : index
      %get3A_1811 = tpu.vector_load %arg28[%get3A_1809, %get3A_1810] {strides = array<i32>} : memref<128x64xf32, #tpu.memory_space<vmem>>, vector<16xf32>,
      %mul3A_1812 = arith.mulf %get3A_1811, %select_n3A : vector<16xf32>
      %mul3A_1813 = arith.mulf %get3A_1808, %mul3A_1812 : vector<16xf32>
      %add3A_1814 = arith.addf %broadcast_in_dim3A_1526, %mul3A_1813 : vector<16xf32>
      %mul3A_1815 = arith.mulf %get3A_1808, %get3A_1808 : vector<16xf32>
      %add3A_1816 = arith.addf %broadcast_in_dim3A_1526, %mul3A_1815 : vector<16xf32>
      %get3A_1817 = arith.constant 1 : i32
      %get3A_1818 = arith.index_cast %get3A_1817 : i32 to index
      %get3A_1819 = arith.index_cast %scan3A_1784 : i32 to index
      %get3A_1820 = arith.constant 16 : index
      %get3A_1821 = tpu.vector_load %arg31[%get3A_1818, %get3A_1819, %get3A_1820] {strides = array<i32>} : memref<2x128x64xf32, #tpu.memory_space<vmem>>, vector<16xf32>,
      %get3A_1822 = arith.index_cast %scan3A_1784 : i32 to index
      %get3A_1823 = arith.constant 16 : index
      %get3A_1824 = tpu.vector_load %arg28[%get3A_1822, %get3A_1823] {strides = array<i32>} : memref<128x64xf32, #tpu.memory_space<vmem>>, vector<16xf32>,
      %mul3A_1825 = arith.mulf %get3A_1824, %select_n3A_1795 : vector<16xf32>
      %mul3A_1826 = arith.mulf %get3A_1821, %mul3A_1825 : vector<16xf32>
      %add3A_1827 = arith.addf %add3A_1814, %mul3A_1826 : vector<16xf32>
      %mul3A_1828 = arith.mulf %get3A_1821, %get3A_1821 : vector<16xf32>
      %add3A_1829 = arith.addf %add3A_1816, %mul3A_1828 : vector<16xf32>
      %get3A_1830 = arith.constant 1 : i32
      %get3A_1831 = arith.index_cast %get3A_1830 : i32 to index
      %get3A_1832 = arith.index_cast %scan3A_1784 : i32 to index
      %get3A_1833 = arith.constant 32 : index
      %get3A_1834 = tpu.vector_load %arg31[%get3A_1831, %get3A_1832, %get3A_1833] {strides = array<i32>} : memref<2x128x64xf32, #tpu.memory_space<vmem>>, vector<16xf32>,
      %get3A_1835 = arith.index_cast %scan3A_1784 : i32 to index
      %get3A_1836 = arith.constant 32 : index
      %get3A_1837 = tpu.vector_load %arg28[%get3A_1835, %get3A_1836] {strides = array<i32>} : memref<128x64xf32, #tpu.memory_space<vmem>>, vector<16xf32>,
      %mul3A_1838 = arith.mulf %get3A_1837, %select_n3A_1799 : vector<16xf32>
      %mul3A_1839 = arith.mulf %get3A_1834, %mul3A_1838 : vector<16xf32>
      %add3A_1840 = arith.addf %add3A_1827, %mul3A_1839 : vector<16xf32>
      %mul3A_1841 = arith.mulf %get3A_1834, %get3A_1834 : vector<16xf32>
      %add3A_1842 = arith.addf %add3A_1829, %mul3A_1841 : vector<16xf32>
      %get3A_1843 = arith.constant 1 : i32
      %get3A_1844 = arith.index_cast %get3A_1843 : i32 to index
      %get3A_1845 = arith.index_cast %scan3A_1784 : i32 to index
      %get3A_1846 = arith.constant 48 : index
      %get3A_1847 = tpu.vector_load %arg31[%get3A_1844, %get3A_1845, %get3A_1846] {strides = array<i32>} : memref<2x128x64xf32, #tpu.memory_space<vmem>>, vector<16xf32>,
      %get3A_1848 = arith.index_cast %scan3A_1784 : i32 to index
      %get3A_1849 = arith.constant 48 : index
      %get3A_1850 = tpu.vector_load %arg28[%get3A_1848, %get3A_1849] {strides = array<i32>} : memref<128x64xf32, #tpu.memory_space<vmem>>, vector<16xf32>,
      %mul3A_1851 = arith.mulf %get3A_1850, %select_n3A_1803 : vector<16xf32>
      %mul3A_1852 = arith.mulf %get3A_1847, %mul3A_1851 : vector<16xf32>
      %add3A_1853 = arith.addf %add3A_1840, %mul3A_1852 : vector<16xf32>
      %mul3A_1854 = arith.mulf %get3A_1847, %get3A_1847 : vector<16xf32>
      %add3A_1855 = arith.addf %add3A_1842, %mul3A_1854 : vector<16xf32>
      %swap3A_1856 = arith.constant 9 : i32
      %swap3A_1857 = arith.index_cast %scan3A_1784 : i32 to index
      %swap3A_1858 = arith.index_cast %swap3A_1856 : i32 to index
      %swap3A_1859 = arith.constant 0 : index
      %swap3A_1860 = tpu.vector_load %arg32[%swap3A_1857, %swap3A_1858, %swap3A_1859] {strides = array<i32>} : memref<128x15x16xf32, #tpu.memory_space<vmem>>, vector<16xf32>,
      tpu.vector_store %arg32[%swap3A_1857, %swap3A_1858, %swap3A_1859], %add3A_1853 {strides = array<i32>} : memref<128x15x16xf32, #tpu.memory_space<vmem>>, vector<16xf32>,
      %get3A_1861 = arith.constant 14 : i32
      %get3A_1862 = arith.index_cast %scan3A_1784 : i32 to index
      %get3A_1863 = arith.index_cast %get3A_1861 : i32 to index
      %get3A_1864 = arith.constant 0 : index
      %get3A_1865 = tpu.vector_load %arg32[%get3A_1862, %get3A_1863, %get3A_1864] {strides = array<i32>} : memref<128x15x16xf32, #tpu.memory_space<vmem>>, vector<16xf32>,
      %add3A_1866 = arith.addf %get3A_1865, %add3A_1855 : vector<16xf32>
      %swap3A_1867 = arith.constant 14 : i32
      %swap3A_1868 = arith.index_cast %scan3A_1784 : i32 to index
      %swap3A_1869 = arith.index_cast %swap3A_1867 : i32 to index
      %swap3A_1870 = arith.constant 0 : index
      %swap3A_1871 = tpu.vector_load %arg32[%swap3A_1868, %swap3A_1869, %swap3A_1870] {strides = array<i32>} : memref<128x15x16xf32, #tpu.memory_space<vmem>>, vector<16xf32>,
      tpu.vector_store %arg32[%swap3A_1868, %swap3A_1869, %swap3A_1870], %add3A_1866 {strides = array<i32>} : memref<128x15x16xf32, #tpu.memory_space<vmem>>, vector<16xf32>,
    }
    %scan3A_1747 = arith.constant 128 : i32
    %dma_wait3A_1748 = arith.constant 4 : i32
    %dma_wait3A_1749 = arith.constant 0 : i32
    %dma_wait3A_1750 = arith.constant 0 : i32
    %dma_wait3A_1751 = arith.constant 0 : i32
    %dma_wait3A_1752 = tpu.memref_slice %arg30[%dma_wait3A_1749, %dma_wait3A_1750, %dma_wait3A_1751] : memref<2x128x64xf32, #tpu.memory_space<vmem>> -> memref<1x128x64xf32, #tpu.memory_space<vmem>>
    %dma_wait3A_1753 = tpu.memref_squeeze %dma_wait3A_1752 : memref<1x128x64xf32, #tpu.memory_space<vmem>> -> memref<128x64xf32, #tpu.memory_space<vmem>>
    %dma_wait3A_1754 = arith.constant 0 : i32
    %dma_wait3A_1755 = tpu.memref_slice %arg19[%dma_wait3A_1748, %dma_wait3A_1754] : memref<5x128xi32, #tpu.memory_space<vmem>> -> memref<1x128xi32, #tpu.memory_space<vmem>>
    %dma_wait3A_1756 = tpu.memref_squeeze %dma_wait3A_1755 : memref<1x128xi32, #tpu.memory_space<vmem>> -> memref<128xi32, #tpu.memory_space<vmem>>
    %dma_wait3A_1757 = arith.constant 0 : i32
    %dma_wait3A_1758 = arith.constant 0 : i32
    %dma_wait3A_1759 = tpu.memref_slice %arg2[%dma_wait3A_1757, %dma_wait3A_1758] : memref<100000x64xf32, #tpu.memory_space<hbm>> -> memref<100000x64xf32, #tpu.memory_space<hbm>>
    tpu.wait_indirect_dma semaphore(%arg36 : memref<!tpu.dma_semaphore, #tpu.memory_space<semaphore_mem>>) src(%dma_wait3A_1759 : memref<100000x64xf32, #tpu.memory_space<hbm>>) dst(%dma_wait3A_1753 : memref<128x64xf32, #tpu.memory_space<vmem>>)
    %scan3A_1760 = arith.constant 0 : i32
    %scan3A_1761 = arith.constant 0 : i32
    %scan3A_1762 = arith.constant 128 : i32
    %scan3A_1763 = arith.addi %scan3A_1761, %scan3A_1762 : i32
    %scan3A_1764 = arith.constant 1 : i32
    scf.for %scan3A_1784 = %scan3A_1761 to %scan3A_1763 step %scan3A_1764  : i32 {
      %broadcast_in_dim3A_1785 = arith.constant 0 : i32
      %broadcast_in_dim3A_1786 = vector.broadcast %broadcast_in_dim3A_1785 : i32 to vector<16xi32>
      %add3A_1787 = vector.broadcast %scan3A_1784 : i32 to vector<16xi32>
      %add3A_1788 = arith.addi %broadcast_in_dim3A_1786, %add3A_1787 : vector<16xi32>
      %gather3A_1789 = tpu.vector_load_idx %arg23[%add3A_1788] : memref<128xi32, #tpu.memory_space<vmem>>[vector<16xi32>], vector<16xi32>,
      %ne3A = arith.constant 0 : i32
      %ne3A_1790 = vector.broadcast %ne3A : i32 to vector<16xi32>
      %ne3A_1791 = arith.cmpi ne, %gather3A_1789, %ne3A_1790 : vector<16xi32>
      %select_n3A = arith.select %ne3A_1791, %get3A_1518, %get3A_1510 : vector<16xi1>, vector<16xf32>
      %ne3A_1792 = arith.constant 0 : i32
      %ne3A_1793 = vector.broadcast %ne3A_1792 : i32 to vector<16xi32>
      %ne3A_1794 = arith.cmpi ne, %gather3A_1789, %ne3A_1793 : vector<16xi32>
      %select_n3A_1795 = arith.select %ne3A_1794, %get3A_1520, %get3A_1512 : vector<16xi1>, vector<16xf32>
      %ne3A_1796 = arith.constant 0 : i32
      %ne3A_1797 = vector.broadcast %ne3A_1796 : i32 to vector<16xi32>
      %ne3A_1798 = arith.cmpi ne, %gather3A_1789, %ne3A_1797 : vector<16xi32>
      %select_n3A_1799 = arith.select %ne3A_1798, %get3A_1522, %get3A_1514 : vector<16xi1>, vector<16xf32>
      %ne3A_1800 = arith.constant 0 : i32
      %ne3A_1801 = vector.broadcast %ne3A_1800 : i32 to vector<16xi32>
      %ne3A_1802 = arith.cmpi ne, %gather3A_1789, %ne3A_1801 : vector<16xi32>
      %select_n3A_1803 = arith.select %ne3A_1802, %get3A_1524, %get3A_1516 : vector<16xi1>, vector<16xf32>
      %get3A_1804 = arith.constant 0 : i32
      %get3A_1805 = arith.index_cast %get3A_1804 : i32 to index
      %get3A_1806 = arith.index_cast %scan3A_1784 : i32 to index
      %get3A_1807 = arith.constant 0 : index
      %get3A_1808 = tpu.vector_load %arg30[%get3A_1805, %get3A_1806, %get3A_1807] {strides = array<i32>} : memref<2x128x64xf32, #tpu.memory_space<vmem>>, vector<16xf32>,
      %get3A_1809 = arith.index_cast %scan3A_1784 : i32 to index
      %get3A_1810 = arith.constant 0 : index
      %get3A_1811 = tpu.vector_load %arg29[%get3A_1809, %get3A_1810] {strides = array<i32>} : memref<128x64xf32, #tpu.memory_space<vmem>>, vector<16xf32>,
      %mul3A_1812 = arith.mulf %get3A_1811, %select_n3A : vector<16xf32>
      %mul3A_1813 = arith.mulf %get3A_1808, %mul3A_1812 : vector<16xf32>
      %add3A_1814 = arith.addf %broadcast_in_dim3A_1526, %mul3A_1813 : vector<16xf32>
      %mul3A_1815 = arith.mulf %get3A_1808, %get3A_1808 : vector<16xf32>
      %add3A_1816 = arith.addf %broadcast_in_dim3A_1526, %mul3A_1815 : vector<16xf32>
      %get3A_1817 = arith.constant 0 : i32
      %get3A_1818 = arith.index_cast %get3A_1817 : i32 to index
      %get3A_1819 = arith.index_cast %scan3A_1784 : i32 to index
      %get3A_1820 = arith.constant 16 : index
      %get3A_1821 = tpu.vector_load %arg30[%get3A_1818, %get3A_1819, %get3A_1820] {strides = array<i32>} : memref<2x128x64xf32, #tpu.memory_space<vmem>>, vector<16xf32>,
      %get3A_1822 = arith.index_cast %scan3A_1784 : i32 to index
      %get3A_1823 = arith.constant 16 : index
      %get3A_1824 = tpu.vector_load %arg29[%get3A_1822, %get3A_1823] {strides = array<i32>} : memref<128x64xf32, #tpu.memory_space<vmem>>, vector<16xf32>,
      %mul3A_1825 = arith.mulf %get3A_1824, %select_n3A_1795 : vector<16xf32>
      %mul3A_1826 = arith.mulf %get3A_1821, %mul3A_1825 : vector<16xf32>
      %add3A_1827 = arith.addf %add3A_1814, %mul3A_1826 : vector<16xf32>
      %mul3A_1828 = arith.mulf %get3A_1821, %get3A_1821 : vector<16xf32>
      %add3A_1829 = arith.addf %add3A_1816, %mul3A_1828 : vector<16xf32>
      %get3A_1830 = arith.constant 0 : i32
      %get3A_1831 = arith.index_cast %get3A_1830 : i32 to index
      %get3A_1832 = arith.index_cast %scan3A_1784 : i32 to index
      %get3A_1833 = arith.constant 32 : index
      %get3A_1834 = tpu.vector_load %arg30[%get3A_1831, %get3A_1832, %get3A_1833] {strides = array<i32>} : memref<2x128x64xf32, #tpu.memory_space<vmem>>, vector<16xf32>,
      %get3A_1835 = arith.index_cast %scan3A_1784 : i32 to index
      %get3A_1836 = arith.constant 32 : index
      %get3A_1837 = tpu.vector_load %arg29[%get3A_1835, %get3A_1836] {strides = array<i32>} : memref<128x64xf32, #tpu.memory_space<vmem>>, vector<16xf32>,
      %mul3A_1838 = arith.mulf %get3A_1837, %select_n3A_1799 : vector<16xf32>
      %mul3A_1839 = arith.mulf %get3A_1834, %mul3A_1838 : vector<16xf32>
      %add3A_1840 = arith.addf %add3A_1827, %mul3A_1839 : vector<16xf32>
      %mul3A_1841 = arith.mulf %get3A_1834, %get3A_1834 : vector<16xf32>
      %add3A_1842 = arith.addf %add3A_1829, %mul3A_1841 : vector<16xf32>
      %get3A_1843 = arith.constant 0 : i32
      %get3A_1844 = arith.index_cast %get3A_1843 : i32 to index
      %get3A_1845 = arith.index_cast %scan3A_1784 : i32 to index
      %get3A_1846 = arith.constant 48 : index
      %get3A_1847 = tpu.vector_load %arg30[%get3A_1844, %get3A_1845, %get3A_1846] {strides = array<i32>} : memref<2x128x64xf32, #tpu.memory_space<vmem>>, vector<16xf32>,
      %get3A_1848 = arith.index_cast %scan3A_1784 : i32 to index
      %get3A_1849 = arith.constant 48 : index
      %get3A_1850 = tpu.vector_load %arg29[%get3A_1848, %get3A_1849] {strides = array<i32>} : memref<128x64xf32, #tpu.memory_space<vmem>>, vector<16xf32>,
      %mul3A_1851 = arith.mulf %get3A_1850, %select_n3A_1803 : vector<16xf32>
      %mul3A_1852 = arith.mulf %get3A_1847, %mul3A_1851 : vector<16xf32>
      %add3A_1853 = arith.addf %add3A_1840, %mul3A_1852 : vector<16xf32>
      %mul3A_1854 = arith.mulf %get3A_1847, %get3A_1847 : vector<16xf32>
      %add3A_1855 = arith.addf %add3A_1842, %mul3A_1854 : vector<16xf32>
      %swap3A_1856 = arith.constant 5 : i32
      %swap3A_1857 = arith.index_cast %scan3A_1784 : i32 to index
      %swap3A_1858 = arith.index_cast %swap3A_1856 : i32 to index
      %swap3A_1859 = arith.constant 0 : index
      %swap3A_1860 = tpu.vector_load %arg32[%swap3A_1857, %swap3A_1858, %swap3A_1859] {strides = array<i32>} : memref<128x15x16xf32, #tpu.memory_space<vmem>>, vector<16xf32>,
      tpu.vector_store %arg32[%swap3A_1857, %swap3A_1858, %swap3A_1859], %add3A_1853 {strides = array<i32>} : memref<128x15x16xf32, #tpu.memory_space<vmem>>, vector<16xf32>,
      %get3A_1861 = arith.constant 13 : i32
      %get3A_1862 = arith.index_cast %scan3A_1784 : i32 to index
      %get3A_1863 = arith.index_cast %get3A_1861 : i32 to index
      %get3A_1864 = arith.constant 0 : index
      %get3A_1865 = tpu.vector_load %arg32[%get3A_1862, %get3A_1863, %get3A_1864] {strides = array<i32>} : memref<128x15x16xf32, #tpu.memory_space<vmem>>, vector<16xf32>,
      %add3A_1866 = arith.addf %get3A_1865, %add3A_1855 : vector<16xf32>
      %swap3A_1867 = arith.constant 13 : i32
      %swap3A_1868 = arith.index_cast %scan3A_1784 : i32 to index
      %swap3A_1869 = arith.index_cast %swap3A_1867 : i32 to index
      %swap3A_1870 = arith.constant 0 : index
      %swap3A_1871 = tpu.vector_load %arg32[%swap3A_1868, %swap3A_1869, %swap3A_1870] {strides = array<i32>} : memref<128x15x16xf32, #tpu.memory_space<vmem>>, vector<16xf32>,
      tpu.vector_store %arg32[%swap3A_1868, %swap3A_1869, %swap3A_1870], %add3A_1866 {strides = array<i32>} : memref<128x15x16xf32, #tpu.memory_space<vmem>>, vector<16xf32>,
    }
    %scan3A_1765 = arith.constant 128 : i32
    %dma_wait3A_1766 = arith.constant 4 : i32
    %dma_wait3A_1767 = arith.constant 0 : i32
    %dma_wait3A_1768 = arith.constant 0 : i32
    %dma_wait3A_1769 = arith.constant 0 : i32
    %dma_wait3A_1770 = tpu.memref_slice %arg31[%dma_wait3A_1767, %dma_wait3A_1768, %dma_wait3A_1769] : memref<2x128x64xf32, #tpu.memory_space<vmem>> -> memref<1x128x64xf32, #tpu.memory_space<vmem>>
    %dma_wait3A_1771 = tpu.memref_squeeze %dma_wait3A_1770 : memref<1x128x64xf32, #tpu.memory_space<vmem>> -> memref<128x64xf32, #tpu.memory_space<vmem>>
    %dma_wait3A_1772 = arith.constant 0 : i32
    %dma_wait3A_1773 = tpu.memref_slice %arg20[%dma_wait3A_1766, %dma_wait3A_1772] : memref<5x128xi32, #tpu.memory_space<vmem>> -> memref<1x128xi32, #tpu.memory_space<vmem>>
    %dma_wait3A_1774 = tpu.memref_squeeze %dma_wait3A_1773 : memref<1x128xi32, #tpu.memory_space<vmem>> -> memref<128xi32, #tpu.memory_space<vmem>>
    %dma_wait3A_1775 = arith.constant 0 : i32
    %dma_wait3A_1776 = arith.constant 0 : i32
    %dma_wait3A_1777 = tpu.memref_slice %arg3[%dma_wait3A_1775, %dma_wait3A_1776] : memref<100000x64xf32, #tpu.memory_space<hbm>> -> memref<100000x64xf32, #tpu.memory_space<hbm>>
    tpu.wait_indirect_dma semaphore(%arg38 : memref<!tpu.dma_semaphore, #tpu.memory_space<semaphore_mem>>) src(%dma_wait3A_1777 : memref<100000x64xf32, #tpu.memory_space<hbm>>) dst(%dma_wait3A_1771 : memref<128x64xf32, #tpu.memory_space<vmem>>)
    %scan3A_1778 = arith.constant 0 : i32
    %scan3A_1779 = arith.constant 0 : i32
    %scan3A_1780 = arith.constant 128 : i32
    %scan3A_1781 = arith.addi %scan3A_1779, %scan3A_1780 : i32
    %scan3A_1782 = arith.constant 1 : i32
    scf.for %scan3A_1784 = %scan3A_1779 to %scan3A_1781 step %scan3A_1782  : i32 {
      %broadcast_in_dim3A_1785 = arith.constant 0 : i32
      %broadcast_in_dim3A_1786 = vector.broadcast %broadcast_in_dim3A_1785 : i32 to vector<16xi32>
      %add3A_1787 = vector.broadcast %scan3A_1784 : i32 to vector<16xi32>
      %add3A_1788 = arith.addi %broadcast_in_dim3A_1786, %add3A_1787 : vector<16xi32>
      %gather3A_1789 = tpu.vector_load_idx %arg23[%add3A_1788] : memref<128xi32, #tpu.memory_space<vmem>>[vector<16xi32>], vector<16xi32>,
      %ne3A = arith.constant 0 : i32
      %ne3A_1790 = vector.broadcast %ne3A : i32 to vector<16xi32>
      %ne3A_1791 = arith.cmpi ne, %gather3A_1789, %ne3A_1790 : vector<16xi32>
      %select_n3A = arith.select %ne3A_1791, %get3A_1518, %get3A_1510 : vector<16xi1>, vector<16xf32>
      %ne3A_1792 = arith.constant 0 : i32
      %ne3A_1793 = vector.broadcast %ne3A_1792 : i32 to vector<16xi32>
      %ne3A_1794 = arith.cmpi ne, %gather3A_1789, %ne3A_1793 : vector<16xi32>
      %select_n3A_1795 = arith.select %ne3A_1794, %get3A_1520, %get3A_1512 : vector<16xi1>, vector<16xf32>
      %ne3A_1796 = arith.constant 0 : i32
      %ne3A_1797 = vector.broadcast %ne3A_1796 : i32 to vector<16xi32>
      %ne3A_1798 = arith.cmpi ne, %gather3A_1789, %ne3A_1797 : vector<16xi32>
      %select_n3A_1799 = arith.select %ne3A_1798, %get3A_1522, %get3A_1514 : vector<16xi1>, vector<16xf32>
      %ne3A_1800 = arith.constant 0 : i32
      %ne3A_1801 = vector.broadcast %ne3A_1800 : i32 to vector<16xi32>
      %ne3A_1802 = arith.cmpi ne, %gather3A_1789, %ne3A_1801 : vector<16xi32>
      %select_n3A_1803 = arith.select %ne3A_1802, %get3A_1524, %get3A_1516 : vector<16xi1>, vector<16xf32>
      %get3A_1804 = arith.constant 0 : i32
      %get3A_1805 = arith.index_cast %get3A_1804 : i32 to index
      %get3A_1806 = arith.index_cast %scan3A_1784 : i32 to index
      %get3A_1807 = arith.constant 0 : index
      %get3A_1808 = tpu.vector_load %arg31[%get3A_1805, %get3A_1806, %get3A_1807] {strides = array<i32>} : memref<2x128x64xf32, #tpu.memory_space<vmem>>, vector<16xf32>,
      %get3A_1809 = arith.index_cast %scan3A_1784 : i32 to index
      %get3A_1810 = arith.constant 0 : index
      %get3A_1811 = tpu.vector_load %arg28[%get3A_1809, %get3A_1810] {strides = array<i32>} : memref<128x64xf32, #tpu.memory_space<vmem>>, vector<16xf32>,
      %mul3A_1812 = arith.mulf %get3A_1811, %select_n3A : vector<16xf32>
      %mul3A_1813 = arith.mulf %get3A_1808, %mul3A_1812 : vector<16xf32>
      %add3A_1814 = arith.addf %broadcast_in_dim3A_1526, %mul3A_1813 : vector<16xf32>
      %mul3A_1815 = arith.mulf %get3A_1808, %get3A_1808 : vector<16xf32>
      %add3A_1816 = arith.addf %broadcast_in_dim3A_1526, %mul3A_1815 : vector<16xf32>
      %get3A_1817 = arith.constant 0 : i32
      %get3A_1818 = arith.index_cast %get3A_1817 : i32 to index
      %get3A_1819 = arith.index_cast %scan3A_1784 : i32 to index
      %get3A_1820 = arith.constant 16 : index
      %get3A_1821 = tpu.vector_load %arg31[%get3A_1818, %get3A_1819, %get3A_1820] {strides = array<i32>} : memref<2x128x64xf32, #tpu.memory_space<vmem>>, vector<16xf32>,
      %get3A_1822 = arith.index_cast %scan3A_1784 : i32 to index
      %get3A_1823 = arith.constant 16 : index
      %get3A_1824 = tpu.vector_load %arg28[%get3A_1822, %get3A_1823] {strides = array<i32>} : memref<128x64xf32, #tpu.memory_space<vmem>>, vector<16xf32>,
      %mul3A_1825 = arith.mulf %get3A_1824, %select_n3A_1795 : vector<16xf32>
      %mul3A_1826 = arith.mulf %get3A_1821, %mul3A_1825 : vector<16xf32>
      %add3A_1827 = arith.addf %add3A_1814, %mul3A_1826 : vector<16xf32>
      %mul3A_1828 = arith.mulf %get3A_1821, %get3A_1821 : vector<16xf32>
      %add3A_1829 = arith.addf %add3A_1816, %mul3A_1828 : vector<16xf32>
      %get3A_1830 = arith.constant 0 : i32
      %get3A_1831 = arith.index_cast %get3A_1830 : i32 to index
      %get3A_1832 = arith.index_cast %scan3A_1784 : i32 to index
      %get3A_1833 = arith.constant 32 : index
      %get3A_1834 = tpu.vector_load %arg31[%get3A_1831, %get3A_1832, %get3A_1833] {strides = array<i32>} : memref<2x128x64xf32, #tpu.memory_space<vmem>>, vector<16xf32>,
      %get3A_1835 = arith.index_cast %scan3A_1784 : i32 to index
      %get3A_1836 = arith.constant 32 : index
      %get3A_1837 = tpu.vector_load %arg28[%get3A_1835, %get3A_1836] {strides = array<i32>} : memref<128x64xf32, #tpu.memory_space<vmem>>, vector<16xf32>,
      %mul3A_1838 = arith.mulf %get3A_1837, %select_n3A_1799 : vector<16xf32>
      %mul3A_1839 = arith.mulf %get3A_1834, %mul3A_1838 : vector<16xf32>
      %add3A_1840 = arith.addf %add3A_1827, %mul3A_1839 : vector<16xf32>
      %mul3A_1841 = arith.mulf %get3A_1834, %get3A_1834 : vector<16xf32>
      %add3A_1842 = arith.addf %add3A_1829, %mul3A_1841 : vector<16xf32>
      %get3A_1843 = arith.constant 0 : i32
      %get3A_1844 = arith.index_cast %get3A_1843 : i32 to index
      %get3A_1845 = arith.index_cast %scan3A_1784 : i32 to index
      %get3A_1846 = arith.constant 48 : index
      %get3A_1847 = tpu.vector_load %arg31[%get3A_1844, %get3A_1845, %get3A_1846] {strides = array<i32>} : memref<2x128x64xf32, #tpu.memory_space<vmem>>, vector<16xf32>,
      %get3A_1848 = arith.index_cast %scan3A_1784 : i32 to index
      %get3A_1849 = arith.constant 48 : index
      %get3A_1850 = tpu.vector_load %arg28[%get3A_1848, %get3A_1849] {strides = array<i32>} : memref<128x64xf32, #tpu.memory_space<vmem>>, vector<16xf32>,
      %mul3A_1851 = arith.mulf %get3A_1850, %select_n3A_1803 : vector<16xf32>
      %mul3A_1852 = arith.mulf %get3A_1847, %mul3A_1851 : vector<16xf32>
      %add3A_1853 = arith.addf %add3A_1840, %mul3A_1852 : vector<16xf32>
      %mul3A_1854 = arith.mulf %get3A_1847, %get3A_1847 : vector<16xf32>
      %add3A_1855 = arith.addf %add3A_1842, %mul3A_1854 : vector<16xf32>
      %swap3A_1856 = arith.constant 10 : i32
      %swap3A_1857 = arith.index_cast %scan3A_1784 : i32 to index
      %swap3A_1858 = arith.index_cast %swap3A_1856 : i32 to index
      %swap3A_1859 = arith.constant 0 : index
      %swap3A_1860 = tpu.vector_load %arg32[%swap3A_1857, %swap3A_1858, %swap3A_1859] {strides = array<i32>} : memref<128x15x16xf32, #tpu.memory_space<vmem>>, vector<16xf32>,
      tpu.vector_store %arg32[%swap3A_1857, %swap3A_1858, %swap3A_1859], %add3A_1853 {strides = array<i32>} : memref<128x15x16xf32, #tpu.memory_space<vmem>>, vector<16xf32>,
      %get3A_1861 = arith.constant 14 : i32
      %get3A_1862 = arith.index_cast %scan3A_1784 : i32 to index
      %get3A_1863 = arith.index_cast %get3A_1861 : i32 to index
      %get3A_1864 = arith.constant 0 : index
      %get3A_1865 = tpu.vector_load %arg32[%get3A_1862, %get3A_1863, %get3A_1864] {strides = array<i32>} : memref<128x15x16xf32, #tpu.memory_space<vmem>>, vector<16xf32>,
      %add3A_1866 = arith.addf %get3A_1865, %add3A_1855 : vector<16xf32>
      %swap3A_1867 = arith.constant 14 : i32
      %swap3A_1868 = arith.index_cast %scan3A_1784 : i32 to index
      %swap3A_1869 = arith.index_cast %swap3A_1867 : i32 to index
      %swap3A_1870 = arith.constant 0 : index
      %swap3A_1871 = tpu.vector_load %arg32[%swap3A_1868, %swap3A_1869, %swap3A_1870] {strides = array<i32>} : memref<128x15x16xf32, #tpu.memory_space<vmem>>, vector<16xf32>,
      tpu.vector_store %arg32[%swap3A_1868, %swap3A_1869, %swap3A_1870], %add3A_1866 {strides = array<i32>} : memref<128x15x16xf32, #tpu.memory_space<vmem>>, vector<16xf32>,
    }
    %scan3A_1783 = arith.constant 128 : i32
    "tpu.region"() ({
      %run_scoped3A = tpu.sem_alloc : memref<!tpu.dma_semaphore, #tpu.memory_space<semaphore_mem>>
      %dma_start3A_1784 = arith.constant 0 : i32
      %dma_start3A_1785 = arith.constant 0 : i32
      %dma_start3A_1786 = arith.constant 0 : i32
      %dma_start3A_1787 = tpu.memref_slice %arg14[%add3A, %dma_start3A_1784, %dma_start3A_1785, %dma_start3A_1786] : memref<32x128x15x16xf32, #tpu.memory_space<hbm>> -> memref<1x128x15x16xf32, #tpu.memory_space<hbm>>
      %dma_start3A_1788 = tpu.memref_squeeze %dma_start3A_1787 : memref<1x128x15x16xf32, #tpu.memory_space<hbm>> -> memref<128x15x16xf32, #tpu.memory_space<hbm>>
      %dma_start3A_1789 = arith.constant 0 : i32
      %dma_start3A_1790 = arith.constant 0 : i32
      %dma_start3A_1791 = arith.constant 0 : i32
      %dma_start3A_1792 = tpu.memref_slice %arg14[%add3A, %dma_start3A_1789, %dma_start3A_1790, %dma_start3A_1791] : memref<32x128x15x16xf32, #tpu.memory_space<hbm>> -> memref<1x128x15x16xf32, #tpu.memory_space<hbm>>
      %dma_start3A_1793 = tpu.memref_squeeze %dma_start3A_1792 : memref<1x128x15x16xf32, #tpu.memory_space<hbm>> -> memref<128x15x16xf32, #tpu.memory_space<hbm>>
      tpu.enqueue_dma source(%arg32 : memref<128x15x16xf32, #tpu.memory_space<vmem>>) target(%dma_start3A_1793 : memref<128x15x16xf32, #tpu.memory_space<hbm>>) target_semaphore(%run_scoped3A : memref<!tpu.dma_semaphore, #tpu.memory_space<semaphore_mem>>)
      %dma_wait3A_1794 = arith.constant 0 : i32
      %dma_wait3A_1795 = arith.constant 0 : i32
      %dma_wait3A_1796 = arith.constant 0 : i32
      %dma_wait3A_1797 = tpu.memref_slice %arg14[%add3A, %dma_wait3A_1794, %dma_wait3A_1795, %dma_wait3A_1796] : memref<32x128x15x16xf32, #tpu.memory_space<hbm>> -> memref<1x128x15x16xf32, #tpu.memory_space<hbm>>
      %dma_wait3A_1798 = tpu.memref_squeeze %dma_wait3A_1797 : memref<1x128x15x16xf32, #tpu.memory_space<hbm>> -> memref<128x15x16xf32, #tpu.memory_space<hbm>>
      %dma_wait3A_1799 = arith.constant 0 : i32
      %dma_wait3A_1800 = arith.constant 0 : i32
      %dma_wait3A_1801 = arith.constant 0 : i32
      %dma_wait3A_1802 = tpu.memref_slice %arg14[%add3A, %dma_wait3A_1799, %dma_wait3A_1800, %dma_wait3A_1801] : memref<32x128x15x16xf32, #tpu.memory_space<hbm>> -> memref<1x128x15x16xf32, #tpu.memory_space<hbm>>
      %dma_wait3A_1803 = tpu.memref_squeeze %dma_wait3A_1802 : memref<1x128x15x16xf32, #tpu.memory_space<hbm>> -> memref<128x15x16xf32, #tpu.memory_space<hbm>>
      tpu.wait_dma2 semaphore(%run_scoped3A : memref<!tpu.dma_semaphore, #tpu.memory_space<semaphore_mem>>) src(%arg32 : memref<128x15x16xf32, #tpu.memory_space<vmem>>) dst(%dma_wait3A_1803 : memref<128x15x16xf32, #tpu.memory_space<hbm>>)
      tpu.yield
    }) : () -> ()
    return
  }
}

module attributes {stable_mosaic.version = 14 : i64} {
  func.func @_prep_body(%arg0: memref<32x128xi32, #tpu.memory_space<vmem>>, %arg1: memref<160x128xi32, #tpu.memory_space<vmem>>, %arg2: memref<160x128xi32, #tpu.memory_space<vmem>>, %arg3: memref<160x128xi32, #tpu.memory_space<vmem>>, %arg4: memref<160x128xi32, #tpu.memory_space<vmem>>, %arg5: memref<1x1xi32, #tpu.memory_space<vmem>>) attributes {dimension_semantics = [], scalar_prefetch = 0 : i64, scratch_operands = 0 : i64, tpu.core_type = #tpu.core_type<tc>} {
    %get3A = arith.constant 0 : index
    %get3A_0 = arith.constant 0 : index
    %get3A_1 = vector.load %arg0[%get3A, %get3A_0] : memref<32x128xi32, #tpu.memory_space<vmem>>, vector<32x128xi32>
    %eq3A = arith.constant 0 : i32
    %eq3A_2 = vector.broadcast %eq3A : i32 to vector<32x128xi32>
    %eq3A_3 = arith.cmpi eq, %get3A_1, %eq3A_2 : vector<32x128xi32>
    %convert_element_type3A = arith.extui %eq3A_3 : vector<32x128xi1> to vector<32x128xi32>
    %convert_element_type3A_4 = arith.sitofp %convert_element_type3A : vector<32x128xi32> to vector<32x128xf32>
    %iota3A = tpu.iota {dimensions = array<i32: 0>} : vector<128x128xi32>
    %iota3A_5 = tpu.iota {dimensions = array<i32: 1>} : vector<128x128xi32>
    %le3A = arith.cmpi sle, %iota3A, %iota3A_5 : vector<128x128xi32>
    %convert_element_type3A_6 = arith.extui %le3A : vector<128x128xi1> to vector<128x128xi32>
    %convert_element_type3A_7 = arith.sitofp %convert_element_type3A_6 : vector<128x128xi32> to vector<128x128xf32>
    %dot_general3A = arith.constant dense<0.000000e+00> : vector<32x128xf32>
    %dot_general3A_8 = tpu.matmul %convert_element_type3A_4, %convert_element_type3A_7, %dot_general3A {dimension_numbers = #tpu.dot_dimension_numbers<[1], [0], [0], [1], [0, 0, 1, 1], [], []>, precision = #tpu.contract_precision<fp32>, transpose_lhs_hint = false} : vector<32x128xf32>, vector<128x128xf32>, vector<32x128xf32> -> vector<32x128xf32>
    %slice3A = vector.extract_strided_slice %dot_general3A_8 {offsets = [0, 127], sizes = [32, 1], strides = [1, 1]} : vector<32x128xf32> to vector<32x1xf32>
    %iota3A_9 = tpu.iota {dimensions = array<i32: 0>} : vector<32x32xi32>
    %iota3A_10 = tpu.iota {dimensions = array<i32: 1>} : vector<32x32xi32>
    %gt3A = arith.cmpi sgt, %iota3A_9, %iota3A_10 : vector<32x32xi32>
    %convert_element_type3A_11 = arith.extui %gt3A : vector<32x32xi1> to vector<32x32xi32>
    %convert_element_type3A_12 = arith.sitofp %convert_element_type3A_11 : vector<32x32xi32> to vector<32x32xf32>
    %broadcast_in_dim3A = vector.shape_cast %slice3A : vector<32x1xf32> to vector<32x1xf32>
    %broadcast_in_dim3A_13 = vector.broadcast %broadcast_in_dim3A : vector<32x1xf32> to vector<32x128xf32>
    %dot_general3A_14 = arith.constant dense<0.000000e+00> : vector<32x128xf32>
    %dot_general3A_15 = tpu.matmul %convert_element_type3A_12, %broadcast_in_dim3A_13, %dot_general3A_14 {dimension_numbers = #tpu.dot_dimension_numbers<[1], [0], [0], [1], [0, 0, 1, 1], [], []>, precision = #tpu.contract_precision<fp32>, transpose_lhs_hint = false} : vector<32x32xf32>, vector<32x128xf32>, vector<32x128xf32> -> vector<32x128xf32>
    %slice3A_16 = vector.extract_strided_slice %dot_general3A_15 {offsets = [0, 0], sizes = [32, 1], strides = [1, 1]} : vector<32x128xf32> to vector<32x1xf32>
    %add3A = vector.broadcast %slice3A_16 : vector<32x1xf32> to vector<32x128xf32>
    %add3A_17 = arith.addf %add3A, %dot_general3A_8 : vector<32x128xf32>
    %convert_element_type3A_18 = arith.fptosi %add3A_17 : vector<32x128xf32> to vector<32x128xi32>
    %iota3A_19 = tpu.iota {dimensions = array<i32: 0>} : vector<32x128xi32>
    %iota3A_20 = tpu.iota {dimensions = array<i32: 1>} : vector<32x128xi32>
    %mul3A = arith.constant 128 : i32
    %mul3A_21 = vector.broadcast %mul3A : i32 to vector<32x128xi32>
    %mul3A_22 = arith.muli %iota3A_19, %mul3A_21 : vector<32x128xi32>
    %add3A_23 = arith.addi %mul3A_22, %iota3A_20 : vector<32x128xi32>
    %sub3A = arith.constant 1 : i32
    %sub3A_24 = vector.broadcast %sub3A : i32 to vector<32x128xi32>
    %sub3A_25 = arith.subi %convert_element_type3A_18, %sub3A_24 : vector<32x128xi32>
    %sub3A_26 = arith.subi %add3A_23, %convert_element_type3A_18 : vector<32x128xi32>
    %select_n3A = arith.select %eq3A_3, %sub3A_25, %sub3A_26 : vector<32x128xi1>, vector<32x128xi32>
    %slice3A_27 = vector.extract_strided_slice %convert_element_type3A_18 {offsets = [31, 127], sizes = [1, 1], strides = [1, 1]} : vector<32x128xi32> to vector<1x1xi32>
    %mul3A_28 = arith.constant 5 : i32
    %mul3A_29 = vector.broadcast %mul3A_28 : i32 to vector<1x1xi32>
    %mul3A_30 = arith.muli %slice3A_27, %mul3A_29 : vector<1x1xi32>
    %sub3A_31 = arith.constant 4096 : i32
    %sub3A_32 = vector.broadcast %sub3A_31 : i32 to vector<1x1xi32>
    %sub3A_33 = arith.subi %sub3A_32, %slice3A_27 : vector<1x1xi32>
    %mul3A_34 = arith.constant 5 : i32
    %mul3A_35 = vector.broadcast %mul3A_34 : i32 to vector<1x1xi32>
    %mul3A_36 = arith.muli %sub3A_33, %mul3A_35 : vector<1x1xi32>
    %mul3A_37 = arith.constant 2 : i32
    %mul3A_38 = vector.broadcast %mul3A_37 : i32 to vector<1x1xi32>
    %mul3A_39 = arith.muli %mul3A_38, %mul3A_30 : vector<1x1xi32>
    %jit3A = arith.constant 0 : i32
    %broadcast_in_dim3A_40 = vector.broadcast %jit3A : i32 to vector<32x128xi32>
    %broadcast_in_dim3A_41 = vector.shape_cast %mul3A_39 : vector<1x1xi32> to vector<1x1xi32>
    %broadcast_in_dim3A_42 = vector.broadcast %broadcast_in_dim3A_41 : vector<1x1xi32> to vector<32x128xi32>
    %select_n3A_43 = arith.select %eq3A_3, %broadcast_in_dim3A_40, %broadcast_in_dim3A_42 : vector<32x128xi1>, vector<32x128xi32>
    %mul3A_44 = arith.constant 2 : i32
    %mul3A_45 = vector.broadcast %mul3A_44 : i32 to vector<1x1xi32>
    %mul3A_46 = arith.muli %mul3A_45, %mul3A_30 : vector<1x1xi32>
    %add3A_47 = arith.addi %mul3A_46, %mul3A_36 : vector<1x1xi32>
    %broadcast_in_dim3A_48 = vector.shape_cast %mul3A_30 : vector<1x1xi32> to vector<1x1xi32>
    %broadcast_in_dim3A_49 = vector.broadcast %broadcast_in_dim3A_48 : vector<1x1xi32> to vector<32x128xi32>
    %broadcast_in_dim3A_50 = vector.shape_cast %add3A_47 : vector<1x1xi32> to vector<1x1xi32>
    %broadcast_in_dim3A_51 = vector.broadcast %broadcast_in_dim3A_50 : vector<1x1xi32> to vector<32x128xi32>
    %select_n3A_52 = arith.select %eq3A_3, %broadcast_in_dim3A_49, %broadcast_in_dim3A_51 : vector<32x128xi1>, vector<32x128xi32>
    %mul3A_53 = arith.constant 5 : i32
    %mul3A_54 = vector.broadcast %mul3A_53 : i32 to vector<32x128xi32>
    %mul3A_55 = arith.muli %select_n3A, %mul3A_54 : vector<32x128xi32>
    %add3A_56 = arith.addi %select_n3A_43, %mul3A_55 : vector<32x128xi32>
    %convert_element_type3A_57 = arith.sitofp %add3A_56 : vector<32x128xi32> to vector<32x128xf32>
    %mul3A_58 = arith.constant 5 : i32
    %mul3A_59 = vector.broadcast %mul3A_58 : i32 to vector<32x128xi32>
    %mul3A_60 = arith.muli %select_n3A, %mul3A_59 : vector<32x128xi32>
    %add3A_61 = arith.addi %select_n3A_52, %mul3A_60 : vector<32x128xi32>
    %convert_element_type3A_62 = arith.sitofp %add3A_61 : vector<32x128xi32> to vector<32x128xf32>
    %convert_element_type3A_63 = arith.sitofp %get3A_1 : vector<32x128xi32> to vector<32x128xf32>
    %iota3A_64 = tpu.iota {dimensions = array<i32: 0>} : vector<160x32xi32>
    %iota3A_65 = tpu.iota {dimensions = array<i32: 1>} : vector<160x32xi32>
    %jit3A_66 = arith.constant 5 : i32
    %div3A = vector.broadcast %jit3A_66 : i32 to vector<160x32xi32>
    %div3A_67 = arith.divsi %iota3A_64, %div3A : vector<160x32xi32>
    %sign3A = arith.constant 0 : i32
    %sign3A_68 = vector.broadcast %sign3A : i32 to vector<160x32xi32>
    %sign3A_69 = arith.cmpi sgt, %iota3A_64, %sign3A_68 : vector<160x32xi32>
    %sign3A_70 = arith.extui %sign3A_69 : vector<160x32xi1> to vector<160x32xi32>
    %sign3A_71 = arith.constant 0 : i32
    %sign3A_72 = vector.broadcast %sign3A_71 : i32 to vector<160x32xi32>
    %sign3A_73 = arith.cmpi slt, %iota3A_64, %sign3A_72 : vector<160x32xi32>
    %sign3A_74 = arith.extui %sign3A_73 : vector<160x32xi1> to vector<160x32xi32>
    %sign3A_75 = arith.subi %sign3A_70, %sign3A_74 : vector<160x32xi32>
    %sign3A_76 = arith.constant 0 : i32
    %sign3A_77 = arith.cmpi sgt, %jit3A_66, %sign3A_76 : i32
    %sign3A_78 = arith.extui %sign3A_77 : i1 to i32
    %sign3A_79 = arith.constant 0 : i32
    %sign3A_80 = arith.cmpi slt, %jit3A_66, %sign3A_79 : i32
    %sign3A_81 = arith.extui %sign3A_80 : i1 to i32
    %sign3A_82 = arith.subi %sign3A_78, %sign3A_81 : i32
    %ne3A = vector.broadcast %sign3A_82 : i32 to vector<160x32xi32>
    %ne3A_83 = arith.cmpi ne, %sign3A_75, %ne3A : vector<160x32xi32>
    %rem3A = vector.broadcast %jit3A_66 : i32 to vector<160x32xi32>
    %rem3A_84 = arith.remsi %iota3A_64, %rem3A : vector<160x32xi32>
    %ne3A_85 = arith.constant 0 : i32
    %ne3A_86 = vector.broadcast %ne3A_85 : i32 to vector<160x32xi32>
    %ne3A_87 = arith.cmpi ne, %rem3A_84, %ne3A_86 : vector<160x32xi32>
    %and3A = arith.andi %ne3A_83, %ne3A_87 : vector<160x32xi1>
    %sub3A_88 = arith.constant 1 : i32
    %sub3A_89 = vector.broadcast %sub3A_88 : i32 to vector<160x32xi32>
    %sub3A_90 = arith.subi %div3A_67, %sub3A_89 : vector<160x32xi32>
    %select_n3A_91 = arith.select %and3A, %sub3A_90, %div3A_67 : vector<160x32xi1>, vector<160x32xi32>
    %eq3A_92 = arith.cmpi eq, %select_n3A_91, %iota3A_65 : vector<160x32xi32>
    %convert_element_type3A_93 = arith.extui %eq3A_92 : vector<160x32xi1> to vector<160x32xi32>
    %convert_element_type3A_94 = arith.sitofp %convert_element_type3A_93 : vector<160x32xi32> to vector<160x32xf32>
    %iota3A_95 = tpu.iota {dimensions = array<i32: 0>} : vector<160x128xi32>
    %jit3A_96 = arith.constant 5 : i32
    %eq3A_97 = arith.constant 0 : i32
    %eq3A_98 = arith.cmpi eq, %jit3A_96, %eq3A_97 : i32
    %jit3A_99 = arith.constant 1 : i32
    %select_n3A_100 = arith.select %eq3A_98, %jit3A_99, %jit3A_96 : i32
    %rem3A_101 = vector.broadcast %select_n3A_100 : i32 to vector<160x128xi32>
    %rem3A_102 = arith.remsi %iota3A_95, %rem3A_101 : vector<160x128xi32>
    %ne3A_103 = arith.constant 0 : i32
    %ne3A_104 = vector.broadcast %ne3A_103 : i32 to vector<160x128xi32>
    %ne3A_105 = arith.cmpi ne, %rem3A_102, %ne3A_104 : vector<160x128xi32>
    %lt3A = arith.constant 0 : i32
    %lt3A_106 = vector.broadcast %lt3A : i32 to vector<160x128xi32>
    %lt3A_107 = arith.cmpi slt, %rem3A_102, %lt3A_106 : vector<160x128xi32>
    %lt3A_108 = arith.constant 0 : i32
    %lt3A_109 = arith.cmpi slt, %select_n3A_100, %lt3A_108 : i32
    %ne3A_110 = vector.broadcast %lt3A_109 : i1 to vector<160x128xi1>
    %ne3A_111 = vector.broadcast %ne3A_110 : vector<160x128xi1> to vector<160x128xi1>
    %ne3A_112 = arith.xori %lt3A_107, %ne3A_111 : vector<160x128xi1>
    %and3A_113 = arith.andi %ne3A_112, %ne3A_105 : vector<160x128xi1>
    %add3A_114 = vector.broadcast %select_n3A_100 : i32 to vector<160x128xi32>
    %add3A_115 = arith.addi %rem3A_102, %add3A_114 : vector<160x128xi32>
    %select_n3A_116 = arith.select %and3A_113, %add3A_115, %rem3A_102 : vector<160x128xi1>, vector<160x128xi32>
    %convert_element_type3A_117 = arith.sitofp %select_n3A_116 : vector<160x128xi32> to vector<160x128xf32>
    %dot_general3A_118 = arith.constant dense<0.000000e+00> : vector<160x128xf32>
    %dot_general3A_119 = tpu.matmul %convert_element_type3A_94, %convert_element_type3A_57, %dot_general3A_118 {dimension_numbers = #tpu.dot_dimension_numbers<[1], [0], [0], [1], [0, 0, 1, 1], [], []>, precision = #tpu.contract_precision<fp32>, transpose_lhs_hint = false} : vector<160x32xf32>, vector<32x128xf32>, vector<160x128xf32> -> vector<160x128xf32>
    %add3A_120 = arith.addf %dot_general3A_119, %convert_element_type3A_117 : vector<160x128xf32>
    %dot_general3A_121 = arith.constant dense<0.000000e+00> : vector<160x128xf32>
    %dot_general3A_122 = tpu.matmul %convert_element_type3A_94, %convert_element_type3A_62, %dot_general3A_121 {dimension_numbers = #tpu.dot_dimension_numbers<[1], [0], [0], [1], [0, 0, 1, 1], [], []>, precision = #tpu.contract_precision<fp32>, transpose_lhs_hint = false} : vector<160x32xf32>, vector<32x128xf32>, vector<160x128xf32> -> vector<160x128xf32>
    %add3A_123 = arith.addf %dot_general3A_122, %convert_element_type3A_117 : vector<160x128xf32>
    %dot_general3A_124 = arith.constant dense<0.000000e+00> : vector<160x128xf32>
    %dot_general3A_125 = tpu.matmul %convert_element_type3A_94, %convert_element_type3A_63, %dot_general3A_124 {dimension_numbers = #tpu.dot_dimension_numbers<[1], [0], [0], [1], [0, 0, 1, 1], [], []>, precision = #tpu.contract_precision<fp32>, transpose_lhs_hint = false} : vector<160x32xf32>, vector<32x128xf32>, vector<160x128xf32> -> vector<160x128xf32>
    %mul3A_126 = arith.constant 4.096000e+04 : f32
    %mul3A_127 = vector.broadcast %mul3A_126 : f32 to vector<160x128xf32>
    %mul3A_128 = arith.mulf %mul3A_127, %dot_general3A_125 : vector<160x128xf32>
    %add3A_129 = arith.addf %add3A_120, %mul3A_128 : vector<160x128xf32>
    %convert_element_type3A_130 = arith.fptosi %add3A_129 : vector<160x128xf32> to vector<160x128xi32>
    %sub3A_131 = arith.constant 1.000000e+00 : f32
    %sub3A_132 = vector.broadcast %sub3A_131 : f32 to vector<160x128xf32>
    %sub3A_133 = arith.subf %sub3A_132, %dot_general3A_125 : vector<160x128xf32>
    %mul3A_134 = arith.constant 4.096000e+04 : f32
    %mul3A_135 = vector.broadcast %mul3A_134 : f32 to vector<160x128xf32>
    %mul3A_136 = arith.mulf %mul3A_135, %sub3A_133 : vector<160x128xf32>
    %add3A_137 = arith.addf %add3A_123, %mul3A_136 : vector<160x128xf32>
    %convert_element_type3A_138 = arith.fptosi %add3A_137 : vector<160x128xf32> to vector<160x128xi32>
    %jit3A_139 = arith.constant 16 : i32
    %div3A_140 = vector.broadcast %jit3A_139 : i32 to vector<160x128xi32>
    %div3A_141 = arith.divsi %convert_element_type3A_130, %div3A_140 : vector<160x128xi32>
    %sign3A_142 = arith.constant 0 : i32
    %sign3A_143 = vector.broadcast %sign3A_142 : i32 to vector<160x128xi32>
    %sign3A_144 = arith.cmpi sgt, %convert_element_type3A_130, %sign3A_143 : vector<160x128xi32>
    %sign3A_145 = arith.extui %sign3A_144 : vector<160x128xi1> to vector<160x128xi32>
    %sign3A_146 = arith.constant 0 : i32
    %sign3A_147 = vector.broadcast %sign3A_146 : i32 to vector<160x128xi32>
    %sign3A_148 = arith.cmpi slt, %convert_element_type3A_130, %sign3A_147 : vector<160x128xi32>
    %sign3A_149 = arith.extui %sign3A_148 : vector<160x128xi1> to vector<160x128xi32>
    %sign3A_150 = arith.subi %sign3A_145, %sign3A_149 : vector<160x128xi32>
    %sign3A_151 = arith.constant 0 : i32
    %sign3A_152 = arith.cmpi sgt, %jit3A_139, %sign3A_151 : i32
    %sign3A_153 = arith.extui %sign3A_152 : i1 to i32
    %sign3A_154 = arith.constant 0 : i32
    %sign3A_155 = arith.cmpi slt, %jit3A_139, %sign3A_154 : i32
    %sign3A_156 = arith.extui %sign3A_155 : i1 to i32
    %sign3A_157 = arith.subi %sign3A_153, %sign3A_156 : i32
    %ne3A_158 = vector.broadcast %sign3A_157 : i32 to vector<160x128xi32>
    %ne3A_159 = arith.cmpi ne, %sign3A_150, %ne3A_158 : vector<160x128xi32>
    %rem3A_160 = vector.broadcast %jit3A_139 : i32 to vector<160x128xi32>
    %rem3A_161 = arith.remsi %convert_element_type3A_130, %rem3A_160 : vector<160x128xi32>
    %ne3A_162 = arith.constant 0 : i32
    %ne3A_163 = vector.broadcast %ne3A_162 : i32 to vector<160x128xi32>
    %ne3A_164 = arith.cmpi ne, %rem3A_161, %ne3A_163 : vector<160x128xi32>
    %and3A_165 = arith.andi %ne3A_159, %ne3A_164 : vector<160x128xi1>
    %sub3A_166 = arith.constant 1 : i32
    %sub3A_167 = vector.broadcast %sub3A_166 : i32 to vector<160x128xi32>
    %sub3A_168 = arith.subi %div3A_141, %sub3A_167 : vector<160x128xi32>
    %select_n3A_169 = arith.select %and3A_165, %sub3A_168, %div3A_141 : vector<160x128xi1>, vector<160x128xi32>
    %swap3A = arith.constant 0 : index
    %swap3A_170 = arith.constant 0 : index
    %swap3A_171 = vector.load %arg1[%swap3A, %swap3A_170] : memref<160x128xi32, #tpu.memory_space<vmem>>, vector<160x128xi32>
    tpu.vector_store %arg1[%swap3A, %swap3A_170], %select_n3A_169 {strides = array<i32>} : memref<160x128xi32, #tpu.memory_space<vmem>>, vector<160x128xi32>,
    %jit3A_172 = arith.constant 16 : i32
    %eq3A_173 = arith.constant 0 : i32
    %eq3A_174 = arith.cmpi eq, %jit3A_172, %eq3A_173 : i32
    %jit3A_175 = arith.constant 1 : i32
    %select_n3A_176 = arith.select %eq3A_174, %jit3A_175, %jit3A_172 : i32
    %rem3A_177 = vector.broadcast %select_n3A_176 : i32 to vector<160x128xi32>
    %rem3A_178 = arith.remsi %convert_element_type3A_130, %rem3A_177 : vector<160x128xi32>
    %ne3A_179 = arith.constant 0 : i32
    %ne3A_180 = vector.broadcast %ne3A_179 : i32 to vector<160x128xi32>
    %ne3A_181 = arith.cmpi ne, %rem3A_178, %ne3A_180 : vector<160x128xi32>
    %lt3A_182 = arith.constant 0 : i32
    %lt3A_183 = vector.broadcast %lt3A_182 : i32 to vector<160x128xi32>
    %lt3A_184 = arith.cmpi slt, %rem3A_178, %lt3A_183 : vector<160x128xi32>
    %lt3A_185 = arith.constant 0 : i32
    %lt3A_186 = arith.cmpi slt, %select_n3A_176, %lt3A_185 : i32
    %ne3A_187 = vector.broadcast %lt3A_186 : i1 to vector<160x128xi1>
    %ne3A_188 = vector.broadcast %ne3A_187 : vector<160x128xi1> to vector<160x128xi1>
    %ne3A_189 = arith.xori %lt3A_184, %ne3A_188 : vector<160x128xi1>
    %and3A_190 = arith.andi %ne3A_189, %ne3A_181 : vector<160x128xi1>
    %add3A_191 = vector.broadcast %select_n3A_176 : i32 to vector<160x128xi32>
    %add3A_192 = arith.addi %rem3A_178, %add3A_191 : vector<160x128xi32>
    %select_n3A_193 = arith.select %and3A_190, %add3A_192, %rem3A_178 : vector<160x128xi1>, vector<160x128xi32>
    %swap3A_194 = arith.constant 0 : index
    %swap3A_195 = arith.constant 0 : index
    %swap3A_196 = vector.load %arg2[%swap3A_194, %swap3A_195] : memref<160x128xi32, #tpu.memory_space<vmem>>, vector<160x128xi32>
    tpu.vector_store %arg2[%swap3A_194, %swap3A_195], %select_n3A_193 {strides = array<i32>} : memref<160x128xi32, #tpu.memory_space<vmem>>, vector<160x128xi32>,
    %jit3A_197 = arith.constant 16 : i32
    %div3A_198 = vector.broadcast %jit3A_197 : i32 to vector<160x128xi32>
    %div3A_199 = arith.divsi %convert_element_type3A_138, %div3A_198 : vector<160x128xi32>
    %sign3A_200 = arith.constant 0 : i32
    %sign3A_201 = vector.broadcast %sign3A_200 : i32 to vector<160x128xi32>
    %sign3A_202 = arith.cmpi sgt, %convert_element_type3A_138, %sign3A_201 : vector<160x128xi32>
    %sign3A_203 = arith.extui %sign3A_202 : vector<160x128xi1> to vector<160x128xi32>
    %sign3A_204 = arith.constant 0 : i32
    %sign3A_205 = vector.broadcast %sign3A_204 : i32 to vector<160x128xi32>
    %sign3A_206 = arith.cmpi slt, %convert_element_type3A_138, %sign3A_205 : vector<160x128xi32>
    %sign3A_207 = arith.extui %sign3A_206 : vector<160x128xi1> to vector<160x128xi32>
    %sign3A_208 = arith.subi %sign3A_203, %sign3A_207 : vector<160x128xi32>
    %sign3A_209 = arith.constant 0 : i32
    %sign3A_210 = arith.cmpi sgt, %jit3A_197, %sign3A_209 : i32
    %sign3A_211 = arith.extui %sign3A_210 : i1 to i32
    %sign3A_212 = arith.constant 0 : i32
    %sign3A_213 = arith.cmpi slt, %jit3A_197, %sign3A_212 : i32
    %sign3A_214 = arith.extui %sign3A_213 : i1 to i32
    %sign3A_215 = arith.subi %sign3A_211, %sign3A_214 : i32
    %ne3A_216 = vector.broadcast %sign3A_215 : i32 to vector<160x128xi32>
    %ne3A_217 = arith.cmpi ne, %sign3A_208, %ne3A_216 : vector<160x128xi32>
    %rem3A_218 = vector.broadcast %jit3A_197 : i32 to vector<160x128xi32>
    %rem3A_219 = arith.remsi %convert_element_type3A_138, %rem3A_218 : vector<160x128xi32>
    %ne3A_220 = arith.constant 0 : i32
    %ne3A_221 = vector.broadcast %ne3A_220 : i32 to vector<160x128xi32>
    %ne3A_222 = arith.cmpi ne, %rem3A_219, %ne3A_221 : vector<160x128xi32>
    %and3A_223 = arith.andi %ne3A_217, %ne3A_222 : vector<160x128xi1>
    %sub3A_224 = arith.constant 1 : i32
    %sub3A_225 = vector.broadcast %sub3A_224 : i32 to vector<160x128xi32>
    %sub3A_226 = arith.subi %div3A_199, %sub3A_225 : vector<160x128xi32>
    %select_n3A_227 = arith.select %and3A_223, %sub3A_226, %div3A_199 : vector<160x128xi1>, vector<160x128xi32>
    %swap3A_228 = arith.constant 0 : index
    %swap3A_229 = arith.constant 0 : index
    %swap3A_230 = vector.load %arg3[%swap3A_228, %swap3A_229] : memref<160x128xi32, #tpu.memory_space<vmem>>, vector<160x128xi32>
    tpu.vector_store %arg3[%swap3A_228, %swap3A_229], %select_n3A_227 {strides = array<i32>} : memref<160x128xi32, #tpu.memory_space<vmem>>, vector<160x128xi32>,
    %jit3A_231 = arith.constant 16 : i32
    %eq3A_232 = arith.constant 0 : i32
    %eq3A_233 = arith.cmpi eq, %jit3A_231, %eq3A_232 : i32
    %jit3A_234 = arith.constant 1 : i32
    %select_n3A_235 = arith.select %eq3A_233, %jit3A_234, %jit3A_231 : i32
    %rem3A_236 = vector.broadcast %select_n3A_235 : i32 to vector<160x128xi32>
    %rem3A_237 = arith.remsi %convert_element_type3A_138, %rem3A_236 : vector<160x128xi32>
    %ne3A_238 = arith.constant 0 : i32
    %ne3A_239 = vector.broadcast %ne3A_238 : i32 to vector<160x128xi32>
    %ne3A_240 = arith.cmpi ne, %rem3A_237, %ne3A_239 : vector<160x128xi32>
    %lt3A_241 = arith.constant 0 : i32
    %lt3A_242 = vector.broadcast %lt3A_241 : i32 to vector<160x128xi32>
    %lt3A_243 = arith.cmpi slt, %rem3A_237, %lt3A_242 : vector<160x128xi32>
    %lt3A_244 = arith.constant 0 : i32
    %lt3A_245 = arith.cmpi slt, %select_n3A_235, %lt3A_244 : i32
    %ne3A_246 = vector.broadcast %lt3A_245 : i1 to vector<160x128xi1>
    %ne3A_247 = vector.broadcast %ne3A_246 : vector<160x128xi1> to vector<160x128xi1>
    %ne3A_248 = arith.xori %lt3A_243, %ne3A_247 : vector<160x128xi1>
    %and3A_249 = arith.andi %ne3A_248, %ne3A_240 : vector<160x128xi1>
    %add3A_250 = vector.broadcast %select_n3A_235 : i32 to vector<160x128xi32>
    %add3A_251 = arith.addi %rem3A_237, %add3A_250 : vector<160x128xi32>
    %select_n3A_252 = arith.select %and3A_249, %add3A_251, %rem3A_237 : vector<160x128xi1>, vector<160x128xi32>
    %swap3A_253 = arith.constant 0 : index
    %swap3A_254 = arith.constant 0 : index
    %swap3A_255 = vector.load %arg4[%swap3A_253, %swap3A_254] : memref<160x128xi32, #tpu.memory_space<vmem>>, vector<160x128xi32>
    tpu.vector_store %arg4[%swap3A_253, %swap3A_254], %select_n3A_252 {strides = array<i32>} : memref<160x128xi32, #tpu.memory_space<vmem>>, vector<160x128xi32>,
    %swap3A_256 = arith.constant 0 : index
    %swap3A_257 = arith.constant 0 : index
    %swap3A_258 = vector.load %arg5[%swap3A_256, %swap3A_257] : memref<1x1xi32, #tpu.memory_space<vmem>>, vector<1x1xi32>
    tpu.vector_store %arg5[%swap3A_256, %swap3A_257], %slice3A_27 {strides = array<i32>} : memref<1x1xi32, #tpu.memory_space<vmem>>, vector<1x1xi32>,
    return
  }
}

module attributes {stable_mosaic.version = 14 : i64} {
  func.func @_finish_body(%arg0: i32, %arg1: memref<1024x240xf32, #tpu.memory_space<vmem>>, %arg2: memref<1x64xf32, #tpu.memory_space<vmem>>, %arg3: memref<1x64xf32, #tpu.memory_space<vmem>>, %arg4: memref<1x1xi32, #tpu.memory_space<vmem>>, %arg5: memref<1x1xf32, #tpu.memory_space<vmem>>) attributes {dimension_semantics = [#tpu.dimension_semantics<arbitrary>], iteration_bounds = array<i64: 4>, scalar_prefetch = 0 : i64, scratch_operands = 0 : i64, tpu.core_type = #tpu.core_type<tc>, window_params = [{transform_indices = @transform_0, window_bounds = array<i64: 1024, 240>}, {pipeline_mode = #tpu.pipeline_mode<synchronous>, transform_indices = @transform_1, window_bounds = array<i64: 1, 64>}, {pipeline_mode = #tpu.pipeline_mode<synchronous>, transform_indices = @transform_2, window_bounds = array<i64: 1, 64>}, {pipeline_mode = #tpu.pipeline_mode<synchronous>, transform_indices = @transform_3, window_bounds = array<i64: 1, 1>}, {pipeline_mode = #tpu.pipeline_mode<synchronous>, transform_indices = @transform_4, window_bounds = array<i64: 1, 1>}]} {
    %get3A = arith.constant 0 : index
    %get3A_0 = arith.constant 0 : index
    %get3A_1 = vector.load %arg1[%get3A, %get3A_0] : memref<1024x240xf32, #tpu.memory_space<vmem>>, vector<1024x240xf32>
    %iota3A = tpu.iota {dimensions = array<i32: 0>} : vector<240x16xi32>
    %iota3A_2 = tpu.iota {dimensions = array<i32: 1>} : vector<240x16xi32>
    %jit3A = arith.constant 16 : i32
    %div3A = vector.broadcast %jit3A : i32 to vector<240x16xi32>
    %div3A_3 = arith.divsi %iota3A, %div3A : vector<240x16xi32>
    %sign3A = arith.constant 0 : i32
    %sign3A_4 = vector.broadcast %sign3A : i32 to vector<240x16xi32>
    %sign3A_5 = arith.cmpi sgt, %iota3A, %sign3A_4 : vector<240x16xi32>
    %sign3A_6 = arith.extui %sign3A_5 : vector<240x16xi1> to vector<240x16xi32>
    %sign3A_7 = arith.constant 0 : i32
    %sign3A_8 = vector.broadcast %sign3A_7 : i32 to vector<240x16xi32>
    %sign3A_9 = arith.cmpi slt, %iota3A, %sign3A_8 : vector<240x16xi32>
    %sign3A_10 = arith.extui %sign3A_9 : vector<240x16xi1> to vector<240x16xi32>
    %sign3A_11 = arith.subi %sign3A_6, %sign3A_10 : vector<240x16xi32>
    %sign3A_12 = arith.constant 0 : i32
    %sign3A_13 = arith.cmpi sgt, %jit3A, %sign3A_12 : i32
    %sign3A_14 = arith.extui %sign3A_13 : i1 to i32
    %sign3A_15 = arith.constant 0 : i32
    %sign3A_16 = arith.cmpi slt, %jit3A, %sign3A_15 : i32
    %sign3A_17 = arith.extui %sign3A_16 : i1 to i32
    %sign3A_18 = arith.subi %sign3A_14, %sign3A_17 : i32
    %ne3A = vector.broadcast %sign3A_18 : i32 to vector<240x16xi32>
    %ne3A_19 = arith.cmpi ne, %sign3A_11, %ne3A : vector<240x16xi32>
    %rem3A = vector.broadcast %jit3A : i32 to vector<240x16xi32>
    %rem3A_20 = arith.remsi %iota3A, %rem3A : vector<240x16xi32>
    %ne3A_21 = arith.constant 0 : i32
    %ne3A_22 = vector.broadcast %ne3A_21 : i32 to vector<240x16xi32>
    %ne3A_23 = arith.cmpi ne, %rem3A_20, %ne3A_22 : vector<240x16xi32>
    %and3A = arith.andi %ne3A_19, %ne3A_23 : vector<240x16xi1>
    %sub3A = arith.constant 1 : i32
    %sub3A_24 = vector.broadcast %sub3A : i32 to vector<240x16xi32>
    %sub3A_25 = arith.subi %div3A_3, %sub3A_24 : vector<240x16xi32>
    %select_n3A = arith.select %and3A, %sub3A_25, %div3A_3 : vector<240x16xi1>, vector<240x16xi32>
    %eq3A = arith.cmpi eq, %select_n3A, %iota3A_2 : vector<240x16xi32>
    %convert_element_type3A = arith.extui %eq3A : vector<240x16xi1> to vector<240x16xi32>
    %convert_element_type3A_26 = arith.sitofp %convert_element_type3A : vector<240x16xi32> to vector<240x16xf32>
    %dot_general3A = arith.constant dense<0.000000e+00> : vector<1024x16xf32>
    %dot_general3A_27 = tpu.matmul %get3A_1, %convert_element_type3A_26, %dot_general3A {dimension_numbers = #tpu.dot_dimension_numbers<[1], [0], [0], [1], [0, 0, 1, 1], [], []>, precision = #tpu.contract_precision<fp32>, transpose_lhs_hint = false} : vector<1024x240xf32>, vector<240x16xf32>, vector<1024x16xf32> -> vector<1024x16xf32>
    %iota3A_28 = tpu.iota {dimensions = array<i32: 1>} : vector<1x16xi32>
    %eq3A_29 = arith.constant 0 : i32
    %eq3A_30 = vector.broadcast %eq3A_29 : i32 to vector<1x16xi32>
    %eq3A_31 = arith.cmpi eq, %iota3A_28, %eq3A_30 : vector<1x16xi32>
    %lt3A = arith.constant 11 : i32
    %lt3A_32 = vector.broadcast %lt3A : i32 to vector<1x16xi32>
    %lt3A_33 = arith.cmpi slt, %iota3A_28, %lt3A_32 : vector<1x16xi32>
    %jit3A_34 = arith.constant 1.000000e+00 : f32
    %jit3A_35 = arith.constant 0.000000e+00 : f32
    %broadcast_in_dim3A = vector.broadcast %jit3A_34 : f32 to vector<1x16xf32>
    %broadcast_in_dim3A_36 = vector.broadcast %jit3A_35 : f32 to vector<1x16xf32>
    %select_n3A_37 = arith.select %lt3A_33, %broadcast_in_dim3A, %broadcast_in_dim3A_36 : vector<1x16xi1>, vector<1x16xf32>
    %jit3A_38 = arith.constant 2.000000e+00 : f32
    %broadcast_in_dim3A_39 = vector.broadcast %jit3A_38 : f32 to vector<1x16xf32>
    %select_n3A_40 = arith.select %eq3A_31, %broadcast_in_dim3A_39, %select_n3A_37 : vector<1x16xi1>, vector<1x16xf32>
    %ge3A = arith.constant 11 : i32
    %ge3A_41 = vector.broadcast %ge3A : i32 to vector<1x16xi32>
    %ge3A_42 = arith.cmpi sge, %iota3A_28, %ge3A_41 : vector<1x16xi32>
    %lt3A_43 = arith.constant 15 : i32
    %lt3A_44 = vector.broadcast %lt3A_43 : i32 to vector<1x16xi32>
    %lt3A_45 = arith.cmpi slt, %iota3A_28, %lt3A_44 : vector<1x16xi32>
    %and3A_46 = arith.andi %ge3A_42, %lt3A_45 : vector<1x16xi1>
    %jit3A_47 = arith.constant 1.000000e+00 : f32
    %jit3A_48 = arith.constant 0.000000e+00 : f32
    %broadcast_in_dim3A_49 = vector.broadcast %jit3A_47 : f32 to vector<1x16xf32>
    %broadcast_in_dim3A_50 = vector.broadcast %jit3A_48 : f32 to vector<1x16xf32>
    %select_n3A_51 = arith.select %and3A_46, %broadcast_in_dim3A_49, %broadcast_in_dim3A_50 : vector<1x16xi1>, vector<1x16xf32>
    %min3A = arith.constant 0.000000e+00 : f32
    %min3A_52 = vector.broadcast %min3A : f32 to vector<1024x16xf32>
    %min3A_53 = arith.minimumf %dot_general3A_27, %min3A_52 : vector<1024x16xf32>
    %abs3A = math.absf %dot_general3A_27 : vector<1024x16xf32>
    %neg3A = arith.constant 0.000000e+00 : f32
    %neg3A_54 = vector.broadcast %neg3A : f32 to vector<1024x16xf32>
    %neg3A_55 = arith.subf %neg3A_54, %abs3A : vector<1024x16xf32>
    %exp3A = math.exp %neg3A_55 : vector<1024x16xf32>
    %add3A = arith.constant 1.000000e+00 : f32
    %add3A_56 = vector.broadcast %add3A : f32 to vector<1024x16xf32>
    %add3A_57 = arith.addf %add3A_56, %exp3A : vector<1024x16xf32>
    %log3A = math.log %add3A_57 : vector<1024x16xf32>
    %sub3A_58 = arith.subf %min3A_53, %log3A : vector<1024x16xf32>
    %mul3A = vector.broadcast %select_n3A_40 : vector<1x16xf32> to vector<1024x16xf32>
    %mul3A_59 = arith.mulf %sub3A_58, %mul3A : vector<1024x16xf32>
    %reduce_sum3A = vector.shape_cast %mul3A_59 : vector<1024x16xf32> to vector<1x1024x16xf32>
    %reduce_sum3A_60 = arith.constant dense<0.000000e+00> : vector<1xf32>
    %reduce_sum3A_61 = vector.multi_reduction <add>, %reduce_sum3A, %reduce_sum3A_60 [1, 2] : vector<1x1024x16xf32> to vector<1xf32>
    %reduce_sum3A_62 = vector.shape_cast %reduce_sum3A_61 : vector<1xf32> to vector<1x1x1xf32>
    %reduce_sum3A_63 = vector.extract %reduce_sum3A_62[0, 0, 0] : f32 from vector<1x1x1xf32>
    %neg3A_64 = arith.constant 0.000000e+00 : f32
    %neg3A_65 = arith.subf %neg3A_64, %reduce_sum3A_63 : f32
    %mul3A_66 = vector.broadcast %select_n3A_51 : vector<1x16xf32> to vector<1024x16xf32>
    %mul3A_67 = arith.mulf %dot_general3A_27, %mul3A_66 : vector<1024x16xf32>
    %reduce_sum3A_68 = vector.shape_cast %mul3A_67 : vector<1024x16xf32> to vector<1x1024x16xf32>
    %reduce_sum3A_69 = arith.constant dense<0.000000e+00> : vector<1xf32>
    %reduce_sum3A_70 = vector.multi_reduction <add>, %reduce_sum3A_68, %reduce_sum3A_69 [1, 2] : vector<1x1024x16xf32> to vector<1xf32>
    %reduce_sum3A_71 = vector.shape_cast %reduce_sum3A_70 : vector<1xf32> to vector<1x1x1xf32>
    %reduce_sum3A_72 = vector.extract %reduce_sum3A_71[0, 0, 0] : f32 from vector<1x1x1xf32>
    %add3A_73 = arith.addf %neg3A_65, %reduce_sum3A_72 : f32
    %eq3A_74 = arith.constant 0 : i32
    %eq3A_75 = arith.cmpi eq, %arg0, %eq3A_74 : i32
    %convert_element_type3A_76 = arith.extui %eq3A_75 : i1 to i32
    %cond3A = arith.constant 0 : i32
    %cond3A_77 = arith.cmpi ne, %convert_element_type3A_76, %cond3A : i32
    scf.if %cond3A_77 {
      %broadcast_in_dim3A_90 = arith.constant 0.000000e+00 : f32
      %broadcast_in_dim3A_91 = vector.broadcast %broadcast_in_dim3A_90 : f32 to vector<1x1xf32>
      %swap3A_92 = arith.constant 0 : index
      %swap3A_93 = arith.constant 0 : index
      %swap3A_94 = vector.load %arg5[%swap3A_92, %swap3A_93] : memref<1x1xf32, #tpu.memory_space<vmem>>, vector<1x1xf32>
      tpu.vector_store %arg5[%swap3A_92, %swap3A_93], %broadcast_in_dim3A_91 {strides = array<i32>} : memref<1x1xf32, #tpu.memory_space<vmem>>, vector<1x1xf32>,
    } else {
    }
    %get3A_78 = arith.constant 0 : index
    %get3A_79 = arith.constant 0 : index
    %get3A_80 = vector.load %arg5[%get3A_78, %get3A_79] : memref<1x1xf32, #tpu.memory_space<vmem>>, vector<1x1xf32>
    %add3A_81 = vector.broadcast %add3A_73 : f32 to vector<1x1xf32>
    %add3A_82 = arith.addf %get3A_80, %add3A_81 : vector<1x1xf32>
    %swap3A = arith.constant 0 : index
    %swap3A_83 = arith.constant 0 : index
    %swap3A_84 = vector.load %arg5[%swap3A, %swap3A_83] : memref<1x1xf32, #tpu.memory_space<vmem>>, vector<1x1xf32>
    tpu.vector_store %arg5[%swap3A, %swap3A_83], %add3A_82 {strides = array<i32>} : memref<1x1xf32, #tpu.memory_space<vmem>>, vector<1x1xf32>,
    %eq3A_85 = arith.constant 3 : i32
    %eq3A_86 = arith.cmpi eq, %arg0, %eq3A_85 : i32
    %convert_element_type3A_87 = arith.extui %eq3A_86 : i1 to i32
    %cond3A_88 = arith.constant 0 : i32
    %cond3A_89 = arith.cmpi ne, %convert_element_type3A_87, %cond3A_88 : i32
    scf.if %cond3A_89 {
      %get3A_90 = arith.constant 0 : index
      %get3A_91 = arith.constant 0 : index
      %get3A_92 = vector.load %arg2[%get3A_90, %get3A_91] : memref<1x64xf32, #tpu.memory_space<vmem>>, vector<1x64xf32>
      %get3A_93 = arith.constant 0 : index
      %get3A_94 = arith.constant 0 : index
      %get3A_95 = vector.load %arg3[%get3A_93, %get3A_94] : memref<1x64xf32, #tpu.memory_space<vmem>>, vector<1x64xf32>
      %get3A_96 = arith.constant 0 : index
      %get3A_97 = arith.constant 0 : index
      %get3A_98 = vector.load %arg4[%get3A_96, %get3A_97] : memref<1x1xi32, #tpu.memory_space<vmem>>, vector<1x1xi32>
      %get3A_99 = vector.extract %get3A_98[0, 0] : i32 from vector<1x1xi32>
      %convert_element_type3A_100 = arith.sitofp %get3A_99 : i32 to f32
      %mul3A_101 = arith.mulf %get3A_92, %get3A_92 : vector<1x64xf32>
      %reduce_sum3A_102 = vector.shape_cast %mul3A_101 : vector<1x64xf32> to vector<1x1x64xf32>
      %reduce_sum3A_103 = arith.constant dense<0.000000e+00> : vector<1xf32>
      %reduce_sum3A_104 = vector.multi_reduction <add>, %reduce_sum3A_102, %reduce_sum3A_103 [1, 2] : vector<1x1x64xf32> to vector<1xf32>
      %reduce_sum3A_105 = vector.shape_cast %reduce_sum3A_104 : vector<1xf32> to vector<1x1x1xf32>
      %reduce_sum3A_106 = vector.extract %reduce_sum3A_105[0, 0, 0] : f32 from vector<1x1x1xf32>
      %mul3A_107 = arith.mulf %convert_element_type3A_100, %reduce_sum3A_106 : f32
      %sub3A_108 = arith.constant 4.096000e+03 : f32
      %sub3A_109 = arith.subf %sub3A_108, %convert_element_type3A_100 : f32
      %mul3A_110 = arith.mulf %get3A_95, %get3A_95 : vector<1x64xf32>
      %reduce_sum3A_111 = vector.shape_cast %mul3A_110 : vector<1x64xf32> to vector<1x1x64xf32>
      %reduce_sum3A_112 = arith.constant dense<0.000000e+00> : vector<1xf32>
      %reduce_sum3A_113 = vector.multi_reduction <add>, %reduce_sum3A_111, %reduce_sum3A_112 [1, 2] : vector<1x1x64xf32> to vector<1xf32>
      %reduce_sum3A_114 = vector.shape_cast %reduce_sum3A_113 : vector<1xf32> to vector<1x1x1xf32>
      %reduce_sum3A_115 = vector.extract %reduce_sum3A_114[0, 0, 0] : f32 from vector<1x1x1xf32>
      %mul3A_116 = arith.mulf %sub3A_109, %reduce_sum3A_115 : f32
      %add3A_117 = arith.addf %mul3A_107, %mul3A_116 : f32
      %get3A_118 = arith.constant 0 : index
      %get3A_119 = arith.constant 0 : index
      %get3A_120 = vector.load %arg5[%get3A_118, %get3A_119] : memref<1x1xf32, #tpu.memory_space<vmem>>, vector<1x1xf32>
      %add3A_121 = vector.broadcast %add3A_117 : f32 to vector<1x1xf32>
      %add3A_122 = arith.addf %get3A_120, %add3A_121 : vector<1x1xf32>
      %div3A_123 = arith.constant 8.192000e+03 : f32
      %div3A_124 = vector.broadcast %div3A_123 : f32 to vector<1x1xf32>
      %div3A_125 = arith.divf %add3A_122, %div3A_124 : vector<1x1xf32>
      %swap3A_126 = arith.constant 0 : index
      %swap3A_127 = arith.constant 0 : index
      %swap3A_128 = vector.load %arg5[%swap3A_126, %swap3A_127] : memref<1x1xf32, #tpu.memory_space<vmem>>, vector<1x1xf32>
      tpu.vector_store %arg5[%swap3A_126, %swap3A_127], %div3A_125 {strides = array<i32>} : memref<1x1xf32, #tpu.memory_space<vmem>>, vector<1x1xf32>,
    } else {
    }
    return
  }
  func.func @transform_0(%arg0: i32) -> (i32, i32) {
    %c0_i32 = arith.constant 0 : i32
    %c0_i32_0 = arith.constant 0 : i32
    return %arg0, %c0_i32 : i32, i32
  }
  func.func @transform_1(%arg0: i32) -> (i32, i32) {
    %c0_i32 = arith.constant 0 : i32
    %c0_i32_0 = arith.constant 0 : i32
    %c0_i32_1 = arith.constant 0 : i32
    return %c0_i32, %c0_i32_0 : i32, i32
  }
  func.func @transform_2(%arg0: i32) -> (i32, i32) {
    %c0_i32 = arith.constant 0 : i32
    %c0_i32_0 = arith.constant 0 : i32
    %c0_i32_1 = arith.constant 0 : i32
    return %c0_i32, %c0_i32_0 : i32, i32
  }
  func.func @transform_3(%arg0: i32) -> (i32, i32) {
    %c0_i32 = arith.constant 0 : i32
    %c0_i32_0 = arith.constant 0 : i32
    %c0_i32_1 = arith.constant 0 : i32
    return %c0_i32, %c0_i32_0 : i32, i32
  }
  func.func @transform_4(%arg0: i32) -> (i32, i32) {
    %c0_i32 = arith.constant 0 : i32
    %c0_i32_0 = arith.constant 0 : i32
    %c0_i32_1 = arith.constant 0 : i32
    return %c0_i32, %c0_i32_0 : i32, i32
  }
}

</mosaic_0001>

<sc_bundles>
// kernel: kernel.5.cloned.1.call-start
scs
__scs_entry_jumppad:
0x0: {  	(pc) =	sbr.rel $0x88, $3  }
0x1: {  	(tag) =	ssettag $0x0;
	lr =	simm.s32 $0x1  }
0x2: {  	[smem:$0x3F9B] =	sst lr;
	_ =	strace $0xD0000000  }
0x3: {  	_ = 	snop  }
0x4: {  	_ = 	snop  }
0x5: {  	_ = 	snop  }
0x6: {  	_ = 	snop  }
0x7: {  	_ = 	snop  }
__scs_overlays_trampoline_lowered:
0x8: {  	[smem:$0x3FAA] =	sst s0  }
0x9: {  	[smem:$0x3FAB] =	sst s1  }
0xa: {  	[smem:$0x3FAC] =	sst s2  }
0xb: {  	[smem:$0x3FAD] =	sst s3  }
0xc: {  	[smem:$0x3FAE] =	sst s4  }
0xd: {  	[smem:$0x3FAF] =	sst s5  }
0xe: {  	[smem:$0x3FB0] =	sst s6  }
0xf: {  	[smem:$0x3FB1] =	sst s7  }
0x10: {  	[smem:$0x3FB2] =	sst s8  }
0x11: {  	[smem:$0x3FB3] =	sst s9;
	s0 =	simm.s32 @!p0 $0x0  }
0x12: {  	s1 =	sld [smem:$0x3F99];
	s0 =	simm.s32 @p0 $0x1  }
0x13: {  	[smem:$0x3FB4] =	sst s0;
	s0 =	simm.s32 @!p1 $0x0  }
0x14: {  	s2 =	sld [smem:$0x3F98];
	s0 =	simm.s32 @p1 $0x1  }
0x15: {  	[smem:$0x3FB5] =	sst s0;
	s0 =	simm.s32 @!p2 $0x0  }
0x16: {  	s3 =	sld [smem:$0x3FDB];
	s0 =	simm.s32 @p2 $0x1  }
0x17: {  	s4 =	simm.s32 $0x1BF5;
	[smem:$0x3FB7] =	sst s0  }
0x18: {  	s0 =	sld [smem:$0x3F9A];
	_ =	swait.ge [sflag:s4], $0x0  }
0x19: {  	s7 =	sld [smem:$0x3F9B]  }
0x1a: {  	s8 =	sadd.s32 $0xFFFFE003, lr  }
0x1b: {  	s9 =	sadd.s32 $0xFFFFFEF7, lr;
	s5 =	simm.s32 $0xFFFFFFFF;
	p2 =	slt.u32 s8, $0xFFFFF086  }
0x1c: {  	p1 =	slt.u32 s9, $0xF7A;
	s5 =	simm.s32 @!p2 $0x0  }
0x1d: {  	s5 =	simm.s32 @p1 $0x1;
	p0 =	seq.s32 s7, s2  }
0x1e: {  	s7 =	smul.u32 @!p0 $0xF7A, s2;
	p2 =	seq.s32 @!p0 s5, $0x0  }
0x1f: {  	s9 =	smul.u32 $0xF7A, s1;
	s8 =	simm.s32 @!p0 $0x1BF5;
	p2 =	por !p2, p0  }
0x20: {  	[sflag:s8] =	ssyncset.s32 @!p0 $0xFFFFF086;
	s6 =	sadd.s32 @!p0 s3, s7;
	s7 =	simm.s32 @!p0 $0x108  }
0x21: {  	s3 =	sadd.s32 s3, s9;
	s6 =	sadd.s32 @!p0 $0x88, s6;
	s7 =	simm.s32 @p2 $0x1082  }
0x22: {  	[simem:s7], [sflag:s8] =	dma.local @!p0 [hbm:s6], $0xF7A  }
0x23: {  	s9 =	sor.u32 $0xD0000000, s2;
	s6 =	simm.s32 $0x108;
	_ =	swait.ge @!p0 [sflag:s8], $0x0  }
0x24: {  	s3 =	sadd.s32 $0x88, s3;
	s6 =	simm.s32 @!p1 $0x1082;
	[sflag:s4] =	ssyncset.s32 $0xFFFFF086  }
0x25: {  	[simem:s6], [sflag:s4] =	dma.local [hbm:s3], $0xF7A  }
0x26: {  	[smem:$0x3F9B] =	sst s1;
	(tag) =	ssettag s2;
	_ =	strace s9  }
0x27: {  	s1 =	sld [smem:$0x3FAB]  }
0x28: {  	s2 =	sld [smem:$0x3FAC]  }
0x29: {  	s4 =	sld [smem:$0x3FAE]  }
0x2a: {  	p0 =	seq.s32 s5, $0x0;
	s5 =	sld [smem:$0x3FAF]  }
0x2b: {  	s6 =	sld [smem:$0x3FB0]  }
0x2c: {  	s7 =	sld [smem:$0x3FB1]  }
0x2d: {  	s3 =	simm.s32 $0x108;
	s8 =	sld [smem:$0x3FB2]  }
0x2e: {  	s3 =	simm.s32 @!p0 $0x1082;
	s9 =	sld [smem:$0x3FB3]  }
0x2f: {  	lr =	sadd.s32 s0, s3;
	s0 =	sld [smem:$0x3FAA]  }
0x30: {  	s3 =	sld [smem:$0x3FAD]  }
0x31: {  	[smem:$0x3FB6] =	sst s10  }
0x32: {  	s10 =	sld [smem:$0x3FB4];
	_ =	sdelay $0x3  }
0x33: {  	p0 =	seq.s32 s10, $0x1;
	s10 =	sld [smem:$0x3FB6];
	_ =	sdelay $0x3  }
0x34: {  	[smem:$0x3FB6] =	sst s10  }
0x35: {  	s10 =	sld [smem:$0x3FB5];
	_ =	sdelay $0x3  }
0x36: {  	p1 =	seq.s32 s10, $0x1;
	s10 =	sld [smem:$0x3FB6];
	_ =	sdelay $0x3  }
0x37: {  	[smem:$0x3FB6] =	sst s10  }
0x38: {  	s10 =	sld [smem:$0x3FB7]  }
0x39: {  	_ = 	snop;
	(pc) =	sbr.ind lr, $3  }
0x3a: {  	_ = 	snop  }
0x3b: {  	_ = 	snop  }
0x3c: {  	p2 =	seq.s32 s10, $0x1;
	s10 =	sld [smem:$0x3FB6]  }
0x3d: {  	_ =	shalt  }
0x3e: {  	_ =	shalt  }
0x3f: {  	_ =	shalt  }
0x40: {  	_ =	shalt  }
0x41: {  	_ =	shalt  }
0x42: {  	_ =	shalt  }
0x43: {  	_ =	shalt  }
0x44: {  	_ =	shalt  }
0x45: {  	_ =	shalt  }
0x46: {  	_ =	shalt  }
0x47: {  	_ =	shalt  }
0x48: {  	_ =	shalt  }
0x49: {  	_ =	shalt  }
0x4a: {  	_ =	shalt  }
0x4b: {  	_ =	shalt  }
0x4c: {  	_ =	shalt  }
0x4d: {  	_ =	shalt  }
0x4e: {  	_ =	shalt  }
0x4f: {  	_ =	shalt  }
0x50: {  	_ =	shalt  }
0x51: {  	_ =	shalt  }
0x52: {  	_ =	shalt  }
0x53: {  	_ =	shalt  }
0x54: {  	_ =	shalt  }
0x55: {  	_ =	shalt  }
0x56: {  	_ =	shalt  }
0x57: {  	_ =	shalt  }
0x58: {  	_ =	shalt  }
0x59: {  	_ =	shalt  }
0x5a: {  	_ =	shalt  }
0x5b: {  	_ =	shalt  }
0x5c: {  	_ =	shalt  }
0x5d: {  	_ =	shalt  }
0x5e: {  	_ =	shalt  }
0x5f: {  	_ =	shalt  }
0x60: {  	_ =	shalt  }
0x61: {  	_ =	shalt  }
0x62: {  	_ =	shalt  }
0x63: {  	_ =	shalt  }
0x64: {  	_ =	shalt  }
0x65: {  	_ =	shalt  }
0x66: {  	_ =	shalt  }
0x67: {  	_ =	shalt  }
0x68: {  	_ =	shalt  }
0x69: {  	_ =	shalt  }
0x6a: {  	_ =	shalt  }
0x6b: {  	_ =	shalt  }
0x6c: {  	_ =	shalt  }
0x6d: {  	_ =	shalt  }
0x6e: {  	_ =	shalt  }
0x6f: {  	_ =	shalt  }
0x70: {  	_ =	shalt  }
0x71: {  	_ =	shalt  }
0x72: {  	_ =	shalt  }
0x73: {  	_ =	shalt  }
0x74: {  	_ =	shalt  }
0x75: {  	_ =	shalt  }
0x76: {  	_ =	shalt  }
0x77: {  	_ =	shalt  }
0x78: {  	_ =	shalt  }
0x79: {  	_ =	shalt  }
0x7a: {  	_ =	shalt  }
0x7b: {  	_ =	shalt  }
0x7c: {  	_ =	shalt  }
0x7d: {  	_ =	shalt  }
0x7e: {  	_ =	shalt  }
0x7f: {  	_ =	shalt  }
0x80: {  	_ =	shalt  }
0x81: {  	_ =	shalt  }
0x82: {  	_ =	shalt  }
0x83: {  	_ =	shalt  }
0x84: {  	_ =	shalt  }
0x85: {  	_ =	shalt  }
0x86: {  	_ =	shalt  }
0x87: {  	_ =	shalt  }
.Lfunc_end0:
.L_simem_size_0:
called_computation_lowered:
.L_overlay_start_0:
0x88: {  	s2 =	sld [smem:$0x3FD9]  }
0x89: {  	s3 =	sld [smem:$0x3FFE];
	_ =	sdelay $0x1  }
0x8a: {  	s1 =	srdreg.scid  }
0x8b: {  	s0 =	sand.u32 $0x1, s1  }
0x8c: {  	s17 =	sshll.u32 s0, $0xA;
	s2 =	sadd.s32 s3, s2  }
0x8d: {  	s2 =	sadd.s32 s2, s17  }
0x8e: {  	[smem:$0x3FC2] =	sst s2  }
0x8f: {  	_ = 	snop  }
0x90: {  	s2 =	sld [smem:$0x3FC5]  }
0x91: {  	s18 =	sld [smem:$0x3FC4];
	(tm) =	ssettm $0x1  }
0x92: {  	s4 =	sld [smem:$0x3FFB];
	_ =	sdelay $0x3  }
0x93: {  	_ =	strace s4  }
0x94: {  	s4 =	sld [smem:$0x3FFC];
	_ =	sdelay $0x3  }
0x95: {  	_ =	strace s4  }
0x96: {  	s4 =	sld [smem:$0x3FFD];
	_ =	sdelay $0x3  }
0x97: {  	_ =	strace s4  }
0x98: {  	_ =	strace $0x8FFFFFFF  }
0x99: {  	s19 =	sld [smem:$0x3FDB];
	_ =	sdelay $0x1  }
0x9a: {  	s5 =	simm.s32 $_scs_section_size  }
0x9b: {  	s6 =	simm.s32 $_size__tile_overlayer_lowered;
	s7 =	simm.s32 $_tile_overlayer_lowered  }
0x9c: {  	s22 =	simm.s32 $0x1BFF;
	s21 =	sshll.u32 s7, $0x1;
	s4 =	sadd.s32 s5, s19  }
0x9d: {  	s8 =	simm.s32 $0x0;
	s20 =	sshll.u32 s6, $0x1;
	s6 =	sadd.s32 s21, s4  }
0x9e: {  	[timem:s8], [sflag:s22] =	dma.local [hbm:s6], s20  }
0x9f: {  	_ =	swait.ge [sflag:s22], s20  }
0xa0: {  	s5 =	ssub.s32 $0x0, s20;
	[sflag:s22] =	ssyncset.done $0x0  }
0xa1: {  	[sflag:s22] =	ssyncadd.s32 s5;
	_ =	sdelay $0x1  }
0xa2: {  	s23 =	simm.s32 $0x1B8B  }
0xa3: {  	_ =	swait.ge [sflag:s23], $0x1  }
0xa4: {  	[sflag:s23] =	ssyncset.done $0x0  }
0xa5: {  	s25 =	simm.s32 $0x1B8E;
	s24 =	sld [smem:$0x3FFE];
	[sflag:s23] =	ssyncadd.s32 $0xFFFFFFFF  }
0xa6: {  	s26 =	simm.s32 $execute0_lowered;
	[smem:$0x3FD2] =	sst s25  }
0xa7: {  	s6 =	sshll.u32 s26, $0x1;
	_ =	strace $0x80000046;
	[dreg:$0x1] =	wrdreg $0xFFFFFFFF  }
0xa8: {  	s28 =	simm.s32 $_size_execute0_lowered;
	s4 =	sadd.s32 s4, s6;
	[dreg:$0x0] =	wrdreg $0x0  }
0xa9: {  	s6 =	sshll.u32 s28, $0x1;
	[dreg:$0x2] =	wrdreg s4  }
0xaa: {  	[dreg:$0x3] =	wrdreg s6  }
0xab: {  	[dreg:$0x4] =	wrdreg $0xC0  }
0xac: {  	_ =	task [dreg:s8], $0x5FFFF  }
0xad: {  	[dreg:$0x1] =	wrdreg $0xFFFFFFFF  }
0xae: {  	[dreg:$0x0] =	wrdreg $0x60  }
0xaf: {  	[dreg:$0x2] =	wrdreg s24  }
0xb0: {  	[dreg:$0x3] =	wrdreg s2  }
0xb1: {  	[dreg:$0x4] =	wrdreg s18  }
0xb2: {  	[dreg:$0x5] =	wrdreg $0x9  }
0xb3: {  	_ =	task.clear_ibuf [dreg:s8], $0x6FFFF;
	_ =	strace $0x90000046  }
0xb4: {  	s29 =	simm.s32 $0x9;
	_ =	strace $0x80000048  }
0xb5: {  	_ =	swait.ge [sflag:s29], $0x1  }
0xb6: {  	[sflag:s29] =	ssyncadd.s32 $0xFFFFFFFF  }
0xb7: {  	_ =	strace $0x90000048  }
0xb8: {  	_ =	sfence  }
0xb9: {  	s30 =	sld [smem:$0x0];
	_ =	sdelay $0x2  }
0xba: {  	s31 =	sshll.u32 s1, $0xD;
	s1 =	sshrl.u32 s1, $0x2  }
0xbb: {  	s3 =	sand.u32 $0x4000, s31;
	s1 =	sadd.s32 s1, s30  }
0xbc: {  	s0 =	sor.u32 s3, s0;
	s1 =	sshll.u32 s1, $0x11  }
0xbd: {  	s0 =	sor.u32 s1, s0  }
0xbe: {  	s0 =	sadd.s32 $0x8F2B, s0  }
0xbf: {  	[sflag:s0] =	ssyncadd.remote.s32 $0x1  }
0xc0: {  	_ =	sfence.sel $0xFFFF  }
0xc1: {  	[dreg:$0x0] =	wrdreg $0xFFFFFFFF;
	(pc) =	sbr.abs _section_cstart, $3  }
0xc2: {  	[dreg:$0x1] =	wrdreg $0xFFFFFFFF  }
0xc3: {  	_ =	task.clear_ibuf [dreg:s8], $0x2FFFF;
	_ =	strace $0x9FFFFFFF  }
0xc4: {  	(tm) =	ssettm $0x7FFFFFFF  }
0xc5: {  	_ =	shalt  }
tec
execute0_lowered:
.L_overlay_start_1:
0x0: {  	(tag) =	ssettag $0x1  }
0x1: {  	s0 =	rddreg [dreg:$0x0];
	s4 =	simm.s32 $0x0;
	s1 =	srdreg.scid  }
0x2: {  	s2 =	stileid.u32;
	s30 =	simm.s32 $0x1100;
	s17 =	simm.s32 $0x2  }
0x3: {  	v0 =	vlaneseq.u32;
	s29 =	simm.s32 $0xC100;
	s19 =	simm.s32 $0x4;
	s31 =	simm.s32 $0x6  }
0x4: {  	s28 =	simm.s32 $0x5;
	s18 =	simm.s32 $0x8;
	[smem:$0x7FF] =	sst s4;
	v0 =	vmul.u32 $0x10, v0  }
0x5: {  	v40 =	vimm.f32 $0.0e+00;
	s1 =	sand.u32 $0x1, s1;
	s2 =	sshll.u32 s2, $0x1;
	s5 =	sadd.s32 $0x18A200, s0  }
0x6: {  	s6 =	sadd.s32 $0x24D800, s0;
	s7 =	sadd.s32 $0x3800, s0;
	s2 =	sor.u32 s1, s2;
	v1 =	vor.u32 $0x100, v0;
	v2 =	vor.u32 $0x200, v0;
	v3 =	vor.u32 $0x300, v0  }
0x7: {  	_ =	strace $0x80000047;
	s1 =	ssub.s32 $0x2, s1;
	s3 =	smul.u32 $0x50, s2;
	v4 =	vor.u32 $0x400, v0;
	v5 =	vor.u32 $0x500, v0;
	v6 =	vor.u32 $0x600, v0  }
0x8: {  	s8 =	sshll.u32 s2, $0x4;
	s2 =	smul.u32 $0xF00, s2;
	s9 =	sshrl.u32 s1, $0x1;
	v7 =	vor.u32 $0x700, v0;
	v8 =	vor.u32 $0x800, v0;
	v9 =	vor.u32 $0x900, v0  }
0x9: {  	v10 =	vor.u32 $0xA00, v0;
	v11 =	vor.u32 $0xB00, v0;
	v12 =	vor.u32 $0xC00, v0;
	s8 =	sadd.s32 s8, s0;
	s1 =	ssub.s32 s1, s9;
	s3 =	sadd.s32 s3, s0  }
0xa: {  	v13 =	vor.u32 $0xD00, v0;
	v14 =	vor.u32 $0xE00, v0;
	v15 =	vor.u32 $0xF00, v0;
	s0 =	sadd.s32 s2, s0;
	s24 =	sadd.s32 $0x6000, s8;
	s25 =	sadd.s32 $0x6400, s8  }
0xb: {  	v16 =	vor.u32 $0x1000, v0;
	v17 =	vor.u32 $0x1100, v0;
	v18 =	vor.u32 $0x1200, v0;
	s26 =	sadd.s32 $0x6200, s8;
	s16 =	smax.u32 s1, $0x1;
	[dreg:$0x8] =	wrdreg s24  }
0xc: {  	v19 =	vor.u32 $0x1300, v0;
	v20 =	vor.u32 $0x1400, v0;
	v21 =	vor.u32 $0x1500, v0;
	s1 =	simm.s32 $0x10100;
	s2 =	simm.s32 $0x7;
	[dreg:$0x9] =	wrdreg s25  }
0xd: {  	v22 =	vor.u32 $0x1600, v0;
	v23 =	vor.u32 $0x1700, v0;
	v24 =	vor.u32 $0x1800, v0;
	s20 =	sadd.s32 $0x6800, s3;
	s21 =	sadd.s32 $0x7200, s3;
	[dreg:$0xa] =	wrdreg s26  }
0xe: {  	v25 =	vor.u32 $0x1900, v0;
	v26 =	vor.u32 $0x1A00, v0;
	v27 =	vor.u32 $0x1B00, v0;
	s22 =	sadd.s32 $0x7C00, s3;
	s23 =	sadd.s32 $0x8600, s3;
	[dreg:$0x4] =	wrdreg s20  }
0xf: {  	v28 =	vor.u32 $0x1C00, v0;
	v29 =	vor.u32 $0x1D00, v0;
	v30 =	vor.u32 $0x1E00, v0;
	s15 =	sadd.s32 $0x9000, s0;
	s25 =	simm.s32 $0x1;
	[dreg:$0x5] =	wrdreg s21  }
0x10: {  	v31 =	vor.u32 $0x1F00, v0;
	v32 =	vor.u32 $0x2000, v0;
	v33 =	vor.u32 $0x2100, v0;
	s26 =	simm.s32 $0x80;
	s24 =	simm.s32 $0xA100;
	[dreg:$0x6] =	wrdreg s22  }
0x11: {  	v34 =	vor.u32 $0x2200, v0;
	v35 =	vor.u32 $0x2300, v0;
	v36 =	vor.u32 $0x2400, v0;
	s0 =	simm.s32 $0xE100;
	s3 =	simm.s32 $0x3;
	[dreg:$0x7] =	wrdreg s23  }
0x12: {  	v37 =	vor.u32 $0x2500, v0;
	v38 =	vor.u32 $0x2600, v0;
	v39 =	vor.u32 $0x2700, v0;
	s22 =	simm.s32 $0x1000;
	s23 =	simm.s32 $0x3900;
	s20 =	simm.s32 $0x0  }
.LBB2_1:
0x13: {  	s8 =	rddreg [dreg:$0x4]  }
0x14: {  	[tilespmem:s4], [sflag:$0x1] =	stream.linear.gather [hbm4b:s8+s4], $0x280, $0x38;
	[tilespmem:$0x19900] =	vst v63  }
0x15: {  	s21 =	rddreg [dreg:$0x5];
	s9 =	simm.s32 $0x280  }
0x16: {  	[tilespmem:s9], [sflag:$0x1] =	stream.linear.gather [hbm4b:s21+s4], $0x280, $0x38;
	[tilespmem:$0x19900] =	vst v63  }
0x17: {  	s10 =	rddreg [dreg:$0x6];
	s9 =	simm.s32 $0x500  }
0x18: {  	[tilespmem:s9], [sflag:$0x1] =	stream.linear.gather [hbm4b:s10+s4], $0x280, $0x38;
	[tilespmem:$0x19900] =	vst v63  }
0x19: {  	s11 =	rddreg [dreg:$0x7];
	s10 =	simm.s32 $0x780  }
0x1a: {  	[tilespmem:s10], [sflag:$0x1] =	stream.linear.gather [hbm4b:s11+s4], $0x280, $0x38;
	[tilespmem:$0x19900] =	vst v63  }
0x1b: {  	s12 =	rddreg [dreg:$0x8];
	s10 =	simm.s32 $0xF00  }
0x1c: {  	[tilespmem:s10], [sflag:$0x1] =	stream.linear.gather [hbm4b:s12+s4], $0x80, $0x38;
	[tilespmem:$0x19900] =	vst v63  }
0x1d: {  	s13 =	rddreg [dreg:$0x9];
	s11 =	simm.s32 $0xF80  }
0x1e: {  	[tilespmem:s11], [sflag:$0x1] =	stream.linear.gather [hbm4b:s13+s4], $0x80, $0x38;
	[tilespmem:$0x19900] =	vst v63  }
0x1f: {  	s14 =	rddreg [dreg:$0xa]  }
0x20: {  	[tilespmem:s22], [sflag:$0x1] =	stream.linear.gather [hbm4b:s14+s4], $0x80, $0x38;
	[tilespmem:$0x19900] =	vst v63  }
0x21: {  	s21 =	rddreg [dreg:$0x1];
	s12 =	simm.s32 $0x1080  }
0x22: {  	[tilespmem:s12], [sflag:$0x1] =	stream.linear.gather [hbm4b:s21+s4], $0x40, $0x38;
	[tilespmem:$0x19900] =	vst v63  }
0x23: {  	s13 =	rddreg [dreg:$0x2];
	s14 =	simm.s32 $0x10C0  }
0x24: {  	[tilespmem:s14], [sflag:$0x1] =	stream.linear.gather [hbm4b:s13+s4], $0x40, $0x38;
	[tilespmem:$0x19900] =	vst v63  }
0x25: {  	_ =	swait.ge [sflag:s25], $0x280  }
0x26: {  	[sflag:s25] =	ssyncset.done $0x0  }
0x27: {  	[sflag:s25] =	ssyncadd.s32 $0xFFFFFD80  }
0x28: {  	_ =	swait.ge [sflag:s25], $0x280  }
0x29: {  	[sflag:s25] =	ssyncset.done $0x0  }
0x2a: {  	[sflag:s25] =	ssyncadd.s32 $0xFFFFFD80  }
0x2b: {  	_ =	swait.ge [sflag:s25], $0x280  }
0x2c: {  	[sflag:s25] =	ssyncset.done $0x0  }
0x2d: {  	[sflag:s25] =	ssyncadd.s32 $0xFFFFFD80  }
0x2e: {  	_ =	swait.ge [sflag:s25], $0x280  }
0x2f: {  	[sflag:s25] =	ssyncset.done $0x0  }
0x30: {  	[sflag:s25] =	ssyncadd.s32 $0xFFFFFD80  }
0x31: {  	_ =	swait.ge [sflag:s25], $0x80  }
0x32: {  	[sflag:s25] =	ssyncset.done $0x0  }
0x33: {  	[sflag:s25] =	ssyncadd.s32 $0xFFFFFF80  }
0x34: {  	_ =	swait.ge [sflag:s25], $0x80  }
0x35: {  	[sflag:s25] =	ssyncset.done $0x0  }
0x36: {  	[sflag:s25] =	ssyncadd.s32 $0xFFFFFF80  }
0x37: {  	_ =	swait.ge [sflag:s25], $0x80  }
0x38: {  	[sflag:s25] =	ssyncset.done $0x0  }
0x39: {  	[sflag:s25] =	ssyncadd.s32 $0xFFFFFF80  }
0x3a: {  	_ =	swait.ge [sflag:s25], $0x40  }
0x3b: {  	[sflag:s25] =	ssyncset.done $0x0  }
0x3c: {  	[sflag:s25] =	ssyncadd.s32 $0xFFFFFFC0  }
0x3d: {  	_ =	swait.ge [sflag:s25], $0x40  }
0x3e: {  	[sflag:s25] =	ssyncset.done $0x0  }
0x3f: {  	s21 =	simm.s32 $0x6100;
	[sflag:s25] =	ssyncadd.s32 $0xFFFFFFC0  }
0x40: {  	[tilespmem:s21], [sflag:$0x3] =	stream.indirect.gather [hbm4b:s5+s26], $0x40, s10, s26, $0xb8;
	[tilespmem:$0x19900] =	vst v63  }
0x41: {  	s12 =	simm.s32 $0x8100  }
0x42: {  	[tilespmem:s12], [sflag:$0x3] =	stream.indirect.gather [hbm4b:s6+s26], $0x40, s11, s26, $0xb8;
	[tilespmem:$0x19900] =	vst v63  }
0x43: {  	_ = 	snop  }
0x44: {  	[tilespmem:s30], [sflag:$0x2] =	stream.indirect.gather [hbm4b:s7+s26], $0x10, s4, s26, $0xb8;
	[tilespmem:$0x19900] =	vst v63  }
0x45: {  	s13 =	simm.s32 $0x1900  }
0x46: {  	[tilespmem:s13], [sflag:$0x2] =	stream.indirect.gather [hbm4b:s7+s26], $0x10, s26, s26, $0xb8;
	[tilespmem:$0x19900] =	vst v63  }
0x47: {  	s14 =	simm.s32 $0x100;
	s21 =	simm.s32 $0x2100  }
0x48: {  	[tilespmem:s21], [sflag:$0x2] =	stream.indirect.gather [hbm4b:s7+s26], $0x10, s14, s26, $0xb8;
	[tilespmem:$0x19900] =	vst v63  }
0x49: {  	s10 =	simm.s32 $0x180;
	s11 =	simm.s32 $0x2900  }
0x4a: {  	[tilespmem:s11], [sflag:$0x2] =	stream.indirect.gather [hbm4b:s7+s26], $0x10, s10, s26, $0xb8;
	[tilespmem:$0x19900] =	vst v63  }
0x4b: {  	s12 =	simm.s32 $0x200;
	s13 =	simm.s32 $0x3100  }
0x4c: {  	[tilespmem:s13], [sflag:$0x2] =	stream.indirect.gather [hbm4b:s7+s26], $0x10, s12, s26, $0xb8;
	[tilespmem:$0x19900] =	vst v63  }
0x4d: {  	_ = 	snop  }
0x4e: {  	[tilespmem:s23], [sflag:$0x2] =	stream.indirect.gather [hbm4b:s7+s26], $0x10, s9, s26, $0xb8;
	[tilespmem:$0x19900] =	vst v63  }
0x4f: {  	s14 =	simm.s32 $0x580;
	s21 =	simm.s32 $0x4100  }
0x50: {  	[tilespmem:s21], [sflag:$0x2] =	stream.indirect.gather [hbm4b:s7+s26], $0x10, s14, s26, $0xb8;
	[tilespmem:$0x19900] =	vst v63  }
0x51: {  	s10 =	simm.s32 $0x600;
	s11 =	simm.s32 $0x4900  }
0x52: {  	[tilespmem:s11], [sflag:$0x2] =	stream.indirect.gather [hbm4b:s7+s26], $0x10, s10, s26, $0xb8;
	[tilespmem:$0x19900] =	vst v63  }
0x53: {  	s12 =	simm.s32 $0x680;
	s13 =	simm.s32 $0x5100  }
0x54: {  	[tilespmem:s13], [sflag:$0x2] =	stream.indirect.gather [hbm4b:s7+s26], $0x10, s12, s26, $0xb8;
	[tilespmem:$0x19900] =	vst v63  }
0x55: {  	s14 =	simm.s32 $0x700;
	s21 =	simm.s32 $0x5900  }
0x56: {  	[tilespmem:s21], [sflag:$0x2] =	stream.indirect.gather [hbm4b:s7+s26], $0x10, s14, s26, $0xb8;
	[tilespmem:$0x19900] =	vst v63  }
0x57: {  	_ =	swait.ge [sflag:s17], $0x800  }
0x58: {  	[sflag:s17] =	ssyncset.done $0x0  }
0x59: {  	[sflag:s17] =	ssyncadd.s32 $0xFFFFF800  }
0x5a: {  	_ =	swait.ge [sflag:s17], $0x800  }
0x5b: {  	[sflag:s17] =	ssyncset.done $0x0  }
0x5c: {  	[sflag:s17] =	ssyncadd.s32 $0xFFFFF800  }
0x5d: {  	_ =	swait.ge [sflag:s17], $0x800  }
0x5e: {  	[sflag:s17] =	ssyncset.done $0x0  }
0x5f: {  	[sflag:s17] =	ssyncadd.s32 $0xFFFFF800  }
0x60: {  	_ =	swait.ge [sflag:s17], $0x800  }
0x61: {  	[sflag:s17] =	ssyncset.done $0x0  }
0x62: {  	[sflag:s17] =	ssyncadd.s32 $0xFFFFF800  }
0x63: {  	_ =	swait.ge [sflag:s17], $0x800  }
0x64: {  	[sflag:s17] =	ssyncset.done $0x0  }
0x65: {  	[sflag:s17] =	ssyncadd.s32 $0xFFFFF800  }
0x66: {  	_ =	swait.ge [sflag:s17], $0x800  }
0x67: {  	[sflag:s17] =	ssyncset.done $0x0  }
0x68: {  	[sflag:s17] =	ssyncadd.s32 $0xFFFFF800  }
0x69: {  	_ =	swait.ge [sflag:s17], $0x800  }
0x6a: {  	[sflag:s17] =	ssyncset.done $0x0  }
0x6b: {  	[sflag:s17] =	ssyncadd.s32 $0xFFFFF800  }
0x6c: {  	_ =	swait.ge [sflag:s17], $0x800  }
0x6d: {  	[sflag:s17] =	ssyncset.done $0x0  }
0x6e: {  	[sflag:s17] =	ssyncadd.s32 $0xFFFFF800  }
0x6f: {  	_ =	swait.ge [sflag:s17], $0x800  }
0x70: {  	[sflag:s17] =	ssyncset.done $0x0  }
0x71: {  	[sflag:s17] =	ssyncadd.s32 $0xFFFFF800  }
0x72: {  	_ =	swait.ge [sflag:s17], $0x800  }
0x73: {  	[sflag:s17] =	ssyncset.done $0x0  }
0x74: {  	[sflag:s17] =	ssyncadd.s32 $0xFFFFF800  }
0x75: {  	v41 =	vld [tilespmem:$0x280];
	_ =	sdelay $0x4  }
0x76: {  	v41 =	vadd.s32 v0, v41  }
0x77: {  	v42 =	vld [tilespmem:$0x780];
	_ =	sdelay $0x3  }
0x78: {  	v41 =	vld.idx.msk [tilespmem:v41+s30+$0x0], $0xffff  }
0x79: {  	v42 =	vadd.s32 v0, v42  }
0x7a: {  	v43 =	vld [tilespmem:$0x290];
	_ =	sdelay $0x2  }
0x7b: {  	[tilespmem:$0xA00] =	vst v41  }
0x7c: {  	v41 =	vld.idx.msk [tilespmem:v42+s23+$0x0], $0xffff  }
0x7d: {  	v61 =	vadd.s32 v1, v43  }
0x7e: {  	v62 =	vld [tilespmem:$0x790];
	_ =	sdelay $0x2  }
0x7f: {  	[tilespmem:$0xC80] =	vst v41  }
0x80: {  	v41 =	vld.idx.msk [tilespmem:v61+s30+$0x0], $0xffff  }
0x81: {  	v63 =	vadd.s32 v1, v62  }
0x82: {  	v45 =	vld [tilespmem:$0x2A0];
	_ =	sdelay $0x2  }
0x83: {  	[tilespmem:$0xA10] =	vst v41  }
0x84: {  	v41 =	vld.idx.msk [tilespmem:v63+s23+$0x0], $0xffff  }
0x85: {  	v46 =	vadd.s32 v2, v45  }
0x86: {  	v47 =	vld [tilespmem:$0x7A0];
	_ =	sdelay $0x2  }
0x87: {  	[tilespmem:$0xC90] =	vst v41  }
0x88: {  	v41 =	vld.idx.msk [tilespmem:v46+s30+$0x0], $0xffff  }
0x89: {  	v48 =	vadd.s32 v2, v47  }
0x8a: {  	v49 =	vld [tilespmem:$0x2B0];
	_ =	sdelay $0x2  }
0x8b: {  	[tilespmem:$0xA20] =	vst v41  }
0x8c: {  	v41 =	vld.idx.msk [tilespmem:v48+s23+$0x0], $0xffff  }
0x8d: {  	v50 =	vadd.s32 v3, v49  }
0x8e: {  	v51 =	vld [tilespmem:$0x7B0];
	_ =	sdelay $0x2  }
0x8f: {  	[tilespmem:$0xCA0] =	vst v41  }
0x90: {  	v41 =	vld.idx.msk [tilespmem:v50+s30+$0x0], $0xffff  }
0x91: {  	v52 =	vadd.s32 v3, v51  }
0x92: {  	v53 =	vld [tilespmem:$0x2C0];
	_ =	sdelay $0x2  }
0x93: {  	[tilespmem:$0xA30] =	vst v41  }
0x94: {  	v41 =	vld.idx.msk [tilespmem:v52+s23+$0x0], $0xffff  }
0x95: {  	v54 =	vadd.s32 v4, v53  }
0x96: {  	v55 =	vld [tilespmem:$0x7C0];
	_ =	sdelay $0x2  }
0x97: {  	[tilespmem:$0xCB0] =	vst v41  }
0x98: {  	v41 =	vld.idx.msk [tilespmem:v54+s30+$0x0], $0xffff  }
0x99: {  	v56 =	vadd.s32 v4, v55  }
0x9a: {  	v57 =	vld [tilespmem:$0x2D0];
	_ =	sdelay $0x2  }
0x9b: {  	[tilespmem:$0xA40] =	vst v41  }
0x9c: {  	v41 =	vld.idx.msk [tilespmem:v56+s23+$0x0], $0xffff  }
0x9d: {  	v58 =	vadd.s32 v5, v57  }
0x9e: {  	v59 =	vld [tilespmem:$0x7D0];
	_ =	sdelay $0x2  }
0x9f: {  	[tilespmem:$0xCC0] =	vst v41  }
0xa0: {  	v41 =	vld.idx.msk [tilespmem:v58+s30+$0x0], $0xffff  }
0xa1: {  	v60 =	vadd.s32 v5, v59  }
0xa2: {  	v61 =	vld [tilespmem:$0x2E0];
	_ =	sdelay $0x2  }
0xa3: {  	[tilespmem:$0xA50] =	vst v41  }
0xa4: {  	v41 =	vld.idx.msk [tilespmem:v60+s23+$0x0], $0xffff  }
0xa5: {  	v62 =	vadd.s32 v6, v61  }
0xa6: {  	v63 =	vld [tilespmem:$0x7E0];
	_ =	sdelay $0x2  }
0xa7: {  	[tilespmem:$0xCD0] =	vst v41  }
0xa8: {  	v41 =	vld.idx.msk [tilespmem:v62+s30+$0x0], $0xffff  }
0xa9: {  	v45 =	vadd.s32 v6, v63  }
0xaa: {  	v46 =	vld [tilespmem:$0x2F0];
	_ =	sdelay $0x2  }
0xab: {  	[tilespmem:$0xA60] =	vst v41  }
0xac: {  	v41 =	vld.idx.msk [tilespmem:v45+s23+$0x0], $0xffff  }
0xad: {  	v47 =	vadd.s32 v7, v46  }
0xae: {  	v48 =	vld [tilespmem:$0x7F0];
	_ =	sdelay $0x2  }
0xaf: {  	[tilespmem:$0xCE0] =	vst v41  }
0xb0: {  	v41 =	vld.idx.msk [tilespmem:v47+s30+$0x0], $0xffff  }
0xb1: {  	v49 =	vadd.s32 v7, v48  }
0xb2: {  	v50 =	vld [tilespmem:$0x300];
	_ =	sdelay $0x2  }
0xb3: {  	[tilespmem:$0xA70] =	vst v41  }
0xb4: {  	v41 =	vld.idx.msk [tilespmem:v49+s23+$0x0], $0xffff  }
0xb5: {  	v51 =	vadd.s32 v8, v50  }
0xb6: {  	v52 =	vld [tilespmem:$0x800];
	_ =	sdelay $0x2  }
0xb7: {  	[tilespmem:$0xCF0] =	vst v41  }
0xb8: {  	v41 =	vld.idx.msk [tilespmem:v51+s30+$0x0], $0xffff  }
0xb9: {  	v53 =	vadd.s32 v8, v52  }
0xba: {  	v54 =	vld [tilespmem:$0x310];
	_ =	sdelay $0x2  }
0xbb: {  	[tilespmem:$0xA80] =	vst v41  }
0xbc: {  	v41 =	vld.idx.msk [tilespmem:v53+s23+$0x0], $0xffff  }
0xbd: {  	v55 =	vadd.s32 v9, v54  }
0xbe: {  	v56 =	vld [tilespmem:$0x810];
	_ =	sdelay $0x2  }
0xbf: {  	[tilespmem:$0xD00] =	vst v41  }
0xc0: {  	v41 =	vld.idx.msk [tilespmem:v55+s30+$0x0], $0xffff  }
0xc1: {  	v57 =	vadd.s32 v9, v56  }
0xc2: {  	v58 =	vld [tilespmem:$0x320];
	_ =	sdelay $0x2  }
0xc3: {  	[tilespmem:$0xA90] =	vst v41  }
0xc4: {  	v41 =	vld.idx.msk [tilespmem:v57+s23+$0x0], $0xffff  }
0xc5: {  	v59 =	vadd.s32 v10, v58  }
0xc6: {  	v60 =	vld [tilespmem:$0x820];
	_ =	sdelay $0x2  }
0xc7: {  	[tilespmem:$0xD10] =	vst v41  }
0xc8: {  	v41 =	vld.idx.msk [tilespmem:v59+s30+$0x0], $0xffff  }
0xc9: {  	v61 =	vadd.s32 v10, v60  }
0xca: {  	v62 =	vld [tilespmem:$0x330];
	_ =	sdelay $0x2  }
0xcb: {  	[tilespmem:$0xAA0] =	vst v41  }
0xcc: {  	v41 =	vld.idx.msk [tilespmem:v61+s23+$0x0], $0xffff  }
0xcd: {  	v63 =	vadd.s32 v11, v62  }
0xce: {  	v45 =	vld [tilespmem:$0x830];
	_ =	sdelay $0x2  }
0xcf: {  	[tilespmem:$0xD20] =	vst v41  }
0xd0: {  	v41 =	vld.idx.msk [tilespmem:v63+s30+$0x0], $0xffff  }
0xd1: {  	v46 =	vadd.s32 v11, v45  }
0xd2: {  	v47 =	vld [tilespmem:$0x340];
	_ =	sdelay $0x2  }
0xd3: {  	[tilespmem:$0xAB0] =	vst v41  }
0xd4: {  	v41 =	vld.idx.msk [tilespmem:v46+s23+$0x0], $0xffff  }
0xd5: {  	v48 =	vadd.s32 v12, v47  }
0xd6: {  	v49 =	vld [tilespmem:$0x840];
	_ =	sdelay $0x2  }
0xd7: {  	[tilespmem:$0xD30] =	vst v41  }
0xd8: {  	v41 =	vld.idx.msk [tilespmem:v48+s30+$0x0], $0xffff  }
0xd9: {  	v50 =	vadd.s32 v12, v49  }
0xda: {  	v51 =	vld [tilespmem:$0x350];
	_ =	sdelay $0x2  }
0xdb: {  	[tilespmem:$0xAC0] =	vst v41  }
0xdc: {  	v41 =	vld.idx.msk [tilespmem:v50+s23+$0x0], $0xffff  }
0xdd: {  	v52 =	vadd.s32 v13, v51  }
0xde: {  	v53 =	vld [tilespmem:$0x850];
	_ =	sdelay $0x2  }
0xdf: {  	[tilespmem:$0xD40] =	vst v41  }
0xe0: {  	v41 =	vld.idx.msk [tilespmem:v52+s30+$0x0], $0xffff  }
0xe1: {  	v54 =	vadd.s32 v13, v53  }
0xe2: {  	v55 =	vld [tilespmem:$0x360];
	_ =	sdelay $0x2  }
0xe3: {  	[tilespmem:$0xAD0] =	vst v41  }
0xe4: {  	v41 =	vld.idx.msk [tilespmem:v54+s23+$0x0], $0xffff  }
0xe5: {  	v56 =	vadd.s32 v14, v55  }
0xe6: {  	v57 =	vld [tilespmem:$0x860];
	_ =	sdelay $0x2  }
0xe7: {  	[tilespmem:$0xD50] =	vst v41  }
0xe8: {  	v41 =	vld.idx.msk [tilespmem:v56+s30+$0x0], $0xffff  }
0xe9: {  	v58 =	vadd.s32 v14, v57  }
0xea: {  	v59 =	vld [tilespmem:$0x370];
	_ =	sdelay $0x2  }
0xeb: {  	[tilespmem:$0xAE0] =	vst v41  }
0xec: {  	v41 =	vld.idx.msk [tilespmem:v58+s23+$0x0], $0xffff  }
0xed: {  	v60 =	vadd.s32 v15, v59  }
0xee: {  	v61 =	vld [tilespmem:$0x870];
	_ =	sdelay $0x2  }
0xef: {  	[tilespmem:$0xD60] =	vst v41  }
0xf0: {  	v41 =	vld.idx.msk [tilespmem:v60+s30+$0x0], $0xffff  }
0xf1: {  	v62 =	vadd.s32 v15, v61  }
0xf2: {  	v63 =	vld [tilespmem:$0x380];
	_ =	sdelay $0x2  }
0xf3: {  	[tilespmem:$0xAF0] =	vst v41  }
0xf4: {  	v41 =	vld.idx.msk [tilespmem:v62+s23+$0x0], $0xffff  }
0xf5: {  	v45 =	vadd.s32 v16, v63  }
0xf6: {  	v46 =	vld [tilespmem:$0x880];
	_ =	sdelay $0x2  }
0xf7: {  	[tilespmem:$0xD70] =	vst v41  }
0xf8: {  	v41 =	vld.idx.msk [tilespmem:v45+s30+$0x0], $0xffff  }
0xf9: {  	v47 =	vadd.s32 v16, v46  }
0xfa: {  	v48 =	vld [tilespmem:$0x390];
	_ =	sdelay $0x2  }
0xfb: {  	[tilespmem:$0xB00] =	vst v41  }
0xfc: {  	v41 =	vld.idx.msk [tilespmem:v47+s23+$0x0], $0xffff  }
0xfd: {  	v49 =	vadd.s32 v17, v48  }
0xfe: {  	v50 =	vld [tilespmem:$0x890];
	_ =	sdelay $0x2  }
0xff: {  	[tilespmem:$0xD80] =	vst v41  }
0x100: {  	v41 =	vld.idx.msk [tilespmem:v49+s30+$0x0], $0xffff  }
0x101: {  	v51 =	vadd.s32 v17, v50  }
0x102: {  	v52 =	vld [tilespmem:$0x3A0];
	_ =	sdelay $0x2  }
0x103: {  	[tilespmem:$0xB10] =	vst v41  }
0x104: {  	v41 =	vld.idx.msk [tilespmem:v51+s23+$0x0], $0xffff  }
0x105: {  	v53 =	vadd.s32 v18, v52  }
0x106: {  	v54 =	vld [tilespmem:$0x8A0];
	_ =	sdelay $0x2  }
0x107: {  	[tilespmem:$0xD90] =	vst v41  }
0x108: {  	v41 =	vld.idx.msk [tilespmem:v53+s30+$0x0], $0xffff  }
0x109: {  	v55 =	vadd.s32 v18, v54  }
0x10a: {  	v56 =	vld [tilespmem:$0x3B0];
	_ =	sdelay $0x2  }
0x10b: {  	[tilespmem:$0xB20] =	vst v41  }
0x10c: {  	v41 =	vld.idx.msk [tilespmem:v55+s23+$0x0], $0xffff  }
0x10d: {  	v57 =	vadd.s32 v19, v56  }
0x10e: {  	v58 =	vld [tilespmem:$0x8B0];
	_ =	sdelay $0x2  }
0x10f: {  	[tilespmem:$0xDA0] =	vst v41  }
0x110: {  	v41 =	vld.idx.msk [tilespmem:v57+s30+$0x0], $0xffff  }
0x111: {  	v59 =	vadd.s32 v19, v58  }
0x112: {  	v60 =	vld [tilespmem:$0x3C0];
	_ =	sdelay $0x2  }
0x113: {  	[tilespmem:$0xB30] =	vst v41  }
0x114: {  	v41 =	vld.idx.msk [tilespmem:v59+s23+$0x0], $0xffff  }
0x115: {  	v61 =	vadd.s32 v20, v60  }
0x116: {  	v62 =	vld [tilespmem:$0x8C0];
	_ =	sdelay $0x2  }
0x117: {  	[tilespmem:$0xDB0] =	vst v41  }
0x118: {  	v41 =	vld.idx.msk [tilespmem:v61+s30+$0x0], $0xffff  }
0x119: {  	v63 =	vadd.s32 v20, v62  }
0x11a: {  	v45 =	vld [tilespmem:$0x3D0];
	_ =	sdelay $0x2  }
0x11b: {  	[tilespmem:$0xB40] =	vst v41  }
0x11c: {  	v41 =	vld.idx.msk [tilespmem:v63+s23+$0x0], $0xffff  }
0x11d: {  	v46 =	vadd.s32 v21, v45  }
0x11e: {  	v47 =	vld [tilespmem:$0x8D0];
	_ =	sdelay $0x2  }
0x11f: {  	[tilespmem:$0xDC0] =	vst v41  }
0x120: {  	v41 =	vld.idx.msk [tilespmem:v46+s30+$0x0], $0xffff  }
0x121: {  	v48 =	vadd.s32 v21, v47  }
0x122: {  	v49 =	vld [tilespmem:$0x3E0];
	_ =	sdelay $0x2  }
0x123: {  	[tilespmem:$0xB50] =	vst v41  }
0x124: {  	v41 =	vld.idx.msk [tilespmem:v48+s23+$0x0], $0xffff  }
0x125: {  	v50 =	vadd.s32 v22, v49  }
0x126: {  	v51 =	vld [tilespmem:$0x8E0];
	_ =	sdelay $0x2  }
0x127: {  	[tilespmem:$0xDD0] =	vst v41  }
0x128: {  	v41 =	vld.idx.msk [tilespmem:v50+s30+$0x0], $0xffff  }
0x129: {  	v52 =	vadd.s32 v22, v51  }
0x12a: {  	v53 =	vld [tilespmem:$0x3F0];
	_ =	sdelay $0x2  }
0x12b: {  	[tilespmem:$0xB60] =	vst v41  }
0x12c: {  	v41 =	vld.idx.msk [tilespmem:v52+s23+$0x0], $0xffff  }
0x12d: {  	v54 =	vadd.s32 v23, v53  }
0x12e: {  	v55 =	vld [tilespmem:$0x8F0];
	_ =	sdelay $0x2  }
0x12f: {  	[tilespmem:$0xDE0] =	vst v41  }
0x130: {  	v41 =	vld.idx.msk [tilespmem:v54+s30+$0x0], $0xffff  }
0x131: {  	v56 =	vadd.s32 v23, v55  }
0x132: {  	v57 =	vld [tilespmem:$0x400];
	_ =	sdelay $0x2  }
0x133: {  	[tilespmem:$0xB70] =	vst v41  }
0x134: {  	v41 =	vld.idx.msk [tilespmem:v56+s23+$0x0], $0xffff  }
0x135: {  	v58 =	vadd.s32 v24, v57  }
0x136: {  	v59 =	vld [tilespmem:$0x900];
	_ =	sdelay $0x2  }
0x137: {  	[tilespmem:$0xDF0] =	vst v41  }
0x138: {  	v41 =	vld.idx.msk [tilespmem:v58+s30+$0x0], $0xffff  }
0x139: {  	v60 =	vadd.s32 v24, v59  }
0x13a: {  	v61 =	vld [tilespmem:$0x410];
	_ =	sdelay $0x2  }
0x13b: {  	[tilespmem:$0xB80] =	vst v41  }
0x13c: {  	v41 =	vld.idx.msk [tilespmem:v60+s23+$0x0], $0xffff  }
0x13d: {  	v62 =	vadd.s32 v25, v61  }
0x13e: {  	v63 =	vld [tilespmem:$0x910];
	_ =	sdelay $0x2  }
0x13f: {  	[tilespmem:$0xE00] =	vst v41  }
0x140: {  	v41 =	vld.idx.msk [tilespmem:v62+s30+$0x0], $0xffff  }
0x141: {  	v45 =	vadd.s32 v25, v63  }
0x142: {  	v46 =	vld [tilespmem:$0x420];
	_ =	sdelay $0x2  }
0x143: {  	[tilespmem:$0xB90] =	vst v41  }
0x144: {  	v41 =	vld.idx.msk [tilespmem:v45+s23+$0x0], $0xffff  }
0x145: {  	v47 =	vadd.s32 v26, v46  }
0x146: {  	v48 =	vld [tilespmem:$0x920];
	_ =	sdelay $0x2  }
0x147: {  	[tilespmem:$0xE10] =	vst v41  }
0x148: {  	v41 =	vld.idx.msk [tilespmem:v47+s30+$0x0], $0xffff  }
0x149: {  	v49 =	vadd.s32 v26, v48  }
0x14a: {  	v50 =	vld [tilespmem:$0x430];
	_ =	sdelay $0x2  }
0x14b: {  	[tilespmem:$0xBA0] =	vst v41  }
0x14c: {  	v41 =	vld.idx.msk [tilespmem:v49+s23+$0x0], $0xffff  }
0x14d: {  	v51 =	vadd.s32 v27, v50  }
0x14e: {  	v52 =	vld [tilespmem:$0x930];
	_ =	sdelay $0x2  }
0x14f: {  	[tilespmem:$0xE20] =	vst v41  }
0x150: {  	v41 =	vld.idx.msk [tilespmem:v51+s30+$0x0], $0xffff  }
0x151: {  	v53 =	vadd.s32 v27, v52  }
0x152: {  	v54 =	vld [tilespmem:$0x440];
	_ =	sdelay $0x2  }
0x153: {  	[tilespmem:$0xBB0] =	vst v41  }
0x154: {  	v41 =	vld.idx.msk [tilespmem:v53+s23+$0x0], $0xffff  }
0x155: {  	v55 =	vadd.s32 v28, v54  }
0x156: {  	v56 =	vld [tilespmem:$0x940];
	_ =	sdelay $0x2  }
0x157: {  	[tilespmem:$0xE30] =	vst v41  }
0x158: {  	v41 =	vld.idx.msk [tilespmem:v55+s30+$0x0], $0xffff  }
0x159: {  	v57 =	vadd.s32 v28, v56  }
0x15a: {  	v58 =	vld [tilespmem:$0x450];
	_ =	sdelay $0x2  }
0x15b: {  	[tilespmem:$0xBC0] =	vst v41  }
0x15c: {  	v41 =	vld.idx.msk [tilespmem:v57+s23+$0x0], $0xffff  }
0x15d: {  	v59 =	vadd.s32 v29, v58  }
0x15e: {  	v60 =	vld [tilespmem:$0x950];
	_ =	sdelay $0x2  }
0x15f: {  	[tilespmem:$0xE40] =	vst v41  }
0x160: {  	v41 =	vld.idx.msk [tilespmem:v59+s30+$0x0], $0xffff  }
0x161: {  	v61 =	vadd.s32 v29, v60  }
0x162: {  	v62 =	vld [tilespmem:$0x460];
	_ =	sdelay $0x2  }
0x163: {  	[tilespmem:$0xBD0] =	vst v41  }
0x164: {  	v41 =	vld.idx.msk [tilespmem:v61+s23+$0x0], $0xffff  }
0x165: {  	v63 =	vadd.s32 v30, v62  }
0x166: {  	v45 =	vld [tilespmem:$0x960];
	_ =	sdelay $0x2  }
0x167: {  	[tilespmem:$0xE50] =	vst v41  }
0x168: {  	v41 =	vld.idx.msk [tilespmem:v63+s30+$0x0], $0xffff  }
0x169: {  	v46 =	vadd.s32 v30, v45  }
0x16a: {  	v47 =	vld [tilespmem:$0x470];
	_ =	sdelay $0x2  }
0x16b: {  	[tilespmem:$0xBE0] =	vst v41  }
0x16c: {  	v41 =	vld.idx.msk [tilespmem:v46+s23+$0x0], $0xffff  }
0x16d: {  	v48 =	vadd.s32 v31, v47  }
0x16e: {  	v49 =	vld [tilespmem:$0x970];
	_ =	sdelay $0x2  }
0x16f: {  	[tilespmem:$0xE60] =	vst v41  }
0x170: {  	v41 =	vld.idx.msk [tilespmem:v48+s30+$0x0], $0xffff  }
0x171: {  	v50 =	vadd.s32 v31, v49  }
0x172: {  	v51 =	vld [tilespmem:$0x480];
	_ =	sdelay $0x2  }
0x173: {  	[tilespmem:$0xBF0] =	vst v41  }
0x174: {  	v41 =	vld.idx.msk [tilespmem:v50+s23+$0x0], $0xffff  }
0x175: {  	v52 =	vadd.s32 v32, v51  }
0x176: {  	v53 =	vld [tilespmem:$0x980];
	_ =	sdelay $0x2  }
0x177: {  	[tilespmem:$0xE70] =	vst v41  }
0x178: {  	v41 =	vld.idx.msk [tilespmem:v52+s30+$0x0], $0xffff  }
0x179: {  	v54 =	vadd.s32 v32, v53  }
0x17a: {  	v55 =	vld [tilespmem:$0x490];
	_ =	sdelay $0x2  }
0x17b: {  	[tilespmem:$0xC00] =	vst v41  }
0x17c: {  	v41 =	vld.idx.msk [tilespmem:v54+s23+$0x0], $0xffff  }
0x17d: {  	v56 =	vadd.s32 v33, v55  }
0x17e: {  	v57 =	vld [tilespmem:$0x990];
	_ =	sdelay $0x2  }
0x17f: {  	[tilespmem:$0xE80] =	vst v41  }
0x180: {  	v41 =	vld.idx.msk [tilespmem:v56+s30+$0x0], $0xffff  }
0x181: {  	v58 =	vadd.s32 v33, v57  }
0x182: {  	v59 =	vld [tilespmem:$0x4A0];
	_ =	sdelay $0x2  }
0x183: {  	[tilespmem:$0xC10] =	vst v41  }
0x184: {  	v41 =	vld.idx.msk [tilespmem:v58+s23+$0x0], $0xffff  }
0x185: {  	v60 =	vadd.s32 v34, v59  }
0x186: {  	v61 =	vld [tilespmem:$0x9A0];
	_ =	sdelay $0x2  }
0x187: {  	[tilespmem:$0xE90] =	vst v41  }
0x188: {  	v41 =	vld.idx.msk [tilespmem:v60+s30+$0x0], $0xffff  }
0x189: {  	v62 =	vadd.s32 v34, v61  }
0x18a: {  	v63 =	vld [tilespmem:$0x4B0];
	_ =	sdelay $0x2  }
0x18b: {  	[tilespmem:$0xC20] =	vst v41  }
0x18c: {  	v41 =	vld.idx.msk [tilespmem:v62+s23+$0x0], $0xffff  }
0x18d: {  	v45 =	vadd.s32 v35, v63  }
0x18e: {  	v46 =	vld [tilespmem:$0x9B0];
	_ =	sdelay $0x2  }
0x18f: {  	[tilespmem:$0xEA0] =	vst v41  }
0x190: {  	v41 =	vld.idx.msk [tilespmem:v45+s30+$0x0], $0xffff  }
0x191: {  	v47 =	vadd.s32 v35, v46  }
0x192: {  	v48 =	vld [tilespmem:$0x4C0];
	_ =	sdelay $0x2  }
0x193: {  	[tilespmem:$0xC30] =	vst v41  }
0x194: {  	v41 =	vld.idx.msk [tilespmem:v47+s23+$0x0], $0xffff  }
0x195: {  	v49 =	vadd.s32 v36, v48  }
0x196: {  	v50 =	vld [tilespmem:$0x9C0];
	_ =	sdelay $0x2  }
0x197: {  	[tilespmem:$0xEB0] =	vst v41  }
0x198: {  	v41 =	vld.idx.msk [tilespmem:v49+s30+$0x0], $0xffff  }
0x199: {  	v51 =	vadd.s32 v36, v50  }
0x19a: {  	v52 =	vld [tilespmem:$0x4D0];
	_ =	sdelay $0x2  }
0x19b: {  	[tilespmem:$0xC40] =	vst v41  }
0x19c: {  	v41 =	vld.idx.msk [tilespmem:v51+s23+$0x0], $0xffff  }
0x19d: {  	v53 =	vadd.s32 v37, v52  }
0x19e: {  	v54 =	vld [tilespmem:$0x9D0];
	_ =	sdelay $0x2  }
0x19f: {  	[tilespmem:$0xEC0] =	vst v41  }
0x1a0: {  	v41 =	vld.idx.msk [tilespmem:v53+s30+$0x0], $0xffff  }
0x1a1: {  	v55 =	vadd.s32 v37, v54  }
0x1a2: {  	v56 =	vld [tilespmem:$0x4E0];
	_ =	sdelay $0x2  }
0x1a3: {  	[tilespmem:$0xC50] =	vst v41  }
0x1a4: {  	v41 =	vld.idx.msk [tilespmem:v55+s23+$0x0], $0xffff  }
0x1a5: {  	v57 =	vadd.s32 v38, v56  }
0x1a6: {  	v58 =	vld [tilespmem:$0x9E0];
	_ =	sdelay $0x2  }
0x1a7: {  	[tilespmem:$0xED0] =	vst v41  }
0x1a8: {  	v41 =	vld.idx.msk [tilespmem:v57+s30+$0x0], $0xffff  }
0x1a9: {  	v59 =	vadd.s32 v38, v58  }
0x1aa: {  	v60 =	vld [tilespmem:$0x4F0];
	_ =	sdelay $0x2  }
0x1ab: {  	[tilespmem:$0xC60] =	vst v41  }
0x1ac: {  	v41 =	vld.idx.msk [tilespmem:v59+s23+$0x0], $0xffff  }
0x1ad: {  	v61 =	vadd.s32 v39, v60  }
0x1ae: {  	v62 =	vld [tilespmem:$0x9F0];
	_ =	sdelay $0x2  }
0x1af: {  	[tilespmem:$0xEE0] =	vst v41  }
0x1b0: {  	v41 =	vld.idx.msk [tilespmem:v61+s30+$0x0], $0xffff  }
0x1b1: {  	v63 =	vadd.s32 v39, v62;
	_ =	sdelay $0x3  }
0x1b2: {  	[tilespmem:$0xC70] =	vst v41  }
0x1b3: {  	v41 =	vld.idx.msk [tilespmem:v63+s23+$0x0], $0xffff;
	_ =	sdelay $0x4  }
0x1b4: {  	s9 =	simm.s32 $0xA00;
	[tilespmem:$0xEF0] =	vst v41  }
0x1b5: {  	[tilespmem:s24], [sflag:$0x4] =	stream.indirect.gather [hbm4b:s5+s26], $0x40, s9, s26, $0xb8;
	[tilespmem:$0x19900] =	vst v63  }
0x1b6: {  	s10 =	simm.s32 $0xA80  }
0x1b7: {  	[tilespmem:s29], [sflag:$0x5] =	stream.indirect.gather [hbm4b:s5+s26], $0x40, s10, s26, $0xb8;
	[tilespmem:$0x19900] =	vst v63  }
0x1b8: {  	s11 =	simm.s32 $0xC80  }
0x1b9: {  	[tilespmem:s0], [sflag:$0x6] =	stream.indirect.gather [hbm4b:s6+s26], $0x40, s11, s26, $0xb8;
	[tilespmem:$0x19900] =	vst v63  }
0x1ba: {  	s12 =	simm.s32 $0xD00  }
0x1bb: {  	[tilespmem:s1], [sflag:$0x7] =	stream.indirect.gather [hbm4b:s6+s26], $0x40, s12, s26, $0xb8;
	[tilespmem:$0x19900] =	vst v63  }
0x1bc: {  	_ =	swait.ge [sflag:s3], $0x2000  }
0x1bd: {  	[sflag:s3] =	ssyncset.done $0x0  }
0x1be: {  	[sflag:s3] =	ssyncadd.s32 $0xFFFFE000  }
0x1bf: {  	_ =	swait.ge [sflag:s3], $0x2000  }
0x1c0: {  	[sflag:s3] =	ssyncset.done $0x0  }
0x1c1: {  	[sflag:s3] =	ssyncadd.s32 $0xFFFFE000  }
0x1c2: {  	v46 =	vld [tilespmem:$0x1080]  }
0x1c3: {  	v45 =	vld [tilespmem:$0x1090]  }
0x1c4: {  	v43 =	vld [tilespmem:$0x10A0]  }
0x1c5: {  	v49 =	vmov s4;
	v41 =	vld [tilespmem:$0x10B0]  }
0x1c6: {  	v48 =	vld [tilespmem:$0x10C0]  }
0x1c7: {  	v47 =	vld [tilespmem:$0x10D0]  }
0x1c8: {  	v44 =	vld [tilespmem:$0x10E0]  }
0x1c9: {  	v42 =	vld [tilespmem:$0x10F0]  }
0x1ca: {  	s8 =	simm.s32 $0x6120;
	v53 =	vld.idx.msk [tilespmem:v49+s22+$0x0], $0xffff  }
0x1cb: {  	s13 =	simm.s32 $0x8120;
	v50 =	vld [tilespmem:s8+$0xFFFFFFF0]  }
0x1cc: {  	v57 =	vld [tilespmem:s13+$0xFFFFFFE0]  }
0x1cd: {  	v51 =	vld [tilespmem:s13+$0xFFFFFFF0]  }
0x1ce: {  	v55 =	vld [tilespmem:s8+$0xFFFFFFE0]  }
0x1cf: {  	s14 =	simm.s32 $0x1;
	v52 =	vld [tilespmem:s13+$0x0]  }
0x1d0: {  	s21 =	simm.s32 $0x121E0;
	s9 =	simm.s32 $0x8160;
	v49 =	vmov s14;
	v54 =	vld [tilespmem:s8+$0x0];
	vm0 =	veq.s32 v53, $0x0;
	v56 =	vmul.f32 v50, v50  }
0x1d1: {  	s10 =	simm.s32 $0x121E0;
	s11 =	simm.s32 $0x6120;
	s12 =	simm.s32 $0x2;
	v53 =	vld [tilespmem:s13+$0x10];
	v60 =	vsel vm0, v46, v48;
	v59 =	vsel vm0, v45, v47;
	v58 =	vsel vm0, v43, v44  }
.LBB2_2:
0x1d2: {  	s21 =	sadd.s32 $0xF0, s21  }
0x1d3: {  	v61 =	vsel vm0, v41, v42;
	v60 =	vmul.f32 v60, v57;
	v57 =	vmul.f32 v57, v57;
	s8 =	sadd.s32 $0x40, s8;
	s14 =	smov.u32 s12;
	s13 =	sadd.s32 $0x1, s12  }
0x1d4: {  	p0 =	sne.s32 s12, $0x7F;
	v59 =	vmul.f32 v51, v59;
	v62 =	vmul.f32 v55, v55;
	v63 =	vld [tilespmem:s11+$0x10];
	s11 =	smov.u32 s8  }
0x1d5: {  	v55 =	vmul.f32 v60, v55;
	v58 =	vmul.f32 v52, v58;
	[tilespmem:s10+$0xFFFFFFF0] =	vst v40  }
0x1d6: {  	v51 =	vmul.f32 v51, v51;
	v50 =	vmul.f32 v59, v50;
	v56 =	vadd.f32 v56, v62;
	[tilespmem:s10+$0x0] =	vst v40  }
0x1d7: {  	v52 =	vmul.f32 v52, v52;
	v59 =	vmul.f32 v54, v54;
	v55 =	vadd.f32 $0.0e+00, v55  }
0x1d8: {  	v51 =	vadd.f32 v51, v57;
	v54 =	vmul.f32 v58, v54;
	v57 =	vmul.f32 v53, v61  }
0x1d9: {  	v50 =	vadd.f32 v50, v55;
	v55 =	vadd.f32 v59, v56;
	v56 =	vmul.f32 v63, v63  }
0x1da: {  	v51 =	vadd.f32 v52, v51;
	v52 =	vmul.f32 v53, v53  }
0x1db: {  	v53 =	vmul.f32 v57, v63;
	v50 =	vadd.f32 v54, v50;
	v54 =	vadd.f32 v56, v55  }
0x1dc: {  	v51 =	vadd.f32 v52, v51  }
0x1dd: {  	v50 =	vadd.f32 v53, v50;
	[tilespmem:s10+$0xFFFFFFD0] =	vst v54  }
0x1de: {  	[tilespmem:s10+$0xFFFFFFE0] =	vst v51  }
0x1df: {  	[tilespmem:s10+$0xFFFFFF20] =	vst v50;
	s10 =	smov.u32 s21  }
0x1e0: {  	v53 =	vld.idx.msk [tilespmem:v49+s22+$0x0], $0xffff  }
0x1e1: {  	v50 =	vld [tilespmem:s8+$0xFFFFFFF0]  }
0x1e2: {  	v57 =	vld [tilespmem:s9+$0xFFFFFFE0]  }
.Ltmp0:
0x1e3: {  	v51 =	vld [tilespmem:s9+$0xFFFFFFF0];
	(pc) =	sbr.rel @p0 .LBB2_2-.Ltmp0, $4  }
0x1e4: {  	v49 =	vmov s14;
	v55 =	vld [tilespmem:s8+$0xFFFFFFE0]  }
0x1e5: {  	v52 =	vld [tilespmem:s9+$0x0]  }
0x1e6: {  	vm0 =	veq.s32 v53, $0x0;
	v56 =	vmul.f32 v50, v50;
	v54 =	vld [tilespmem:s8+$0x0]  }
0x1e7: {  	s12 =	smov.u32 s13;
	v60 =	vsel vm0, v46, v48;
	v59 =	vsel vm0, v45, v47;
	v58 =	vsel vm0, v43, v44;
	v53 =	vld [tilespmem:s9+$0x10];
	s9 =	sadd.s32 $0x40, s9  }
0x1e8: {  	v60 =	vmul.f32 v60, v57  }
0x1e9: {  	v57 =	vmul.f32 v57, v57;
	v59 =	vmul.f32 v51, v59  }
0x1ea: {  	v62 =	vld [tilespmem:s11+$0x10];
	v61 =	vmul.f32 v55, v55;
	v55 =	vmul.f32 v60, v55  }
0x1eb: {  	v58 =	vmul.f32 v52, v58;
	v50 =	vmul.f32 v59, v50  }
0x1ec: {  	v63 =	vsel vm0, v41, v42;
	v60 =	vmul.f32 v51, v51;
	v52 =	vmul.f32 v52, v52  }
0x1ed: {  	v56 =	vadd.f32 v56, v61;
	v61 =	vmul.f32 v54, v54;
	v55 =	vadd.f32 $0.0e+00, v55  }
0x1ee: {  	v51 =	vadd.f32 v60, v57;
	v54 =	vmul.f32 v58, v54;
	v60 =	vmul.f32 v53, v63  }
0x1ef: {  	v61 =	vadd.f32 v61, v56;
	v63 =	vmul.f32 v62, v62;
	v50 =	vadd.f32 v50, v55  }
0x1f0: {  	v59 =	vmul.f32 v53, v53;
	v51 =	vadd.f32 v52, v51  }
0x1f1: {  	[tilespmem:s10+$0xFFFFFFF0] =	vst v40;
	v60 =	vmul.f32 v60, v62;
	v61 =	vadd.f32 v63, v61;
	v50 =	vadd.f32 v54, v50  }
0x1f2: {  	[tilespmem:s10+$0x0] =	vst v40;
	v51 =	vadd.f32 v59, v51  }
0x1f3: {  	[tilespmem:s10+$0xFFFFFFD0] =	vst v61;
	v50 =	vadd.f32 v60, v50  }
0x1f4: {  	[tilespmem:s10+$0xFFFFFFE0] =	vst v51  }
0x1f5: {  	[tilespmem:s10+$0xFFFFFF20] =	vst v50  }
0x1f6: {  	s8 =	sadd.s32 $0x40, s8;
	v49 =	vld.idx.msk [tilespmem:v49+s22+$0x0], $0xffff  }
0x1f7: {  	v50 =	vld [tilespmem:s8+$0xFFFFFFF0]  }
0x1f8: {  	v51 =	vld [tilespmem:s9+$0xFFFFFFE0]  }
0x1f9: {  	v53 =	vld [tilespmem:s8+$0xFFFFFFE0]  }
0x1fa: {  	v52 =	vld [tilespmem:s9+$0xFFFFFFF0]  }
0x1fb: {  	v54 =	vld [tilespmem:s9+$0x0]  }
0x1fc: {  	v55 =	vld [tilespmem:s8+$0x0];
	vm0 =	veq.s32 v49, $0x0  }
0x1fd: {  	v49 =	vmul.f32 v50, v50;
	v62 =	vsel vm0, v46, v48  }
0x1fe: {  	v61 =	vld [tilespmem:s8+$0x10];
	v60 =	vmul.f32 v53, v53;
	v57 =	vsel vm0, v45, v47;
	v56 =	vmul.f32 v62, v51  }
0x1ff: {  	v58 =	vld [tilespmem:s9+$0x10];
	v59 =	vsel vm0, v43, v44;
	v51 =	vmul.f32 v51, v51;
	v57 =	vmul.f32 v52, v57  }
0x200: {  	v62 =	vsel vm0, v41, v42;
	v63 =	vmul.f32 v54, v59;
	v53 =	vmul.f32 v56, v53  }
0x201: {  	v49 =	vadd.f32 v49, v60;
	v52 =	vmul.f32 v52, v52;
	v60 =	vmul.f32 v55, v55  }
0x202: {  	v54 =	vmul.f32 v54, v54;
	v50 =	vmul.f32 v57, v50;
	v53 =	vadd.f32 $0.0e+00, v53  }
0x203: {  	v59 =	vmul.f32 v61, v61;
	v51 =	vadd.f32 v52, v51;
	v52 =	vmul.f32 v63, v55  }
0x204: {  	v63 =	vmul.f32 v58, v62;
	v49 =	vadd.f32 v60, v49;
	v50 =	vadd.f32 v50, v53  }
0x205: {  	s13 =	sadd.s32 $0xF0, s21;
	v60 =	vmul.f32 v58, v58;
	v51 =	vadd.f32 v54, v51  }
0x206: {  	[tilespmem:s13+$0xFFFFFFF0] =	vst v40;
	v61 =	vmul.f32 v63, v61;
	v49 =	vadd.f32 v59, v49;
	v50 =	vadd.f32 v52, v50  }
0x207: {  	[tilespmem:s13+$0x0] =	vst v40;
	v51 =	vadd.f32 v60, v51  }
0x208: {  	s14 =	simm.s32 $0x0;
	[tilespmem:s13+$0xFFFFFFD0] =	vst v49;
	v50 =	vadd.f32 v61, v50  }
0x209: {  	v62 =	vmov s14;
	[tilespmem:s13+$0xFFFFFFE0] =	vst v51  }
0x20a: {  	[tilespmem:s13+$0xFFFFFF20] =	vst v50  }
0x20b: {  	_ =	swait.ge [sflag:s19], $0x2000  }
0x20c: {  	[sflag:s19] =	ssyncset.done $0x0  }
0x20d: {  	[sflag:s19] =	ssyncadd.s32 $0xFFFFE000  }
0x20e: {  	s11 =	simm.s32 $0x8120;
	v63 =	vld.idx.msk [tilespmem:v62+s22+$0x0], $0xffff  }
0x20f: {  	v53 =	vld [tilespmem:s11+$0xFFFFFFF0]  }
0x210: {  	s9 =	simm.s32 $0xA120;
	v56 =	vld [tilespmem:s11+$0xFFFFFFE0]  }
0x211: {  	v50 =	vld [tilespmem:s9+$0xFFFFFFF0]  }
0x212: {  	v54 =	vld [tilespmem:s9+$0xFFFFFFE0]  }
0x213: {  	s21 =	simm.s32 $0x1;
	v55 =	vld [tilespmem:s11+$0x0]  }
0x214: {  	s12 =	simm.s32 $0x2;
	v49 =	vmov s21;
	v51 =	vld [tilespmem:s9+$0x0];
	vm0 =	veq.s32 v63, $0x0  }
0x215: {  	s10 =	simm.s32 $0x121D0;
	s8 =	simm.s32 $0x121D0;
	s21 =	simm.s32 $0x8160;
	v52 =	vld [tilespmem:s9+$0x10];
	v59 =	vsel vm0, v46, v48;
	v58 =	vsel vm0, v45, v47;
	v57 =	vsel vm0, v43, v44  }
.LBB2_4:
0x216: {  	s8 =	sadd.s32 $0xF0, s8;
	s9 =	sadd.s32 $0x40, s9  }
0x217: {  	v60 =	vsel vm0, v41, v42;
	v56 =	vmul.f32 v59, v56;
	v59 =	vmul.f32 v50, v50;
	v61 =	vld [tilespmem:s11+$0x10];
	s13 =	smov.u32 s12;
	s14 =	sadd.s32 $0x1, s12;
	s11 =	smov.u32 s21  }
0x218: {  	p0 =	sne.s32 s12, $0x7F;
	v53 =	vmul.f32 v53, v58;
	v62 =	vmul.f32 v54, v54  }
0x219: {  	v54 =	vmul.f32 v56, v54;
	v55 =	vmul.f32 v55, v57  }
0x21a: {  	v50 =	vmul.f32 v53, v50;
	v53 =	vadd.f32 v59, v62;
	v56 =	vmul.f32 v51, v51  }
0x21b: {  	v54 =	vadd.f32 $0.0e+00, v54;
	v57 =	vmul.f32 v52, v52;
	v58 =	vld [tilespmem:s10+$0x0]  }
0x21c: {  	v51 =	vmul.f32 v55, v51;
	v53 =	vadd.f32 v56, v53;
	v55 =	vmul.f32 v61, v60  }
0x21d: {  	v50 =	vadd.f32 v50, v54  }
0x21e: {  	v52 =	vmul.f32 v55, v52;
	v53 =	vadd.f32 v57, v53  }
0x21f: {  	v50 =	vadd.f32 v51, v50  }
0x220: {  	v51 =	vadd.f32 v58, v53  }
0x221: {  	v50 =	vadd.f32 v52, v50  }
0x222: {  	[tilespmem:s10+$0x0] =	vst v51  }
0x223: {  	[tilespmem:s10+$0xFFFFFF40] =	vst v50;
	s10 =	smov.u32 s8  }
0x224: {  	v51 =	vld.idx.msk [tilespmem:v49+s22+$0x0], $0xffff  }
0x225: {  	v53 =	vld [tilespmem:s21+$0xFFFFFFF0]  }
0x226: {  	v56 =	vld [tilespmem:s21+$0xFFFFFFE0]  }
.Ltmp1:
0x227: {  	v50 =	vld [tilespmem:s9+$0xFFFFFFF0];
	(pc) =	sbr.rel @p0 .LBB2_4-.Ltmp1, $4  }
0x228: {  	v49 =	vmov s13;
	v54 =	vld [tilespmem:s9+$0xFFFFFFE0]  }
0x229: {  	v55 =	vld [tilespmem:s21+$0x0]  }
0x22a: {  	vm0 =	veq.s32 v51, $0x0;
	v51 =	vld [tilespmem:s9+$0x0]  }
0x22b: {  	s12 =	smov.u32 s14;
	s21 =	sadd.s32 $0x40, s21;
	v59 =	vsel vm0, v46, v48;
	v58 =	vsel vm0, v45, v47;
	v57 =	vsel vm0, v43, v44;
	v52 =	vld [tilespmem:s9+$0x10]  }
0x22c: {  	v56 =	vmul.f32 v59, v56  }
0x22d: {  	v59 =	vmul.f32 v50, v50;
	v60 =	vld [tilespmem:s11+$0x10];
	v61 =	vmul.f32 v54, v54  }
0x22e: {  	v53 =	vmul.f32 v53, v58;
	v62 =	vmul.f32 v56, v54  }
0x22f: {  	v56 =	vadd.f32 v59, v61;
	v63 =	vmul.f32 v51, v51  }
0x230: {  	v55 =	vmul.f32 v55, v57;
	v50 =	vmul.f32 v53, v50;
	v54 =	vld [tilespmem:s10+$0x0];
	v53 =	vadd.f32 $0.0e+00, v62  }
0x231: {  	v61 =	vsel vm0, v41, v42;
	v62 =	vmul.f32 v52, v52;
	v56 =	vadd.f32 v63, v56  }
0x232: {  	v63 =	vmul.f32 v55, v51;
	v58 =	vmul.f32 v60, v61;
	v50 =	vadd.f32 v50, v53  }
0x233: {  	v60 =	vadd.f32 v62, v56  }
0x234: {  	v61 =	vmul.f32 v58, v52;
	v50 =	vadd.f32 v63, v50  }
0x235: {  	v62 =	vadd.f32 v54, v60  }
0x236: {  	v50 =	vadd.f32 v61, v50  }
0x237: {  	[tilespmem:s10+$0x0] =	vst v62  }
0x238: {  	[tilespmem:s10+$0xFFFFFF40] =	vst v50  }
0x239: {  	v49 =	vld.idx.msk [tilespmem:v49+s22+$0x0], $0xffff  }
0x23a: {  	s9 =	sadd.s32 $0x40, s9;
	v50 =	vld [tilespmem:s21+$0xFFFFFFE0]  }
0x23b: {  	v51 =	vld [tilespmem:s9+$0xFFFFFFF0]  }
0x23c: {  	v52 =	vld [tilespmem:s9+$0xFFFFFFE0]  }
0x23d: {  	v53 =	vld [tilespmem:s21+$0xFFFFFFF0]  }
0x23e: {  	vm0 =	veq.s32 v49, $0x0;
	v49 =	vld [tilespmem:s9+$0x0]  }
0x23f: {  	v54 =	vld [tilespmem:s21+$0x0];
	v63 =	vsel vm0, v46, v48  }
0x240: {  	v56 =	vld [tilespmem:s9+$0x10];
	v50 =	vmul.f32 v63, v50  }
0x241: {  	v58 =	vld [tilespmem:s21+$0x10];
	v61 =	vmul.f32 v51, v51;
	v62 =	vmul.f32 v52, v52;
	v60 =	vsel vm0, v45, v47  }
0x242: {  	v53 =	vmul.f32 v53, v60;
	v50 =	vmul.f32 v50, v52  }
0x243: {  	s8 =	sadd.s32 $0xF0, s8;
	v63 =	vsel vm0, v43, v44;
	v55 =	vadd.f32 v61, v62;
	v60 =	vmul.f32 v49, v49  }
0x244: {  	v61 =	vld [tilespmem:s8+$0x0];
	v52 =	vmul.f32 v54, v63;
	v51 =	vmul.f32 v53, v51;
	v50 =	vadd.f32 $0.0e+00, v50  }
0x245: {  	v62 =	vsel vm0, v41, v42;
	v63 =	vmul.f32 v56, v56;
	v55 =	vadd.f32 v60, v55  }
0x246: {  	v58 =	vmul.f32 v58, v62;
	v49 =	vmul.f32 v52, v49;
	v50 =	vadd.f32 v51, v50  }
0x247: {  	v60 =	vadd.f32 v63, v55  }
0x248: {  	v52 =	vmul.f32 v58, v56;
	v49 =	vadd.f32 v49, v50  }
0x249: {  	v61 =	vadd.f32 v61, v60  }
0x24a: {  	v49 =	vadd.f32 v52, v49  }
0x24b: {  	s13 =	simm.s32 $0x0;
	[tilespmem:s8+$0x0] =	vst v61  }
0x24c: {  	s14 =	simm.s32 $0xB00;
	v62 =	vmov s13;
	[tilespmem:s8+$0xFFFFFF40] =	vst v49  }
0x24d: {  	[tilespmem:s24], [sflag:$0x4] =	stream.indirect.gather [hbm4b:s5+s26], $0x40, s14, s26, $0xb8;
	[tilespmem:$0x19900] =	vst v63  }
0x24e: {  	_ =	swait.ge [sflag:s31], $0x2000  }
0x24f: {  	[sflag:s31] =	ssyncset.done $0x0  }
0x250: {  	[sflag:s31] =	ssyncadd.s32 $0xFFFFE000  }
0x251: {  	s11 =	simm.s32 $0x6120;
	v63 =	vld.idx.msk [tilespmem:v62+s22+$0x0], $0xffff  }
0x252: {  	v53 =	vld [tilespmem:s11+$0xFFFFFFF0]  }
0x253: {  	s9 =	simm.s32 $0xE120;
	v56 =	vld [tilespmem:s11+$0xFFFFFFE0]  }
0x254: {  	v50 =	vld [tilespmem:s9+$0xFFFFFFF0]  }
0x255: {  	v54 =	vld [tilespmem:s9+$0xFFFFFFE0]  }
0x256: {  	s21 =	simm.s32 $0x1;
	v55 =	vld [tilespmem:s11+$0x0]  }
0x257: {  	s12 =	simm.s32 $0x2;
	v49 =	vmov s21;
	v51 =	vld [tilespmem:s9+$0x0];
	vm0 =	veq.s32 v63, $0x0  }
0x258: {  	s10 =	simm.s32 $0x121E0;
	s8 =	simm.s32 $0x121E0;
	s21 =	simm.s32 $0x6160;
	v52 =	vld [tilespmem:s9+$0x10];
	v59 =	vsel vm0, v46, v48;
	v58 =	vsel vm0, v45, v47;
	v57 =	vsel vm0, v43, v44  }
.LBB2_6:
0x259: {  	s8 =	sadd.s32 $0xF0, s8;
	s9 =	sadd.s32 $0x40, s9  }
0x25a: {  	v60 =	vsel vm0, v41, v42;
	v56 =	vmul.f32 v59, v56;
	v59 =	vmul.f32 v50, v50;
	v61 =	vld [tilespmem:s11+$0x10];
	s13 =	smov.u32 s12;
	s14 =	sadd.s32 $0x1, s12;
	s11 =	smov.u32 s21  }
0x25b: {  	p0 =	sne.s32 s12, $0x7F;
	v53 =	vmul.f32 v53, v58;
	v62 =	vmul.f32 v54, v54  }
0x25c: {  	v54 =	vmul.f32 v56, v54;
	v55 =	vmul.f32 v55, v57  }
0x25d: {  	v50 =	vmul.f32 v53, v50;
	v53 =	vadd.f32 v59, v62;
	v56 =	vmul.f32 v51, v51  }
0x25e: {  	v54 =	vadd.f32 $0.0e+00, v54;
	v57 =	vmul.f32 v52, v52;
	v58 =	vld [tilespmem:s10+$0x0]  }
0x25f: {  	v51 =	vmul.f32 v55, v51;
	v53 =	vadd.f32 v56, v53;
	v55 =	vmul.f32 v61, v60  }
0x260: {  	v50 =	vadd.f32 v50, v54  }
0x261: {  	v52 =	vmul.f32 v55, v52;
	v53 =	vadd.f32 v57, v53  }
0x262: {  	v50 =	vadd.f32 v51, v50  }
0x263: {  	v51 =	vadd.f32 v58, v53  }
0x264: {  	v50 =	vadd.f32 v52, v50  }
0x265: {  	[tilespmem:s10+$0x0] =	vst v51  }
0x266: {  	[tilespmem:s10+$0xFFFFFF80] =	vst v50;
	s10 =	smov.u32 s8  }
0x267: {  	v51 =	vld.idx.msk [tilespmem:v49+s22+$0x0], $0xffff  }
0x268: {  	v53 =	vld [tilespmem:s21+$0xFFFFFFF0]  }
0x269: {  	v56 =	vld [tilespmem:s21+$0xFFFFFFE0]  }
.Ltmp2:
0x26a: {  	v50 =	vld [tilespmem:s9+$0xFFFFFFF0];
	(pc) =	sbr.rel @p0 .LBB2_6-.Ltmp2, $4  }
0x26b: {  	v49 =	vmov s13;
	v54 =	vld [tilespmem:s9+$0xFFFFFFE0]  }
0x26c: {  	v55 =	vld [tilespmem:s21+$0x0]  }
0x26d: {  	vm0 =	veq.s32 v51, $0x0;
	v51 =	vld [tilespmem:s9+$0x0]  }
0x26e: {  	s12 =	smov.u32 s14;
	s21 =	sadd.s32 $0x40, s21;
	v59 =	vsel vm0, v46, v48;
	v58 =	vsel vm0, v45, v47;
	v57 =	vsel vm0, v43, v44;
	v52 =	vld [tilespmem:s9+$0x10]  }
0x26f: {  	v56 =	vmul.f32 v59, v56  }
0x270: {  	v59 =	vmul.f32 v50, v50;
	v60 =	vld [tilespmem:s11+$0x10];
	v61 =	vmul.f32 v54, v54  }
0x271: {  	v53 =	vmul.f32 v53, v58;
	v62 =	vmul.f32 v56, v54  }
0x272: {  	v56 =	vadd.f32 v59, v61;
	v63 =	vmul.f32 v51, v51  }
0x273: {  	v55 =	vmul.f32 v55, v57;
	v50 =	vmul.f32 v53, v50;
	v54 =	vld [tilespmem:s10+$0x0];
	v53 =	vadd.f32 $0.0e+00, v62  }
0x274: {  	v61 =	vsel vm0, v41, v42;
	v62 =	vmul.f32 v52, v52;
	v56 =	vadd.f32 v63, v56  }
0x275: {  	v63 =	vmul.f32 v55, v51;
	v58 =	vmul.f32 v60, v61;
	v50 =	vadd.f32 v50, v53  }
0x276: {  	v60 =	vadd.f32 v62, v56  }
0x277: {  	v61 =	vmul.f32 v58, v52;
	v50 =	vadd.f32 v63, v50  }
0x278: {  	v62 =	vadd.f32 v54, v60  }
0x279: {  	v50 =	vadd.f32 v61, v50  }
0x27a: {  	[tilespmem:s10+$0x0] =	vst v62  }
0x27b: {  	[tilespmem:s10+$0xFFFFFF80] =	vst v50  }
0x27c: {  	v49 =	vld.idx.msk [tilespmem:v49+s22+$0x0], $0xffff  }
0x27d: {  	s9 =	sadd.s32 $0x40, s9;
	v50 =	vld [tilespmem:s21+$0xFFFFFFE0]  }
0x27e: {  	v51 =	vld [tilespmem:s9+$0xFFFFFFF0]  }
0x27f: {  	v52 =	vld [tilespmem:s9+$0xFFFFFFE0]  }
0x280: {  	v53 =	vld [tilespmem:s21+$0xFFFFFFF0]  }
0x281: {  	vm0 =	veq.s32 v49, $0x0;
	v49 =	vld [tilespmem:s9+$0x0]  }
0x282: {  	v54 =	vld [tilespmem:s21+$0x0];
	v63 =	vsel vm0, v46, v48  }
0x283: {  	v56 =	vld [tilespmem:s9+$0x10];
	v50 =	vmul.f32 v63, v50  }
0x284: {  	v58 =	vld [tilespmem:s21+$0x10];
	v61 =	vmul.f32 v51, v51;
	v62 =	vmul.f32 v52, v52;
	v60 =	vsel vm0, v45, v47  }
0x285: {  	v53 =	vmul.f32 v53, v60;
	v50 =	vmul.f32 v50, v52  }
0x286: {  	s8 =	sadd.s32 $0xF0, s8;
	v63 =	vsel vm0, v43, v44;
	v55 =	vadd.f32 v61, v62;
	v60 =	vmul.f32 v49, v49  }
0x287: {  	v61 =	vld [tilespmem:s8+$0x0];
	v52 =	vmul.f32 v54, v63;
	v51 =	vmul.f32 v53, v51;
	v50 =	vadd.f32 $0.0e+00, v50  }
0x288: {  	v62 =	vsel vm0, v41, v42;
	v63 =	vmul.f32 v56, v56;
	v55 =	vadd.f32 v60, v55  }
0x289: {  	v58 =	vmul.f32 v58, v62;
	v49 =	vmul.f32 v52, v49;
	v50 =	vadd.f32 v51, v50  }
0x28a: {  	v60 =	vadd.f32 v63, v55  }
0x28b: {  	v52 =	vmul.f32 v58, v56;
	v49 =	vadd.f32 v49, v50  }
0x28c: {  	v61 =	vadd.f32 v61, v60  }
0x28d: {  	v49 =	vadd.f32 v52, v49  }
0x28e: {  	s12 =	simm.s32 $0x0;
	[tilespmem:s8+$0x0] =	vst v61  }
0x28f: {  	s13 =	simm.s32 $0xD80;
	v62 =	vmov s12;
	[tilespmem:s8+$0xFFFFFF80] =	vst v49  }
0x290: {  	[tilespmem:s0], [sflag:$0x6] =	stream.indirect.gather [hbm4b:s6+s26], $0x40, s13, s26, $0xb8;
	[tilespmem:$0x19900] =	vst v63  }
0x291: {  	_ =	swait.ge [sflag:s28], $0x2000  }
0x292: {  	[sflag:s28] =	ssyncset.done $0x0  }
0x293: {  	[sflag:s28] =	ssyncadd.s32 $0xFFFFE000  }
0x294: {  	s9 =	simm.s32 $0x8120;
	v63 =	vld.idx.msk [tilespmem:v62+s22+$0x0], $0xffff  }
0x295: {  	v53 =	vld [tilespmem:s9+$0xFFFFFFF0]  }
0x296: {  	s14 =	simm.s32 $0xC130;
	v56 =	vld [tilespmem:s9+$0xFFFFFFE0]  }
0x297: {  	v50 =	vld [tilespmem:s14+$0xFFFFFFE0]  }
0x298: {  	v54 =	vld [tilespmem:s14+$0xFFFFFFD0]  }
0x299: {  	s21 =	simm.s32 $0x1;
	v55 =	vld [tilespmem:s9+$0x0]  }
0x29a: {  	s11 =	simm.s32 $0x2;
	v49 =	vmov s21;
	v51 =	vld [tilespmem:s14+$0xFFFFFFF0];
	vm0 =	veq.s32 v63, $0x0  }
0x29b: {  	s10 =	simm.s32 $0xC170;
	s8 =	simm.s32 $0x121D0;
	s21 =	simm.s32 $0x121D0;
	v52 =	vld [tilespmem:s14+$0x0];
	v59 =	vsel vm0, v46, v48;
	v58 =	vsel vm0, v45, v47;
	v57 =	vsel vm0, v43, v44  }
.LBB2_8:
0x29c: {  	s8 =	sadd.s32 $0xF0, s8  }
0x29d: {  	v60 =	vsel vm0, v41, v42;
	v56 =	vmul.f32 v59, v56;
	v59 =	vmul.f32 v50, v50;
	v61 =	vld [tilespmem:s9+$0x10];
	s9 =	sadd.s32 $0x40, s9;
	s12 =	smov.u32 s11;
	s13 =	sadd.s32 $0x1, s11  }
0x29e: {  	p0 =	sne.s32 s11, $0x7F;
	v53 =	vmul.f32 v53, v58;
	v62 =	vmul.f32 v54, v54  }
0x29f: {  	v54 =	vmul.f32 v56, v54;
	v55 =	vmul.f32 v55, v57  }
0x2a0: {  	v50 =	vmul.f32 v53, v50;
	v53 =	vadd.f32 v59, v62;
	v56 =	vmul.f32 v51, v51  }
0x2a1: {  	v54 =	vadd.f32 $0.0e+00, v54;
	v57 =	vmul.f32 v52, v52;
	v58 =	vld [tilespmem:s21+$0x0]  }
0x2a2: {  	v51 =	vmul.f32 v55, v51;
	v53 =	vadd.f32 v56, v53;
	v55 =	vmul.f32 v61, v60  }
0x2a3: {  	v50 =	vadd.f32 v50, v54  }
0x2a4: {  	v52 =	vmul.f32 v55, v52;
	v53 =	vadd.f32 v57, v53  }
0x2a5: {  	v50 =	vadd.f32 v51, v50  }
0x2a6: {  	v51 =	vadd.f32 v58, v53  }
0x2a7: {  	v50 =	vadd.f32 v52, v50  }
0x2a8: {  	[tilespmem:s21+$0x0] =	vst v51  }
0x2a9: {  	[tilespmem:s21+$0xFFFFFF50] =	vst v50;
	s21 =	smov.u32 s8  }
0x2aa: {  	v51 =	vld.idx.msk [tilespmem:v49+s22+$0x0], $0xffff  }
0x2ab: {  	v53 =	vld [tilespmem:s9+$0xFFFFFFF0]  }
0x2ac: {  	v56 =	vld [tilespmem:s9+$0xFFFFFFE0]  }
.Ltmp3:
0x2ad: {  	v50 =	vld [tilespmem:s10+$0xFFFFFFE0];
	(pc) =	sbr.rel @p0 .LBB2_8-.Ltmp3, $4  }
0x2ae: {  	v49 =	vmov s12;
	v54 =	vld [tilespmem:s10+$0xFFFFFFD0]  }
0x2af: {  	v55 =	vld [tilespmem:s9+$0x0]  }
0x2b0: {  	vm0 =	veq.s32 v51, $0x0;
	v51 =	vld [tilespmem:s10+$0xFFFFFFF0]  }
0x2b1: {  	s11 =	smov.u32 s13;
	v59 =	vsel vm0, v46, v48;
	v58 =	vsel vm0, v45, v47;
	v57 =	vsel vm0, v43, v44;
	v52 =	vld [tilespmem:s10+$0x0];
	s10 =	sadd.s32 $0x40, s10  }
0x2b2: {  	v56 =	vmul.f32 v59, v56  }
0x2b3: {  	v59 =	vmul.f32 v50, v50;
	v60 =	vld [tilespmem:s9+$0x10];
	v61 =	vmul.f32 v54, v54  }
0x2b4: {  	v53 =	vmul.f32 v53, v58;
	v62 =	vmul.f32 v56, v54  }
0x2b5: {  	v56 =	vadd.f32 v59, v61;
	v63 =	vmul.f32 v51, v51  }
0x2b6: {  	v55 =	vmul.f32 v55, v57;
	v50 =	vmul.f32 v53, v50;
	v54 =	vld [tilespmem:s21+$0x0];
	v53 =	vadd.f32 $0.0e+00, v62  }
0x2b7: {  	v61 =	vsel vm0, v41, v42;
	v62 =	vmul.f32 v52, v52;
	v56 =	vadd.f32 v63, v56  }
0x2b8: {  	v63 =	vmul.f32 v55, v51;
	v58 =	vmul.f32 v60, v61;
	v50 =	vadd.f32 v50, v53  }
0x2b9: {  	v60 =	vadd.f32 v62, v56  }
0x2ba: {  	v61 =	vmul.f32 v58, v52;
	v50 =	vadd.f32 v63, v50  }
0x2bb: {  	v62 =	vadd.f32 v54, v60  }
0x2bc: {  	v50 =	vadd.f32 v61, v50  }
0x2bd: {  	[tilespmem:s21+$0x0] =	vst v62  }
0x2be: {  	[tilespmem:s21+$0xFFFFFF50] =	vst v50  }
0x2bf: {  	s12 =	sadd.s32 $0x40, s9;
	v49 =	vld.idx.msk [tilespmem:v49+s22+$0x0], $0xffff  }
0x2c0: {  	v50 =	vld [tilespmem:s12+$0xFFFFFFE0]  }
0x2c1: {  	v51 =	vld [tilespmem:s10+$0xFFFFFFE0]  }
0x2c2: {  	v52 =	vld [tilespmem:s10+$0xFFFFFFD0]  }
0x2c3: {  	v53 =	vld [tilespmem:s12+$0xFFFFFFF0]  }
0x2c4: {  	vm0 =	veq.s32 v49, $0x0;
	v49 =	vld [tilespmem:s10+$0xFFFFFFF0]  }
0x2c5: {  	v54 =	vld [tilespmem:s12+$0x0];
	v63 =	vsel vm0, v46, v48  }
0x2c6: {  	v56 =	vld [tilespmem:s10+$0x0];
	v50 =	vmul.f32 v63, v50  }
0x2c7: {  	v58 =	vld [tilespmem:s12+$0x10];
	v61 =	vmul.f32 v51, v51;
	v62 =	vmul.f32 v52, v52;
	v60 =	vsel vm0, v45, v47  }
0x2c8: {  	v53 =	vmul.f32 v53, v60;
	v50 =	vmul.f32 v50, v52  }
0x2c9: {  	s8 =	sadd.s32 $0xF0, s8;
	v63 =	vsel vm0, v43, v44;
	v55 =	vadd.f32 v61, v62;
	v60 =	vmul.f32 v49, v49  }
0x2ca: {  	v61 =	vld [tilespmem:s8+$0x0];
	v52 =	vmul.f32 v54, v63;
	v51 =	vmul.f32 v53, v51;
	v50 =	vadd.f32 $0.0e+00, v50  }
0x2cb: {  	v62 =	vsel vm0, v41, v42;
	v63 =	vmul.f32 v56, v56;
	v55 =	vadd.f32 v60, v55  }
0x2cc: {  	v58 =	vmul.f32 v58, v62;
	v49 =	vmul.f32 v52, v49;
	v50 =	vadd.f32 v51, v50  }
0x2cd: {  	v60 =	vadd.f32 v63, v55  }
0x2ce: {  	v52 =	vmul.f32 v58, v56;
	v49 =	vadd.f32 v49, v50  }
0x2cf: {  	v61 =	vadd.f32 v61, v60  }
0x2d0: {  	v49 =	vadd.f32 v52, v49  }
0x2d1: {  	s13 =	simm.s32 $0x0;
	[tilespmem:s8+$0x0] =	vst v61  }
0x2d2: {  	s14 =	simm.s32 $0xB80;
	v62 =	vmov s13;
	[tilespmem:s8+$0xFFFFFF50] =	vst v49  }
0x2d3: {  	[tilespmem:s29], [sflag:$0x5] =	stream.indirect.gather [hbm4b:s5+s26], $0x40, s14, s26, $0xb8;
	[tilespmem:$0x19900] =	vst v63  }
0x2d4: {  	_ =	swait.ge [sflag:s2], $0x2000  }
0x2d5: {  	[sflag:s2] =	ssyncset.done $0x0  }
0x2d6: {  	[sflag:s2] =	ssyncadd.s32 $0xFFFFE000  }
0x2d7: {  	s9 =	simm.s32 $0x6120;
	v63 =	vld.idx.msk [tilespmem:v62+s22+$0x0], $0xffff  }
0x2d8: {  	v53 =	vld [tilespmem:s9+$0xFFFFFFF0]  }
0x2d9: {  	s21 =	simm.s32 $0x10130;
	v56 =	vld [tilespmem:s9+$0xFFFFFFE0]  }
0x2da: {  	v50 =	vld [tilespmem:s21+$0xFFFFFFE0]  }
0x2db: {  	v54 =	vld [tilespmem:s21+$0xFFFFFFD0]  }
0x2dc: {  	s11 =	simm.s32 $0x1;
	v55 =	vld [tilespmem:s9+$0x0]  }
0x2dd: {  	s10 =	simm.s32 $0x10170;
	v49 =	vmov s11;
	v51 =	vld [tilespmem:s21+$0xFFFFFFF0];
	vm0 =	veq.s32 v63, $0x0  }
0x2de: {  	s8 =	simm.s32 $0x121E0;
	s11 =	simm.s32 $0x2;
	v52 =	vld [tilespmem:s21+$0x0];
	s21 =	simm.s32 $0x121E0;
	v59 =	vsel vm0, v46, v48;
	v58 =	vsel vm0, v45, v47;
	v57 =	vsel vm0, v43, v44  }
.LBB2_10:
0x2df: {  	s8 =	sadd.s32 $0xF0, s8  }
0x2e0: {  	v60 =	vsel vm0, v41, v42;
	v56 =	vmul.f32 v59, v56;
	v59 =	vmul.f32 v50, v50;
	v61 =	vld [tilespmem:s9+$0x10];
	s9 =	sadd.s32 $0x40, s9;
	s12 =	smov.u32 s11;
	s13 =	sadd.s32 $0x1, s11  }
0x2e1: {  	p0 =	sne.s32 s11, $0x7F;
	v53 =	vmul.f32 v53, v58;
	v62 =	vmul.f32 v54, v54  }
0x2e2: {  	v54 =	vmul.f32 v56, v54;
	v55 =	vmul.f32 v55, v57  }
0x2e3: {  	v50 =	vmul.f32 v53, v50;
	v53 =	vadd.f32 v59, v62;
	v56 =	vmul.f32 v51, v51  }
0x2e4: {  	v54 =	vadd.f32 $0.0e+00, v54;
	v57 =	vmul.f32 v52, v52;
	v58 =	vld [tilespmem:s21+$0x0]  }
0x2e5: {  	v51 =	vmul.f32 v55, v51;
	v53 =	vadd.f32 v56, v53;
	v55 =	vmul.f32 v61, v60  }
0x2e6: {  	v50 =	vadd.f32 v50, v54  }
0x2e7: {  	v52 =	vmul.f32 v55, v52;
	v53 =	vadd.f32 v57, v53  }
0x2e8: {  	v50 =	vadd.f32 v51, v50  }
0x2e9: {  	v51 =	vadd.f32 v58, v53  }
0x2ea: {  	v50 =	vadd.f32 v52, v50  }
0x2eb: {  	[tilespmem:s21+$0x0] =	vst v51  }
0x2ec: {  	[tilespmem:s21+$0xFFFFFF90] =	vst v50;
	s21 =	smov.u32 s8  }
0x2ed: {  	v51 =	vld.idx.msk [tilespmem:v49+s22+$0x0], $0xffff  }
0x2ee: {  	v53 =	vld [tilespmem:s9+$0xFFFFFFF0]  }
0x2ef: {  	v56 =	vld [tilespmem:s9+$0xFFFFFFE0]  }
.Ltmp4:
0x2f0: {  	v50 =	vld [tilespmem:s10+$0xFFFFFFE0];
	(pc) =	sbr.rel @p0 .LBB2_10-.Ltmp4, $4  }
0x2f1: {  	v49 =	vmov s12;
	v54 =	vld [tilespmem:s10+$0xFFFFFFD0]  }
0x2f2: {  	v55 =	vld [tilespmem:s9+$0x0]  }
0x2f3: {  	vm0 =	veq.s32 v51, $0x0;
	v51 =	vld [tilespmem:s10+$0xFFFFFFF0]  }
0x2f4: {  	s11 =	smov.u32 s13;
	v59 =	vsel vm0, v46, v48;
	v58 =	vsel vm0, v45, v47;
	v57 =	vsel vm0, v43, v44;
	v52 =	vld [tilespmem:s10+$0x0];
	s10 =	sadd.s32 $0x40, s10  }
0x2f5: {  	v56 =	vmul.f32 v59, v56  }
0x2f6: {  	v59 =	vmul.f32 v50, v50;
	v60 =	vld [tilespmem:s9+$0x10];
	v61 =	vmul.f32 v54, v54  }
0x2f7: {  	v53 =	vmul.f32 v53, v58;
	v62 =	vmul.f32 v56, v54  }
0x2f8: {  	v56 =	vadd.f32 v59, v61;
	v63 =	vmul.f32 v51, v51  }
0x2f9: {  	v55 =	vmul.f32 v55, v57;
	v50 =	vmul.f32 v53, v50;
	v54 =	vld [tilespmem:s21+$0x0];
	v53 =	vadd.f32 $0.0e+00, v62  }
0x2fa: {  	v61 =	vsel vm0, v41, v42;
	v62 =	vmul.f32 v52, v52;
	v56 =	vadd.f32 v63, v56  }
0x2fb: {  	v63 =	vmul.f32 v55, v51;
	v58 =	vmul.f32 v60, v61;
	v50 =	vadd.f32 v50, v53  }
0x2fc: {  	v60 =	vadd.f32 v62, v56  }
0x2fd: {  	v61 =	vmul.f32 v58, v52;
	v50 =	vadd.f32 v63, v50  }
0x2fe: {  	v62 =	vadd.f32 v54, v60  }
0x2ff: {  	v50 =	vadd.f32 v61, v50  }
0x300: {  	[tilespmem:s21+$0x0] =	vst v62  }
0x301: {  	[tilespmem:s21+$0xFFFFFF90] =	vst v50  }
0x302: {  	s12 =	sadd.s32 $0x40, s9;
	v49 =	vld.idx.msk [tilespmem:v49+s22+$0x0], $0xffff  }
0x303: {  	v50 =	vld [tilespmem:s12+$0xFFFFFFE0]  }
0x304: {  	v51 =	vld [tilespmem:s10+$0xFFFFFFE0]  }
0x305: {  	v52 =	vld [tilespmem:s10+$0xFFFFFFD0]  }
0x306: {  	v53 =	vld [tilespmem:s12+$0xFFFFFFF0]  }
0x307: {  	vm0 =	veq.s32 v49, $0x0;
	v49 =	vld [tilespmem:s10+$0xFFFFFFF0]  }
0x308: {  	v54 =	vld [tilespmem:s12+$0x0];
	v63 =	vsel vm0, v46, v48  }
0x309: {  	v56 =	vld [tilespmem:s10+$0x0];
	v50 =	vmul.f32 v63, v50  }
0x30a: {  	v58 =	vld [tilespmem:s12+$0x10];
	v61 =	vmul.f32 v51, v51;
	v62 =	vmul.f32 v52, v52;
	v60 =	vsel vm0, v45, v47  }
0x30b: {  	v53 =	vmul.f32 v53, v60;
	v50 =	vmul.f32 v50, v52  }
0x30c: {  	s8 =	sadd.s32 $0xF0, s8;
	v63 =	vsel vm0, v43, v44;
	v55 =	vadd.f32 v61, v62;
	v60 =	vmul.f32 v49, v49  }
0x30d: {  	v61 =	vld [tilespmem:s8+$0x0];
	v52 =	vmul.f32 v54, v63;
	v51 =	vmul.f32 v53, v51;
	v50 =	vadd.f32 $0.0e+00, v50  }
0x30e: {  	v62 =	vsel vm0, v41, v42;
	v63 =	vmul.f32 v56, v56;
	v55 =	vadd.f32 v60, v55  }
0x30f: {  	v58 =	vmul.f32 v58, v62;
	v49 =	vmul.f32 v52, v49;
	v50 =	vadd.f32 v51, v50  }
0x310: {  	v60 =	vadd.f32 v63, v55  }
0x311: {  	v52 =	vmul.f32 v58, v56;
	v49 =	vadd.f32 v49, v50  }
0x312: {  	v61 =	vadd.f32 v61, v60  }
0x313: {  	v49 =	vadd.f32 v52, v49  }
0x314: {  	s13 =	simm.s32 $0x0;
	[tilespmem:s8+$0x0] =	vst v61  }
0x315: {  	s14 =	simm.s32 $0xE00;
	v62 =	vmov s13;
	[tilespmem:s8+$0xFFFFFF90] =	vst v49  }
0x316: {  	[tilespmem:s1], [sflag:$0x7] =	stream.indirect.gather [hbm4b:s6+s26], $0x40, s14, s26, $0xb8;
	[tilespmem:$0x19900] =	vst v63  }
0x317: {  	_ =	swait.ge [sflag:s19], $0x2000  }
0x318: {  	[sflag:s19] =	ssyncset.done $0x0  }
0x319: {  	[sflag:s19] =	ssyncadd.s32 $0xFFFFE000  }
0x31a: {  	s11 =	simm.s32 $0x8120;
	v63 =	vld.idx.msk [tilespmem:v62+s22+$0x0], $0xffff  }
0x31b: {  	v53 =	vld [tilespmem:s11+$0xFFFFFFF0]  }
0x31c: {  	s9 =	simm.s32 $0xA120;
	v56 =	vld [tilespmem:s11+$0xFFFFFFE0]  }
0x31d: {  	v50 =	vld [tilespmem:s9+$0xFFFFFFF0]  }
0x31e: {  	v54 =	vld [tilespmem:s9+$0xFFFFFFE0]  }
0x31f: {  	s21 =	simm.s32 $0x1;
	v55 =	vld [tilespmem:s11+$0x0]  }
0x320: {  	s12 =	simm.s32 $0x2;
	v49 =	vmov s21;
	v51 =	vld [tilespmem:s9+$0x0];
	vm0 =	veq.s32 v63, $0x0  }
0x321: {  	s10 =	simm.s32 $0x121D0;
	s8 =	simm.s32 $0x121D0;
	s21 =	simm.s32 $0x8160;
	v52 =	vld [tilespmem:s9+$0x10];
	v59 =	vsel vm0, v46, v48;
	v58 =	vsel vm0, v45, v47;
	v57 =	vsel vm0, v43, v44  }
.LBB2_12:
0x322: {  	s8 =	sadd.s32 $0xF0, s8;
	s9 =	sadd.s32 $0x40, s9  }
0x323: {  	v60 =	vsel vm0, v41, v42;
	v56 =	vmul.f32 v59, v56;
	v59 =	vmul.f32 v50, v50;
	v61 =	vld [tilespmem:s11+$0x10];
	s13 =	smov.u32 s12;
	s14 =	sadd.s32 $0x1, s12;
	s11 =	smov.u32 s21  }
0x324: {  	p0 =	sne.s32 s12, $0x7F;
	v53 =	vmul.f32 v53, v58;
	v62 =	vmul.f32 v54, v54  }
0x325: {  	v54 =	vmul.f32 v56, v54;
	v55 =	vmul.f32 v55, v57  }
0x326: {  	v50 =	vmul.f32 v53, v50;
	v53 =	vadd.f32 v59, v62;
	v56 =	vmul.f32 v51, v51  }
0x327: {  	v54 =	vadd.f32 $0.0e+00, v54;
	v57 =	vmul.f32 v52, v52;
	v58 =	vld [tilespmem:s10+$0x0]  }
0x328: {  	v51 =	vmul.f32 v55, v51;
	v53 =	vadd.f32 v56, v53;
	v55 =	vmul.f32 v61, v60  }
0x329: {  	v50 =	vadd.f32 v50, v54  }
0x32a: {  	v52 =	vmul.f32 v55, v52;
	v53 =	vadd.f32 v57, v53  }
0x32b: {  	v50 =	vadd.f32 v51, v50  }
0x32c: {  	v51 =	vadd.f32 v58, v53  }
0x32d: {  	v50 =	vadd.f32 v52, v50  }
0x32e: {  	[tilespmem:s10+$0x0] =	vst v51  }
0x32f: {  	[tilespmem:s10+$0xFFFFFF60] =	vst v50;
	s10 =	smov.u32 s8  }
0x330: {  	v51 =	vld.idx.msk [tilespmem:v49+s22+$0x0], $0xffff  }
0x331: {  	v53 =	vld [tilespmem:s21+$0xFFFFFFF0]  }
0x332: {  	v56 =	vld [tilespmem:s21+$0xFFFFFFE0]  }
.Ltmp5:
0x333: {  	v50 =	vld [tilespmem:s9+$0xFFFFFFF0];
	(pc) =	sbr.rel @p0 .LBB2_12-.Ltmp5, $4  }
0x334: {  	v49 =	vmov s13;
	v54 =	vld [tilespmem:s9+$0xFFFFFFE0]  }
0x335: {  	v55 =	vld [tilespmem:s21+$0x0]  }
0x336: {  	vm0 =	veq.s32 v51, $0x0;
	v51 =	vld [tilespmem:s9+$0x0]  }
0x337: {  	s12 =	smov.u32 s14;
	s21 =	sadd.s32 $0x40, s21;
	v59 =	vsel vm0, v46, v48;
	v58 =	vsel vm0, v45, v47;
	v57 =	vsel vm0, v43, v44;
	v52 =	vld [tilespmem:s9+$0x10]  }
0x338: {  	v56 =	vmul.f32 v59, v56  }
0x339: {  	v59 =	vmul.f32 v50, v50;
	v60 =	vld [tilespmem:s11+$0x10];
	v61 =	vmul.f32 v54, v54  }
0x33a: {  	v53 =	vmul.f32 v53, v58;
	v62 =	vmul.f32 v56, v54  }
0x33b: {  	v56 =	vadd.f32 v59, v61;
	v63 =	vmul.f32 v51, v51  }
0x33c: {  	v55 =	vmul.f32 v55, v57;
	v50 =	vmul.f32 v53, v50;
	v54 =	vld [tilespmem:s10+$0x0];
	v53 =	vadd.f32 $0.0e+00, v62  }
0x33d: {  	v61 =	vsel vm0, v41, v42;
	v62 =	vmul.f32 v52, v52;
	v56 =	vadd.f32 v63, v56  }
0x33e: {  	v63 =	vmul.f32 v55, v51;
	v58 =	vmul.f32 v60, v61;
	v50 =	vadd.f32 v50, v53  }
0x33f: {  	v60 =	vadd.f32 v62, v56  }
0x340: {  	v61 =	vmul.f32 v58, v52;
	v50 =	vadd.f32 v63, v50  }
0x341: {  	v62 =	vadd.f32 v54, v60  }
0x342: {  	v50 =	vadd.f32 v61, v50  }
0x343: {  	[tilespmem:s10+$0x0] =	vst v62  }
0x344: {  	[tilespmem:s10+$0xFFFFFF60] =	vst v50  }
0x345: {  	v49 =	vld.idx.msk [tilespmem:v49+s22+$0x0], $0xffff  }
0x346: {  	s9 =	sadd.s32 $0x40, s9;
	v50 =	vld [tilespmem:s21+$0xFFFFFFE0]  }
0x347: {  	v51 =	vld [tilespmem:s9+$0xFFFFFFF0]  }
0x348: {  	v52 =	vld [tilespmem:s9+$0xFFFFFFE0]  }
0x349: {  	v53 =	vld [tilespmem:s21+$0xFFFFFFF0]  }
0x34a: {  	vm0 =	veq.s32 v49, $0x0;
	v49 =	vld [tilespmem:s9+$0x0]  }
0x34b: {  	v54 =	vld [tilespmem:s21+$0x0];
	v63 =	vsel vm0, v46, v48  }
0x34c: {  	v56 =	vld [tilespmem:s9+$0x10];
	v50 =	vmul.f32 v63, v50  }
0x34d: {  	v58 =	vld [tilespmem:s21+$0x10];
	v61 =	vmul.f32 v51, v51;
	v62 =	vmul.f32 v52, v52;
	v60 =	vsel vm0, v45, v47  }
0x34e: {  	v53 =	vmul.f32 v53, v60;
	v50 =	vmul.f32 v50, v52  }
0x34f: {  	s8 =	sadd.s32 $0xF0, s8;
	v63 =	vsel vm0, v43, v44;
	v55 =	vadd.f32 v61, v62;
	v60 =	vmul.f32 v49, v49  }
0x350: {  	v61 =	vld [tilespmem:s8+$0x0];
	v52 =	vmul.f32 v54, v63;
	v51 =	vmul.f32 v53, v51;
	v50 =	vadd.f32 $0.0e+00, v50  }
0x351: {  	v62 =	vsel vm0, v41, v42;
	v63 =	vmul.f32 v56, v56;
	v55 =	vadd.f32 v60, v55  }
0x352: {  	v58 =	vmul.f32 v58, v62;
	v49 =	vmul.f32 v52, v49;
	v50 =	vadd.f32 v51, v50  }
0x353: {  	v60 =	vadd.f32 v63, v55  }
0x354: {  	v52 =	vmul.f32 v58, v56;
	v49 =	vadd.f32 v49, v50  }
0x355: {  	v61 =	vadd.f32 v61, v60  }
0x356: {  	v49 =	vadd.f32 v52, v49  }
0x357: {  	s13 =	simm.s32 $0x0;
	[tilespmem:s8+$0x0] =	vst v61  }
0x358: {  	s14 =	simm.s32 $0xC00;
	v62 =	vmov s13;
	[tilespmem:s8+$0xFFFFFF60] =	vst v49  }
0x359: {  	[tilespmem:s24], [sflag:$0x4] =	stream.indirect.gather [hbm4b:s5+s26], $0x40, s14, s26, $0xb8;
	[tilespmem:$0x19900] =	vst v63  }
0x35a: {  	_ =	swait.ge [sflag:s31], $0x2000  }
0x35b: {  	[sflag:s31] =	ssyncset.done $0x0  }
0x35c: {  	[sflag:s31] =	ssyncadd.s32 $0xFFFFE000  }
0x35d: {  	s11 =	simm.s32 $0x6120;
	v63 =	vld.idx.msk [tilespmem:v62+s22+$0x0], $0xffff  }
0x35e: {  	v53 =	vld [tilespmem:s11+$0xFFFFFFF0]  }
0x35f: {  	s9 =	simm.s32 $0xE120;
	v56 =	vld [tilespmem:s11+$0xFFFFFFE0]  }
0x360: {  	v50 =	vld [tilespmem:s9+$0xFFFFFFF0]  }
0x361: {  	v54 =	vld [tilespmem:s9+$0xFFFFFFE0]  }
0x362: {  	s21 =	simm.s32 $0x1;
	v55 =	vld [tilespmem:s11+$0x0]  }
0x363: {  	s12 =	simm.s32 $0x2;
	v49 =	vmov s21;
	v51 =	vld [tilespmem:s9+$0x0];
	vm0 =	veq.s32 v63, $0x0  }
0x364: {  	s10 =	simm.s32 $0x121E0;
	s8 =	simm.s32 $0x121E0;
	s21 =	simm.s32 $0x6160;
	v52 =	vld [tilespmem:s9+$0x10];
	v59 =	vsel vm0, v46, v48;
	v58 =	vsel vm0, v45, v47;
	v57 =	vsel vm0, v43, v44  }
.LBB2_14:
0x365: {  	s8 =	sadd.s32 $0xF0, s8;
	s9 =	sadd.s32 $0x40, s9  }
0x366: {  	v60 =	vsel vm0, v41, v42;
	v56 =	vmul.f32 v59, v56;
	v59 =	vmul.f32 v50, v50;
	v61 =	vld [tilespmem:s11+$0x10];
	s13 =	smov.u32 s12;
	s14 =	sadd.s32 $0x1, s12;
	s11 =	smov.u32 s21  }
0x367: {  	p0 =	sne.s32 s12, $0x7F;
	v53 =	vmul.f32 v53, v58;
	v62 =	vmul.f32 v54, v54  }
0x368: {  	v54 =	vmul.f32 v56, v54;
	v55 =	vmul.f32 v55, v57  }
0x369: {  	v50 =	vmul.f32 v53, v50;
	v53 =	vadd.f32 v59, v62;
	v56 =	vmul.f32 v51, v51  }
0x36a: {  	v54 =	vadd.f32 $0.0e+00, v54;
	v57 =	vmul.f32 v52, v52;
	v58 =	vld [tilespmem:s10+$0x0]  }
0x36b: {  	v51 =	vmul.f32 v55, v51;
	v53 =	vadd.f32 v56, v53;
	v55 =	vmul.f32 v61, v60  }
0x36c: {  	v50 =	vadd.f32 v50, v54  }
0x36d: {  	v52 =	vmul.f32 v55, v52;
	v53 =	vadd.f32 v57, v53  }
0x36e: {  	v50 =	vadd.f32 v51, v50  }
0x36f: {  	v51 =	vadd.f32 v58, v53  }
0x370: {  	v50 =	vadd.f32 v52, v50  }
0x371: {  	[tilespmem:s10+$0x0] =	vst v51  }
0x372: {  	[tilespmem:s10+$0xFFFFFFA0] =	vst v50;
	s10 =	smov.u32 s8  }
0x373: {  	v51 =	vld.idx.msk [tilespmem:v49+s22+$0x0], $0xffff  }
0x374: {  	v53 =	vld [tilespmem:s21+$0xFFFFFFF0]  }
0x375: {  	v56 =	vld [tilespmem:s21+$0xFFFFFFE0]  }
.Ltmp6:
0x376: {  	v50 =	vld [tilespmem:s9+$0xFFFFFFF0];
	(pc) =	sbr.rel @p0 .LBB2_14-.Ltmp6, $4  }
0x377: {  	v49 =	vmov s13;
	v54 =	vld [tilespmem:s9+$0xFFFFFFE0]  }
0x378: {  	v55 =	vld [tilespmem:s21+$0x0]  }
0x379: {  	vm0 =	veq.s32 v51, $0x0;
	v51 =	vld [tilespmem:s9+$0x0]  }
0x37a: {  	s12 =	smov.u32 s14;
	s21 =	sadd.s32 $0x40, s21;
	v59 =	vsel vm0, v46, v48;
	v58 =	vsel vm0, v45, v47;
	v57 =	vsel vm0, v43, v44;
	v52 =	vld [tilespmem:s9+$0x10]  }
0x37b: {  	v56 =	vmul.f32 v59, v56  }
0x37c: {  	v59 =	vmul.f32 v50, v50;
	v60 =	vld [tilespmem:s11+$0x10];
	v61 =	vmul.f32 v54, v54  }
0x37d: {  	v53 =	vmul.f32 v53, v58;
	v62 =	vmul.f32 v56, v54  }
0x37e: {  	v56 =	vadd.f32 v59, v61;
	v63 =	vmul.f32 v51, v51  }
0x37f: {  	v55 =	vmul.f32 v55, v57;
	v50 =	vmul.f32 v53, v50;
	v54 =	vld [tilespmem:s10+$0x0];
	v53 =	vadd.f32 $0.0e+00, v62  }
0x380: {  	v61 =	vsel vm0, v41, v42;
	v62 =	vmul.f32 v52, v52;
	v56 =	vadd.f32 v63, v56  }
0x381: {  	v63 =	vmul.f32 v55, v51;
	v58 =	vmul.f32 v60, v61;
	v50 =	vadd.f32 v50, v53  }
0x382: {  	v60 =	vadd.f32 v62, v56  }
0x383: {  	v61 =	vmul.f32 v58, v52;
	v50 =	vadd.f32 v63, v50  }
0x384: {  	v62 =	vadd.f32 v54, v60  }
0x385: {  	v50 =	vadd.f32 v61, v50  }
0x386: {  	[tilespmem:s10+$0x0] =	vst v62  }
0x387: {  	[tilespmem:s10+$0xFFFFFFA0] =	vst v50  }
0x388: {  	v49 =	vld.idx.msk [tilespmem:v49+s22+$0x0], $0xffff  }
0x389: {  	s9 =	sadd.s32 $0x40, s9;
	v50 =	vld [tilespmem:s21+$0xFFFFFFE0]  }
0x38a: {  	v51 =	vld [tilespmem:s9+$0xFFFFFFF0]  }
0x38b: {  	v52 =	vld [tilespmem:s9+$0xFFFFFFE0]  }
0x38c: {  	v53 =	vld [tilespmem:s21+$0xFFFFFFF0]  }
0x38d: {  	vm0 =	veq.s32 v49, $0x0;
	v49 =	vld [tilespmem:s9+$0x0]  }
0x38e: {  	v54 =	vld [tilespmem:s21+$0x0];
	v63 =	vsel vm0, v46, v48  }
0x38f: {  	v56 =	vld [tilespmem:s9+$0x10];
	v50 =	vmul.f32 v63, v50  }
0x390: {  	v58 =	vld [tilespmem:s21+$0x10];
	v61 =	vmul.f32 v51, v51;
	v62 =	vmul.f32 v52, v52;
	v60 =	vsel vm0, v45, v47  }
0x391: {  	v53 =	vmul.f32 v53, v60;
	v50 =	vmul.f32 v50, v52  }
0x392: {  	s8 =	sadd.s32 $0xF0, s8;
	v63 =	vsel vm0, v43, v44;
	v55 =	vadd.f32 v61, v62;
	v60 =	vmul.f32 v49, v49  }
0x393: {  	v61 =	vld [tilespmem:s8+$0x0];
	v52 =	vmul.f32 v54, v63;
	v51 =	vmul.f32 v53, v51;
	v50 =	vadd.f32 $0.0e+00, v50  }
0x394: {  	v62 =	vsel vm0, v41, v42;
	v63 =	vmul.f32 v56, v56;
	v55 =	vadd.f32 v60, v55  }
0x395: {  	v58 =	vmul.f32 v58, v62;
	v49 =	vmul.f32 v52, v49;
	v50 =	vadd.f32 v51, v50  }
0x396: {  	v60 =	vadd.f32 v63, v55  }
0x397: {  	v52 =	vmul.f32 v58, v56;
	v49 =	vadd.f32 v49, v50  }
0x398: {  	v61 =	vadd.f32 v61, v60  }
0x399: {  	v49 =	vadd.f32 v52, v49  }
0x39a: {  	s12 =	simm.s32 $0x0;
	[tilespmem:s8+$0x0] =	vst v61  }
0x39b: {  	s13 =	simm.s32 $0xE80;
	v62 =	vmov s12;
	[tilespmem:s8+$0xFFFFFFA0] =	vst v49  }
0x39c: {  	[tilespmem:s0], [sflag:$0x6] =	stream.indirect.gather [hbm4b:s6+s26], $0x40, s13, s26, $0xb8;
	[tilespmem:$0x19900] =	vst v63  }
0x39d: {  	_ =	swait.ge [sflag:s28], $0x2000  }
0x39e: {  	[sflag:s28] =	ssyncset.done $0x0  }
0x39f: {  	[sflag:s28] =	ssyncadd.s32 $0xFFFFE000  }
0x3a0: {  	s9 =	simm.s32 $0x8120;
	v63 =	vld.idx.msk [tilespmem:v62+s22+$0x0], $0xffff  }
0x3a1: {  	v53 =	vld [tilespmem:s9+$0xFFFFFFF0]  }
0x3a2: {  	s14 =	simm.s32 $0xC130;
	v56 =	vld [tilespmem:s9+$0xFFFFFFE0]  }
0x3a3: {  	v50 =	vld [tilespmem:s14+$0xFFFFFFE0]  }
0x3a4: {  	v54 =	vld [tilespmem:s14+$0xFFFFFFD0]  }
0x3a5: {  	s21 =	simm.s32 $0x1;
	v55 =	vld [tilespmem:s9+$0x0]  }
0x3a6: {  	s11 =	simm.s32 $0x2;
	v49 =	vmov s21;
	v51 =	vld [tilespmem:s14+$0xFFFFFFF0];
	vm0 =	veq.s32 v63, $0x0  }
0x3a7: {  	s10 =	simm.s32 $0xC170;
	s8 =	simm.s32 $0x121D0;
	s21 =	simm.s32 $0x121D0;
	v52 =	vld [tilespmem:s14+$0x0];
	v59 =	vsel vm0, v46, v48;
	v58 =	vsel vm0, v45, v47;
	v57 =	vsel vm0, v43, v44  }
.LBB2_16:
0x3a8: {  	s8 =	sadd.s32 $0xF0, s8  }
0x3a9: {  	v60 =	vsel vm0, v41, v42;
	v56 =	vmul.f32 v59, v56;
	v59 =	vmul.f32 v50, v50;
	v61 =	vld [tilespmem:s9+$0x10];
	s9 =	sadd.s32 $0x40, s9;
	s12 =	smov.u32 s11;
	s13 =	sadd.s32 $0x1, s11  }
0x3aa: {  	p0 =	sne.s32 s11, $0x7F;
	v53 =	vmul.f32 v53, v58;
	v62 =	vmul.f32 v54, v54  }
0x3ab: {  	v54 =	vmul.f32 v56, v54;
	v55 =	vmul.f32 v55, v57  }
0x3ac: {  	v50 =	vmul.f32 v53, v50;
	v53 =	vadd.f32 v59, v62;
	v56 =	vmul.f32 v51, v51  }
0x3ad: {  	v54 =	vadd.f32 $0.0e+00, v54;
	v57 =	vmul.f32 v52, v52;
	v58 =	vld [tilespmem:s21+$0x0]  }
0x3ae: {  	v51 =	vmul.f32 v55, v51;
	v53 =	vadd.f32 v56, v53;
	v55 =	vmul.f32 v61, v60  }
0x3af: {  	v50 =	vadd.f32 v50, v54  }
0x3b0: {  	v52 =	vmul.f32 v55, v52;
	v53 =	vadd.f32 v57, v53  }
0x3b1: {  	v50 =	vadd.f32 v51, v50  }
0x3b2: {  	v51 =	vadd.f32 v58, v53  }
0x3b3: {  	v50 =	vadd.f32 v52, v50  }
0x3b4: {  	[tilespmem:s21+$0x0] =	vst v51  }
0x3b5: {  	[tilespmem:s21+$0xFFFFFF70] =	vst v50;
	s21 =	smov.u32 s8  }
0x3b6: {  	v51 =	vld.idx.msk [tilespmem:v49+s22+$0x0], $0xffff  }
0x3b7: {  	v53 =	vld [tilespmem:s9+$0xFFFFFFF0]  }
0x3b8: {  	v56 =	vld [tilespmem:s9+$0xFFFFFFE0]  }
.Ltmp7:
0x3b9: {  	v50 =	vld [tilespmem:s10+$0xFFFFFFE0];
	(pc) =	sbr.rel @p0 .LBB2_16-.Ltmp7, $4  }
0x3ba: {  	v49 =	vmov s12;
	v54 =	vld [tilespmem:s10+$0xFFFFFFD0]  }
0x3bb: {  	v55 =	vld [tilespmem:s9+$0x0]  }
0x3bc: {  	vm0 =	veq.s32 v51, $0x0;
	v51 =	vld [tilespmem:s10+$0xFFFFFFF0]  }
0x3bd: {  	s11 =	smov.u32 s13;
	v59 =	vsel vm0, v46, v48;
	v58 =	vsel vm0, v45, v47;
	v57 =	vsel vm0, v43, v44;
	v52 =	vld [tilespmem:s10+$0x0];
	s10 =	sadd.s32 $0x40, s10  }
0x3be: {  	v56 =	vmul.f32 v59, v56  }
0x3bf: {  	v59 =	vmul.f32 v50, v50;
	v60 =	vld [tilespmem:s9+$0x10];
	v61 =	vmul.f32 v54, v54  }
0x3c0: {  	v53 =	vmul.f32 v53, v58;
	v62 =	vmul.f32 v56, v54  }
0x3c1: {  	v56 =	vadd.f32 v59, v61;
	v63 =	vmul.f32 v51, v51  }
0x3c2: {  	v55 =	vmul.f32 v55, v57;
	v50 =	vmul.f32 v53, v50;
	v54 =	vld [tilespmem:s21+$0x0];
	v53 =	vadd.f32 $0.0e+00, v62  }
0x3c3: {  	v61 =	vsel vm0, v41, v42;
	v62 =	vmul.f32 v52, v52;
	v56 =	vadd.f32 v63, v56  }
0x3c4: {  	v63 =	vmul.f32 v55, v51;
	v58 =	vmul.f32 v60, v61;
	v50 =	vadd.f32 v50, v53  }
0x3c5: {  	v60 =	vadd.f32 v62, v56  }
0x3c6: {  	v61 =	vmul.f32 v58, v52;
	v50 =	vadd.f32 v63, v50  }
0x3c7: {  	v62 =	vadd.f32 v54, v60  }
0x3c8: {  	v50 =	vadd.f32 v61, v50  }
0x3c9: {  	[tilespmem:s21+$0x0] =	vst v62  }
0x3ca: {  	[tilespmem:s21+$0xFFFFFF70] =	vst v50  }
0x3cb: {  	s13 =	sadd.s32 $0x40, s9;
	v49 =	vld.idx.msk [tilespmem:v49+s22+$0x0], $0xffff  }
0x3cc: {  	v50 =	vld [tilespmem:s13+$0xFFFFFFE0]  }
0x3cd: {  	v51 =	vld [tilespmem:s10+$0xFFFFFFE0]  }
0x3ce: {  	v52 =	vld [tilespmem:s10+$0xFFFFFFD0]  }
0x3cf: {  	v53 =	vld [tilespmem:s13+$0xFFFFFFF0]  }
0x3d0: {  	vm0 =	veq.s32 v49, $0x0;
	v49 =	vld [tilespmem:s10+$0xFFFFFFF0]  }
0x3d1: {  	v54 =	vld [tilespmem:s13+$0x0];
	v63 =	vsel vm0, v46, v48  }
0x3d2: {  	v56 =	vld [tilespmem:s10+$0x0];
	v50 =	vmul.f32 v63, v50  }
0x3d3: {  	v58 =	vld [tilespmem:s13+$0x10];
	v61 =	vmul.f32 v51, v51;
	v62 =	vmul.f32 v52, v52;
	v60 =	vsel vm0, v45, v47  }
0x3d4: {  	v53 =	vmul.f32 v53, v60;
	v50 =	vmul.f32 v50, v52  }
0x3d5: {  	s8 =	sadd.s32 $0xF0, s8;
	v63 =	vsel vm0, v43, v44;
	v55 =	vadd.f32 v61, v62;
	v60 =	vmul.f32 v49, v49  }
0x3d6: {  	v61 =	vld [tilespmem:s8+$0x0];
	v52 =	vmul.f32 v54, v63;
	v51 =	vmul.f32 v53, v51;
	v50 =	vadd.f32 $0.0e+00, v50  }
0x3d7: {  	v62 =	vsel vm0, v41, v42;
	v63 =	vmul.f32 v56, v56;
	v55 =	vadd.f32 v60, v55  }
0x3d8: {  	v58 =	vmul.f32 v58, v62;
	v49 =	vmul.f32 v52, v49;
	v50 =	vadd.f32 v51, v50  }
0x3d9: {  	v60 =	vadd.f32 v63, v55  }
0x3da: {  	v52 =	vmul.f32 v58, v56;
	v49 =	vadd.f32 v49, v50  }
0x3db: {  	v61 =	vadd.f32 v61, v60  }
0x3dc: {  	s14 =	simm.s32 $0x0;
	v49 =	vadd.f32 v52, v49  }
0x3dd: {  	v62 =	vmov s14;
	[tilespmem:s8+$0x0] =	vst v61  }
0x3de: {  	[tilespmem:s8+$0xFFFFFF70] =	vst v49  }
0x3df: {  	_ =	swait.ge [sflag:s2], $0x2000  }
0x3e0: {  	[sflag:s2] =	ssyncset.done $0x0  }
0x3e1: {  	[sflag:s2] =	ssyncadd.s32 $0xFFFFE000  }
0x3e2: {  	s9 =	simm.s32 $0x6120;
	v63 =	vld.idx.msk [tilespmem:v62+s22+$0x0], $0xffff  }
0x3e3: {  	v53 =	vld [tilespmem:s9+$0xFFFFFFF0]  }
0x3e4: {  	s21 =	simm.s32 $0x10130;
	v56 =	vld [tilespmem:s9+$0xFFFFFFE0]  }
0x3e5: {  	v50 =	vld [tilespmem:s21+$0xFFFFFFE0]  }
0x3e6: {  	v54 =	vld [tilespmem:s21+$0xFFFFFFD0]  }
0x3e7: {  	s11 =	simm.s32 $0x1;
	v55 =	vld [tilespmem:s9+$0x0]  }
0x3e8: {  	s10 =	simm.s32 $0x10170;
	v49 =	vmov s11;
	v51 =	vld [tilespmem:s21+$0xFFFFFFF0];
	vm0 =	veq.s32 v63, $0x0  }
0x3e9: {  	s8 =	simm.s32 $0x121E0;
	s11 =	simm.s32 $0x2;
	v52 =	vld [tilespmem:s21+$0x0];
	s21 =	simm.s32 $0x121E0;
	v59 =	vsel vm0, v46, v48;
	v58 =	vsel vm0, v45, v47;
	v57 =	vsel vm0, v43, v44  }
.LBB2_18:
0x3ea: {  	s8 =	sadd.s32 $0xF0, s8  }
0x3eb: {  	v60 =	vsel vm0, v41, v42;
	v56 =	vmul.f32 v59, v56;
	v59 =	vmul.f32 v50, v50;
	v61 =	vld [tilespmem:s9+$0x10];
	s9 =	sadd.s32 $0x40, s9;
	s12 =	smov.u32 s11;
	s13 =	sadd.s32 $0x1, s11  }
0x3ec: {  	p0 =	sne.s32 s11, $0x7F;
	v53 =	vmul.f32 v53, v58;
	v62 =	vmul.f32 v54, v54  }
0x3ed: {  	v54 =	vmul.f32 v56, v54;
	v55 =	vmul.f32 v55, v57  }
0x3ee: {  	v50 =	vmul.f32 v53, v50;
	v53 =	vadd.f32 v59, v62;
	v56 =	vmul.f32 v51, v51  }
0x3ef: {  	v54 =	vadd.f32 $0.0e+00, v54;
	v57 =	vmul.f32 v52, v52;
	v58 =	vld [tilespmem:s21+$0x0]  }
0x3f0: {  	v51 =	vmul.f32 v55, v51;
	v53 =	vadd.f32 v56, v53;
	v55 =	vmul.f32 v61, v60  }
0x3f1: {  	v50 =	vadd.f32 v50, v54  }
0x3f2: {  	v52 =	vmul.f32 v55, v52;
	v53 =	vadd.f32 v57, v53  }
0x3f3: {  	v50 =	vadd.f32 v51, v50  }
0x3f4: {  	v51 =	vadd.f32 v58, v53  }
0x3f5: {  	v50 =	vadd.f32 v52, v50  }
0x3f6: {  	[tilespmem:s21+$0x0] =	vst v51  }
0x3f7: {  	[tilespmem:s21+$0xFFFFFFB0] =	vst v50;
	s21 =	smov.u32 s8  }
0x3f8: {  	v51 =	vld.idx.msk [tilespmem:v49+s22+$0x0], $0xffff  }
0x3f9: {  	v53 =	vld [tilespmem:s9+$0xFFFFFFF0]  }
0x3fa: {  	v56 =	vld [tilespmem:s9+$0xFFFFFFE0]  }
.Ltmp8:
0x3fb: {  	v50 =	vld [tilespmem:s10+$0xFFFFFFE0];
	(pc) =	sbr.rel @p0 .LBB2_18-.Ltmp8, $4  }
0x3fc: {  	v49 =	vmov s12;
	v54 =	vld [tilespmem:s10+$0xFFFFFFD0]  }
0x3fd: {  	v55 =	vld [tilespmem:s9+$0x0]  }
0x3fe: {  	vm0 =	veq.s32 v51, $0x0;
	v51 =	vld [tilespmem:s10+$0xFFFFFFF0]  }
0x3ff: {  	s11 =	smov.u32 s13;
	v59 =	vsel vm0, v46, v48;
	v58 =	vsel vm0, v45, v47;
	v57 =	vsel vm0, v43, v44;
	v52 =	vld [tilespmem:s10+$0x0];
	s10 =	sadd.s32 $0x40, s10  }
0x400: {  	v56 =	vmul.f32 v59, v56  }
0x401: {  	v59 =	vmul.f32 v50, v50;
	v60 =	vld [tilespmem:s9+$0x10];
	v61 =	vmul.f32 v54, v54  }
0x402: {  	v53 =	vmul.f32 v53, v58;
	v62 =	vmul.f32 v56, v54  }
0x403: {  	v56 =	vadd.f32 v59, v61;
	v63 =	vmul.f32 v51, v51  }
0x404: {  	v55 =	vmul.f32 v55, v57;
	v50 =	vmul.f32 v53, v50;
	v54 =	vld [tilespmem:s21+$0x0];
	v53 =	vadd.f32 $0.0e+00, v62  }
0x405: {  	v61 =	vsel vm0, v41, v42;
	v62 =	vmul.f32 v52, v52;
	v56 =	vadd.f32 v63, v56  }
0x406: {  	v63 =	vmul.f32 v55, v51;
	v58 =	vmul.f32 v60, v61;
	v50 =	vadd.f32 v50, v53  }
0x407: {  	v60 =	vadd.f32 v62, v56  }
0x408: {  	v61 =	vmul.f32 v58, v52;
	v50 =	vadd.f32 v63, v50  }
0x409: {  	v62 =	vadd.f32 v54, v60  }
0x40a: {  	v50 =	vadd.f32 v61, v50  }
0x40b: {  	[tilespmem:s21+$0x0] =	vst v62  }
0x40c: {  	[tilespmem:s21+$0xFFFFFFB0] =	vst v50  }
0x40d: {  	s13 =	sadd.s32 $0x40, s9;
	v49 =	vld.idx.msk [tilespmem:v49+s22+$0x0], $0xffff  }
0x40e: {  	v50 =	vld [tilespmem:s13+$0xFFFFFFE0]  }
0x40f: {  	v51 =	vld [tilespmem:s10+$0xFFFFFFE0]  }
0x410: {  	v52 =	vld [tilespmem:s10+$0xFFFFFFD0]  }
0x411: {  	v53 =	vld [tilespmem:s13+$0xFFFFFFF0]  }
0x412: {  	vm0 =	veq.s32 v49, $0x0;
	v49 =	vld [tilespmem:s10+$0xFFFFFFF0]  }
0x413: {  	v54 =	vld [tilespmem:s13+$0x0];
	v63 =	vsel vm0, v46, v48  }
0x414: {  	v56 =	vld [tilespmem:s10+$0x0];
	v50 =	vmul.f32 v63, v50  }
0x415: {  	v58 =	vld [tilespmem:s13+$0x10];
	v61 =	vmul.f32 v51, v51;
	v62 =	vmul.f32 v52, v52;
	v60 =	vsel vm0, v45, v47  }
0x416: {  	v53 =	vmul.f32 v53, v60;
	v50 =	vmul.f32 v50, v52  }
0x417: {  	s8 =	sadd.s32 $0xF0, s8;
	v63 =	vsel vm0, v43, v44;
	v55 =	vadd.f32 v61, v62;
	v60 =	vmul.f32 v49, v49  }
0x418: {  	v61 =	vld [tilespmem:s8+$0x0];
	v52 =	vmul.f32 v54, v63;
	v51 =	vmul.f32 v53, v51;
	v50 =	vadd.f32 $0.0e+00, v50  }
0x419: {  	v62 =	vsel vm0, v41, v42;
	v63 =	vmul.f32 v56, v56;
	v55 =	vadd.f32 v60, v55  }
0x41a: {  	v58 =	vmul.f32 v58, v62;
	v49 =	vmul.f32 v52, v49;
	v50 =	vadd.f32 v51, v50  }
0x41b: {  	v60 =	vadd.f32 v63, v55  }
0x41c: {  	v52 =	vmul.f32 v58, v56;
	v49 =	vadd.f32 v49, v50  }
0x41d: {  	v61 =	vadd.f32 v61, v60  }
0x41e: {  	s14 =	simm.s32 $0x0;
	v49 =	vadd.f32 v52, v49  }
0x41f: {  	v62 =	vmov s14;
	[tilespmem:s8+$0x0] =	vst v61  }
0x420: {  	[tilespmem:s8+$0xFFFFFFB0] =	vst v49  }
0x421: {  	_ =	swait.ge [sflag:s19], $0x2000  }
0x422: {  	[sflag:s19] =	ssyncset.done $0x0  }
0x423: {  	[sflag:s19] =	ssyncadd.s32 $0xFFFFE000  }
0x424: {  	s11 =	simm.s32 $0x8120;
	v63 =	vld.idx.msk [tilespmem:v62+s22+$0x0], $0xffff  }
0x425: {  	v53 =	vld [tilespmem:s11+$0xFFFFFFF0]  }
0x426: {  	s9 =	simm.s32 $0xA120;
	v56 =	vld [tilespmem:s11+$0xFFFFFFE0]  }
0x427: {  	v50 =	vld [tilespmem:s9+$0xFFFFFFF0]  }
0x428: {  	v54 =	vld [tilespmem:s9+$0xFFFFFFE0]  }
0x429: {  	s21 =	simm.s32 $0x1;
	v55 =	vld [tilespmem:s11+$0x0]  }
0x42a: {  	s12 =	simm.s32 $0x2;
	v49 =	vmov s21;
	v51 =	vld [tilespmem:s9+$0x0];
	vm0 =	veq.s32 v63, $0x0  }
0x42b: {  	s10 =	simm.s32 $0x121D0;
	s8 =	simm.s32 $0x121D0;
	s21 =	simm.s32 $0x8160;
	v52 =	vld [tilespmem:s9+$0x10];
	v59 =	vsel vm0, v46, v48;
	v58 =	vsel vm0, v45, v47;
	v57 =	vsel vm0, v43, v44  }
.LBB2_20:
0x42c: {  	s8 =	sadd.s32 $0xF0, s8;
	s9 =	sadd.s32 $0x40, s9  }
0x42d: {  	v60 =	vsel vm0, v41, v42;
	v56 =	vmul.f32 v59, v56;
	v59 =	vmul.f32 v50, v50;
	v61 =	vld [tilespmem:s11+$0x10];
	s13 =	smov.u32 s12;
	s14 =	sadd.s32 $0x1, s12;
	s11 =	smov.u32 s21  }
0x42e: {  	p0 =	sne.s32 s12, $0x7F;
	v53 =	vmul.f32 v53, v58;
	v62 =	vmul.f32 v54, v54  }
0x42f: {  	v54 =	vmul.f32 v56, v54;
	v55 =	vmul.f32 v55, v57  }
0x430: {  	v50 =	vmul.f32 v53, v50;
	v53 =	vadd.f32 v59, v62;
	v56 =	vmul.f32 v51, v51  }
0x431: {  	v54 =	vadd.f32 $0.0e+00, v54;
	v57 =	vmul.f32 v52, v52;
	v58 =	vld [tilespmem:s10+$0x0]  }
0x432: {  	v51 =	vmul.f32 v55, v51;
	v53 =	vadd.f32 v56, v53;
	v55 =	vmul.f32 v61, v60  }
0x433: {  	v50 =	vadd.f32 v50, v54  }
0x434: {  	v52 =	vmul.f32 v55, v52;
	v53 =	vadd.f32 v57, v53  }
0x435: {  	v50 =	vadd.f32 v51, v50  }
0x436: {  	v51 =	vadd.f32 v58, v53  }
0x437: {  	v50 =	vadd.f32 v52, v50  }
0x438: {  	[tilespmem:s10+$0x0] =	vst v51  }
0x439: {  	[tilespmem:s10+$0xFFFFFF80] =	vst v50;
	s10 =	smov.u32 s8  }
0x43a: {  	v51 =	vld.idx.msk [tilespmem:v49+s22+$0x0], $0xffff  }
0x43b: {  	v53 =	vld [tilespmem:s21+$0xFFFFFFF0]  }
0x43c: {  	v56 =	vld [tilespmem:s21+$0xFFFFFFE0]  }
.Ltmp9:
0x43d: {  	v50 =	vld [tilespmem:s9+$0xFFFFFFF0];
	(pc) =	sbr.rel @p0 .LBB2_20-.Ltmp9, $4  }
0x43e: {  	v49 =	vmov s13;
	v54 =	vld [tilespmem:s9+$0xFFFFFFE0]  }
0x43f: {  	v55 =	vld [tilespmem:s21+$0x0]  }
0x440: {  	vm0 =	veq.s32 v51, $0x0;
	v51 =	vld [tilespmem:s9+$0x0]  }
0x441: {  	s12 =	smov.u32 s14;
	s21 =	sadd.s32 $0x40, s21;
	v59 =	vsel vm0, v46, v48;
	v58 =	vsel vm0, v45, v47;
	v57 =	vsel vm0, v43, v44;
	v52 =	vld [tilespmem:s9+$0x10]  }
0x442: {  	v56 =	vmul.f32 v59, v56  }
0x443: {  	v59 =	vmul.f32 v50, v50;
	v60 =	vld [tilespmem:s11+$0x10];
	v61 =	vmul.f32 v54, v54  }
0x444: {  	v53 =	vmul.f32 v53, v58;
	v62 =	vmul.f32 v56, v54  }
0x445: {  	v56 =	vadd.f32 v59, v61;
	v63 =	vmul.f32 v51, v51  }
0x446: {  	v55 =	vmul.f32 v55, v57;
	v50 =	vmul.f32 v53, v50;
	v54 =	vld [tilespmem:s10+$0x0];
	v53 =	vadd.f32 $0.0e+00, v62  }
0x447: {  	v61 =	vsel vm0, v41, v42;
	v62 =	vmul.f32 v52, v52;
	v56 =	vadd.f32 v63, v56  }
0x448: {  	v63 =	vmul.f32 v55, v51;
	v58 =	vmul.f32 v60, v61;
	v50 =	vadd.f32 v50, v53  }
0x449: {  	v60 =	vadd.f32 v62, v56  }
0x44a: {  	v61 =	vmul.f32 v58, v52;
	v50 =	vadd.f32 v63, v50  }
0x44b: {  	v62 =	vadd.f32 v54, v60  }
0x44c: {  	v50 =	vadd.f32 v61, v50  }
0x44d: {  	[tilespmem:s10+$0x0] =	vst v62  }
0x44e: {  	[tilespmem:s10+$0xFFFFFF80] =	vst v50  }
0x44f: {  	v49 =	vld.idx.msk [tilespmem:v49+s22+$0x0], $0xffff  }
0x450: {  	s9 =	sadd.s32 $0x40, s9;
	v50 =	vld [tilespmem:s21+$0xFFFFFFE0]  }
0x451: {  	v51 =	vld [tilespmem:s9+$0xFFFFFFF0]  }
0x452: {  	v52 =	vld [tilespmem:s9+$0xFFFFFFE0]  }
0x453: {  	v53 =	vld [tilespmem:s21+$0xFFFFFFF0]  }
0x454: {  	vm0 =	veq.s32 v49, $0x0;
	v49 =	vld [tilespmem:s9+$0x0]  }
0x455: {  	v54 =	vld [tilespmem:s21+$0x0];
	v63 =	vsel vm0, v46, v48  }
0x456: {  	v56 =	vld [tilespmem:s9+$0x10];
	v50 =	vmul.f32 v63, v50  }
0x457: {  	v58 =	vld [tilespmem:s21+$0x10];
	v61 =	vmul.f32 v51, v51;
	v62 =	vmul.f32 v52, v52;
	v60 =	vsel vm0, v45, v47  }
0x458: {  	v53 =	vmul.f32 v53, v60;
	v50 =	vmul.f32 v50, v52  }
0x459: {  	s8 =	sadd.s32 $0xF0, s8;
	v63 =	vsel vm0, v43, v44;
	v55 =	vadd.f32 v61, v62;
	v60 =	vmul.f32 v49, v49  }
0x45a: {  	v61 =	vld [tilespmem:s8+$0x0];
	v52 =	vmul.f32 v54, v63;
	v51 =	vmul.f32 v53, v51;
	v50 =	vadd.f32 $0.0e+00, v50  }
0x45b: {  	v62 =	vsel vm0, v41, v42;
	v63 =	vmul.f32 v56, v56;
	v55 =	vadd.f32 v60, v55  }
0x45c: {  	v58 =	vmul.f32 v58, v62;
	v49 =	vmul.f32 v52, v49;
	v50 =	vadd.f32 v51, v50  }
0x45d: {  	v60 =	vadd.f32 v63, v55  }
0x45e: {  	v52 =	vmul.f32 v58, v56;
	v49 =	vadd.f32 v49, v50  }
0x45f: {  	v61 =	vadd.f32 v61, v60  }
0x460: {  	s14 =	simm.s32 $0x0;
	v49 =	vadd.f32 v52, v49  }
0x461: {  	v62 =	vmov s14;
	[tilespmem:s8+$0x0] =	vst v61  }
0x462: {  	[tilespmem:s8+$0xFFFFFF80] =	vst v49  }
0x463: {  	_ =	swait.ge [sflag:s31], $0x2000  }
0x464: {  	[sflag:s31] =	ssyncset.done $0x0  }
0x465: {  	[sflag:s31] =	ssyncadd.s32 $0xFFFFE000  }
0x466: {  	s11 =	simm.s32 $0x6120;
	v63 =	vld.idx.msk [tilespmem:v62+s22+$0x0], $0xffff  }
0x467: {  	v53 =	vld [tilespmem:s11+$0xFFFFFFF0]  }
0x468: {  	s9 =	simm.s32 $0xE120;
	v56 =	vld [tilespmem:s11+$0xFFFFFFE0]  }
0x469: {  	v50 =	vld [tilespmem:s9+$0xFFFFFFF0]  }
0x46a: {  	v54 =	vld [tilespmem:s9+$0xFFFFFFE0]  }
0x46b: {  	s21 =	simm.s32 $0x1;
	v55 =	vld [tilespmem:s11+$0x0]  }
0x46c: {  	s12 =	simm.s32 $0x2;
	v49 =	vmov s21;
	v51 =	vld [tilespmem:s9+$0x0];
	vm0 =	veq.s32 v63, $0x0  }
0x46d: {  	s10 =	simm.s32 $0x121E0;
	s8 =	simm.s32 $0x121E0;
	s21 =	simm.s32 $0x6160;
	v52 =	vld [tilespmem:s9+$0x10];
	v59 =	vsel vm0, v46, v48;
	v58 =	vsel vm0, v45, v47;
	v57 =	vsel vm0, v43, v44  }
.LBB2_22:
0x46e: {  	s8 =	sadd.s32 $0xF0, s8;
	s9 =	sadd.s32 $0x40, s9  }
0x46f: {  	v60 =	vsel vm0, v41, v42;
	v56 =	vmul.f32 v59, v56;
	v59 =	vmul.f32 v50, v50;
	v61 =	vld [tilespmem:s11+$0x10];
	s13 =	smov.u32 s12;
	s14 =	sadd.s32 $0x1, s12;
	s11 =	smov.u32 s21  }
0x470: {  	p0 =	sne.s32 s12, $0x7F;
	v53 =	vmul.f32 v53, v58;
	v62 =	vmul.f32 v54, v54  }
0x471: {  	v54 =	vmul.f32 v56, v54;
	v55 =	vmul.f32 v55, v57  }
0x472: {  	v50 =	vmul.f32 v53, v50;
	v53 =	vadd.f32 v59, v62;
	v56 =	vmul.f32 v51, v51  }
0x473: {  	v54 =	vadd.f32 $0.0e+00, v54;
	v57 =	vmul.f32 v52, v52;
	v58 =	vld [tilespmem:s10+$0x0]  }
0x474: {  	v51 =	vmul.f32 v55, v51;
	v53 =	vadd.f32 v56, v53;
	v55 =	vmul.f32 v61, v60  }
0x475: {  	v50 =	vadd.f32 v50, v54  }
0x476: {  	v52 =	vmul.f32 v55, v52;
	v53 =	vadd.f32 v57, v53  }
0x477: {  	v50 =	vadd.f32 v51, v50  }
0x478: {  	v51 =	vadd.f32 v58, v53  }
0x479: {  	v50 =	vadd.f32 v52, v50  }
0x47a: {  	[tilespmem:s10+$0x0] =	vst v51  }
0x47b: {  	[tilespmem:s10+$0xFFFFFFC0] =	vst v50;
	s10 =	smov.u32 s8  }
0x47c: {  	v51 =	vld.idx.msk [tilespmem:v49+s22+$0x0], $0xffff  }
0x47d: {  	v53 =	vld [tilespmem:s21+$0xFFFFFFF0]  }
0x47e: {  	v56 =	vld [tilespmem:s21+$0xFFFFFFE0]  }
.Ltmp10:
0x47f: {  	v50 =	vld [tilespmem:s9+$0xFFFFFFF0];
	(pc) =	sbr.rel @p0 .LBB2_22-.Ltmp10, $4  }
0x480: {  	v49 =	vmov s13;
	v54 =	vld [tilespmem:s9+$0xFFFFFFE0]  }
0x481: {  	v55 =	vld [tilespmem:s21+$0x0]  }
0x482: {  	vm0 =	veq.s32 v51, $0x0;
	v51 =	vld [tilespmem:s9+$0x0]  }
0x483: {  	s12 =	smov.u32 s14;
	s21 =	sadd.s32 $0x40, s21;
	v59 =	vsel vm0, v46, v48;
	v58 =	vsel vm0, v45, v47;
	v57 =	vsel vm0, v43, v44;
	v52 =	vld [tilespmem:s9+$0x10]  }
0x484: {  	v56 =	vmul.f32 v59, v56  }
0x485: {  	v59 =	vmul.f32 v50, v50;
	v60 =	vld [tilespmem:s11+$0x10];
	v61 =	vmul.f32 v54, v54  }
0x486: {  	v53 =	vmul.f32 v53, v58;
	v63 =	vmul.f32 v56, v54  }
0x487: {  	v56 =	vadd.f32 v59, v61;
	v62 =	vmul.f32 v51, v51  }
0x488: {  	v55 =	vmul.f32 v55, v57;
	v50 =	vmul.f32 v53, v50;
	v54 =	vld [tilespmem:s10+$0x0];
	v53 =	vadd.f32 $0.0e+00, v63  }
0x489: {  	v63 =	vsel vm0, v41, v42;
	v61 =	vmul.f32 v52, v52;
	v56 =	vadd.f32 v62, v56  }
0x48a: {  	v62 =	vmul.f32 v55, v51;
	v63 =	vmul.f32 v60, v63;
	v50 =	vadd.f32 v50, v53  }
0x48b: {  	v57 =	vadd.f32 v61, v56  }
0x48c: {  	v58 =	vmul.f32 v63, v52;
	v50 =	vadd.f32 v62, v50  }
0x48d: {  	v59 =	vadd.f32 v54, v57  }
0x48e: {  	v50 =	vadd.f32 v58, v50  }
0x48f: {  	[tilespmem:s10+$0x0] =	vst v59  }
0x490: {  	[tilespmem:s10+$0xFFFFFFC0] =	vst v50  }
0x491: {  	v49 =	vld.idx.msk [tilespmem:v49+s22+$0x0], $0xffff  }
0x492: {  	s9 =	sadd.s32 $0x40, s9;
	v50 =	vld [tilespmem:s21+$0xFFFFFFE0]  }
0x493: {  	v51 =	vld [tilespmem:s9+$0xFFFFFFF0]  }
0x494: {  	v60 =	vld [tilespmem:s9+$0xFFFFFFE0]  }
0x495: {  	v61 =	vld [tilespmem:s21+$0xFFFFFFF0]  }
0x496: {  	vm15 =	veq.s32 v49, $0x0;
	v49 =	vld [tilespmem:s9+$0x0]  }
0x497: {  	v62 =	vld [tilespmem:s21+$0x0];
	v46 =	vsel vm15, v46, v48  }
0x498: {  	v48 =	vld [tilespmem:s9+$0x10];
	v46 =	vmul.f32 v46, v50  }
0x499: {  	v57 =	vld [tilespmem:s21+$0x10];
	v63 =	vmul.f32 v51, v51;
	v58 =	vmul.f32 v60, v60;
	v45 =	vsel vm15, v45, v47  }
0x49a: {  	v45 =	vmul.f32 v61, v45;
	v46 =	vmul.f32 v46, v60  }
0x49b: {  	s8 =	sadd.s32 $0xF0, s8;
	v43 =	vsel vm15, v43, v44;
	v59 =	vadd.f32 v63, v58;
	v60 =	vmul.f32 v49, v49  }
0x49c: {  	v43 =	vmul.f32 v62, v43;
	v61 =	vld [tilespmem:s8+$0x0];
	v45 =	vmul.f32 v45, v51;
	v46 =	vadd.f32 $0.0e+00, v46  }
0x49d: {  	v62 =	vsel vm15, v41, v42;
	v63 =	vmul.f32 v48, v48;
	v44 =	vadd.f32 v60, v59  }
0x49e: {  	v41 =	vmul.f32 v57, v62;
	v43 =	vmul.f32 v43, v49;
	v45 =	vadd.f32 v45, v46  }
0x49f: {  	v42 =	vadd.f32 v63, v44  }
0x4a0: {  	v41 =	vmul.f32 v41, v48;
	v43 =	vadd.f32 v43, v45  }
0x4a1: {  	v42 =	vadd.f32 v61, v42  }
0x4a2: {  	s20 =	sadd.s32 $0x1, s20;
	v41 =	vadd.f32 v41, v43  }
0x4a3: {  	p0 =	sne.s32 s20, s16;
	[tilespmem:s8+$0x0] =	vst v42  }
.Ltmp11:
0x4a4: {  	s21 =	simm.s32 $0x12100;
	[tilespmem:s8+$0xFFFFFFC0] =	vst v41;
	(pc) =	sbr.rel @p0 .LBB2_1-.Ltmp11, $4  }
0x4a5: {  	[hbm4b:s15+s4] =	stream.linear.scatter [tilespmem:s21], [sflag:$0x8], $0x7800, $0x38;
	[tilespmem:$0x19900] =	vst v63  }
0x4a6: {  	_ =	swait.ge [sflag:s18], $0x7800  }
0x4a7: {  	[sflag:s18] =	ssyncset.done $0x0  }
0x4a8: {  	[sflag:s18] =	ssyncadd.s32 $0xFFFF8800  }
0x4a9: {  	_ =	sfence.sel $0x180000  }
0x4aa: {  	[bflag:$0x0] =	sbarrier.arrive $0xFFFF  }
0x4ab: {  	_ =	strace $0x90000047  }
0x4ac: {  	s0 =	stileid.u32;
	[bflag:$0x2] =	sbarrier.arrive $0xFFFF  }
0x4ad: {  	p0 =	sne.s32 s0, $0x0;
	s0 =	rddreg [dreg:$0x3]  }
0x4ae: {  	s0 =	sadd.s32 @!p0 $0x100000, s0  }
0x4af: {  	[sflag:s0] =	ssyncadd.tile.s32 @!p0 $0x1;
	_ =	shalt  }
.Lfunc_end2:
_tile_overlayer_lowered:
.L_overlay_start_2:
0x4b0: {  	(tag) =	ssettag $0x2  }
0x4b1: {  	s0 =	rddreg [dreg:$0x0];
	s2 =	stileid.u32  }
0x4b2: {  	s1 =	rddreg [dreg:$0x1];
	p0 =	sne.s32 s2, $0x0  }
0x4b3: {  	s3 =	rddreg [dreg:$0x2];
	[bflag:$0x3] =	sbarrier.arrive $0xFFFF;
	s2 =	simm.s32 @!p0 $0x1C08  }
0x4b4: {  	[timem:s3], [sflag:s2] =	dma.local @!p0 [hbm:s0], s1  }
0x4b5: {  	s0 =	simm.s32 @!p0 $0x8  }
0x4b6: {  	_ =	swait.ge @!p0 [sflag:s0], s1  }
0x4b7: {  	s1 =	ssub.s32 @!p0 $0x0, s1;
	[sflag:s0] =	ssyncset.done @!p0 $0x0  }
0x4b8: {  	[sflag:s0] =	ssyncadd.s32 @!p0 s1  }
0x4b9: {  	[bflag:$0x3] =	sbarrier.arrive $0xFFFF  }
0x4ba: {  	_ =	shalt  }

</sc_bundles>
